<compile_context>
chip_gen: v7x
topology: tpu7x:2x2x1
jax: 0.10.2.dev20260603
libtpu: 0.0.44.dev20260713+nightly
codegen_flags: <defaults>
</compile_context>

<pallas_src>
import functools

import jax
import jax.numpy as jnp
import numpy as np
from jax import lax
from jax.experimental import pallas as pl
from jax.experimental.pallas import tpu as pltpu
from jax.experimental.pallas import tpu_sc as plsc

B = 2
N = 32768
C = 512
DHW = 32
BN = B * N

NW = 32
PPW = BN // NW
P = 16
NBLK = PPW // P

_ROWS = (512, 128)

VB = 2048
NV = DHW ** 3


def _prep_body(x_ref, y_ref, z_ref, idx_ref, w_ref):
    x = x_ref[...]
    y = y_ref[...]
    z = z_ref[...]
    scale = 0.5 * (DHW - 1)

    def split(v):
        iv = (v + 1.0) * scale
        v0f = jnp.floor(iv)
        f1 = iv - v0f
        f0 = 1.0 - f1
        v0 = jnp.clip(v0f.astype(jnp.int32), 0, DHW - 1)
        v1 = jnp.clip(v0 + 1, 0, DHW - 1)
        return (v0, v1), (f0, f1)

    (x0, x1), (fx0, fx1) = split(x)
    (y0, y1), (fy0, fy1) = split(y)
    (z0, z1), (fz0, fz1) = split(z)

    r = lax.broadcasted_iota(jnp.int32, _ROWS, 0)
    boff = jnp.where(r >= _ROWS[0] // B, N, 0)

    xs = (x0, x1)
    ys = (y0, y1)
    zs = (z0, z1)
    fxs = (fx0, fx1)
    fys = (fy0, fy1)
    fzs = (fz0, fz1)
    for zb in range(2):
        for yb in range(2):
            for xb in range(2):
                k = zb * 4 + yb * 2 + xb
                idx_ref[k] = boff + zs[zb] * (DHW * DHW) + ys[yb] * DHW + xs[xb]
                w_ref[k] = fzs[zb] * fys[yb] * fxs[xb]


def _prep(x, y, z):
    return pl.pallas_call(
        _prep_body,
        out_shape=(
            jax.ShapeDtypeStruct((8,) + _ROWS, jnp.int32),
            jax.ShapeDtypeStruct((8,) + _ROWS, jnp.float32),
        ),
    )(x, y, z)


def _pack_body(x_ref, t_ref):
    x = x_ref[...]
    lo = lax.bitcast_convert_type(x[:, : C // 2], jnp.uint16).astype(jnp.int32)
    hi = lax.bitcast_convert_type(x[:, C // 2 :], jnp.uint16).astype(jnp.int32)
    t_ref[...] = lo | (hi << 16)


def _pack(table_bf16):
    return pl.pallas_call(
        _pack_body,
        grid=(BN // VB,),
        in_specs=[pl.BlockSpec((VB, C), lambda i: (i, 0))],
        out_specs=pl.BlockSpec((VB, C // 2), lambda i: (i, 0)),
        out_shape=jax.ShapeDtypeStruct((BN, C // 2), jnp.int32),
    )(table_bf16)


def _sc_body(idx_hbm, w_hbm, table_hbm, out_hbm, idx_v, w_v, rows_v, out_v,
             gsem, osem):
    wid = lax.axis_index("s") * 2 + lax.axis_index("c")
    base0 = wid * PPW
    pltpu.sync_copy(idx_hbm.at[wid], idx_v)
    pltpu.sync_copy(w_hbm.at[wid], w_v)

    def gather_desc(t):
        par = t % 2
        return pltpu.make_async_copy(
            table_hbm.at[idx_v.at[t]], rows_v.at[par], gsem.at[par])

    def out_desc(t):
        par = t % 2
        dst = out_hbm.at[pl.ds(base0 + t * P, P)]
        return pltpu.make_async_copy(out_v.at[par], dst, osem.at[par])

    gather_desc(0).start()

    def job(t, carry):
        par = t % 2

        @pl.when(t + 1 < NBLK)
        def _():
            gather_desc(t + 1).start()

        gather_desc(t).wait()

        @pl.when(t >= 2)
        def _():
            out_desc(t - 2).wait()

        wrows = [w_v[t, pl.ds(k * P, P)] for k in range(8)]

        @plsc.parallel_loop(0, P, unroll=2)
        def pbody(p):
            ps = jnp.full((16,), p, jnp.int32)
            wv = [wr.at[ps].get(mode="promise_in_bounds") for wr in wrows]
            for t16 in range(C // 32):
                s = pl.ds(t16 * 16, 16)
                acc_a = None
                acc_b = None
                for k in range(8):
                    bits = rows_v[par, k * P + p, s]
                    a = plsc.bitcast(bits << 16, jnp.float32)
                    b = plsc.bitcast(bits, jnp.float32)
                    if acc_a is None:
                        acc_a = a * wv[k]
                        acc_b = b * wv[k]
                    else:
                        acc_a = acc_a + a * wv[k]
                        acc_b = acc_b + b * wv[k]
                out_v[par, p, pl.ds(t16 * 16, 16)] = acc_a
                out_v[par, p, pl.ds(C // 2 + t16 * 16, 16)] = acc_b

        out_desc(t).start()
        return carry

    lax.fori_loop(0, NBLK, job, 0)
    out_desc(NBLK - 2).wait()
    out_desc(NBLK - 1).wait()


_sc_gather = functools.partial(
    pl.kernel,
    out_type=jax.ShapeDtypeStruct((BN, C), jnp.float32),
    mesh=plsc.VectorSubcoreMesh(core_axis_name="c", subcore_axis_name="s"),
    compiler_params=pltpu.CompilerParams(needs_layout_passes=False),
    scratch_types=[
        pltpu.VMEM((NBLK, 8 * P), jnp.int32),
        pltpu.VMEM((NBLK, 8 * P), jnp.float32),
        pltpu.VMEM((2, 8 * P, C // 2), jnp.int32),
        pltpu.VMEM((2, P, C), jnp.float32),
        pltpu.SemaphoreType.DMA((2,)),
        pltpu.SemaphoreType.DMA((2,)),
    ],
)(_sc_body)


def kernel(voxel_features, vertices):
    table_bf16 = (jnp.transpose(voxel_features, (0, 2, 3, 4, 1))
                  .reshape(BN, C).astype(jnp.bfloat16))
    table = _pack(table_bf16)
    v = vertices.reshape(BN, 3)
    x = v[:, 0].reshape(_ROWS)
    y = v[:, 1].reshape(_ROWS)
    z = v[:, 2].reshape(_ROWS)
    idx8, w8 = _prep(x, y, z)
    idx_t = idx8.reshape(8, NW, NBLK, P).transpose(1, 2, 0, 3).reshape(NW, NBLK, 8 * P)
    w_t = w8.reshape(8, NW, NBLK, P).transpose(1, 2, 0, 3).reshape(NW, NBLK, 8 * P)
    out = _sc_gather(idx_t, w_t, table)
    return out.reshape(B, N, C)

# --- scband reference (transcript-rebuilt; emitter-appended) ---
"""Pipeline reference for scband-basic-sample-81003083203631 (READ-ONLY COPY).

The authoritative reference and input builder live on the scoring server;
editing this copy changes nothing except your own understanding.
"""

import jax, jax.numpy as jnp
import numpy as np


def _trilinear_sample(voxel_features, vertices):
    # voxel_features: [B, C, D, H, W]; vertices: [B, N, 3] in [-1, 1] (x,y,z) -> (W,H,D)
    B, C, D, H, W = voxel_features.shape
    vol = jnp.transpose(voxel_features, (0, 2, 3, 4, 1))  # [B, D, H, W, C]
    x = vertices[..., 0]
    y = vertices[..., 1]
    z = vertices[..., 2]
    # align_corners=True mapping
    ix = (x + 1.0) * 0.5 * (W - 1)
    iy = (y + 1.0) * 0.5 * (H - 1)
    iz = (z + 1.0) * 0.5 * (D - 1)
    x0 = jnp.floor(ix)
    x1 = x0 + 1.0
    y0 = jnp.floor(iy)
    y1 = y0 + 1.0
    z0 = jnp.floor(iz)
    z1 = z0 + 1.0
    wx1 = ix - x0
    wx0 = 1.0 - wx1
    wy1 = iy - y0
    wy0 = 1.0 - wy1
    wz1 = iz - z0
    wz0 = 1.0 - wz1
    b = jnp.arange(B)[:, None]  # [B, 1]

    def gather(zi, yi, xi):
        # padding_mode='zeros': mask out-of-range corners
        mask = (
            (xi >= 0)
            & (xi <= W - 1)
            & (yi >= 0)
            & (yi <= H - 1)
            & (zi >= 0)
            & (zi <= D - 1)
        )
        xic = jnp.clip(xi, 0, W - 1).astype(jnp.int32)
        yic = jnp.clip(yi, 0, H - 1).astype(jnp.int32)
        zic = jnp.clip(zi, 0, D - 1).astype(jnp.int32)
        v = vol[b, zic, yic, xic]  # [B, N, C]
        return v * mask[..., None].astype(vol.dtype)

    out = (
        gather(z0, y0, x0) * (wz0 * wy0 * wx0)[..., None]
        + gather(z0, y0, x1) * (wz0 * wy0 * wx1)[..., None]
        + gather(z0, y1, x0) * (wz0 * wy1 * wx0)[..., None]
        + gather(z0, y1, x1) * (wz0 * wy1 * wx1)[..., None]
        + gather(z1, y0, x0) * (wz1 * wy0 * wx0)[..., None]
        + gather(z1, y0, x1) * (wz1 * wy0 * wx1)[..., None]
        + gather(z1, y1, x0) * (wz1 * wy1 * wx0)[..., None]
        + gather(z1, y1, x1) * (wz1 * wy1 * wx1)[..., None]
    )
    return out  # [B, N, C]


def setup_inputs(seed: int = 0) -> dict:
    key = jax.random.key(seed)
    k1, k2 = jax.random.split(key)
    voxel_features = jax.random.normal(k1, (2, 512, 32, 32, 32), dtype=jnp.float32)
    vertices = jax.random.uniform(k2, (2, 32768, 3), dtype=jnp.float32)
    return {"voxel_features": voxel_features, "vertices": vertices}


def reference(voxel_features, vertices):
    # Torch: grid_sample(voxel, verts[:,:,None,None]) -> [B,C,N,1,1] -> squeeze -> transpose(2,1) -> [B,N,C]
    return _trilinear_sample(voxel_features, vertices)

if __name__ == "__main__":
    import jax
    _d = setup_inputs()
    print(jax.jit(kernel)(*tuple(_d.values())))

</pallas_src>

<mosaic_0001>
#map = affine_map<(d0, d1) -> (0, 0, 0)>
#map1 = affine_map<(d0, d1) -> (0, 0)>
module attributes {stable_mosaic.version = 14 : i64} {
  func.func @_sc_body(%arg0: i32, %arg1: i32, %arg2: memref<32x128x128xi32, #tpu.memory_space<hbm>>, %arg3: memref<32x128x128xf32, #tpu.memory_space<hbm>>, %arg4: memref<65536x256xi32, #tpu.memory_space<hbm>>, %arg5: memref<65536x512xf32, #tpu.memory_space<hbm>>, %arg6: memref<128x128xi32, #tpu.memory_space<vmem>>, %arg7: memref<128x128xf32, #tpu.memory_space<vmem>>, %arg8: memref<2x128x256xi32, #tpu.memory_space<vmem>>, %arg9: memref<2x16x512xf32, #tpu.memory_space<vmem>>, %arg10: memref<2x!tpu.dma_semaphore, #tpu.memory_space<semaphore_mem>>, %arg11: memref<2x!tpu.dma_semaphore, #tpu.memory_space<semaphore_mem>>) attributes {dimension_semantics = [#tpu.dimension_semantics<core_parallel>, #tpu.dimension_semantics<subcore_parallel>], iteration_bounds = array<i64: 2, 16>, scalar_prefetch = 0 : i64, scratch_operands = 6 : i64, tpu.core_type = #tpu.core_type<sc_vector_subcore>, window_params = [{transform_indices = #map}, {transform_indices = #map}, {transform_indices = #map1}, {transform_indices = #map1}]} {
    %mul3A = arith.constant 2 : i32
    %mul3A_0 = arith.muli %arg1, %mul3A : i32
    %add3A = arith.addi %mul3A_0, %arg0 : i32
    %mul3A_1 = arith.constant 2048 : i32
    %mul3A_2 = arith.muli %add3A, %mul3A_1 : i32
    "tpu.region"() ({
      %run_scoped3A = tpu.sem_alloc : memref<!tpu.dma_semaphore, #tpu.memory_space<semaphore_mem>>
      %dma_start3A_57 = arith.constant 0 : i32
      %dma_start3A_58 = arith.constant 0 : i32
      %dma_start3A_59 = tpu.memref_slice %arg2[%add3A, %dma_start3A_57, %dma_start3A_58] : memref<32x128x128xi32, #tpu.memory_space<hbm>> -> memref<1x128x128xi32, #tpu.memory_space<hbm>>
      %dma_start3A_60 = tpu.memref_squeeze %dma_start3A_59 : memref<1x128x128xi32, #tpu.memory_space<hbm>> -> memref<128x128xi32, #tpu.memory_space<hbm>>
      %dma_start3A_61 = arith.constant 0 : i32
      %dma_start3A_62 = arith.constant 0 : i32
      %dma_start3A_63 = tpu.memref_slice %arg2[%add3A, %dma_start3A_61, %dma_start3A_62] : memref<32x128x128xi32, #tpu.memory_space<hbm>> -> memref<1x128x128xi32, #tpu.memory_space<hbm>>
      %dma_start3A_64 = tpu.memref_squeeze %dma_start3A_63 : memref<1x128x128xi32, #tpu.memory_space<hbm>> -> memref<128x128xi32, #tpu.memory_space<hbm>>
      tpu.enqueue_dma source(%dma_start3A_64 : memref<128x128xi32, #tpu.memory_space<hbm>>) target(%arg6 : memref<128x128xi32, #tpu.memory_space<vmem>>) target_semaphore(%run_scoped3A : memref<!tpu.dma_semaphore, #tpu.memory_space<semaphore_mem>>)
      %dma_wait3A_65 = arith.constant 0 : i32
      %dma_wait3A_66 = arith.constant 0 : i32
      %dma_wait3A_67 = tpu.memref_slice %arg2[%add3A, %dma_wait3A_65, %dma_wait3A_66] : memref<32x128x128xi32, #tpu.memory_space<hbm>> -> memref<1x128x128xi32, #tpu.memory_space<hbm>>
      %dma_wait3A_68 = tpu.memref_squeeze %dma_wait3A_67 : memref<1x128x128xi32, #tpu.memory_space<hbm>> -> memref<128x128xi32, #tpu.memory_space<hbm>>
      %dma_wait3A_69 = arith.constant 0 : i32
      %dma_wait3A_70 = arith.constant 0 : i32
      %dma_wait3A_71 = tpu.memref_slice %arg2[%add3A, %dma_wait3A_69, %dma_wait3A_70] : memref<32x128x128xi32, #tpu.memory_space<hbm>> -> memref<1x128x128xi32, #tpu.memory_space<hbm>>
      %dma_wait3A_72 = tpu.memref_squeeze %dma_wait3A_71 : memref<1x128x128xi32, #tpu.memory_space<hbm>> -> memref<128x128xi32, #tpu.memory_space<hbm>>
      tpu.wait_dma2 semaphore(%run_scoped3A : memref<!tpu.dma_semaphore, #tpu.memory_space<semaphore_mem>>) src(%dma_wait3A_72 : memref<128x128xi32, #tpu.memory_space<hbm>>) dst(%arg6 : memref<128x128xi32, #tpu.memory_space<vmem>>)
      tpu.yield
    }) : () -> ()
    "tpu.region"() ({
      %run_scoped3A = tpu.sem_alloc : memref<!tpu.dma_semaphore, #tpu.memory_space<semaphore_mem>>
      %dma_start3A_57 = arith.constant 0 : i32
      %dma_start3A_58 = arith.constant 0 : i32
      %dma_start3A_59 = tpu.memref_slice %arg3[%add3A, %dma_start3A_57, %dma_start3A_58] : memref<32x128x128xf32, #tpu.memory_space<hbm>> -> memref<1x128x128xf32, #tpu.memory_space<hbm>>
      %dma_start3A_60 = tpu.memref_squeeze %dma_start3A_59 : memref<1x128x128xf32, #tpu.memory_space<hbm>> -> memref<128x128xf32, #tpu.memory_space<hbm>>
      %dma_start3A_61 = arith.constant 0 : i32
      %dma_start3A_62 = arith.constant 0 : i32
      %dma_start3A_63 = tpu.memref_slice %arg3[%add3A, %dma_start3A_61, %dma_start3A_62] : memref<32x128x128xf32, #tpu.memory_space<hbm>> -> memref<1x128x128xf32, #tpu.memory_space<hbm>>
      %dma_start3A_64 = tpu.memref_squeeze %dma_start3A_63 : memref<1x128x128xf32, #tpu.memory_space<hbm>> -> memref<128x128xf32, #tpu.memory_space<hbm>>
      tpu.enqueue_dma source(%dma_start3A_64 : memref<128x128xf32, #tpu.memory_space<hbm>>) target(%arg7 : memref<128x128xf32, #tpu.memory_space<vmem>>) target_semaphore(%run_scoped3A : memref<!tpu.dma_semaphore, #tpu.memory_space<semaphore_mem>>)
      %dma_wait3A_65 = arith.constant 0 : i32
      %dma_wait3A_66 = arith.constant 0 : i32
      %dma_wait3A_67 = tpu.memref_slice %arg3[%add3A, %dma_wait3A_65, %dma_wait3A_66] : memref<32x128x128xf32, #tpu.memory_space<hbm>> -> memref<1x128x128xf32, #tpu.memory_space<hbm>>
      %dma_wait3A_68 = tpu.memref_squeeze %dma_wait3A_67 : memref<1x128x128xf32, #tpu.memory_space<hbm>> -> memref<128x128xf32, #tpu.memory_space<hbm>>
      %dma_wait3A_69 = arith.constant 0 : i32
      %dma_wait3A_70 = arith.constant 0 : i32
      %dma_wait3A_71 = tpu.memref_slice %arg3[%add3A, %dma_wait3A_69, %dma_wait3A_70] : memref<32x128x128xf32, #tpu.memory_space<hbm>> -> memref<1x128x128xf32, #tpu.memory_space<hbm>>
      %dma_wait3A_72 = tpu.memref_squeeze %dma_wait3A_71 : memref<1x128x128xf32, #tpu.memory_space<hbm>> -> memref<128x128xf32, #tpu.memory_space<hbm>>
      tpu.wait_dma2 semaphore(%run_scoped3A : memref<!tpu.dma_semaphore, #tpu.memory_space<semaphore_mem>>) src(%dma_wait3A_72 : memref<128x128xf32, #tpu.memory_space<hbm>>) dst(%arg7 : memref<128x128xf32, #tpu.memory_space<vmem>>)
      tpu.yield
    }) : () -> ()
    %dma_start3A = arith.constant 0 : i32
    %dma_start3A_3 = arith.constant 0 : i32
    %dma_start3A_4 = arith.constant 0 : i32
    %dma_start3A_5 = arith.constant 0 : i32
    %dma_start3A_6 = arith.constant 0 : i32
    %dma_start3A_7 = tpu.memref_slice %arg8[%dma_start3A_3, %dma_start3A_5, %dma_start3A_6] : memref<2x128x256xi32, #tpu.memory_space<vmem>> -> memref<1x128x256xi32, #tpu.memory_space<vmem>>
    %dma_start3A_8 = tpu.memref_squeeze %dma_start3A_7 : memref<1x128x256xi32, #tpu.memory_space<vmem>> -> memref<128x256xi32, #tpu.memory_space<vmem>>
    %dma_start3A_9 = arith.constant 0 : i32
    %dma_start3A_10 = tpu.memref_slice %arg6[%dma_start3A, %dma_start3A_9] : memref<128x128xi32, #tpu.memory_space<vmem>> -> memref<1x128xi32, #tpu.memory_space<vmem>>
    %dma_start3A_11 = tpu.memref_squeeze %dma_start3A_10 : memref<1x128xi32, #tpu.memory_space<vmem>> -> memref<128xi32, #tpu.memory_space<vmem>>
    %dma_start3A_12 = arith.constant 0 : i32
    %dma_start3A_13 = arith.constant 0 : i32
    %dma_start3A_14 = tpu.memref_slice %arg4[%dma_start3A_12, %dma_start3A_13] : memref<65536x256xi32, #tpu.memory_space<hbm>> -> memref<65536x256xi32, #tpu.memory_space<hbm>>
    %dma_start3A_15 = tpu.memref_slice %arg10[%dma_start3A_4] : memref<2x!tpu.dma_semaphore, #tpu.memory_space<semaphore_mem>> -> memref<1x!tpu.dma_semaphore, #tpu.memory_space<semaphore_mem>>
    %dma_start3A_16 = tpu.memref_squeeze %dma_start3A_15 : memref<1x!tpu.dma_semaphore, #tpu.memory_space<semaphore_mem>> -> memref<!tpu.dma_semaphore, #tpu.memory_space<semaphore_mem>>
    tpu.enqueue_indirect_dma source(%dma_start3A_14 : memref<65536x256xi32, #tpu.memory_space<hbm>>) target(%dma_start3A_8 : memref<128x256xi32, #tpu.memory_space<vmem>>) offsets(%dma_start3A_11 : memref<128xi32, #tpu.memory_space<vmem>>) semaphore(%dma_start3A_16 : memref<!tpu.dma_semaphore, #tpu.memory_space<semaphore_mem>>)
    %scan3A = arith.constant 0 : i32
    %scan3A_17 = arith.constant 0 : i32
    %scan3A_18 = arith.constant 128 : i32
    %scan3A_19 = arith.addi %scan3A_17, %scan3A_18 : i32
    %scan3A_20 = arith.constant 1 : i32
    scf.for %scan3A_57 = %scan3A_17 to %scan3A_19 step %scan3A_20  : i32 {
      %jit3A = arith.constant 2 : i32
      %eq3A = arith.constant 0 : i32
      %eq3A_58 = arith.cmpi eq, %jit3A, %eq3A : i32
      %jit3A_59 = arith.constant 1 : i32
      %select_n3A = arith.select %eq3A_58, %jit3A_59, %jit3A : i32
      %rem3A = arith.remsi %scan3A_57, %select_n3A : i32
      %ne3A = arith.constant 0 : i32
      %ne3A_60 = arith.cmpi ne, %rem3A, %ne3A : i32
      %lt3A = arith.constant 0 : i32
      %lt3A_61 = arith.cmpi slt, %rem3A, %lt3A : i32
      %lt3A_62 = arith.constant 0 : i32
      %lt3A_63 = arith.cmpi slt, %select_n3A, %lt3A_62 : i32
      %ne3A_64 = arith.xori %lt3A_61, %lt3A_63 : i1
      %and3A = arith.andi %ne3A_64, %ne3A_60 : i1
      %add3A_65 = arith.addi %rem3A, %select_n3A : i32
      %select_n3A_66 = arith.select %and3A, %add3A_65, %rem3A : i32
      %add3A_67 = arith.constant 1 : i32
      %add3A_68 = arith.addi %scan3A_57, %add3A_67 : i32
      %lt3A_69 = arith.constant 128 : i32
      %lt3A_70 = arith.cmpi slt, %add3A_68, %lt3A_69 : i32
      %convert_element_type3A = arith.extui %lt3A_70 : i1 to i32
      %cond3A = arith.constant 0 : i32
      %cond3A_71 = arith.cmpi ne, %convert_element_type3A, %cond3A : i32
      scf.if %cond3A_71 {
        %add3A_162 = arith.constant 1 : i32
        %add3A_163 = arith.addi %scan3A_57, %add3A_162 : i32
        %jit3A_164 = arith.constant 2 : i32
        %eq3A_165 = arith.constant 0 : i32
        %eq3A_166 = arith.cmpi eq, %jit3A_164, %eq3A_165 : i32
        %jit3A_167 = arith.constant 1 : i32
        %select_n3A_168 = arith.select %eq3A_166, %jit3A_167, %jit3A_164 : i32
        %rem3A_169 = arith.remsi %add3A_163, %select_n3A_168 : i32
        %ne3A_170 = arith.constant 0 : i32
        %ne3A_171 = arith.cmpi ne, %rem3A_169, %ne3A_170 : i32
        %lt3A_172 = arith.constant 0 : i32
        %lt3A_173 = arith.cmpi slt, %rem3A_169, %lt3A_172 : i32
        %lt3A_174 = arith.constant 0 : i32
        %lt3A_175 = arith.cmpi slt, %select_n3A_168, %lt3A_174 : i32
        %ne3A_176 = arith.xori %lt3A_173, %lt3A_175 : i1
        %and3A_177 = arith.andi %ne3A_176, %ne3A_171 : i1
        %add3A_178 = arith.addi %rem3A_169, %select_n3A_168 : i32
        %select_n3A_179 = arith.select %and3A_177, %add3A_178, %rem3A_169 : i32
        %dma_start3A_180 = arith.constant 0 : i32
        %dma_start3A_181 = arith.constant 0 : i32
        %dma_start3A_182 = tpu.memref_slice %arg8[%select_n3A_179, %dma_start3A_180, %dma_start3A_181] : memref<2x128x256xi32, #tpu.memory_space<vmem>> -> memref<1x128x256xi32, #tpu.memory_space<vmem>>
        %dma_start3A_183 = tpu.memref_squeeze %dma_start3A_182 : memref<1x128x256xi32, #tpu.memory_space<vmem>> -> memref<128x256xi32, #tpu.memory_space<vmem>>
        %dma_start3A_184 = arith.constant 0 : i32
        %dma_start3A_185 = tpu.memref_slice %arg6[%add3A_163, %dma_start3A_184] : memref<128x128xi32, #tpu.memory_space<vmem>> -> memref<1x128xi32, #tpu.memory_space<vmem>>
        %dma_start3A_186 = tpu.memref_squeeze %dma_start3A_185 : memref<1x128xi32, #tpu.memory_space<vmem>> -> memref<128xi32, #tpu.memory_space<vmem>>
        %dma_start3A_187 = arith.constant 0 : i32
        %dma_start3A_188 = arith.constant 0 : i32
        %dma_start3A_189 = tpu.memref_slice %arg4[%dma_start3A_187, %dma_start3A_188] : memref<65536x256xi32, #tpu.memory_space<hbm>> -> memref<65536x256xi32, #tpu.memory_space<hbm>>
        %dma_start3A_190 = tpu.memref_slice %arg10[%select_n3A_179] : memref<2x!tpu.dma_semaphore, #tpu.memory_space<semaphore_mem>> -> memref<1x!tpu.dma_semaphore, #tpu.memory_space<semaphore_mem>>
        %dma_start3A_191 = tpu.memref_squeeze %dma_start3A_190 : memref<1x!tpu.dma_semaphore, #tpu.memory_space<semaphore_mem>> -> memref<!tpu.dma_semaphore, #tpu.memory_space<semaphore_mem>>
        tpu.enqueue_indirect_dma source(%dma_start3A_189 : memref<65536x256xi32, #tpu.memory_space<hbm>>) target(%dma_start3A_183 : memref<128x256xi32, #tpu.memory_space<vmem>>) offsets(%dma_start3A_186 : memref<128xi32, #tpu.memory_space<vmem>>) semaphore(%dma_start3A_191 : memref<!tpu.dma_semaphore, #tpu.memory_space<semaphore_mem>>)
      } else {
      }
      %jit3A_72 = arith.constant 2 : i32
      %eq3A_73 = arith.constant 0 : i32
      %eq3A_74 = arith.cmpi eq, %jit3A_72, %eq3A_73 : i32
      %jit3A_75 = arith.constant 1 : i32
      %select_n3A_76 = arith.select %eq3A_74, %jit3A_75, %jit3A_72 : i32
      %rem3A_77 = arith.remsi %scan3A_57, %select_n3A_76 : i32
      %ne3A_78 = arith.constant 0 : i32
      %ne3A_79 = arith.cmpi ne, %rem3A_77, %ne3A_78 : i32
      %lt3A_80 = arith.constant 0 : i32
      %lt3A_81 = arith.cmpi slt, %rem3A_77, %lt3A_80 : i32
      %lt3A_82 = arith.constant 0 : i32
      %lt3A_83 = arith.cmpi slt, %select_n3A_76, %lt3A_82 : i32
      %ne3A_84 = arith.xori %lt3A_81, %lt3A_83 : i1
      %and3A_85 = arith.andi %ne3A_84, %ne3A_79 : i1
      %add3A_86 = arith.addi %rem3A_77, %select_n3A_76 : i32
      %select_n3A_87 = arith.select %and3A_85, %add3A_86, %rem3A_77 : i32
      %dma_wait3A_88 = arith.constant 0 : i32
      %dma_wait3A_89 = arith.constant 0 : i32
      %dma_wait3A_90 = tpu.memref_slice %arg8[%select_n3A_87, %dma_wait3A_88, %dma_wait3A_89] : memref<2x128x256xi32, #tpu.memory_space<vmem>> -> memref<1x128x256xi32, #tpu.memory_space<vmem>>
      %dma_wait3A_91 = tpu.memref_squeeze %dma_wait3A_90 : memref<1x128x256xi32, #tpu.memory_space<vmem>> -> memref<128x256xi32, #tpu.memory_space<vmem>>
      %dma_wait3A_92 = arith.constant 0 : i32
      %dma_wait3A_93 = tpu.memref_slice %arg6[%scan3A_57, %dma_wait3A_92] : memref<128x128xi32, #tpu.memory_space<vmem>> -> memref<1x128xi32, #tpu.memory_space<vmem>>
      %dma_wait3A_94 = tpu.memref_squeeze %dma_wait3A_93 : memref<1x128xi32, #tpu.memory_space<vmem>> -> memref<128xi32, #tpu.memory_space<vmem>>
      %dma_wait3A_95 = arith.constant 0 : i32
      %dma_wait3A_96 = arith.constant 0 : i32
      %dma_wait3A_97 = tpu.memref_slice %arg4[%dma_wait3A_95, %dma_wait3A_96] : memref<65536x256xi32, #tpu.memory_space<hbm>> -> memref<65536x256xi32, #tpu.memory_space<hbm>>
      %dma_wait3A_98 = tpu.memref_slice %arg10[%select_n3A_87] : memref<2x!tpu.dma_semaphore, #tpu.memory_space<semaphore_mem>> -> memref<1x!tpu.dma_semaphore, #tpu.memory_space<semaphore_mem>>
      %dma_wait3A_99 = tpu.memref_squeeze %dma_wait3A_98 : memref<1x!tpu.dma_semaphore, #tpu.memory_space<semaphore_mem>> -> memref<!tpu.dma_semaphore, #tpu.memory_space<semaphore_mem>>
      tpu.wait_indirect_dma semaphore(%dma_wait3A_99 : memref<!tpu.dma_semaphore, #tpu.memory_space<semaphore_mem>>) src(%dma_wait3A_97 : memref<65536x256xi32, #tpu.memory_space<hbm>>) dst(%dma_wait3A_91 : memref<128x256xi32, #tpu.memory_space<vmem>>)
      %ge3A = arith.constant 2 : i32
      %ge3A_100 = arith.cmpi sge, %scan3A_57, %ge3A : i32
      %convert_element_type3A_101 = arith.extui %ge3A_100 : i1 to i32
      %cond3A_102 = arith.constant 0 : i32
      %cond3A_103 = arith.cmpi ne, %convert_element_type3A_101, %cond3A_102 : i32
      scf.if %cond3A_103 {
        %sub3A = arith.constant 2 : i32
        %sub3A_162 = arith.subi %scan3A_57, %sub3A : i32
        %jit3A_163 = arith.constant 2 : i32
        %eq3A_164 = arith.constant 0 : i32
        %eq3A_165 = arith.cmpi eq, %jit3A_163, %eq3A_164 : i32
        %jit3A_166 = arith.constant 1 : i32
        %select_n3A_167 = arith.select %eq3A_165, %jit3A_166, %jit3A_163 : i32
        %rem3A_168 = arith.remsi %sub3A_162, %select_n3A_167 : i32
        %ne3A_169 = arith.constant 0 : i32
        %ne3A_170 = arith.cmpi ne, %rem3A_168, %ne3A_169 : i32
        %lt3A_171 = arith.constant 0 : i32
        %lt3A_172 = arith.cmpi slt, %rem3A_168, %lt3A_171 : i32
        %lt3A_173 = arith.constant 0 : i32
        %lt3A_174 = arith.cmpi slt, %select_n3A_167, %lt3A_173 : i32
        %ne3A_175 = arith.xori %lt3A_172, %lt3A_174 : i1
        %and3A_176 = arith.andi %ne3A_175, %ne3A_170 : i1
        %add3A_177 = arith.addi %rem3A_168, %select_n3A_167 : i32
        %select_n3A_178 = arith.select %and3A_176, %add3A_177, %rem3A_168 : i32
        %mul3A_179 = arith.constant 16 : i32
        %mul3A_180 = arith.muli %sub3A_162, %mul3A_179 : i32
        %add3A_181 = arith.addi %mul3A_2, %mul3A_180 : i32
        %dma_wait3A_182 = arith.constant 0 : i32
        %dma_wait3A_183 = arith.constant 0 : i32
        %dma_wait3A_184 = tpu.memref_slice %arg9[%select_n3A_178, %dma_wait3A_182, %dma_wait3A_183] : memref<2x16x512xf32, #tpu.memory_space<vmem>> -> memref<1x16x512xf32, #tpu.memory_space<vmem>>
        %dma_wait3A_185 = tpu.memref_squeeze %dma_wait3A_184 : memref<1x16x512xf32, #tpu.memory_space<vmem>> -> memref<16x512xf32, #tpu.memory_space<vmem>>
        %dma_wait3A_186 = arith.constant 0 : i32
        %dma_wait3A_187 = tpu.memref_slice %arg5[%add3A_181, %dma_wait3A_186] : memref<65536x512xf32, #tpu.memory_space<hbm>> -> memref<16x512xf32, #tpu.memory_space<hbm>>
        %dma_wait3A_188 = tpu.memref_slice %arg11[%select_n3A_178] : memref<2x!tpu.dma_semaphore, #tpu.memory_space<semaphore_mem>> -> memref<1x!tpu.dma_semaphore, #tpu.memory_space<semaphore_mem>>
        %dma_wait3A_189 = tpu.memref_squeeze %dma_wait3A_188 : memref<1x!tpu.dma_semaphore, #tpu.memory_space<semaphore_mem>> -> memref<!tpu.dma_semaphore, #tpu.memory_space<semaphore_mem>>
        %dma_wait3A_190 = arith.constant 0 : i32
        %dma_wait3A_191 = tpu.memref_slice %arg5[%add3A_181, %dma_wait3A_190] : memref<65536x512xf32, #tpu.memory_space<hbm>> -> memref<16x512xf32, #tpu.memory_space<hbm>>
        %dma_wait3A_192 = arith.constant 0 : i32
        %dma_wait3A_193 = arith.constant 0 : i32
        %dma_wait3A_194 = tpu.memref_slice %arg9[%select_n3A_178, %dma_wait3A_192, %dma_wait3A_193] : memref<2x16x512xf32, #tpu.memory_space<vmem>> -> memref<1x16x512xf32, #tpu.memory_space<vmem>>
        %dma_wait3A_195 = tpu.memref_squeeze %dma_wait3A_194 : memref<1x16x512xf32, #tpu.memory_space<vmem>> -> memref<16x512xf32, #tpu.memory_space<vmem>>
        tpu.wait_dma2 semaphore(%dma_wait3A_189 : memref<!tpu.dma_semaphore, #tpu.memory_space<semaphore_mem>>) src(%dma_wait3A_195 : memref<16x512xf32, #tpu.memory_space<vmem>>) dst(%dma_wait3A_191 : memref<16x512xf32, #tpu.memory_space<hbm>>)
      } else {
      }
      %get3A = arith.index_cast %scan3A_57 : i32 to index
      %get3A_104 = arith.constant 0 : index
      %get3A_105 = tpu.vector_load %arg7[%get3A, %get3A_104] {strides = array<i32>} : memref<128x128xf32, #tpu.memory_space<vmem>>, vector<16xf32>,
      %get3A_106 = arith.index_cast %scan3A_57 : i32 to index
      %get3A_107 = arith.constant 16 : index
      %get3A_108 = tpu.vector_load %arg7[%get3A_106, %get3A_107] {strides = array<i32>} : memref<128x128xf32, #tpu.memory_space<vmem>>, vector<16xf32>,
      %get3A_109 = arith.index_cast %scan3A_57 : i32 to index
      %get3A_110 = arith.constant 32 : index
      %get3A_111 = tpu.vector_load %arg7[%get3A_109, %get3A_110] {strides = array<i32>} : memref<128x128xf32, #tpu.memory_space<vmem>>, vector<16xf32>,
      %get3A_112 = arith.index_cast %scan3A_57 : i32 to index
      %get3A_113 = arith.constant 48 : index
      %get3A_114 = tpu.vector_load %arg7[%get3A_112, %get3A_113] {strides = array<i32>} : memref<128x128xf32, #tpu.memory_space<vmem>>, vector<16xf32>,
      %get3A_115 = arith.index_cast %scan3A_57 : i32 to index
      %get3A_116 = arith.constant 64 : index
      %get3A_117 = tpu.vector_load %arg7[%get3A_115, %get3A_116] {strides = array<i32>} : memref<128x128xf32, #tpu.memory_space<vmem>>, vector<16xf32>,
      %get3A_118 = arith.index_cast %scan3A_57 : i32 to index
      %get3A_119 = arith.constant 80 : index
      %get3A_120 = tpu.vector_load %arg7[%get3A_118, %get3A_119] {strides = array<i32>} : memref<128x128xf32, #tpu.memory_space<vmem>>, vector<16xf32>,
      %get3A_121 = arith.index_cast %scan3A_57 : i32 to index
      %get3A_122 = arith.constant 96 : index
      %get3A_123 = tpu.vector_load %arg7[%get3A_121, %get3A_122] {strides = array<i32>} : memref<128x128xf32, #tpu.memory_space<vmem>>, vector<16xf32>,
      %get3A_124 = arith.index_cast %scan3A_57 : i32 to index
      %get3A_125 = arith.constant 112 : index
      %get3A_126 = tpu.vector_load %arg7[%get3A_124, %get3A_125] {strides = array<i32>} : memref<128x128xf32, #tpu.memory_space<vmem>>, vector<16xf32>,
      %parallel_loop3A = arith.constant 0 : i32
      %parallel_loop3A_127 = arith.constant 16 : i32
      %parallel_loop3A_128 = arith.constant 1 : i32
      scf.for %parallel_loop3A_162 = %parallel_loop3A to %parallel_loop3A_127 step %parallel_loop3A_128  : i32 {
        %parallel_loop3A_163 = vector.broadcast %parallel_loop3A_162 : i32 to vector<16xi32>
        %parallel_loop3A_164 = arith.constant 0 : i32
        %parallel_loop3A_165 = vector.broadcast %parallel_loop3A_164 : i32 to vector<16xi32>
        %parallel_loop3A_166 = arith.cmpi slt, %parallel_loop3A_163, %parallel_loop3A_165 : vector<16xi32>
        %parallel_loop3A_167 = arith.constant 16 : i32
        %parallel_loop3A_168 = vector.broadcast %parallel_loop3A_167 : i32 to vector<16xi32>
        %parallel_loop3A_169 = arith.addi %parallel_loop3A_163, %parallel_loop3A_168 : vector<16xi32>
        %parallel_loop3A_170 = arith.select %parallel_loop3A_166, %parallel_loop3A_169, %parallel_loop3A_163 : vector<16xi1>, vector<16xi32>
        %parallel_loop3A_171 = vector.shape_cast %parallel_loop3A_170 : vector<16xi32> to vector<16x1xi32>
        %parallel_loop3A_172 = vector.shape_cast %parallel_loop3A_171 : vector<16x1xi32> to vector<16xi32>
        %parallel_loop3A_173 = tpu.dynamic_gather %get3A_105[%parallel_loop3A_172] in [0] : vector<16xf32>, vector<16xi32> -> vector<16xf32>
        %parallel_loop3A_174 = arith.constant 0 : i32
        %parallel_loop3A_175 = vector.broadcast %parallel_loop3A_174 : i32 to vector<16xi32>
        %parallel_loop3A_176 = arith.cmpi slt, %parallel_loop3A_163, %parallel_loop3A_175 : vector<16xi32>
        %parallel_loop3A_177 = arith.constant 16 : i32
        %parallel_loop3A_178 = vector.broadcast %parallel_loop3A_177 : i32 to vector<16xi32>
        %parallel_loop3A_179 = arith.addi %parallel_loop3A_163, %parallel_loop3A_178 : vector<16xi32>
        %parallel_loop3A_180 = arith.select %parallel_loop3A_176, %parallel_loop3A_179, %parallel_loop3A_163 : vector<16xi1>, vector<16xi32>
        %parallel_loop3A_181 = vector.shape_cast %parallel_loop3A_180 : vector<16xi32> to vector<16x1xi32>
        %parallel_loop3A_182 = vector.shape_cast %parallel_loop3A_181 : vector<16x1xi32> to vector<16xi32>
        %parallel_loop3A_183 = tpu.dynamic_gather %get3A_108[%parallel_loop3A_182] in [0] : vector<16xf32>, vector<16xi32> -> vector<16xf32>
        %parallel_loop3A_184 = arith.constant 0 : i32
        %parallel_loop3A_185 = vector.broadcast %parallel_loop3A_184 : i32 to vector<16xi32>
        %parallel_loop3A_186 = arith.cmpi slt, %parallel_loop3A_163, %parallel_loop3A_185 : vector<16xi32>
        %parallel_loop3A_187 = arith.constant 16 : i32
        %parallel_loop3A_188 = vector.broadcast %parallel_loop3A_187 : i32 to vector<16xi32>
        %parallel_loop3A_189 = arith.addi %parallel_loop3A_163, %parallel_loop3A_188 : vector<16xi32>
        %parallel_loop3A_190 = arith.select %parallel_loop3A_186, %parallel_loop3A_189, %parallel_loop3A_163 : vector<16xi1>, vector<16xi32>
        %parallel_loop3A_191 = vector.shape_cast %parallel_loop3A_190 : vector<16xi32> to vector<16x1xi32>
        %parallel_loop3A_192 = vector.shape_cast %parallel_loop3A_191 : vector<16x1xi32> to vector<16xi32>
        %parallel_loop3A_193 = tpu.dynamic_gather %get3A_111[%parallel_loop3A_192] in [0] : vector<16xf32>, vector<16xi32> -> vector<16xf32>
        %parallel_loop3A_194 = arith.constant 0 : i32
        %parallel_loop3A_195 = vector.broadcast %parallel_loop3A_194 : i32 to vector<16xi32>
        %parallel_loop3A_196 = arith.cmpi slt, %parallel_loop3A_163, %parallel_loop3A_195 : vector<16xi32>
        %parallel_loop3A_197 = arith.constant 16 : i32
        %parallel_loop3A_198 = vector.broadcast %parallel_loop3A_197 : i32 to vector<16xi32>
        %parallel_loop3A_199 = arith.addi %parallel_loop3A_163, %parallel_loop3A_198 : vector<16xi32>
        %parallel_loop3A_200 = arith.select %parallel_loop3A_196, %parallel_loop3A_199, %parallel_loop3A_163 : vector<16xi1>, vector<16xi32>
        %parallel_loop3A_201 = vector.shape_cast %parallel_loop3A_200 : vector<16xi32> to vector<16x1xi32>
        %parallel_loop3A_202 = vector.shape_cast %parallel_loop3A_201 : vector<16x1xi32> to vector<16xi32>
        %parallel_loop3A_203 = tpu.dynamic_gather %get3A_114[%parallel_loop3A_202] in [0] : vector<16xf32>, vector<16xi32> -> vector<16xf32>
        %parallel_loop3A_204 = arith.constant 0 : i32
        %parallel_loop3A_205 = vector.broadcast %parallel_loop3A_204 : i32 to vector<16xi32>
        %parallel_loop3A_206 = arith.cmpi slt, %parallel_loop3A_163, %parallel_loop3A_205 : vector<16xi32>
        %parallel_loop3A_207 = arith.constant 16 : i32
        %parallel_loop3A_208 = vector.broadcast %parallel_loop3A_207 : i32 to vector<16xi32>
        %parallel_loop3A_209 = arith.addi %parallel_loop3A_163, %parallel_loop3A_208 : vector<16xi32>
        %parallel_loop3A_210 = arith.select %parallel_loop3A_206, %parallel_loop3A_209, %parallel_loop3A_163 : vector<16xi1>, vector<16xi32>
        %parallel_loop3A_211 = vector.shape_cast %parallel_loop3A_210 : vector<16xi32> to vector<16x1xi32>
        %parallel_loop3A_212 = vector.shape_cast %parallel_loop3A_211 : vector<16x1xi32> to vector<16xi32>
        %parallel_loop3A_213 = tpu.dynamic_gather %get3A_117[%parallel_loop3A_212] in [0] : vector<16xf32>, vector<16xi32> -> vector<16xf32>
        %parallel_loop3A_214 = arith.constant 0 : i32
        %parallel_loop3A_215 = vector.broadcast %parallel_loop3A_214 : i32 to vector<16xi32>
        %parallel_loop3A_216 = arith.cmpi slt, %parallel_loop3A_163, %parallel_loop3A_215 : vector<16xi32>
        %parallel_loop3A_217 = arith.constant 16 : i32
        %parallel_loop3A_218 = vector.broadcast %parallel_loop3A_217 : i32 to vector<16xi32>
        %parallel_loop3A_219 = arith.addi %parallel_loop3A_163, %parallel_loop3A_218 : vector<16xi32>
        %parallel_loop3A_220 = arith.select %parallel_loop3A_216, %parallel_loop3A_219, %parallel_loop3A_163 : vector<16xi1>, vector<16xi32>
        %parallel_loop3A_221 = vector.shape_cast %parallel_loop3A_220 : vector<16xi32> to vector<16x1xi32>
        %parallel_loop3A_222 = vector.shape_cast %parallel_loop3A_221 : vector<16x1xi32> to vector<16xi32>
        %parallel_loop3A_223 = tpu.dynamic_gather %get3A_120[%parallel_loop3A_222] in [0] : vector<16xf32>, vector<16xi32> -> vector<16xf32>
        %parallel_loop3A_224 = arith.constant 0 : i32
        %parallel_loop3A_225 = vector.broadcast %parallel_loop3A_224 : i32 to vector<16xi32>
        %parallel_loop3A_226 = arith.cmpi slt, %parallel_loop3A_163, %parallel_loop3A_225 : vector<16xi32>
        %parallel_loop3A_227 = arith.constant 16 : i32
        %parallel_loop3A_228 = vector.broadcast %parallel_loop3A_227 : i32 to vector<16xi32>
        %parallel_loop3A_229 = arith.addi %parallel_loop3A_163, %parallel_loop3A_228 : vector<16xi32>
        %parallel_loop3A_230 = arith.select %parallel_loop3A_226, %parallel_loop3A_229, %parallel_loop3A_163 : vector<16xi1>, vector<16xi32>
        %parallel_loop3A_231 = vector.shape_cast %parallel_loop3A_230 : vector<16xi32> to vector<16x1xi32>
        %parallel_loop3A_232 = vector.shape_cast %parallel_loop3A_231 : vector<16x1xi32> to vector<16xi32>
        %parallel_loop3A_233 = tpu.dynamic_gather %get3A_123[%parallel_loop3A_232] in [0] : vector<16xf32>, vector<16xi32> -> vector<16xf32>
        %parallel_loop3A_234 = arith.constant 0 : i32
        %parallel_loop3A_235 = vector.broadcast %parallel_loop3A_234 : i32 to vector<16xi32>
        %parallel_loop3A_236 = arith.cmpi slt, %parallel_loop3A_163, %parallel_loop3A_235 : vector<16xi32>
        %parallel_loop3A_237 = arith.constant 16 : i32
        %parallel_loop3A_238 = vector.broadcast %parallel_loop3A_237 : i32 to vector<16xi32>
        %parallel_loop3A_239 = arith.addi %parallel_loop3A_163, %parallel_loop3A_238 : vector<16xi32>
        %parallel_loop3A_240 = arith.select %parallel_loop3A_236, %parallel_loop3A_239, %parallel_loop3A_163 : vector<16xi1>, vector<16xi32>
        %parallel_loop3A_241 = vector.shape_cast %parallel_loop3A_240 : vector<16xi32> to vector<16x1xi32>
        %parallel_loop3A_242 = vector.shape_cast %parallel_loop3A_241 : vector<16x1xi32> to vector<16xi32>
        %parallel_loop3A_243 = tpu.dynamic_gather %get3A_126[%parallel_loop3A_242] in [0] : vector<16xf32>, vector<16xi32> -> vector<16xf32>
        %parallel_loop3A_244 = arith.constant 0 : i32
        %parallel_loop3A_245 = arith.addi %parallel_loop3A_244, %parallel_loop3A_162 : i32
        %parallel_loop3A_246 = arith.index_cast %select_n3A_66 : i32 to index
        %parallel_loop3A_247 = arith.index_cast %parallel_loop3A_245 : i32 to index
        %parallel_loop3A_248 = arith.constant 0 : index
        %parallel_loop3A_249 = tpu.vector_load %arg8[%parallel_loop3A_246, %parallel_loop3A_247, %parallel_loop3A_248] {strides = array<i32>} : memref<2x128x256xi32, #tpu.memory_space<vmem>>, vector<16xi32>,
        %parallel_loop3A_250 = arith.constant 16 : i32
        %parallel_loop3A_251 = vector.broadcast %parallel_loop3A_250 : i32 to vector<16xi32>
        %parallel_loop3A_252 = arith.shli %parallel_loop3A_249, %parallel_loop3A_251 : vector<16xi32>
        %parallel_loop3A_253 = vector.bitcast %parallel_loop3A_252 : vector<16xi32> to vector<16xf32>
        %parallel_loop3A_254 = vector.bitcast %parallel_loop3A_249 : vector<16xi32> to vector<16xf32>
        %parallel_loop3A_255 = arith.mulf %parallel_loop3A_253, %parallel_loop3A_173 : vector<16xf32>
        %parallel_loop3A_256 = arith.mulf %parallel_loop3A_254, %parallel_loop3A_173 : vector<16xf32>
        %parallel_loop3A_257 = arith.constant 16 : i32
        %parallel_loop3A_258 = arith.addi %parallel_loop3A_257, %parallel_loop3A_162 : i32
        %parallel_loop3A_259 = arith.index_cast %select_n3A_66 : i32 to index
        %parallel_loop3A_260 = arith.index_cast %parallel_loop3A_258 : i32 to index
        %parallel_loop3A_261 = arith.constant 0 : index
        %parallel_loop3A_262 = tpu.vector_load %arg8[%parallel_loop3A_259, %parallel_loop3A_260, %parallel_loop3A_261] {strides = array<i32>} : memref<2x128x256xi32, #tpu.memory_space<vmem>>, vector<16xi32>,
        %parallel_loop3A_263 = arith.constant 16 : i32
        %parallel_loop3A_264 = vector.broadcast %parallel_loop3A_263 : i32 to vector<16xi32>
        %parallel_loop3A_265 = arith.shli %parallel_loop3A_262, %parallel_loop3A_264 : vector<16xi32>
        %parallel_loop3A_266 = vector.bitcast %parallel_loop3A_265 : vector<16xi32> to vector<16xf32>
        %parallel_loop3A_267 = vector.bitcast %parallel_loop3A_262 : vector<16xi32> to vector<16xf32>
        %parallel_loop3A_268 = arith.mulf %parallel_loop3A_266, %parallel_loop3A_183 : vector<16xf32>
        %parallel_loop3A_269 = arith.addf %parallel_loop3A_255, %parallel_loop3A_268 : vector<16xf32>
        %parallel_loop3A_270 = arith.mulf %parallel_loop3A_267, %parallel_loop3A_183 : vector<16xf32>
        %parallel_loop3A_271 = arith.addf %parallel_loop3A_256, %parallel_loop3A_270 : vector<16xf32>
        %parallel_loop3A_272 = arith.constant 32 : i32
        %parallel_loop3A_273 = arith.addi %parallel_loop3A_272, %parallel_loop3A_162 : i32
        %parallel_loop3A_274 = arith.index_cast %select_n3A_66 : i32 to index
        %parallel_loop3A_275 = arith.index_cast %parallel_loop3A_273 : i32 to index
        %parallel_loop3A_276 = arith.constant 0 : index
        %parallel_loop3A_277 = tpu.vector_load %arg8[%parallel_loop3A_274, %parallel_loop3A_275, %parallel_loop3A_276] {strides = array<i32>} : memref<2x128x256xi32, #tpu.memory_space<vmem>>, vector<16xi32>,
        %parallel_loop3A_278 = arith.constant 16 : i32
        %parallel_loop3A_279 = vector.broadcast %parallel_loop3A_278 : i32 to vector<16xi32>
        %parallel_loop3A_280 = arith.shli %parallel_loop3A_277, %parallel_loop3A_279 : vector<16xi32>
        %parallel_loop3A_281 = vector.bitcast %parallel_loop3A_280 : vector<16xi32> to vector<16xf32>
        %parallel_loop3A_282 = vector.bitcast %parallel_loop3A_277 : vector<16xi32> to vector<16xf32>
        %parallel_loop3A_283 = arith.mulf %parallel_loop3A_281, %parallel_loop3A_193 : vector<16xf32>
        %parallel_loop3A_284 = arith.addf %parallel_loop3A_269, %parallel_loop3A_283 : vector<16xf32>
        %parallel_loop3A_285 = arith.mulf %parallel_loop3A_282, %parallel_loop3A_193 : vector<16xf32>
        %parallel_loop3A_286 = arith.addf %parallel_loop3A_271, %parallel_loop3A_285 : vector<16xf32>
        %parallel_loop3A_287 = arith.constant 48 : i32
        %parallel_loop3A_288 = arith.addi %parallel_loop3A_287, %parallel_loop3A_162 : i32
        %parallel_loop3A_289 = arith.index_cast %select_n3A_66 : i32 to index
        %parallel_loop3A_290 = arith.index_cast %parallel_loop3A_288 : i32 to index
        %parallel_loop3A_291 = arith.constant 0 : index
        %parallel_loop3A_292 = tpu.vector_load %arg8[%parallel_loop3A_289, %parallel_loop3A_290, %parallel_loop3A_291] {strides = array<i32>} : memref<2x128x256xi32, #tpu.memory_space<vmem>>, vector<16xi32>,
        %parallel_loop3A_293 = arith.constant 16 : i32
        %parallel_loop3A_294 = vector.broadcast %parallel_loop3A_293 : i32 to vector<16xi32>
        %parallel_loop3A_295 = arith.shli %parallel_loop3A_292, %parallel_loop3A_294 : vector<16xi32>
        %parallel_loop3A_296 = vector.bitcast %parallel_loop3A_295 : vector<16xi32> to vector<16xf32>
        %parallel_loop3A_297 = vector.bitcast %parallel_loop3A_292 : vector<16xi32> to vector<16xf32>
        %parallel_loop3A_298 = arith.mulf %parallel_loop3A_296, %parallel_loop3A_203 : vector<16xf32>
        %parallel_loop3A_299 = arith.addf %parallel_loop3A_284, %parallel_loop3A_298 : vector<16xf32>
        %parallel_loop3A_300 = arith.mulf %parallel_loop3A_297, %parallel_loop3A_203 : vector<16xf32>
        %parallel_loop3A_301 = arith.addf %parallel_loop3A_286, %parallel_loop3A_300 : vector<16xf32>
        %parallel_loop3A_302 = arith.constant 64 : i32
        %parallel_loop3A_303 = arith.addi %parallel_loop3A_302, %parallel_loop3A_162 : i32
        %parallel_loop3A_304 = arith.index_cast %select_n3A_66 : i32 to index
        %parallel_loop3A_305 = arith.index_cast %parallel_loop3A_303 : i32 to index
        %parallel_loop3A_306 = arith.constant 0 : index
        %parallel_loop3A_307 = tpu.vector_load %arg8[%parallel_loop3A_304, %parallel_loop3A_305, %parallel_loop3A_306] {strides = array<i32>} : memref<2x128x256xi32, #tpu.memory_space<vmem>>, vector<16xi32>,
        %parallel_loop3A_308 = arith.constant 16 : i32
        %parallel_loop3A_309 = vector.broadcast %parallel_loop3A_308 : i32 to vector<16xi32>
        %parallel_loop3A_310 = arith.shli %parallel_loop3A_307, %parallel_loop3A_309 : vector<16xi32>
        %parallel_loop3A_311 = vector.bitcast %parallel_loop3A_310 : vector<16xi32> to vector<16xf32>
        %parallel_loop3A_312 = vector.bitcast %parallel_loop3A_307 : vector<16xi32> to vector<16xf32>
        %parallel_loop3A_313 = arith.mulf %parallel_loop3A_311, %parallel_loop3A_213 : vector<16xf32>
        %parallel_loop3A_314 = arith.addf %parallel_loop3A_299, %parallel_loop3A_313 : vector<16xf32>
        %parallel_loop3A_315 = arith.mulf %parallel_loop3A_312, %parallel_loop3A_213 : vector<16xf32>
        %parallel_loop3A_316 = arith.addf %parallel_loop3A_301, %parallel_loop3A_315 : vector<16xf32>
        %parallel_loop3A_317 = arith.constant 80 : i32
        %parallel_loop3A_318 = arith.addi %parallel_loop3A_317, %parallel_loop3A_162 : i32
        %parallel_loop3A_319 = arith.index_cast %select_n3A_66 : i32 to index
        %parallel_loop3A_320 = arith.index_cast %parallel_loop3A_318 : i32 to index
        %parallel_loop3A_321 = arith.constant 0 : index
        %parallel_loop3A_322 = tpu.vector_load %arg8[%parallel_loop3A_319, %parallel_loop3A_320, %parallel_loop3A_321] {strides = array<i32>} : memref<2x128x256xi32, #tpu.memory_space<vmem>>, vector<16xi32>,
        %parallel_loop3A_323 = arith.constant 16 : i32
        %parallel_loop3A_324 = vector.broadcast %parallel_loop3A_323 : i32 to vector<16xi32>
        %parallel_loop3A_325 = arith.shli %parallel_loop3A_322, %parallel_loop3A_324 : vector<16xi32>
        %parallel_loop3A_326 = vector.bitcast %parallel_loop3A_325 : vector<16xi32> to vector<16xf32>
        %parallel_loop3A_327 = vector.bitcast %parallel_loop3A_322 : vector<16xi32> to vector<16xf32>
        %parallel_loop3A_328 = arith.mulf %parallel_loop3A_326, %parallel_loop3A_223 : vector<16xf32>
        %parallel_loop3A_329 = arith.addf %parallel_loop3A_314, %parallel_loop3A_328 : vector<16xf32>
        %parallel_loop3A_330 = arith.mulf %parallel_loop3A_327, %parallel_loop3A_223 : vector<16xf32>
        %parallel_loop3A_331 = arith.addf %parallel_loop3A_316, %parallel_loop3A_330 : vector<16xf32>
        %parallel_loop3A_332 = arith.constant 96 : i32
        %parallel_loop3A_333 = arith.addi %parallel_loop3A_332, %parallel_loop3A_162 : i32
        %parallel_loop3A_334 = arith.index_cast %select_n3A_66 : i32 to index
        %parallel_loop3A_335 = arith.index_cast %parallel_loop3A_333 : i32 to index
        %parallel_loop3A_336 = arith.constant 0 : index
        %parallel_loop3A_337 = tpu.vector_load %arg8[%parallel_loop3A_334, %parallel_loop3A_335, %parallel_loop3A_336] {strides = array<i32>} : memref<2x128x256xi32, #tpu.memory_space<vmem>>, vector<16xi32>,
        %parallel_loop3A_338 = arith.constant 16 : i32
        %parallel_loop3A_339 = vector.broadcast %parallel_loop3A_338 : i32 to vector<16xi32>
        %parallel_loop3A_340 = arith.shli %parallel_loop3A_337, %parallel_loop3A_339 : vector<16xi32>
        %parallel_loop3A_341 = vector.bitcast %parallel_loop3A_340 : vector<16xi32> to vector<16xf32>
        %parallel_loop3A_342 = vector.bitcast %parallel_loop3A_337 : vector<16xi32> to vector<16xf32>
        %parallel_loop3A_343 = arith.mulf %parallel_loop3A_341, %parallel_loop3A_233 : vector<16xf32>
        %parallel_loop3A_344 = arith.addf %parallel_loop3A_329, %parallel_loop3A_343 : vector<16xf32>
        %parallel_loop3A_345 = arith.mulf %parallel_loop3A_342, %parallel_loop3A_233 : vector<16xf32>
        %parallel_loop3A_346 = arith.addf %parallel_loop3A_331, %parallel_loop3A_345 : vector<16xf32>
        %parallel_loop3A_347 = arith.constant 112 : i32
        %parallel_loop3A_348 = arith.addi %parallel_loop3A_347, %parallel_loop3A_162 : i32
        %parallel_loop3A_349 = arith.index_cast %select_n3A_66 : i32 to index
        %parallel_loop3A_350 = arith.index_cast %parallel_loop3A_348 : i32 to index
        %parallel_loop3A_351 = arith.constant 0 : index
        %parallel_loop3A_352 = tpu.vector_load %arg8[%parallel_loop3A_349, %parallel_loop3A_350, %parallel_loop3A_351] {strides = array<i32>} : memref<2x128x256xi32, #tpu.memory_space<vmem>>, vector<16xi32>,
        %parallel_loop3A_353 = arith.constant 16 : i32
        %parallel_loop3A_354 = vector.broadcast %parallel_loop3A_353 : i32 to vector<16xi32>
        %parallel_loop3A_355 = arith.shli %parallel_loop3A_352, %parallel_loop3A_354 : vector<16xi32>
        %parallel_loop3A_356 = vector.bitcast %parallel_loop3A_355 : vector<16xi32> to vector<16xf32>
        %parallel_loop3A_357 = vector.bitcast %parallel_loop3A_352 : vector<16xi32> to vector<16xf32>
        %parallel_loop3A_358 = arith.mulf %parallel_loop3A_356, %parallel_loop3A_243 : vector<16xf32>
        %parallel_loop3A_359 = arith.addf %parallel_loop3A_344, %parallel_loop3A_358 : vector<16xf32>
        %parallel_loop3A_360 = arith.mulf %parallel_loop3A_357, %parallel_loop3A_243 : vector<16xf32>
        %parallel_loop3A_361 = arith.addf %parallel_loop3A_346, %parallel_loop3A_360 : vector<16xf32>
        %parallel_loop3A_362 = arith.index_cast %select_n3A_66 : i32 to index
        %parallel_loop3A_363 = arith.index_cast %parallel_loop3A_162 : i32 to index
        %parallel_loop3A_364 = arith.constant 0 : index
        %parallel_loop3A_365 = tpu.vector_load %arg9[%parallel_loop3A_362, %parallel_loop3A_363, %parallel_loop3A_364] {strides = array<i32>} : memref<2x16x512xf32, #tpu.memory_space<vmem>>, vector<16xf32>,
        tpu.vector_store %arg9[%parallel_loop3A_362, %parallel_loop3A_363, %parallel_loop3A_364], %parallel_loop3A_359 {strides = array<i32>} : memref<2x16x512xf32, #tpu.memory_space<vmem>>, vector<16xf32>,
        %parallel_loop3A_366 = arith.index_cast %select_n3A_66 : i32 to index
        %parallel_loop3A_367 = arith.index_cast %parallel_loop3A_162 : i32 to index
        %parallel_loop3A_368 = arith.constant 256 : index
        %parallel_loop3A_369 = tpu.vector_load %arg9[%parallel_loop3A_366, %parallel_loop3A_367, %parallel_loop3A_368] {strides = array<i32>} : memref<2x16x512xf32, #tpu.memory_space<vmem>>, vector<16xf32>,
        tpu.vector_store %arg9[%parallel_loop3A_366, %parallel_loop3A_367, %parallel_loop3A_368], %parallel_loop3A_361 {strides = array<i32>} : memref<2x16x512xf32, #tpu.memory_space<vmem>>, vector<16xf32>,
        %parallel_loop3A_370 = arith.constant 0 : i32
        %parallel_loop3A_371 = arith.addi %parallel_loop3A_370, %parallel_loop3A_162 : i32
        %parallel_loop3A_372 = arith.index_cast %select_n3A_66 : i32 to index
        %parallel_loop3A_373 = arith.index_cast %parallel_loop3A_371 : i32 to index
        %parallel_loop3A_374 = arith.constant 16 : index
        %parallel_loop3A_375 = tpu.vector_load %arg8[%parallel_loop3A_372, %parallel_loop3A_373, %parallel_loop3A_374] {strides = array<i32>} : memref<2x128x256xi32, #tpu.memory_space<vmem>>, vector<16xi32>,
        %parallel_loop3A_376 = arith.constant 16 : i32
        %parallel_loop3A_377 = vector.broadcast %parallel_loop3A_376 : i32 to vector<16xi32>
        %parallel_loop3A_378 = arith.shli %parallel_loop3A_375, %parallel_loop3A_377 : vector<16xi32>
        %parallel_loop3A_379 = vector.bitcast %parallel_loop3A_378 : vector<16xi32> to vector<16xf32>
        %parallel_loop3A_380 = vector.bitcast %parallel_loop3A_375 : vector<16xi32> to vector<16xf32>
        %parallel_loop3A_381 = arith.mulf %parallel_loop3A_379, %parallel_loop3A_173 : vector<16xf32>
        %parallel_loop3A_382 = arith.mulf %parallel_loop3A_380, %parallel_loop3A_173 : vector<16xf32>
        %parallel_loop3A_383 = arith.constant 16 : i32
        %parallel_loop3A_384 = arith.addi %parallel_loop3A_383, %parallel_loop3A_162 : i32
        %parallel_loop3A_385 = arith.index_cast %select_n3A_66 : i32 to index
        %parallel_loop3A_386 = arith.index_cast %parallel_loop3A_384 : i32 to index
        %parallel_loop3A_387 = arith.constant 16 : index
        %parallel_loop3A_388 = tpu.vector_load %arg8[%parallel_loop3A_385, %parallel_loop3A_386, %parallel_loop3A_387] {strides = array<i32>} : memref<2x128x256xi32, #tpu.memory_space<vmem>>, vector<16xi32>,
        %parallel_loop3A_389 = arith.constant 16 : i32
        %parallel_loop3A_390 = vector.broadcast %parallel_loop3A_389 : i32 to vector<16xi32>
        %parallel_loop3A_391 = arith.shli %parallel_loop3A_388, %parallel_loop3A_390 : vector<16xi32>
        %parallel_loop3A_392 = vector.bitcast %parallel_loop3A_391 : vector<16xi32> to vector<16xf32>
        %parallel_loop3A_393 = vector.bitcast %parallel_loop3A_388 : vector<16xi32> to vector<16xf32>
        %parallel_loop3A_394 = arith.mulf %parallel_loop3A_392, %parallel_loop3A_183 : vector<16xf32>
        %parallel_loop3A_395 = arith.addf %parallel_loop3A_381, %parallel_loop3A_394 : vector<16xf32>
        %parallel_loop3A_396 = arith.mulf %parallel_loop3A_393, %parallel_loop3A_183 : vector<16xf32>
        %parallel_loop3A_397 = arith.addf %parallel_loop3A_382, %parallel_loop3A_396 : vector<16xf32>
        %parallel_loop3A_398 = arith.constant 32 : i32
        %parallel_loop3A_399 = arith.addi %parallel_loop3A_398, %parallel_loop3A_162 : i32
        %parallel_loop3A_400 = arith.index_cast %select_n3A_66 : i32 to index
        %parallel_loop3A_401 = arith.index_cast %parallel_loop3A_399 : i32 to index
        %parallel_loop3A_402 = arith.constant 16 : index
        %parallel_loop3A_403 = tpu.vector_load %arg8[%parallel_loop3A_400, %parallel_loop3A_401, %parallel_loop3A_402] {strides = array<i32>} : memref<2x128x256xi32, #tpu.memory_space<vmem>>, vector<16xi32>,
        %parallel_loop3A_404 = arith.constant 16 : i32
        %parallel_loop3A_405 = vector.broadcast %parallel_loop3A_404 : i32 to vector<16xi32>
        %parallel_loop3A_406 = arith.shli %parallel_loop3A_403, %parallel_loop3A_405 : vector<16xi32>
        %parallel_loop3A_407 = vector.bitcast %parallel_loop3A_406 : vector<16xi32> to vector<16xf32>
        %parallel_loop3A_408 = vector.bitcast %parallel_loop3A_403 : vector<16xi32> to vector<16xf32>
        %parallel_loop3A_409 = arith.mulf %parallel_loop3A_407, %parallel_loop3A_193 : vector<16xf32>
        %parallel_loop3A_410 = arith.addf %parallel_loop3A_395, %parallel_loop3A_409 : vector<16xf32>
        %parallel_loop3A_411 = arith.mulf %parallel_loop3A_408, %parallel_loop3A_193 : vector<16xf32>
        %parallel_loop3A_412 = arith.addf %parallel_loop3A_397, %parallel_loop3A_411 : vector<16xf32>
        %parallel_loop3A_413 = arith.constant 48 : i32
        %parallel_loop3A_414 = arith.addi %parallel_loop3A_413, %parallel_loop3A_162 : i32
        %parallel_loop3A_415 = arith.index_cast %select_n3A_66 : i32 to index
        %parallel_loop3A_416 = arith.index_cast %parallel_loop3A_414 : i32 to index
        %parallel_loop3A_417 = arith.constant 16 : index
        %parallel_loop3A_418 = tpu.vector_load %arg8[%parallel_loop3A_415, %parallel_loop3A_416, %parallel_loop3A_417] {strides = array<i32>} : memref<2x128x256xi32, #tpu.memory_space<vmem>>, vector<16xi32>,
        %parallel_loop3A_419 = arith.constant 16 : i32
        %parallel_loop3A_420 = vector.broadcast %parallel_loop3A_419 : i32 to vector<16xi32>
        %parallel_loop3A_421 = arith.shli %parallel_loop3A_418, %parallel_loop3A_420 : vector<16xi32>
        %parallel_loop3A_422 = vector.bitcast %parallel_loop3A_421 : vector<16xi32> to vector<16xf32>
        %parallel_loop3A_423 = vector.bitcast %parallel_loop3A_418 : vector<16xi32> to vector<16xf32>
        %parallel_loop3A_424 = arith.mulf %parallel_loop3A_422, %parallel_loop3A_203 : vector<16xf32>
        %parallel_loop3A_425 = arith.addf %parallel_loop3A_410, %parallel_loop3A_424 : vector<16xf32>
        %parallel_loop3A_426 = arith.mulf %parallel_loop3A_423, %parallel_loop3A_203 : vector<16xf32>
        %parallel_loop3A_427 = arith.addf %parallel_loop3A_412, %parallel_loop3A_426 : vector<16xf32>
        %parallel_loop3A_428 = arith.constant 64 : i32
        %parallel_loop3A_429 = arith.addi %parallel_loop3A_428, %parallel_loop3A_162 : i32
        %parallel_loop3A_430 = arith.index_cast %select_n3A_66 : i32 to index
        %parallel_loop3A_431 = arith.index_cast %parallel_loop3A_429 : i32 to index
        %parallel_loop3A_432 = arith.constant 16 : index
        %parallel_loop3A_433 = tpu.vector_load %arg8[%parallel_loop3A_430, %parallel_loop3A_431, %parallel_loop3A_432] {strides = array<i32>} : memref<2x128x256xi32, #tpu.memory_space<vmem>>, vector<16xi32>,
        %parallel_loop3A_434 = arith.constant 16 : i32
        %parallel_loop3A_435 = vector.broadcast %parallel_loop3A_434 : i32 to vector<16xi32>
        %parallel_loop3A_436 = arith.shli %parallel_loop3A_433, %parallel_loop3A_435 : vector<16xi32>
        %parallel_loop3A_437 = vector.bitcast %parallel_loop3A_436 : vector<16xi32> to vector<16xf32>
        %parallel_loop3A_438 = vector.bitcast %parallel_loop3A_433 : vector<16xi32> to vector<16xf32>
        %parallel_loop3A_439 = arith.mulf %parallel_loop3A_437, %parallel_loop3A_213 : vector<16xf32>
        %parallel_loop3A_440 = arith.addf %parallel_loop3A_425, %parallel_loop3A_439 : vector<16xf32>
        %parallel_loop3A_441 = arith.mulf %parallel_loop3A_438, %parallel_loop3A_213 : vector<16xf32>
        %parallel_loop3A_442 = arith.addf %parallel_loop3A_427, %parallel_loop3A_441 : vector<16xf32>
        %parallel_loop3A_443 = arith.constant 80 : i32
        %parallel_loop3A_444 = arith.addi %parallel_loop3A_443, %parallel_loop3A_162 : i32
        %parallel_loop3A_445 = arith.index_cast %select_n3A_66 : i32 to index
        %parallel_loop3A_446 = arith.index_cast %parallel_loop3A_444 : i32 to index
        %parallel_loop3A_447 = arith.constant 16 : index
        %parallel_loop3A_448 = tpu.vector_load %arg8[%parallel_loop3A_445, %parallel_loop3A_446, %parallel_loop3A_447] {strides = array<i32>} : memref<2x128x256xi32, #tpu.memory_space<vmem>>, vector<16xi32>,
        %parallel_loop3A_449 = arith.constant 16 : i32
        %parallel_loop3A_450 = vector.broadcast %parallel_loop3A_449 : i32 to vector<16xi32>
        %parallel_loop3A_451 = arith.shli %parallel_loop3A_448, %parallel_loop3A_450 : vector<16xi32>
        %parallel_loop3A_452 = vector.bitcast %parallel_loop3A_451 : vector<16xi32> to vector<16xf32>
        %parallel_loop3A_453 = vector.bitcast %parallel_loop3A_448 : vector<16xi32> to vector<16xf32>
        %parallel_loop3A_454 = arith.mulf %parallel_loop3A_452, %parallel_loop3A_223 : vector<16xf32>
        %parallel_loop3A_455 = arith.addf %parallel_loop3A_440, %parallel_loop3A_454 : vector<16xf32>
        %parallel_loop3A_456 = arith.mulf %parallel_loop3A_453, %parallel_loop3A_223 : vector<16xf32>
        %parallel_loop3A_457 = arith.addf %parallel_loop3A_442, %parallel_loop3A_456 : vector<16xf32>
        %parallel_loop3A_458 = arith.constant 96 : i32
        %parallel_loop3A_459 = arith.addi %parallel_loop3A_458, %parallel_loop3A_162 : i32
        %parallel_loop3A_460 = arith.index_cast %select_n3A_66 : i32 to index
        %parallel_loop3A_461 = arith.index_cast %parallel_loop3A_459 : i32 to index
        %parallel_loop3A_462 = arith.constant 16 : index
        %parallel_loop3A_463 = tpu.vector_load %arg8[%parallel_loop3A_460, %parallel_loop3A_461, %parallel_loop3A_462] {strides = array<i32>} : memref<2x128x256xi32, #tpu.memory_space<vmem>>, vector<16xi32>,
        %parallel_loop3A_464 = arith.constant 16 : i32
        %parallel_loop3A_465 = vector.broadcast %parallel_loop3A_464 : i32 to vector<16xi32>
        %parallel_loop3A_466 = arith.shli %parallel_loop3A_463, %parallel_loop3A_465 : vector<16xi32>
        %parallel_loop3A_467 = vector.bitcast %parallel_loop3A_466 : vector<16xi32> to vector<16xf32>
        %parallel_loop3A_468 = vector.bitcast %parallel_loop3A_463 : vector<16xi32> to vector<16xf32>
        %parallel_loop3A_469 = arith.mulf %parallel_loop3A_467, %parallel_loop3A_233 : vector<16xf32>
        %parallel_loop3A_470 = arith.addf %parallel_loop3A_455, %parallel_loop3A_469 : vector<16xf32>
        %parallel_loop3A_471 = arith.mulf %parallel_loop3A_468, %parallel_loop3A_233 : vector<16xf32>
        %parallel_loop3A_472 = arith.addf %parallel_loop3A_457, %parallel_loop3A_471 : vector<16xf32>
        %parallel_loop3A_473 = arith.constant 112 : i32
        %parallel_loop3A_474 = arith.addi %parallel_loop3A_473, %parallel_loop3A_162 : i32
        %parallel_loop3A_475 = arith.index_cast %select_n3A_66 : i32 to index
        %parallel_loop3A_476 = arith.index_cast %parallel_loop3A_474 : i32 to index
        %parallel_loop3A_477 = arith.constant 16 : index
        %parallel_loop3A_478 = tpu.vector_load %arg8[%parallel_loop3A_475, %parallel_loop3A_476, %parallel_loop3A_477] {strides = array<i32>} : memref<2x128x256xi32, #tpu.memory_space<vmem>>, vector<16xi32>,
        %parallel_loop3A_479 = arith.constant 16 : i32
        %parallel_loop3A_480 = vector.broadcast %parallel_loop3A_479 : i32 to vector<16xi32>
        %parallel_loop3A_481 = arith.shli %parallel_loop3A_478, %parallel_loop3A_480 : vector<16xi32>
        %parallel_loop3A_482 = vector.bitcast %parallel_loop3A_481 : vector<16xi32> to vector<16xf32>
        %parallel_loop3A_483 = vector.bitcast %parallel_loop3A_478 : vector<16xi32> to vector<16xf32>
        %parallel_loop3A_484 = arith.mulf %parallel_loop3A_482, %parallel_loop3A_243 : vector<16xf32>
        %parallel_loop3A_485 = arith.addf %parallel_loop3A_470, %parallel_loop3A_484 : vector<16xf32>
        %parallel_loop3A_486 = arith.mulf %parallel_loop3A_483, %parallel_loop3A_243 : vector<16xf32>
        %parallel_loop3A_487 = arith.addf %parallel_loop3A_472, %parallel_loop3A_486 : vector<16xf32>
        %parallel_loop3A_488 = arith.index_cast %select_n3A_66 : i32 to index
        %parallel_loop3A_489 = arith.index_cast %parallel_loop3A_162 : i32 to index
        %parallel_loop3A_490 = arith.constant 16 : index
        %parallel_loop3A_491 = tpu.vector_load %arg9[%parallel_loop3A_488, %parallel_loop3A_489, %parallel_loop3A_490] {strides = array<i32>} : memref<2x16x512xf32, #tpu.memory_space<vmem>>, vector<16xf32>,
        tpu.vector_store %arg9[%parallel_loop3A_488, %parallel_loop3A_489, %parallel_loop3A_490], %parallel_loop3A_485 {strides = array<i32>} : memref<2x16x512xf32, #tpu.memory_space<vmem>>, vector<16xf32>,
        %parallel_loop3A_492 = arith.index_cast %select_n3A_66 : i32 to index
        %parallel_loop3A_493 = arith.index_cast %parallel_loop3A_162 : i32 to index
        %parallel_loop3A_494 = arith.constant 272 : index
        %parallel_loop3A_495 = tpu.vector_load %arg9[%parallel_loop3A_492, %parallel_loop3A_493, %parallel_loop3A_494] {strides = array<i32>} : memref<2x16x512xf32, #tpu.memory_space<vmem>>, vector<16xf32>,
        tpu.vector_store %arg9[%parallel_loop3A_492, %parallel_loop3A_493, %parallel_loop3A_494], %parallel_loop3A_487 {strides = array<i32>} : memref<2x16x512xf32, #tpu.memory_space<vmem>>, vector<16xf32>,
        %parallel_loop3A_496 = arith.constant 0 : i32
        %parallel_loop3A_497 = arith.addi %parallel_loop3A_496, %parallel_loop3A_162 : i32
        %parallel_loop3A_498 = arith.index_cast %select_n3A_66 : i32 to index
        %parallel_loop3A_499 = arith.index_cast %parallel_loop3A_497 : i32 to index
        %parallel_loop3A_500 = arith.constant 32 : index
        %parallel_loop3A_501 = tpu.vector_load %arg8[%parallel_loop3A_498, %parallel_loop3A_499, %parallel_loop3A_500] {strides = array<i32>} : memref<2x128x256xi32, #tpu.memory_space<vmem>>, vector<16xi32>,
        %parallel_loop3A_502 = arith.constant 16 : i32
        %parallel_loop3A_503 = vector.broadcast %parallel_loop3A_502 : i32 to vector<16xi32>
        %parallel_loop3A_504 = arith.shli %parallel_loop3A_501, %parallel_loop3A_503 : vector<16xi32>
        %parallel_loop3A_505 = vector.bitcast %parallel_loop3A_504 : vector<16xi32> to vector<16xf32>
        %parallel_loop3A_506 = vector.bitcast %parallel_loop3A_501 : vector<16xi32> to vector<16xf32>
        %parallel_loop3A_507 = arith.mulf %parallel_loop3A_505, %parallel_loop3A_173 : vector<16xf32>
        %parallel_loop3A_508 = arith.mulf %parallel_loop3A_506, %parallel_loop3A_173 : vector<16xf32>
        %parallel_loop3A_509 = arith.constant 16 : i32
        %parallel_loop3A_510 = arith.addi %parallel_loop3A_509, %parallel_loop3A_162 : i32
        %parallel_loop3A_511 = arith.index_cast %select_n3A_66 : i32 to index
        %parallel_loop3A_512 = arith.index_cast %parallel_loop3A_510 : i32 to index
        %parallel_loop3A_513 = arith.constant 32 : index
        %parallel_loop3A_514 = tpu.vector_load %arg8[%parallel_loop3A_511, %parallel_loop3A_512, %parallel_loop3A_513] {strides = array<i32>} : memref<2x128x256xi32, #tpu.memory_space<vmem>>, vector<16xi32>,
        %parallel_loop3A_515 = arith.constant 16 : i32
        %parallel_loop3A_516 = vector.broadcast %parallel_loop3A_515 : i32 to vector<16xi32>
        %parallel_loop3A_517 = arith.shli %parallel_loop3A_514, %parallel_loop3A_516 : vector<16xi32>
        %parallel_loop3A_518 = vector.bitcast %parallel_loop3A_517 : vector<16xi32> to vector<16xf32>
        %parallel_loop3A_519 = vector.bitcast %parallel_loop3A_514 : vector<16xi32> to vector<16xf32>
        %parallel_loop3A_520 = arith.mulf %parallel_loop3A_518, %parallel_loop3A_183 : vector<16xf32>
        %parallel_loop3A_521 = arith.addf %parallel_loop3A_507, %parallel_loop3A_520 : vector<16xf32>
        %parallel_loop3A_522 = arith.mulf %parallel_loop3A_519, %parallel_loop3A_183 : vector<16xf32>
        %parallel_loop3A_523 = arith.addf %parallel_loop3A_508, %parallel_loop3A_522 : vector<16xf32>
        %parallel_loop3A_524 = arith.constant 32 : i32
        %parallel_loop3A_525 = arith.addi %parallel_loop3A_524, %parallel_loop3A_162 : i32
        %parallel_loop3A_526 = arith.index_cast %select_n3A_66 : i32 to index
        %parallel_loop3A_527 = arith.index_cast %parallel_loop3A_525 : i32 to index
        %parallel_loop3A_528 = arith.constant 32 : index
        %parallel_loop3A_529 = tpu.vector_load %arg8[%parallel_loop3A_526, %parallel_loop3A_527, %parallel_loop3A_528] {strides = array<i32>} : memref<2x128x256xi32, #tpu.memory_space<vmem>>, vector<16xi32>,
        %parallel_loop3A_530 = arith.constant 16 : i32
        %parallel_loop3A_531 = vector.broadcast %parallel_loop3A_530 : i32 to vector<16xi32>
        %parallel_loop3A_532 = arith.shli %parallel_loop3A_529, %parallel_loop3A_531 : vector<16xi32>
        %parallel_loop3A_533 = vector.bitcast %parallel_loop3A_532 : vector<16xi32> to vector<16xf32>
        %parallel_loop3A_534 = vector.bitcast %parallel_loop3A_529 : vector<16xi32> to vector<16xf32>
        %parallel_loop3A_535 = arith.mulf %parallel_loop3A_533, %parallel_loop3A_193 : vector<16xf32>
        %parallel_loop3A_536 = arith.addf %parallel_loop3A_521, %parallel_loop3A_535 : vector<16xf32>
        %parallel_loop3A_537 = arith.mulf %parallel_loop3A_534, %parallel_loop3A_193 : vector<16xf32>
        %parallel_loop3A_538 = arith.addf %parallel_loop3A_523, %parallel_loop3A_537 : vector<16xf32>
        %parallel_loop3A_539 = arith.constant 48 : i32
        %parallel_loop3A_540 = arith.addi %parallel_loop3A_539, %parallel_loop3A_162 : i32
        %parallel_loop3A_541 = arith.index_cast %select_n3A_66 : i32 to index
        %parallel_loop3A_542 = arith.index_cast %parallel_loop3A_540 : i32 to index
        %parallel_loop3A_543 = arith.constant 32 : index
        %parallel_loop3A_544 = tpu.vector_load %arg8[%parallel_loop3A_541, %parallel_loop3A_542, %parallel_loop3A_543] {strides = array<i32>} : memref<2x128x256xi32, #tpu.memory_space<vmem>>, vector<16xi32>,
        %parallel_loop3A_545 = arith.constant 16 : i32
        %parallel_loop3A_546 = vector.broadcast %parallel_loop3A_545 : i32 to vector<16xi32>
        %parallel_loop3A_547 = arith.shli %parallel_loop3A_544, %parallel_loop3A_546 : vector<16xi32>
        %parallel_loop3A_548 = vector.bitcast %parallel_loop3A_547 : vector<16xi32> to vector<16xf32>
        %parallel_loop3A_549 = vector.bitcast %parallel_loop3A_544 : vector<16xi32> to vector<16xf32>
        %parallel_loop3A_550 = arith.mulf %parallel_loop3A_548, %parallel_loop3A_203 : vector<16xf32>
        %parallel_loop3A_551 = arith.addf %parallel_loop3A_536, %parallel_loop3A_550 : vector<16xf32>
        %parallel_loop3A_552 = arith.mulf %parallel_loop3A_549, %parallel_loop3A_203 : vector<16xf32>
        %parallel_loop3A_553 = arith.addf %parallel_loop3A_538, %parallel_loop3A_552 : vector<16xf32>
        %parallel_loop3A_554 = arith.constant 64 : i32
        %parallel_loop3A_555 = arith.addi %parallel_loop3A_554, %parallel_loop3A_162 : i32
        %parallel_loop3A_556 = arith.index_cast %select_n3A_66 : i32 to index
        %parallel_loop3A_557 = arith.index_cast %parallel_loop3A_555 : i32 to index
        %parallel_loop3A_558 = arith.constant 32 : index
        %parallel_loop3A_559 = tpu.vector_load %arg8[%parallel_loop3A_556, %parallel_loop3A_557, %parallel_loop3A_558] {strides = array<i32>} : memref<2x128x256xi32, #tpu.memory_space<vmem>>, vector<16xi32>,
        %parallel_loop3A_560 = arith.constant 16 : i32
        %parallel_loop3A_561 = vector.broadcast %parallel_loop3A_560 : i32 to vector<16xi32>
        %parallel_loop3A_562 = arith.shli %parallel_loop3A_559, %parallel_loop3A_561 : vector<16xi32>
        %parallel_loop3A_563 = vector.bitcast %parallel_loop3A_562 : vector<16xi32> to vector<16xf32>
        %parallel_loop3A_564 = vector.bitcast %parallel_loop3A_559 : vector<16xi32> to vector<16xf32>
        %parallel_loop3A_565 = arith.mulf %parallel_loop3A_563, %parallel_loop3A_213 : vector<16xf32>
        %parallel_loop3A_566 = arith.addf %parallel_loop3A_551, %parallel_loop3A_565 : vector<16xf32>
        %parallel_loop3A_567 = arith.mulf %parallel_loop3A_564, %parallel_loop3A_213 : vector<16xf32>
        %parallel_loop3A_568 = arith.addf %parallel_loop3A_553, %parallel_loop3A_567 : vector<16xf32>
        %parallel_loop3A_569 = arith.constant 80 : i32
        %parallel_loop3A_570 = arith.addi %parallel_loop3A_569, %parallel_loop3A_162 : i32
        %parallel_loop3A_571 = arith.index_cast %select_n3A_66 : i32 to index
        %parallel_loop3A_572 = arith.index_cast %parallel_loop3A_570 : i32 to index
        %parallel_loop3A_573 = arith.constant 32 : index
        %parallel_loop3A_574 = tpu.vector_load %arg8[%parallel_loop3A_571, %parallel_loop3A_572, %parallel_loop3A_573] {strides = array<i32>} : memref<2x128x256xi32, #tpu.memory_space<vmem>>, vector<16xi32>,
        %parallel_loop3A_575 = arith.constant 16 : i32
        %parallel_loop3A_576 = vector.broadcast %parallel_loop3A_575 : i32 to vector<16xi32>
        %parallel_loop3A_577 = arith.shli %parallel_loop3A_574, %parallel_loop3A_576 : vector<16xi32>
        %parallel_loop3A_578 = vector.bitcast %parallel_loop3A_577 : vector<16xi32> to vector<16xf32>
        %parallel_loop3A_579 = vector.bitcast %parallel_loop3A_574 : vector<16xi32> to vector<16xf32>
        %parallel_loop3A_580 = arith.mulf %parallel_loop3A_578, %parallel_loop3A_223 : vector<16xf32>
        %parallel_loop3A_581 = arith.addf %parallel_loop3A_566, %parallel_loop3A_580 : vector<16xf32>
        %parallel_loop3A_582 = arith.mulf %parallel_loop3A_579, %parallel_loop3A_223 : vector<16xf32>
        %parallel_loop3A_583 = arith.addf %parallel_loop3A_568, %parallel_loop3A_582 : vector<16xf32>
        %parallel_loop3A_584 = arith.constant 96 : i32
        %parallel_loop3A_585 = arith.addi %parallel_loop3A_584, %parallel_loop3A_162 : i32
        %parallel_loop3A_586 = arith.index_cast %select_n3A_66 : i32 to index
        %parallel_loop3A_587 = arith.index_cast %parallel_loop3A_585 : i32 to index
        %parallel_loop3A_588 = arith.constant 32 : index
        %parallel_loop3A_589 = tpu.vector_load %arg8[%parallel_loop3A_586, %parallel_loop3A_587, %parallel_loop3A_588] {strides = array<i32>} : memref<2x128x256xi32, #tpu.memory_space<vmem>>, vector<16xi32>,
        %parallel_loop3A_590 = arith.constant 16 : i32
        %parallel_loop3A_591 = vector.broadcast %parallel_loop3A_590 : i32 to vector<16xi32>
        %parallel_loop3A_592 = arith.shli %parallel_loop3A_589, %parallel_loop3A_591 : vector<16xi32>
        %parallel_loop3A_593 = vector.bitcast %parallel_loop3A_592 : vector<16xi32> to vector<16xf32>
        %parallel_loop3A_594 = vector.bitcast %parallel_loop3A_589 : vector<16xi32> to vector<16xf32>
        %parallel_loop3A_595 = arith.mulf %parallel_loop3A_593, %parallel_loop3A_233 : vector<16xf32>
        %parallel_loop3A_596 = arith.addf %parallel_loop3A_581, %parallel_loop3A_595 : vector<16xf32>
        %parallel_loop3A_597 = arith.mulf %parallel_loop3A_594, %parallel_loop3A_233 : vector<16xf32>
        %parallel_loop3A_598 = arith.addf %parallel_loop3A_583, %parallel_loop3A_597 : vector<16xf32>
        %parallel_loop3A_599 = arith.constant 112 : i32
        %parallel_loop3A_600 = arith.addi %parallel_loop3A_599, %parallel_loop3A_162 : i32
        %parallel_loop3A_601 = arith.index_cast %select_n3A_66 : i32 to index
        %parallel_loop3A_602 = arith.index_cast %parallel_loop3A_600 : i32 to index
        %parallel_loop3A_603 = arith.constant 32 : index
        %parallel_loop3A_604 = tpu.vector_load %arg8[%parallel_loop3A_601, %parallel_loop3A_602, %parallel_loop3A_603] {strides = array<i32>} : memref<2x128x256xi32, #tpu.memory_space<vmem>>, vector<16xi32>,
        %parallel_loop3A_605 = arith.constant 16 : i32
        %parallel_loop3A_606 = vector.broadcast %parallel_loop3A_605 : i32 to vector<16xi32>
        %parallel_loop3A_607 = arith.shli %parallel_loop3A_604, %parallel_loop3A_606 : vector<16xi32>
        %parallel_loop3A_608 = vector.bitcast %parallel_loop3A_607 : vector<16xi32> to vector<16xf32>
        %parallel_loop3A_609 = vector.bitcast %parallel_loop3A_604 : vector<16xi32> to vector<16xf32>
        %parallel_loop3A_610 = arith.mulf %parallel_loop3A_608, %parallel_loop3A_243 : vector<16xf32>
        %parallel_loop3A_611 = arith.addf %parallel_loop3A_596, %parallel_loop3A_610 : vector<16xf32>
        %parallel_loop3A_612 = arith.mulf %parallel_loop3A_609, %parallel_loop3A_243 : vector<16xf32>
        %parallel_loop3A_613 = arith.addf %parallel_loop3A_598, %parallel_loop3A_612 : vector<16xf32>
        %parallel_loop3A_614 = arith.index_cast %select_n3A_66 : i32 to index
        %parallel_loop3A_615 = arith.index_cast %parallel_loop3A_162 : i32 to index
        %parallel_loop3A_616 = arith.constant 32 : index
        %parallel_loop3A_617 = tpu.vector_load %arg9[%parallel_loop3A_614, %parallel_loop3A_615, %parallel_loop3A_616] {strides = array<i32>} : memref<2x16x512xf32, #tpu.memory_space<vmem>>, vector<16xf32>,
        tpu.vector_store %arg9[%parallel_loop3A_614, %parallel_loop3A_615, %parallel_loop3A_616], %parallel_loop3A_611 {strides = array<i32>} : memref<2x16x512xf32, #tpu.memory_space<vmem>>, vector<16xf32>,
        %parallel_loop3A_618 = arith.index_cast %select_n3A_66 : i32 to index
        %parallel_loop3A_619 = arith.index_cast %parallel_loop3A_162 : i32 to index
        %parallel_loop3A_620 = arith.constant 288 : index
        %parallel_loop3A_621 = tpu.vector_load %arg9[%parallel_loop3A_618, %parallel_loop3A_619, %parallel_loop3A_620] {strides = array<i32>} : memref<2x16x512xf32, #tpu.memory_space<vmem>>, vector<16xf32>,
        tpu.vector_store %arg9[%parallel_loop3A_618, %parallel_loop3A_619, %parallel_loop3A_620], %parallel_loop3A_613 {strides = array<i32>} : memref<2x16x512xf32, #tpu.memory_space<vmem>>, vector<16xf32>,
        %parallel_loop3A_622 = arith.constant 0 : i32
        %parallel_loop3A_623 = arith.addi %parallel_loop3A_622, %parallel_loop3A_162 : i32
        %parallel_loop3A_624 = arith.index_cast %select_n3A_66 : i32 to index
        %parallel_loop3A_625 = arith.index_cast %parallel_loop3A_623 : i32 to index
        %parallel_loop3A_626 = arith.constant 48 : index
        %parallel_loop3A_627 = tpu.vector_load %arg8[%parallel_loop3A_624, %parallel_loop3A_625, %parallel_loop3A_626] {strides = array<i32>} : memref<2x128x256xi32, #tpu.memory_space<vmem>>, vector<16xi32>,
        %parallel_loop3A_628 = arith.constant 16 : i32
        %parallel_loop3A_629 = vector.broadcast %parallel_loop3A_628 : i32 to vector<16xi32>
        %parallel_loop3A_630 = arith.shli %parallel_loop3A_627, %parallel_loop3A_629 : vector<16xi32>
        %parallel_loop3A_631 = vector.bitcast %parallel_loop3A_630 : vector<16xi32> to vector<16xf32>
        %parallel_loop3A_632 = vector.bitcast %parallel_loop3A_627 : vector<16xi32> to vector<16xf32>
        %parallel_loop3A_633 = arith.mulf %parallel_loop3A_631, %parallel_loop3A_173 : vector<16xf32>
        %parallel_loop3A_634 = arith.mulf %parallel_loop3A_632, %parallel_loop3A_173 : vector<16xf32>
        %parallel_loop3A_635 = arith.constant 16 : i32
        %parallel_loop3A_636 = arith.addi %parallel_loop3A_635, %parallel_loop3A_162 : i32
        %parallel_loop3A_637 = arith.index_cast %select_n3A_66 : i32 to index
        %parallel_loop3A_638 = arith.index_cast %parallel_loop3A_636 : i32 to index
        %parallel_loop3A_639 = arith.constant 48 : index
        %parallel_loop3A_640 = tpu.vector_load %arg8[%parallel_loop3A_637, %parallel_loop3A_638, %parallel_loop3A_639] {strides = array<i32>} : memref<2x128x256xi32, #tpu.memory_space<vmem>>, vector<16xi32>,
        %parallel_loop3A_641 = arith.constant 16 : i32
        %parallel_loop3A_642 = vector.broadcast %parallel_loop3A_641 : i32 to vector<16xi32>
        %parallel_loop3A_643 = arith.shli %parallel_loop3A_640, %parallel_loop3A_642 : vector<16xi32>
        %parallel_loop3A_644 = vector.bitcast %parallel_loop3A_643 : vector<16xi32> to vector<16xf32>
        %parallel_loop3A_645 = vector.bitcast %parallel_loop3A_640 : vector<16xi32> to vector<16xf32>
        %parallel_loop3A_646 = arith.mulf %parallel_loop3A_644, %parallel_loop3A_183 : vector<16xf32>
        %parallel_loop3A_647 = arith.addf %parallel_loop3A_633, %parallel_loop3A_646 : vector<16xf32>
        %parallel_loop3A_648 = arith.mulf %parallel_loop3A_645, %parallel_loop3A_183 : vector<16xf32>
        %parallel_loop3A_649 = arith.addf %parallel_loop3A_634, %parallel_loop3A_648 : vector<16xf32>
        %parallel_loop3A_650 = arith.constant 32 : i32
        %parallel_loop3A_651 = arith.addi %parallel_loop3A_650, %parallel_loop3A_162 : i32
        %parallel_loop3A_652 = arith.index_cast %select_n3A_66 : i32 to index
        %parallel_loop3A_653 = arith.index_cast %parallel_loop3A_651 : i32 to index
        %parallel_loop3A_654 = arith.constant 48 : index
        %parallel_loop3A_655 = tpu.vector_load %arg8[%parallel_loop3A_652, %parallel_loop3A_653, %parallel_loop3A_654] {strides = array<i32>} : memref<2x128x256xi32, #tpu.memory_space<vmem>>, vector<16xi32>,
        %parallel_loop3A_656 = arith.constant 16 : i32
        %parallel_loop3A_657 = vector.broadcast %parallel_loop3A_656 : i32 to vector<16xi32>
        %parallel_loop3A_658 = arith.shli %parallel_loop3A_655, %parallel_loop3A_657 : vector<16xi32>
        %parallel_loop3A_659 = vector.bitcast %parallel_loop3A_658 : vector<16xi32> to vector<16xf32>
        %parallel_loop3A_660 = vector.bitcast %parallel_loop3A_655 : vector<16xi32> to vector<16xf32>
        %parallel_loop3A_661 = arith.mulf %parallel_loop3A_659, %parallel_loop3A_193 : vector<16xf32>
        %parallel_loop3A_662 = arith.addf %parallel_loop3A_647, %parallel_loop3A_661 : vector<16xf32>
        %parallel_loop3A_663 = arith.mulf %parallel_loop3A_660, %parallel_loop3A_193 : vector<16xf32>
        %parallel_loop3A_664 = arith.addf %parallel_loop3A_649, %parallel_loop3A_663 : vector<16xf32>
        %parallel_loop3A_665 = arith.constant 48 : i32
        %parallel_loop3A_666 = arith.addi %parallel_loop3A_665, %parallel_loop3A_162 : i32
        %parallel_loop3A_667 = arith.index_cast %select_n3A_66 : i32 to index
        %parallel_loop3A_668 = arith.index_cast %parallel_loop3A_666 : i32 to index
        %parallel_loop3A_669 = arith.constant 48 : index
        %parallel_loop3A_670 = tpu.vector_load %arg8[%parallel_loop3A_667, %parallel_loop3A_668, %parallel_loop3A_669] {strides = array<i32>} : memref<2x128x256xi32, #tpu.memory_space<vmem>>, vector<16xi32>,
        %parallel_loop3A_671 = arith.constant 16 : i32
        %parallel_loop3A_672 = vector.broadcast %parallel_loop3A_671 : i32 to vector<16xi32>
        %parallel_loop3A_673 = arith.shli %parallel_loop3A_670, %parallel_loop3A_672 : vector<16xi32>
        %parallel_loop3A_674 = vector.bitcast %parallel_loop3A_673 : vector<16xi32> to vector<16xf32>
        %parallel_loop3A_675 = vector.bitcast %parallel_loop3A_670 : vector<16xi32> to vector<16xf32>
        %parallel_loop3A_676 = arith.mulf %parallel_loop3A_674, %parallel_loop3A_203 : vector<16xf32>
        %parallel_loop3A_677 = arith.addf %parallel_loop3A_662, %parallel_loop3A_676 : vector<16xf32>
        %parallel_loop3A_678 = arith.mulf %parallel_loop3A_675, %parallel_loop3A_203 : vector<16xf32>
        %parallel_loop3A_679 = arith.addf %parallel_loop3A_664, %parallel_loop3A_678 : vector<16xf32>
        %parallel_loop3A_680 = arith.constant 64 : i32
        %parallel_loop3A_681 = arith.addi %parallel_loop3A_680, %parallel_loop3A_162 : i32
        %parallel_loop3A_682 = arith.index_cast %select_n3A_66 : i32 to index
        %parallel_loop3A_683 = arith.index_cast %parallel_loop3A_681 : i32 to index
        %parallel_loop3A_684 = arith.constant 48 : index
        %parallel_loop3A_685 = tpu.vector_load %arg8[%parallel_loop3A_682, %parallel_loop3A_683, %parallel_loop3A_684] {strides = array<i32>} : memref<2x128x256xi32, #tpu.memory_space<vmem>>, vector<16xi32>,
        %parallel_loop3A_686 = arith.constant 16 : i32
        %parallel_loop3A_687 = vector.broadcast %parallel_loop3A_686 : i32 to vector<16xi32>
        %parallel_loop3A_688 = arith.shli %parallel_loop3A_685, %parallel_loop3A_687 : vector<16xi32>
        %parallel_loop3A_689 = vector.bitcast %parallel_loop3A_688 : vector<16xi32> to vector<16xf32>
        %parallel_loop3A_690 = vector.bitcast %parallel_loop3A_685 : vector<16xi32> to vector<16xf32>
        %parallel_loop3A_691 = arith.mulf %parallel_loop3A_689, %parallel_loop3A_213 : vector<16xf32>
        %parallel_loop3A_692 = arith.addf %parallel_loop3A_677, %parallel_loop3A_691 : vector<16xf32>
        %parallel_loop3A_693 = arith.mulf %parallel_loop3A_690, %parallel_loop3A_213 : vector<16xf32>
        %parallel_loop3A_694 = arith.addf %parallel_loop3A_679, %parallel_loop3A_693 : vector<16xf32>
        %parallel_loop3A_695 = arith.constant 80 : i32
        %parallel_loop3A_696 = arith.addi %parallel_loop3A_695, %parallel_loop3A_162 : i32
        %parallel_loop3A_697 = arith.index_cast %select_n3A_66 : i32 to index
        %parallel_loop3A_698 = arith.index_cast %parallel_loop3A_696 : i32 to index
        %parallel_loop3A_699 = arith.constant 48 : index
        %parallel_loop3A_700 = tpu.vector_load %arg8[%parallel_loop3A_697, %parallel_loop3A_698, %parallel_loop3A_699] {strides = array<i32>} : memref<2x128x256xi32, #tpu.memory_space<vmem>>, vector<16xi32>,
        %parallel_loop3A_701 = arith.constant 16 : i32
        %parallel_loop3A_702 = vector.broadcast %parallel_loop3A_701 : i32 to vector<16xi32>
        %parallel_loop3A_703 = arith.shli %parallel_loop3A_700, %parallel_loop3A_702 : vector<16xi32>
        %parallel_loop3A_704 = vector.bitcast %parallel_loop3A_703 : vector<16xi32> to vector<16xf32>
        %parallel_loop3A_705 = vector.bitcast %parallel_loop3A_700 : vector<16xi32> to vector<16xf32>
        %parallel_loop3A_706 = arith.mulf %parallel_loop3A_704, %parallel_loop3A_223 : vector<16xf32>
        %parallel_loop3A_707 = arith.addf %parallel_loop3A_692, %parallel_loop3A_706 : vector<16xf32>
        %parallel_loop3A_708 = arith.mulf %parallel_loop3A_705, %parallel_loop3A_223 : vector<16xf32>
        %parallel_loop3A_709 = arith.addf %parallel_loop3A_694, %parallel_loop3A_708 : vector<16xf32>
        %parallel_loop3A_710 = arith.constant 96 : i32
        %parallel_loop3A_711 = arith.addi %parallel_loop3A_710, %parallel_loop3A_162 : i32
        %parallel_loop3A_712 = arith.index_cast %select_n3A_66 : i32 to index
        %parallel_loop3A_713 = arith.index_cast %parallel_loop3A_711 : i32 to index
        %parallel_loop3A_714 = arith.constant 48 : index
        %parallel_loop3A_715 = tpu.vector_load %arg8[%parallel_loop3A_712, %parallel_loop3A_713, %parallel_loop3A_714] {strides = array<i32>} : memref<2x128x256xi32, #tpu.memory_space<vmem>>, vector<16xi32>,
        %parallel_loop3A_716 = arith.constant 16 : i32
        %parallel_loop3A_717 = vector.broadcast %parallel_loop3A_716 : i32 to vector<16xi32>
        %parallel_loop3A_718 = arith.shli %parallel_loop3A_715, %parallel_loop3A_717 : vector<16xi32>
        %parallel_loop3A_719 = vector.bitcast %parallel_loop3A_718 : vector<16xi32> to vector<16xf32>
        %parallel_loop3A_720 = vector.bitcast %parallel_loop3A_715 : vector<16xi32> to vector<16xf32>
        %parallel_loop3A_721 = arith.mulf %parallel_loop3A_719, %parallel_loop3A_233 : vector<16xf32>
        %parallel_loop3A_722 = arith.addf %parallel_loop3A_707, %parallel_loop3A_721 : vector<16xf32>
        %parallel_loop3A_723 = arith.mulf %parallel_loop3A_720, %parallel_loop3A_233 : vector<16xf32>
        %parallel_loop3A_724 = arith.addf %parallel_loop3A_709, %parallel_loop3A_723 : vector<16xf32>
        %parallel_loop3A_725 = arith.constant 112 : i32
        %parallel_loop3A_726 = arith.addi %parallel_loop3A_725, %parallel_loop3A_162 : i32
        %parallel_loop3A_727 = arith.index_cast %select_n3A_66 : i32 to index
        %parallel_loop3A_728 = arith.index_cast %parallel_loop3A_726 : i32 to index
        %parallel_loop3A_729 = arith.constant 48 : index
        %parallel_loop3A_730 = tpu.vector_load %arg8[%parallel_loop3A_727, %parallel_loop3A_728, %parallel_loop3A_729] {strides = array<i32>} : memref<2x128x256xi32, #tpu.memory_space<vmem>>, vector<16xi32>,
        %parallel_loop3A_731 = arith.constant 16 : i32
        %parallel_loop3A_732 = vector.broadcast %parallel_loop3A_731 : i32 to vector<16xi32>
        %parallel_loop3A_733 = arith.shli %parallel_loop3A_730, %parallel_loop3A_732 : vector<16xi32>
        %parallel_loop3A_734 = vector.bitcast %parallel_loop3A_733 : vector<16xi32> to vector<16xf32>
        %parallel_loop3A_735 = vector.bitcast %parallel_loop3A_730 : vector<16xi32> to vector<16xf32>
        %parallel_loop3A_736 = arith.mulf %parallel_loop3A_734, %parallel_loop3A_243 : vector<16xf32>
        %parallel_loop3A_737 = arith.addf %parallel_loop3A_722, %parallel_loop3A_736 : vector<16xf32>
        %parallel_loop3A_738 = arith.mulf %parallel_loop3A_735, %parallel_loop3A_243 : vector<16xf32>
        %parallel_loop3A_739 = arith.addf %parallel_loop3A_724, %parallel_loop3A_738 : vector<16xf32>
        %parallel_loop3A_740 = arith.index_cast %select_n3A_66 : i32 to index
        %parallel_loop3A_741 = arith.index_cast %parallel_loop3A_162 : i32 to index
        %parallel_loop3A_742 = arith.constant 48 : index
        %parallel_loop3A_743 = tpu.vector_load %arg9[%parallel_loop3A_740, %parallel_loop3A_741, %parallel_loop3A_742] {strides = array<i32>} : memref<2x16x512xf32, #tpu.memory_space<vmem>>, vector<16xf32>,
        tpu.vector_store %arg9[%parallel_loop3A_740, %parallel_loop3A_741, %parallel_loop3A_742], %parallel_loop3A_737 {strides = array<i32>} : memref<2x16x512xf32, #tpu.memory_space<vmem>>, vector<16xf32>,
        %parallel_loop3A_744 = arith.index_cast %select_n3A_66 : i32 to index
        %parallel_loop3A_745 = arith.index_cast %parallel_loop3A_162 : i32 to index
        %parallel_loop3A_746 = arith.constant 304 : index
        %parallel_loop3A_747 = tpu.vector_load %arg9[%parallel_loop3A_744, %parallel_loop3A_745, %parallel_loop3A_746] {strides = array<i32>} : memref<2x16x512xf32, #tpu.memory_space<vmem>>, vector<16xf32>,
        tpu.vector_store %arg9[%parallel_loop3A_744, %parallel_loop3A_745, %parallel_loop3A_746], %parallel_loop3A_739 {strides = array<i32>} : memref<2x16x512xf32, #tpu.memory_space<vmem>>, vector<16xf32>,
        %parallel_loop3A_748 = arith.constant 0 : i32
        %parallel_loop3A_749 = arith.addi %parallel_loop3A_748, %parallel_loop3A_162 : i32
        %parallel_loop3A_750 = arith.index_cast %select_n3A_66 : i32 to index
        %parallel_loop3A_751 = arith.index_cast %parallel_loop3A_749 : i32 to index
        %parallel_loop3A_752 = arith.constant 64 : index
        %parallel_loop3A_753 = tpu.vector_load %arg8[%parallel_loop3A_750, %parallel_loop3A_751, %parallel_loop3A_752] {strides = array<i32>} : memref<2x128x256xi32, #tpu.memory_space<vmem>>, vector<16xi32>,
        %parallel_loop3A_754 = arith.constant 16 : i32
        %parallel_loop3A_755 = vector.broadcast %parallel_loop3A_754 : i32 to vector<16xi32>
        %parallel_loop3A_756 = arith.shli %parallel_loop3A_753, %parallel_loop3A_755 : vector<16xi32>
        %parallel_loop3A_757 = vector.bitcast %parallel_loop3A_756 : vector<16xi32> to vector<16xf32>
        %parallel_loop3A_758 = vector.bitcast %parallel_loop3A_753 : vector<16xi32> to vector<16xf32>
        %parallel_loop3A_759 = arith.mulf %parallel_loop3A_757, %parallel_loop3A_173 : vector<16xf32>
        %parallel_loop3A_760 = arith.mulf %parallel_loop3A_758, %parallel_loop3A_173 : vector<16xf32>
        %parallel_loop3A_761 = arith.constant 16 : i32
        %parallel_loop3A_762 = arith.addi %parallel_loop3A_761, %parallel_loop3A_162 : i32
        %parallel_loop3A_763 = arith.index_cast %select_n3A_66 : i32 to index
        %parallel_loop3A_764 = arith.index_cast %parallel_loop3A_762 : i32 to index
        %parallel_loop3A_765 = arith.constant 64 : index
        %parallel_loop3A_766 = tpu.vector_load %arg8[%parallel_loop3A_763, %parallel_loop3A_764, %parallel_loop3A_765] {strides = array<i32>} : memref<2x128x256xi32, #tpu.memory_space<vmem>>, vector<16xi32>,
        %parallel_loop3A_767 = arith.constant 16 : i32
        %parallel_loop3A_768 = vector.broadcast %parallel_loop3A_767 : i32 to vector<16xi32>
        %parallel_loop3A_769 = arith.shli %parallel_loop3A_766, %parallel_loop3A_768 : vector<16xi32>
        %parallel_loop3A_770 = vector.bitcast %parallel_loop3A_769 : vector<16xi32> to vector<16xf32>
        %parallel_loop3A_771 = vector.bitcast %parallel_loop3A_766 : vector<16xi32> to vector<16xf32>
        %parallel_loop3A_772 = arith.mulf %parallel_loop3A_770, %parallel_loop3A_183 : vector<16xf32>
        %parallel_loop3A_773 = arith.addf %parallel_loop3A_759, %parallel_loop3A_772 : vector<16xf32>
        %parallel_loop3A_774 = arith.mulf %parallel_loop3A_771, %parallel_loop3A_183 : vector<16xf32>
        %parallel_loop3A_775 = arith.addf %parallel_loop3A_760, %parallel_loop3A_774 : vector<16xf32>
        %parallel_loop3A_776 = arith.constant 32 : i32
        %parallel_loop3A_777 = arith.addi %parallel_loop3A_776, %parallel_loop3A_162 : i32
        %parallel_loop3A_778 = arith.index_cast %select_n3A_66 : i32 to index
        %parallel_loop3A_779 = arith.index_cast %parallel_loop3A_777 : i32 to index
        %parallel_loop3A_780 = arith.constant 64 : index
        %parallel_loop3A_781 = tpu.vector_load %arg8[%parallel_loop3A_778, %parallel_loop3A_779, %parallel_loop3A_780] {strides = array<i32>} : memref<2x128x256xi32, #tpu.memory_space<vmem>>, vector<16xi32>,
        %parallel_loop3A_782 = arith.constant 16 : i32
        %parallel_loop3A_783 = vector.broadcast %parallel_loop3A_782 : i32 to vector<16xi32>
        %parallel_loop3A_784 = arith.shli %parallel_loop3A_781, %parallel_loop3A_783 : vector<16xi32>
        %parallel_loop3A_785 = vector.bitcast %parallel_loop3A_784 : vector<16xi32> to vector<16xf32>
        %parallel_loop3A_786 = vector.bitcast %parallel_loop3A_781 : vector<16xi32> to vector<16xf32>
        %parallel_loop3A_787 = arith.mulf %parallel_loop3A_785, %parallel_loop3A_193 : vector<16xf32>
        %parallel_loop3A_788 = arith.addf %parallel_loop3A_773, %parallel_loop3A_787 : vector<16xf32>
        %parallel_loop3A_789 = arith.mulf %parallel_loop3A_786, %parallel_loop3A_193 : vector<16xf32>
        %parallel_loop3A_790 = arith.addf %parallel_loop3A_775, %parallel_loop3A_789 : vector<16xf32>
        %parallel_loop3A_791 = arith.constant 48 : i32
        %parallel_loop3A_792 = arith.addi %parallel_loop3A_791, %parallel_loop3A_162 : i32
        %parallel_loop3A_793 = arith.index_cast %select_n3A_66 : i32 to index
        %parallel_loop3A_794 = arith.index_cast %parallel_loop3A_792 : i32 to index
        %parallel_loop3A_795 = arith.constant 64 : index
        %parallel_loop3A_796 = tpu.vector_load %arg8[%parallel_loop3A_793, %parallel_loop3A_794, %parallel_loop3A_795] {strides = array<i32>} : memref<2x128x256xi32, #tpu.memory_space<vmem>>, vector<16xi32>,
        %parallel_loop3A_797 = arith.constant 16 : i32
        %parallel_loop3A_798 = vector.broadcast %parallel_loop3A_797 : i32 to vector<16xi32>
        %parallel_loop3A_799 = arith.shli %parallel_loop3A_796, %parallel_loop3A_798 : vector<16xi32>
        %parallel_loop3A_800 = vector.bitcast %parallel_loop3A_799 : vector<16xi32> to vector<16xf32>
        %parallel_loop3A_801 = vector.bitcast %parallel_loop3A_796 : vector<16xi32> to vector<16xf32>
        %parallel_loop3A_802 = arith.mulf %parallel_loop3A_800, %parallel_loop3A_203 : vector<16xf32>
        %parallel_loop3A_803 = arith.addf %parallel_loop3A_788, %parallel_loop3A_802 : vector<16xf32>
        %parallel_loop3A_804 = arith.mulf %parallel_loop3A_801, %parallel_loop3A_203 : vector<16xf32>
        %parallel_loop3A_805 = arith.addf %parallel_loop3A_790, %parallel_loop3A_804 : vector<16xf32>
        %parallel_loop3A_806 = arith.constant 64 : i32
        %parallel_loop3A_807 = arith.addi %parallel_loop3A_806, %parallel_loop3A_162 : i32
        %parallel_loop3A_808 = arith.index_cast %select_n3A_66 : i32 to index
        %parallel_loop3A_809 = arith.index_cast %parallel_loop3A_807 : i32 to index
        %parallel_loop3A_810 = arith.constant 64 : index
        %parallel_loop3A_811 = tpu.vector_load %arg8[%parallel_loop3A_808, %parallel_loop3A_809, %parallel_loop3A_810] {strides = array<i32>} : memref<2x128x256xi32, #tpu.memory_space<vmem>>, vector<16xi32>,
        %parallel_loop3A_812 = arith.constant 16 : i32
        %parallel_loop3A_813 = vector.broadcast %parallel_loop3A_812 : i32 to vector<16xi32>
        %parallel_loop3A_814 = arith.shli %parallel_loop3A_811, %parallel_loop3A_813 : vector<16xi32>
        %parallel_loop3A_815 = vector.bitcast %parallel_loop3A_814 : vector<16xi32> to vector<16xf32>
        %parallel_loop3A_816 = vector.bitcast %parallel_loop3A_811 : vector<16xi32> to vector<16xf32>
        %parallel_loop3A_817 = arith.mulf %parallel_loop3A_815, %parallel_loop3A_213 : vector<16xf32>
        %parallel_loop3A_818 = arith.addf %parallel_loop3A_803, %parallel_loop3A_817 : vector<16xf32>
        %parallel_loop3A_819 = arith.mulf %parallel_loop3A_816, %parallel_loop3A_213 : vector<16xf32>
        %parallel_loop3A_820 = arith.addf %parallel_loop3A_805, %parallel_loop3A_819 : vector<16xf32>
        %parallel_loop3A_821 = arith.constant 80 : i32
        %parallel_loop3A_822 = arith.addi %parallel_loop3A_821, %parallel_loop3A_162 : i32
        %parallel_loop3A_823 = arith.index_cast %select_n3A_66 : i32 to index
        %parallel_loop3A_824 = arith.index_cast %parallel_loop3A_822 : i32 to index
        %parallel_loop3A_825 = arith.constant 64 : index
        %parallel_loop3A_826 = tpu.vector_load %arg8[%parallel_loop3A_823, %parallel_loop3A_824, %parallel_loop3A_825] {strides = array<i32>} : memref<2x128x256xi32, #tpu.memory_space<vmem>>, vector<16xi32>,
        %parallel_loop3A_827 = arith.constant 16 : i32
        %parallel_loop3A_828 = vector.broadcast %parallel_loop3A_827 : i32 to vector<16xi32>
        %parallel_loop3A_829 = arith.shli %parallel_loop3A_826, %parallel_loop3A_828 : vector<16xi32>
        %parallel_loop3A_830 = vector.bitcast %parallel_loop3A_829 : vector<16xi32> to vector<16xf32>
        %parallel_loop3A_831 = vector.bitcast %parallel_loop3A_826 : vector<16xi32> to vector<16xf32>
        %parallel_loop3A_832 = arith.mulf %parallel_loop3A_830, %parallel_loop3A_223 : vector<16xf32>
        %parallel_loop3A_833 = arith.addf %parallel_loop3A_818, %parallel_loop3A_832 : vector<16xf32>
        %parallel_loop3A_834 = arith.mulf %parallel_loop3A_831, %parallel_loop3A_223 : vector<16xf32>
        %parallel_loop3A_835 = arith.addf %parallel_loop3A_820, %parallel_loop3A_834 : vector<16xf32>
        %parallel_loop3A_836 = arith.constant 96 : i32
        %parallel_loop3A_837 = arith.addi %parallel_loop3A_836, %parallel_loop3A_162 : i32
        %parallel_loop3A_838 = arith.index_cast %select_n3A_66 : i32 to index
        %parallel_loop3A_839 = arith.index_cast %parallel_loop3A_837 : i32 to index
        %parallel_loop3A_840 = arith.constant 64 : index
        %parallel_loop3A_841 = tpu.vector_load %arg8[%parallel_loop3A_838, %parallel_loop3A_839, %parallel_loop3A_840] {strides = array<i32>} : memref<2x128x256xi32, #tpu.memory_space<vmem>>, vector<16xi32>,
        %parallel_loop3A_842 = arith.constant 16 : i32
        %parallel_loop3A_843 = vector.broadcast %parallel_loop3A_842 : i32 to vector<16xi32>
        %parallel_loop3A_844 = arith.shli %parallel_loop3A_841, %parallel_loop3A_843 : vector<16xi32>
        %parallel_loop3A_845 = vector.bitcast %parallel_loop3A_844 : vector<16xi32> to vector<16xf32>
        %parallel_loop3A_846 = vector.bitcast %parallel_loop3A_841 : vector<16xi32> to vector<16xf32>
        %parallel_loop3A_847 = arith.mulf %parallel_loop3A_845, %parallel_loop3A_233 : vector<16xf32>
        %parallel_loop3A_848 = arith.addf %parallel_loop3A_833, %parallel_loop3A_847 : vector<16xf32>
        %parallel_loop3A_849 = arith.mulf %parallel_loop3A_846, %parallel_loop3A_233 : vector<16xf32>
        %parallel_loop3A_850 = arith.addf %parallel_loop3A_835, %parallel_loop3A_849 : vector<16xf32>
        %parallel_loop3A_851 = arith.constant 112 : i32
        %parallel_loop3A_852 = arith.addi %parallel_loop3A_851, %parallel_loop3A_162 : i32
        %parallel_loop3A_853 = arith.index_cast %select_n3A_66 : i32 to index
        %parallel_loop3A_854 = arith.index_cast %parallel_loop3A_852 : i32 to index
        %parallel_loop3A_855 = arith.constant 64 : index
        %parallel_loop3A_856 = tpu.vector_load %arg8[%parallel_loop3A_853, %parallel_loop3A_854, %parallel_loop3A_855] {strides = array<i32>} : memref<2x128x256xi32, #tpu.memory_space<vmem>>, vector<16xi32>,
        %parallel_loop3A_857 = arith.constant 16 : i32
        %parallel_loop3A_858 = vector.broadcast %parallel_loop3A_857 : i32 to vector<16xi32>
        %parallel_loop3A_859 = arith.shli %parallel_loop3A_856, %parallel_loop3A_858 : vector<16xi32>
        %parallel_loop3A_860 = vector.bitcast %parallel_loop3A_859 : vector<16xi32> to vector<16xf32>
        %parallel_loop3A_861 = vector.bitcast %parallel_loop3A_856 : vector<16xi32> to vector<16xf32>
        %parallel_loop3A_862 = arith.mulf %parallel_loop3A_860, %parallel_loop3A_243 : vector<16xf32>
        %parallel_loop3A_863 = arith.addf %parallel_loop3A_848, %parallel_loop3A_862 : vector<16xf32>
        %parallel_loop3A_864 = arith.mulf %parallel_loop3A_861, %parallel_loop3A_243 : vector<16xf32>
        %parallel_loop3A_865 = arith.addf %parallel_loop3A_850, %parallel_loop3A_864 : vector<16xf32>
        %parallel_loop3A_866 = arith.index_cast %select_n3A_66 : i32 to index
        %parallel_loop3A_867 = arith.index_cast %parallel_loop3A_162 : i32 to index
        %parallel_loop3A_868 = arith.constant 64 : index
        %parallel_loop3A_869 = tpu.vector_load %arg9[%parallel_loop3A_866, %parallel_loop3A_867, %parallel_loop3A_868] {strides = array<i32>} : memref<2x16x512xf32, #tpu.memory_space<vmem>>, vector<16xf32>,
        tpu.vector_store %arg9[%parallel_loop3A_866, %parallel_loop3A_867, %parallel_loop3A_868], %parallel_loop3A_863 {strides = array<i32>} : memref<2x16x512xf32, #tpu.memory_space<vmem>>, vector<16xf32>,
        %parallel_loop3A_870 = arith.index_cast %select_n3A_66 : i32 to index
        %parallel_loop3A_871 = arith.index_cast %parallel_loop3A_162 : i32 to index
        %parallel_loop3A_872 = arith.constant 320 : index
        %parallel_loop3A_873 = tpu.vector_load %arg9[%parallel_loop3A_870, %parallel_loop3A_871, %parallel_loop3A_872] {strides = array<i32>} : memref<2x16x512xf32, #tpu.memory_space<vmem>>, vector<16xf32>,
        tpu.vector_store %arg9[%parallel_loop3A_870, %parallel_loop3A_871, %parallel_loop3A_872], %parallel_loop3A_865 {strides = array<i32>} : memref<2x16x512xf32, #tpu.memory_space<vmem>>, vector<16xf32>,
        %parallel_loop3A_874 = arith.constant 0 : i32
        %parallel_loop3A_875 = arith.addi %parallel_loop3A_874, %parallel_loop3A_162 : i32
        %parallel_loop3A_876 = arith.index_cast %select_n3A_66 : i32 to index
        %parallel_loop3A_877 = arith.index_cast %parallel_loop3A_875 : i32 to index
        %parallel_loop3A_878 = arith.constant 80 : index
        %parallel_loop3A_879 = tpu.vector_load %arg8[%parallel_loop3A_876, %parallel_loop3A_877, %parallel_loop3A_878] {strides = array<i32>} : memref<2x128x256xi32, #tpu.memory_space<vmem>>, vector<16xi32>,
        %parallel_loop3A_880 = arith.constant 16 : i32
        %parallel_loop3A_881 = vector.broadcast %parallel_loop3A_880 : i32 to vector<16xi32>
        %parallel_loop3A_882 = arith.shli %parallel_loop3A_879, %parallel_loop3A_881 : vector<16xi32>
        %parallel_loop3A_883 = vector.bitcast %parallel_loop3A_882 : vector<16xi32> to vector<16xf32>
        %parallel_loop3A_884 = vector.bitcast %parallel_loop3A_879 : vector<16xi32> to vector<16xf32>
        %parallel_loop3A_885 = arith.mulf %parallel_loop3A_883, %parallel_loop3A_173 : vector<16xf32>
        %parallel_loop3A_886 = arith.mulf %parallel_loop3A_884, %parallel_loop3A_173 : vector<16xf32>
        %parallel_loop3A_887 = arith.constant 16 : i32
        %parallel_loop3A_888 = arith.addi %parallel_loop3A_887, %parallel_loop3A_162 : i32
        %parallel_loop3A_889 = arith.index_cast %select_n3A_66 : i32 to index
        %parallel_loop3A_890 = arith.index_cast %parallel_loop3A_888 : i32 to index
        %parallel_loop3A_891 = arith.constant 80 : index
        %parallel_loop3A_892 = tpu.vector_load %arg8[%parallel_loop3A_889, %parallel_loop3A_890, %parallel_loop3A_891] {strides = array<i32>} : memref<2x128x256xi32, #tpu.memory_space<vmem>>, vector<16xi32>,
        %parallel_loop3A_893 = arith.constant 16 : i32
        %parallel_loop3A_894 = vector.broadcast %parallel_loop3A_893 : i32 to vector<16xi32>
        %parallel_loop3A_895 = arith.shli %parallel_loop3A_892, %parallel_loop3A_894 : vector<16xi32>
        %parallel_loop3A_896 = vector.bitcast %parallel_loop3A_895 : vector<16xi32> to vector<16xf32>
        %parallel_loop3A_897 = vector.bitcast %parallel_loop3A_892 : vector<16xi32> to vector<16xf32>
        %parallel_loop3A_898 = arith.mulf %parallel_loop3A_896, %parallel_loop3A_183 : vector<16xf32>
        %parallel_loop3A_899 = arith.addf %parallel_loop3A_885, %parallel_loop3A_898 : vector<16xf32>
        %parallel_loop3A_900 = arith.mulf %parallel_loop3A_897, %parallel_loop3A_183 : vector<16xf32>
        %parallel_loop3A_901 = arith.addf %parallel_loop3A_886, %parallel_loop3A_900 : vector<16xf32>
        %parallel_loop3A_902 = arith.constant 32 : i32
        %parallel_loop3A_903 = arith.addi %parallel_loop3A_902, %parallel_loop3A_162 : i32
        %parallel_loop3A_904 = arith.index_cast %select_n3A_66 : i32 to index
        %parallel_loop3A_905 = arith.index_cast %parallel_loop3A_903 : i32 to index
        %parallel_loop3A_906 = arith.constant 80 : index
        %parallel_loop3A_907 = tpu.vector_load %arg8[%parallel_loop3A_904, %parallel_loop3A_905, %parallel_loop3A_906] {strides = array<i32>} : memref<2x128x256xi32, #tpu.memory_space<vmem>>, vector<16xi32>,
        %parallel_loop3A_908 = arith.constant 16 : i32
        %parallel_loop3A_909 = vector.broadcast %parallel_loop3A_908 : i32 to vector<16xi32>
        %parallel_loop3A_910 = arith.shli %parallel_loop3A_907, %parallel_loop3A_909 : vector<16xi32>
        %parallel_loop3A_911 = vector.bitcast %parallel_loop3A_910 : vector<16xi32> to vector<16xf32>
        %parallel_loop3A_912 = vector.bitcast %parallel_loop3A_907 : vector<16xi32> to vector<16xf32>
        %parallel_loop3A_913 = arith.mulf %parallel_loop3A_911, %parallel_loop3A_193 : vector<16xf32>
        %parallel_loop3A_914 = arith.addf %parallel_loop3A_899, %parallel_loop3A_913 : vector<16xf32>
        %parallel_loop3A_915 = arith.mulf %parallel_loop3A_912, %parallel_loop3A_193 : vector<16xf32>
        %parallel_loop3A_916 = arith.addf %parallel_loop3A_901, %parallel_loop3A_915 : vector<16xf32>
        %parallel_loop3A_917 = arith.constant 48 : i32
        %parallel_loop3A_918 = arith.addi %parallel_loop3A_917, %parallel_loop3A_162 : i32
        %parallel_loop3A_919 = arith.index_cast %select_n3A_66 : i32 to index
        %parallel_loop3A_920 = arith.index_cast %parallel_loop3A_918 : i32 to index
        %parallel_loop3A_921 = arith.constant 80 : index
        %parallel_loop3A_922 = tpu.vector_load %arg8[%parallel_loop3A_919, %parallel_loop3A_920, %parallel_loop3A_921] {strides = array<i32>} : memref<2x128x256xi32, #tpu.memory_space<vmem>>, vector<16xi32>,
        %parallel_loop3A_923 = arith.constant 16 : i32
        %parallel_loop3A_924 = vector.broadcast %parallel_loop3A_923 : i32 to vector<16xi32>
        %parallel_loop3A_925 = arith.shli %parallel_loop3A_922, %parallel_loop3A_924 : vector<16xi32>
        %parallel_loop3A_926 = vector.bitcast %parallel_loop3A_925 : vector<16xi32> to vector<16xf32>
        %parallel_loop3A_927 = vector.bitcast %parallel_loop3A_922 : vector<16xi32> to vector<16xf32>
        %parallel_loop3A_928 = arith.mulf %parallel_loop3A_926, %parallel_loop3A_203 : vector<16xf32>
        %parallel_loop3A_929 = arith.addf %parallel_loop3A_914, %parallel_loop3A_928 : vector<16xf32>
        %parallel_loop3A_930 = arith.mulf %parallel_loop3A_927, %parallel_loop3A_203 : vector<16xf32>
        %parallel_loop3A_931 = arith.addf %parallel_loop3A_916, %parallel_loop3A_930 : vector<16xf32>
        %parallel_loop3A_932 = arith.constant 64 : i32
        %parallel_loop3A_933 = arith.addi %parallel_loop3A_932, %parallel_loop3A_162 : i32
        %parallel_loop3A_934 = arith.index_cast %select_n3A_66 : i32 to index
        %parallel_loop3A_935 = arith.index_cast %parallel_loop3A_933 : i32 to index
        %parallel_loop3A_936 = arith.constant 80 : index
        %parallel_loop3A_937 = tpu.vector_load %arg8[%parallel_loop3A_934, %parallel_loop3A_935, %parallel_loop3A_936] {strides = array<i32>} : memref<2x128x256xi32, #tpu.memory_space<vmem>>, vector<16xi32>,
        %parallel_loop3A_938 = arith.constant 16 : i32
        %parallel_loop3A_939 = vector.broadcast %parallel_loop3A_938 : i32 to vector<16xi32>
        %parallel_loop3A_940 = arith.shli %parallel_loop3A_937, %parallel_loop3A_939 : vector<16xi32>
        %parallel_loop3A_941 = vector.bitcast %parallel_loop3A_940 : vector<16xi32> to vector<16xf32>
        %parallel_loop3A_942 = vector.bitcast %parallel_loop3A_937 : vector<16xi32> to vector<16xf32>
        %parallel_loop3A_943 = arith.mulf %parallel_loop3A_941, %parallel_loop3A_213 : vector<16xf32>
        %parallel_loop3A_944 = arith.addf %parallel_loop3A_929, %parallel_loop3A_943 : vector<16xf32>
        %parallel_loop3A_945 = arith.mulf %parallel_loop3A_942, %parallel_loop3A_213 : vector<16xf32>
        %parallel_loop3A_946 = arith.addf %parallel_loop3A_931, %parallel_loop3A_945 : vector<16xf32>
        %parallel_loop3A_947 = arith.constant 80 : i32
        %parallel_loop3A_948 = arith.addi %parallel_loop3A_947, %parallel_loop3A_162 : i32
        %parallel_loop3A_949 = arith.index_cast %select_n3A_66 : i32 to index
        %parallel_loop3A_950 = arith.index_cast %parallel_loop3A_948 : i32 to index
        %parallel_loop3A_951 = arith.constant 80 : index
        %parallel_loop3A_952 = tpu.vector_load %arg8[%parallel_loop3A_949, %parallel_loop3A_950, %parallel_loop3A_951] {strides = array<i32>} : memref<2x128x256xi32, #tpu.memory_space<vmem>>, vector<16xi32>,
        %parallel_loop3A_953 = arith.constant 16 : i32
        %parallel_loop3A_954 = vector.broadcast %parallel_loop3A_953 : i32 to vector<16xi32>
        %parallel_loop3A_955 = arith.shli %parallel_loop3A_952, %parallel_loop3A_954 : vector<16xi32>
        %parallel_loop3A_956 = vector.bitcast %parallel_loop3A_955 : vector<16xi32> to vector<16xf32>
        %parallel_loop3A_957 = vector.bitcast %parallel_loop3A_952 : vector<16xi32> to vector<16xf32>
        %parallel_loop3A_958 = arith.mulf %parallel_loop3A_956, %parallel_loop3A_223 : vector<16xf32>
        %parallel_loop3A_959 = arith.addf %parallel_loop3A_944, %parallel_loop3A_958 : vector<16xf32>
        %parallel_loop3A_960 = arith.mulf %parallel_loop3A_957, %parallel_loop3A_223 : vector<16xf32>
        %parallel_loop3A_961 = arith.addf %parallel_loop3A_946, %parallel_loop3A_960 : vector<16xf32>
        %parallel_loop3A_962 = arith.constant 96 : i32
        %parallel_loop3A_963 = arith.addi %parallel_loop3A_962, %parallel_loop3A_162 : i32
        %parallel_loop3A_964 = arith.index_cast %select_n3A_66 : i32 to index
        %parallel_loop3A_965 = arith.index_cast %parallel_loop3A_963 : i32 to index
        %parallel_loop3A_966 = arith.constant 80 : index
        %parallel_loop3A_967 = tpu.vector_load %arg8[%parallel_loop3A_964, %parallel_loop3A_965, %parallel_loop3A_966] {strides = array<i32>} : memref<2x128x256xi32, #tpu.memory_space<vmem>>, vector<16xi32>,
        %parallel_loop3A_968 = arith.constant 16 : i32
        %parallel_loop3A_969 = vector.broadcast %parallel_loop3A_968 : i32 to vector<16xi32>
        %parallel_loop3A_970 = arith.shli %parallel_loop3A_967, %parallel_loop3A_969 : vector<16xi32>
        %parallel_loop3A_971 = vector.bitcast %parallel_loop3A_970 : vector<16xi32> to vector<16xf32>
        %parallel_loop3A_972 = vector.bitcast %parallel_loop3A_967 : vector<16xi32> to vector<16xf32>
        %parallel_loop3A_973 = arith.mulf %parallel_loop3A_971, %parallel_loop3A_233 : vector<16xf32>
        %parallel_loop3A_974 = arith.addf %parallel_loop3A_959, %parallel_loop3A_973 : vector<16xf32>
        %parallel_loop3A_975 = arith.mulf %parallel_loop3A_972, %parallel_loop3A_233 : vector<16xf32>
        %parallel_loop3A_976 = arith.addf %parallel_loop3A_961, %parallel_loop3A_975 : vector<16xf32>
        %parallel_loop3A_977 = arith.constant 112 : i32
        %parallel_loop3A_978 = arith.addi %parallel_loop3A_977, %parallel_loop3A_162 : i32
        %parallel_loop3A_979 = arith.index_cast %select_n3A_66 : i32 to index
        %parallel_loop3A_980 = arith.index_cast %parallel_loop3A_978 : i32 to index
        %parallel_loop3A_981 = arith.constant 80 : index
        %parallel_loop3A_982 = tpu.vector_load %arg8[%parallel_loop3A_979, %parallel_loop3A_980, %parallel_loop3A_981] {strides = array<i32>} : memref<2x128x256xi32, #tpu.memory_space<vmem>>, vector<16xi32>,
        %parallel_loop3A_983 = arith.constant 16 : i32
        %parallel_loop3A_984 = vector.broadcast %parallel_loop3A_983 : i32 to vector<16xi32>
        %parallel_loop3A_985 = arith.shli %parallel_loop3A_982, %parallel_loop3A_984 : vector<16xi32>
        %parallel_loop3A_986 = vector.bitcast %parallel_loop3A_985 : vector<16xi32> to vector<16xf32>
        %parallel_loop3A_987 = vector.bitcast %parallel_loop3A_982 : vector<16xi32> to vector<16xf32>
        %parallel_loop3A_988 = arith.mulf %parallel_loop3A_986, %parallel_loop3A_243 : vector<16xf32>
        %parallel_loop3A_989 = arith.addf %parallel_loop3A_974, %parallel_loop3A_988 : vector<16xf32>
        %parallel_loop3A_990 = arith.mulf %parallel_loop3A_987, %parallel_loop3A_243 : vector<16xf32>
        %parallel_loop3A_991 = arith.addf %parallel_loop3A_976, %parallel_loop3A_990 : vector<16xf32>
        %parallel_loop3A_992 = arith.index_cast %select_n3A_66 : i32 to index
        %parallel_loop3A_993 = arith.index_cast %parallel_loop3A_162 : i32 to index
        %parallel_loop3A_994 = arith.constant 80 : index
        %parallel_loop3A_995 = tpu.vector_load %arg9[%parallel_loop3A_992, %parallel_loop3A_993, %parallel_loop3A_994] {strides = array<i32>} : memref<2x16x512xf32, #tpu.memory_space<vmem>>, vector<16xf32>,
        tpu.vector_store %arg9[%parallel_loop3A_992, %parallel_loop3A_993, %parallel_loop3A_994], %parallel_loop3A_989 {strides = array<i32>} : memref<2x16x512xf32, #tpu.memory_space<vmem>>, vector<16xf32>,
        %parallel_loop3A_996 = arith.index_cast %select_n3A_66 : i32 to index
        %parallel_loop3A_997 = arith.index_cast %parallel_loop3A_162 : i32 to index
        %parallel_loop3A_998 = arith.constant 336 : index
        %parallel_loop3A_999 = tpu.vector_load %arg9[%parallel_loop3A_996, %parallel_loop3A_997, %parallel_loop3A_998] {strides = array<i32>} : memref<2x16x512xf32, #tpu.memory_space<vmem>>, vector<16xf32>,
        tpu.vector_store %arg9[%parallel_loop3A_996, %parallel_loop3A_997, %parallel_loop3A_998], %parallel_loop3A_991 {strides = array<i32>} : memref<2x16x512xf32, #tpu.memory_space<vmem>>, vector<16xf32>,
        %parallel_loop3A_1000 = arith.constant 0 : i32
        %parallel_loop3A_1001 = arith.addi %parallel_loop3A_1000, %parallel_loop3A_162 : i32
        %parallel_loop3A_1002 = arith.index_cast %select_n3A_66 : i32 to index
        %parallel_loop3A_1003 = arith.index_cast %parallel_loop3A_1001 : i32 to index
        %parallel_loop3A_1004 = arith.constant 96 : index
        %parallel_loop3A_1005 = tpu.vector_load %arg8[%parallel_loop3A_1002, %parallel_loop3A_1003, %parallel_loop3A_1004] {strides = array<i32>} : memref<2x128x256xi32, #tpu.memory_space<vmem>>, vector<16xi32>,
        %parallel_loop3A_1006 = arith.constant 16 : i32
        %parallel_loop3A_1007 = vector.broadcast %parallel_loop3A_1006 : i32 to vector<16xi32>
        %parallel_loop3A_1008 = arith.shli %parallel_loop3A_1005, %parallel_loop3A_1007 : vector<16xi32>
        %parallel_loop3A_1009 = vector.bitcast %parallel_loop3A_1008 : vector<16xi32> to vector<16xf32>
        %parallel_loop3A_1010 = vector.bitcast %parallel_loop3A_1005 : vector<16xi32> to vector<16xf32>
        %parallel_loop3A_1011 = arith.mulf %parallel_loop3A_1009, %parallel_loop3A_173 : vector<16xf32>
        %parallel_loop3A_1012 = arith.mulf %parallel_loop3A_1010, %parallel_loop3A_173 : vector<16xf32>
        %parallel_loop3A_1013 = arith.constant 16 : i32
        %parallel_loop3A_1014 = arith.addi %parallel_loop3A_1013, %parallel_loop3A_162 : i32
        %parallel_loop3A_1015 = arith.index_cast %select_n3A_66 : i32 to index
        %parallel_loop3A_1016 = arith.index_cast %parallel_loop3A_1014 : i32 to index
        %parallel_loop3A_1017 = arith.constant 96 : index
        %parallel_loop3A_1018 = tpu.vector_load %arg8[%parallel_loop3A_1015, %parallel_loop3A_1016, %parallel_loop3A_1017] {strides = array<i32>} : memref<2x128x256xi32, #tpu.memory_space<vmem>>, vector<16xi32>,
        %parallel_loop3A_1019 = arith.constant 16 : i32
        %parallel_loop3A_1020 = vector.broadcast %parallel_loop3A_1019 : i32 to vector<16xi32>
        %parallel_loop3A_1021 = arith.shli %parallel_loop3A_1018, %parallel_loop3A_1020 : vector<16xi32>
        %parallel_loop3A_1022 = vector.bitcast %parallel_loop3A_1021 : vector<16xi32> to vector<16xf32>
        %parallel_loop3A_1023 = vector.bitcast %parallel_loop3A_1018 : vector<16xi32> to vector<16xf32>
        %parallel_loop3A_1024 = arith.mulf %parallel_loop3A_1022, %parallel_loop3A_183 : vector<16xf32>
        %parallel_loop3A_1025 = arith.addf %parallel_loop3A_1011, %parallel_loop3A_1024 : vector<16xf32>
        %parallel_loop3A_1026 = arith.mulf %parallel_loop3A_1023, %parallel_loop3A_183 : vector<16xf32>
        %parallel_loop3A_1027 = arith.addf %parallel_loop3A_1012, %parallel_loop3A_1026 : vector<16xf32>
        %parallel_loop3A_1028 = arith.constant 32 : i32
        %parallel_loop3A_1029 = arith.addi %parallel_loop3A_1028, %parallel_loop3A_162 : i32
        %parallel_loop3A_1030 = arith.index_cast %select_n3A_66 : i32 to index
        %parallel_loop3A_1031 = arith.index_cast %parallel_loop3A_1029 : i32 to index
        %parallel_loop3A_1032 = arith.constant 96 : index
        %parallel_loop3A_1033 = tpu.vector_load %arg8[%parallel_loop3A_1030, %parallel_loop3A_1031, %parallel_loop3A_1032] {strides = array<i32>} : memref<2x128x256xi32, #tpu.memory_space<vmem>>, vector<16xi32>,
        %parallel_loop3A_1034 = arith.constant 16 : i32
        %parallel_loop3A_1035 = vector.broadcast %parallel_loop3A_1034 : i32 to vector<16xi32>
        %parallel_loop3A_1036 = arith.shli %parallel_loop3A_1033, %parallel_loop3A_1035 : vector<16xi32>
        %parallel_loop3A_1037 = vector.bitcast %parallel_loop3A_1036 : vector<16xi32> to vector<16xf32>
        %parallel_loop3A_1038 = vector.bitcast %parallel_loop3A_1033 : vector<16xi32> to vector<16xf32>
        %parallel_loop3A_1039 = arith.mulf %parallel_loop3A_1037, %parallel_loop3A_193 : vector<16xf32>
        %parallel_loop3A_1040 = arith.addf %parallel_loop3A_1025, %parallel_loop3A_1039 : vector<16xf32>
        %parallel_loop3A_1041 = arith.mulf %parallel_loop3A_1038, %parallel_loop3A_193 : vector<16xf32>
        %parallel_loop3A_1042 = arith.addf %parallel_loop3A_1027, %parallel_loop3A_1041 : vector<16xf32>
        %parallel_loop3A_1043 = arith.constant 48 : i32
        %parallel_loop3A_1044 = arith.addi %parallel_loop3A_1043, %parallel_loop3A_162 : i32
        %parallel_loop3A_1045 = arith.index_cast %select_n3A_66 : i32 to index
        %parallel_loop3A_1046 = arith.index_cast %parallel_loop3A_1044 : i32 to index
        %parallel_loop3A_1047 = arith.constant 96 : index
        %parallel_loop3A_1048 = tpu.vector_load %arg8[%parallel_loop3A_1045, %parallel_loop3A_1046, %parallel_loop3A_1047] {strides = array<i32>} : memref<2x128x256xi32, #tpu.memory_space<vmem>>, vector<16xi32>,
        %parallel_loop3A_1049 = arith.constant 16 : i32
        %parallel_loop3A_1050 = vector.broadcast %parallel_loop3A_1049 : i32 to vector<16xi32>
        %parallel_loop3A_1051 = arith.shli %parallel_loop3A_1048, %parallel_loop3A_1050 : vector<16xi32>
        %parallel_loop3A_1052 = vector.bitcast %parallel_loop3A_1051 : vector<16xi32> to vector<16xf32>
        %parallel_loop3A_1053 = vector.bitcast %parallel_loop3A_1048 : vector<16xi32> to vector<16xf32>
        %parallel_loop3A_1054 = arith.mulf %parallel_loop3A_1052, %parallel_loop3A_203 : vector<16xf32>
        %parallel_loop3A_1055 = arith.addf %parallel_loop3A_1040, %parallel_loop3A_1054 : vector<16xf32>
        %parallel_loop3A_1056 = arith.mulf %parallel_loop3A_1053, %parallel_loop3A_203 : vector<16xf32>
        %parallel_loop3A_1057 = arith.addf %parallel_loop3A_1042, %parallel_loop3A_1056 : vector<16xf32>
        %parallel_loop3A_1058 = arith.constant 64 : i32
        %parallel_loop3A_1059 = arith.addi %parallel_loop3A_1058, %parallel_loop3A_162 : i32
        %parallel_loop3A_1060 = arith.index_cast %select_n3A_66 : i32 to index
        %parallel_loop3A_1061 = arith.index_cast %parallel_loop3A_1059 : i32 to index
        %parallel_loop3A_1062 = arith.constant 96 : index
        %parallel_loop3A_1063 = tpu.vector_load %arg8[%parallel_loop3A_1060, %parallel_loop3A_1061, %parallel_loop3A_1062] {strides = array<i32>} : memref<2x128x256xi32, #tpu.memory_space<vmem>>, vector<16xi32>,
        %parallel_loop3A_1064 = arith.constant 16 : i32
        %parallel_loop3A_1065 = vector.broadcast %parallel_loop3A_1064 : i32 to vector<16xi32>
        %parallel_loop3A_1066 = arith.shli %parallel_loop3A_1063, %parallel_loop3A_1065 : vector<16xi32>
        %parallel_loop3A_1067 = vector.bitcast %parallel_loop3A_1066 : vector<16xi32> to vector<16xf32>
        %parallel_loop3A_1068 = vector.bitcast %parallel_loop3A_1063 : vector<16xi32> to vector<16xf32>
        %parallel_loop3A_1069 = arith.mulf %parallel_loop3A_1067, %parallel_loop3A_213 : vector<16xf32>
        %parallel_loop3A_1070 = arith.addf %parallel_loop3A_1055, %parallel_loop3A_1069 : vector<16xf32>
        %parallel_loop3A_1071 = arith.mulf %parallel_loop3A_1068, %parallel_loop3A_213 : vector<16xf32>
        %parallel_loop3A_1072 = arith.addf %parallel_loop3A_1057, %parallel_loop3A_1071 : vector<16xf32>
        %parallel_loop3A_1073 = arith.constant 80 : i32
        %parallel_loop3A_1074 = arith.addi %parallel_loop3A_1073, %parallel_loop3A_162 : i32
        %parallel_loop3A_1075 = arith.index_cast %select_n3A_66 : i32 to index
        %parallel_loop3A_1076 = arith.index_cast %parallel_loop3A_1074 : i32 to index
        %parallel_loop3A_1077 = arith.constant 96 : index
        %parallel_loop3A_1078 = tpu.vector_load %arg8[%parallel_loop3A_1075, %parallel_loop3A_1076, %parallel_loop3A_1077] {strides = array<i32>} : memref<2x128x256xi32, #tpu.memory_space<vmem>>, vector<16xi32>,
        %parallel_loop3A_1079 = arith.constant 16 : i32
        %parallel_loop3A_1080 = vector.broadcast %parallel_loop3A_1079 : i32 to vector<16xi32>
        %parallel_loop3A_1081 = arith.shli %parallel_loop3A_1078, %parallel_loop3A_1080 : vector<16xi32>
        %parallel_loop3A_1082 = vector.bitcast %parallel_loop3A_1081 : vector<16xi32> to vector<16xf32>
        %parallel_loop3A_1083 = vector.bitcast %parallel_loop3A_1078 : vector<16xi32> to vector<16xf32>
        %parallel_loop3A_1084 = arith.mulf %parallel_loop3A_1082, %parallel_loop3A_223 : vector<16xf32>
        %parallel_loop3A_1085 = arith.addf %parallel_loop3A_1070, %parallel_loop3A_1084 : vector<16xf32>
        %parallel_loop3A_1086 = arith.mulf %parallel_loop3A_1083, %parallel_loop3A_223 : vector<16xf32>
        %parallel_loop3A_1087 = arith.addf %parallel_loop3A_1072, %parallel_loop3A_1086 : vector<16xf32>
        %parallel_loop3A_1088 = arith.constant 96 : i32
        %parallel_loop3A_1089 = arith.addi %parallel_loop3A_1088, %parallel_loop3A_162 : i32
        %parallel_loop3A_1090 = arith.index_cast %select_n3A_66 : i32 to index
        %parallel_loop3A_1091 = arith.index_cast %parallel_loop3A_1089 : i32 to index
        %parallel_loop3A_1092 = arith.constant 96 : index
        %parallel_loop3A_1093 = tpu.vector_load %arg8[%parallel_loop3A_1090, %parallel_loop3A_1091, %parallel_loop3A_1092] {strides = array<i32>} : memref<2x128x256xi32, #tpu.memory_space<vmem>>, vector<16xi32>,
        %parallel_loop3A_1094 = arith.constant 16 : i32
        %parallel_loop3A_1095 = vector.broadcast %parallel_loop3A_1094 : i32 to vector<16xi32>
        %parallel_loop3A_1096 = arith.shli %parallel_loop3A_1093, %parallel_loop3A_1095 : vector<16xi32>
        %parallel_loop3A_1097 = vector.bitcast %parallel_loop3A_1096 : vector<16xi32> to vector<16xf32>
        %parallel_loop3A_1098 = vector.bitcast %parallel_loop3A_1093 : vector<16xi32> to vector<16xf32>
        %parallel_loop3A_1099 = arith.mulf %parallel_loop3A_1097, %parallel_loop3A_233 : vector<16xf32>
        %parallel_loop3A_1100 = arith.addf %parallel_loop3A_1085, %parallel_loop3A_1099 : vector<16xf32>
        %parallel_loop3A_1101 = arith.mulf %parallel_loop3A_1098, %parallel_loop3A_233 : vector<16xf32>
        %parallel_loop3A_1102 = arith.addf %parallel_loop3A_1087, %parallel_loop3A_1101 : vector<16xf32>
        %parallel_loop3A_1103 = arith.constant 112 : i32
        %parallel_loop3A_1104 = arith.addi %parallel_loop3A_1103, %parallel_loop3A_162 : i32
        %parallel_loop3A_1105 = arith.index_cast %select_n3A_66 : i32 to index
        %parallel_loop3A_1106 = arith.index_cast %parallel_loop3A_1104 : i32 to index
        %parallel_loop3A_1107 = arith.constant 96 : index
        %parallel_loop3A_1108 = tpu.vector_load %arg8[%parallel_loop3A_1105, %parallel_loop3A_1106, %parallel_loop3A_1107] {strides = array<i32>} : memref<2x128x256xi32, #tpu.memory_space<vmem>>, vector<16xi32>,
        %parallel_loop3A_1109 = arith.constant 16 : i32
        %parallel_loop3A_1110 = vector.broadcast %parallel_loop3A_1109 : i32 to vector<16xi32>
        %parallel_loop3A_1111 = arith.shli %parallel_loop3A_1108, %parallel_loop3A_1110 : vector<16xi32>
        %parallel_loop3A_1112 = vector.bitcast %parallel_loop3A_1111 : vector<16xi32> to vector<16xf32>
        %parallel_loop3A_1113 = vector.bitcast %parallel_loop3A_1108 : vector<16xi32> to vector<16xf32>
        %parallel_loop3A_1114 = arith.mulf %parallel_loop3A_1112, %parallel_loop3A_243 : vector<16xf32>
        %parallel_loop3A_1115 = arith.addf %parallel_loop3A_1100, %parallel_loop3A_1114 : vector<16xf32>
        %parallel_loop3A_1116 = arith.mulf %parallel_loop3A_1113, %parallel_loop3A_243 : vector<16xf32>
        %parallel_loop3A_1117 = arith.addf %parallel_loop3A_1102, %parallel_loop3A_1116 : vector<16xf32>
        %parallel_loop3A_1118 = arith.index_cast %select_n3A_66 : i32 to index
        %parallel_loop3A_1119 = arith.index_cast %parallel_loop3A_162 : i32 to index
        %parallel_loop3A_1120 = arith.constant 96 : index
        %parallel_loop3A_1121 = tpu.vector_load %arg9[%parallel_loop3A_1118, %parallel_loop3A_1119, %parallel_loop3A_1120] {strides = array<i32>} : memref<2x16x512xf32, #tpu.memory_space<vmem>>, vector<16xf32>,
        tpu.vector_store %arg9[%parallel_loop3A_1118, %parallel_loop3A_1119, %parallel_loop3A_1120], %parallel_loop3A_1115 {strides = array<i32>} : memref<2x16x512xf32, #tpu.memory_space<vmem>>, vector<16xf32>,
        %parallel_loop3A_1122 = arith.index_cast %select_n3A_66 : i32 to index
        %parallel_loop3A_1123 = arith.index_cast %parallel_loop3A_162 : i32 to index
        %parallel_loop3A_1124 = arith.constant 352 : index
        %parallel_loop3A_1125 = tpu.vector_load %arg9[%parallel_loop3A_1122, %parallel_loop3A_1123, %parallel_loop3A_1124] {strides = array<i32>} : memref<2x16x512xf32, #tpu.memory_space<vmem>>, vector<16xf32>,
        tpu.vector_store %arg9[%parallel_loop3A_1122, %parallel_loop3A_1123, %parallel_loop3A_1124], %parallel_loop3A_1117 {strides = array<i32>} : memref<2x16x512xf32, #tpu.memory_space<vmem>>, vector<16xf32>,
        %parallel_loop3A_1126 = arith.constant 0 : i32
        %parallel_loop3A_1127 = arith.addi %parallel_loop3A_1126, %parallel_loop3A_162 : i32
        %parallel_loop3A_1128 = arith.index_cast %select_n3A_66 : i32 to index
        %parallel_loop3A_1129 = arith.index_cast %parallel_loop3A_1127 : i32 to index
        %parallel_loop3A_1130 = arith.constant 112 : index
        %parallel_loop3A_1131 = tpu.vector_load %arg8[%parallel_loop3A_1128, %parallel_loop3A_1129, %parallel_loop3A_1130] {strides = array<i32>} : memref<2x128x256xi32, #tpu.memory_space<vmem>>, vector<16xi32>,
        %parallel_loop3A_1132 = arith.constant 16 : i32
        %parallel_loop3A_1133 = vector.broadcast %parallel_loop3A_1132 : i32 to vector<16xi32>
        %parallel_loop3A_1134 = arith.shli %parallel_loop3A_1131, %parallel_loop3A_1133 : vector<16xi32>
        %parallel_loop3A_1135 = vector.bitcast %parallel_loop3A_1134 : vector<16xi32> to vector<16xf32>
        %parallel_loop3A_1136 = vector.bitcast %parallel_loop3A_1131 : vector<16xi32> to vector<16xf32>
        %parallel_loop3A_1137 = arith.mulf %parallel_loop3A_1135, %parallel_loop3A_173 : vector<16xf32>
        %parallel_loop3A_1138 = arith.mulf %parallel_loop3A_1136, %parallel_loop3A_173 : vector<16xf32>
        %parallel_loop3A_1139 = arith.constant 16 : i32
        %parallel_loop3A_1140 = arith.addi %parallel_loop3A_1139, %parallel_loop3A_162 : i32
        %parallel_loop3A_1141 = arith.index_cast %select_n3A_66 : i32 to index
        %parallel_loop3A_1142 = arith.index_cast %parallel_loop3A_1140 : i32 to index
        %parallel_loop3A_1143 = arith.constant 112 : index
        %parallel_loop3A_1144 = tpu.vector_load %arg8[%parallel_loop3A_1141, %parallel_loop3A_1142, %parallel_loop3A_1143] {strides = array<i32>} : memref<2x128x256xi32, #tpu.memory_space<vmem>>, vector<16xi32>,
        %parallel_loop3A_1145 = arith.constant 16 : i32
        %parallel_loop3A_1146 = vector.broadcast %parallel_loop3A_1145 : i32 to vector<16xi32>
        %parallel_loop3A_1147 = arith.shli %parallel_loop3A_1144, %parallel_loop3A_1146 : vector<16xi32>
        %parallel_loop3A_1148 = vector.bitcast %parallel_loop3A_1147 : vector<16xi32> to vector<16xf32>
        %parallel_loop3A_1149 = vector.bitcast %parallel_loop3A_1144 : vector<16xi32> to vector<16xf32>
        %parallel_loop3A_1150 = arith.mulf %parallel_loop3A_1148, %parallel_loop3A_183 : vector<16xf32>
        %parallel_loop3A_1151 = arith.addf %parallel_loop3A_1137, %parallel_loop3A_1150 : vector<16xf32>
        %parallel_loop3A_1152 = arith.mulf %parallel_loop3A_1149, %parallel_loop3A_183 : vector<16xf32>
        %parallel_loop3A_1153 = arith.addf %parallel_loop3A_1138, %parallel_loop3A_1152 : vector<16xf32>
        %parallel_loop3A_1154 = arith.constant 32 : i32
        %parallel_loop3A_1155 = arith.addi %parallel_loop3A_1154, %parallel_loop3A_162 : i32
        %parallel_loop3A_1156 = arith.index_cast %select_n3A_66 : i32 to index
        %parallel_loop3A_1157 = arith.index_cast %parallel_loop3A_1155 : i32 to index
        %parallel_loop3A_1158 = arith.constant 112 : index
        %parallel_loop3A_1159 = tpu.vector_load %arg8[%parallel_loop3A_1156, %parallel_loop3A_1157, %parallel_loop3A_1158] {strides = array<i32>} : memref<2x128x256xi32, #tpu.memory_space<vmem>>, vector<16xi32>,
        %parallel_loop3A_1160 = arith.constant 16 : i32
        %parallel_loop3A_1161 = vector.broadcast %parallel_loop3A_1160 : i32 to vector<16xi32>
        %parallel_loop3A_1162 = arith.shli %parallel_loop3A_1159, %parallel_loop3A_1161 : vector<16xi32>
        %parallel_loop3A_1163 = vector.bitcast %parallel_loop3A_1162 : vector<16xi32> to vector<16xf32>
        %parallel_loop3A_1164 = vector.bitcast %parallel_loop3A_1159 : vector<16xi32> to vector<16xf32>
        %parallel_loop3A_1165 = arith.mulf %parallel_loop3A_1163, %parallel_loop3A_193 : vector<16xf32>
        %parallel_loop3A_1166 = arith.addf %parallel_loop3A_1151, %parallel_loop3A_1165 : vector<16xf32>
        %parallel_loop3A_1167 = arith.mulf %parallel_loop3A_1164, %parallel_loop3A_193 : vector<16xf32>
        %parallel_loop3A_1168 = arith.addf %parallel_loop3A_1153, %parallel_loop3A_1167 : vector<16xf32>
        %parallel_loop3A_1169 = arith.constant 48 : i32
        %parallel_loop3A_1170 = arith.addi %parallel_loop3A_1169, %parallel_loop3A_162 : i32
        %parallel_loop3A_1171 = arith.index_cast %select_n3A_66 : i32 to index
        %parallel_loop3A_1172 = arith.index_cast %parallel_loop3A_1170 : i32 to index
        %parallel_loop3A_1173 = arith.constant 112 : index
        %parallel_loop3A_1174 = tpu.vector_load %arg8[%parallel_loop3A_1171, %parallel_loop3A_1172, %parallel_loop3A_1173] {strides = array<i32>} : memref<2x128x256xi32, #tpu.memory_space<vmem>>, vector<16xi32>,
        %parallel_loop3A_1175 = arith.constant 16 : i32
        %parallel_loop3A_1176 = vector.broadcast %parallel_loop3A_1175 : i32 to vector<16xi32>
        %parallel_loop3A_1177 = arith.shli %parallel_loop3A_1174, %parallel_loop3A_1176 : vector<16xi32>
        %parallel_loop3A_1178 = vector.bitcast %parallel_loop3A_1177 : vector<16xi32> to vector<16xf32>
        %parallel_loop3A_1179 = vector.bitcast %parallel_loop3A_1174 : vector<16xi32> to vector<16xf32>
        %parallel_loop3A_1180 = arith.mulf %parallel_loop3A_1178, %parallel_loop3A_203 : vector<16xf32>
        %parallel_loop3A_1181 = arith.addf %parallel_loop3A_1166, %parallel_loop3A_1180 : vector<16xf32>
        %parallel_loop3A_1182 = arith.mulf %parallel_loop3A_1179, %parallel_loop3A_203 : vector<16xf32>
        %parallel_loop3A_1183 = arith.addf %parallel_loop3A_1168, %parallel_loop3A_1182 : vector<16xf32>
        %parallel_loop3A_1184 = arith.constant 64 : i32
        %parallel_loop3A_1185 = arith.addi %parallel_loop3A_1184, %parallel_loop3A_162 : i32
        %parallel_loop3A_1186 = arith.index_cast %select_n3A_66 : i32 to index
        %parallel_loop3A_1187 = arith.index_cast %parallel_loop3A_1185 : i32 to index
        %parallel_loop3A_1188 = arith.constant 112 : index
        %parallel_loop3A_1189 = tpu.vector_load %arg8[%parallel_loop3A_1186, %parallel_loop3A_1187, %parallel_loop3A_1188] {strides = array<i32>} : memref<2x128x256xi32, #tpu.memory_space<vmem>>, vector<16xi32>,
        %parallel_loop3A_1190 = arith.constant 16 : i32
        %parallel_loop3A_1191 = vector.broadcast %parallel_loop3A_1190 : i32 to vector<16xi32>
        %parallel_loop3A_1192 = arith.shli %parallel_loop3A_1189, %parallel_loop3A_1191 : vector<16xi32>
        %parallel_loop3A_1193 = vector.bitcast %parallel_loop3A_1192 : vector<16xi32> to vector<16xf32>
        %parallel_loop3A_1194 = vector.bitcast %parallel_loop3A_1189 : vector<16xi32> to vector<16xf32>
        %parallel_loop3A_1195 = arith.mulf %parallel_loop3A_1193, %parallel_loop3A_213 : vector<16xf32>
        %parallel_loop3A_1196 = arith.addf %parallel_loop3A_1181, %parallel_loop3A_1195 : vector<16xf32>
        %parallel_loop3A_1197 = arith.mulf %parallel_loop3A_1194, %parallel_loop3A_213 : vector<16xf32>
        %parallel_loop3A_1198 = arith.addf %parallel_loop3A_1183, %parallel_loop3A_1197 : vector<16xf32>
        %parallel_loop3A_1199 = arith.constant 80 : i32
        %parallel_loop3A_1200 = arith.addi %parallel_loop3A_1199, %parallel_loop3A_162 : i32
        %parallel_loop3A_1201 = arith.index_cast %select_n3A_66 : i32 to index
        %parallel_loop3A_1202 = arith.index_cast %parallel_loop3A_1200 : i32 to index
        %parallel_loop3A_1203 = arith.constant 112 : index
        %parallel_loop3A_1204 = tpu.vector_load %arg8[%parallel_loop3A_1201, %parallel_loop3A_1202, %parallel_loop3A_1203] {strides = array<i32>} : memref<2x128x256xi32, #tpu.memory_space<vmem>>, vector<16xi32>,
        %parallel_loop3A_1205 = arith.constant 16 : i32
        %parallel_loop3A_1206 = vector.broadcast %parallel_loop3A_1205 : i32 to vector<16xi32>
        %parallel_loop3A_1207 = arith.shli %parallel_loop3A_1204, %parallel_loop3A_1206 : vector<16xi32>
        %parallel_loop3A_1208 = vector.bitcast %parallel_loop3A_1207 : vector<16xi32> to vector<16xf32>
        %parallel_loop3A_1209 = vector.bitcast %parallel_loop3A_1204 : vector<16xi32> to vector<16xf32>
        %parallel_loop3A_1210 = arith.mulf %parallel_loop3A_1208, %parallel_loop3A_223 : vector<16xf32>
        %parallel_loop3A_1211 = arith.addf %parallel_loop3A_1196, %parallel_loop3A_1210 : vector<16xf32>
        %parallel_loop3A_1212 = arith.mulf %parallel_loop3A_1209, %parallel_loop3A_223 : vector<16xf32>
        %parallel_loop3A_1213 = arith.addf %parallel_loop3A_1198, %parallel_loop3A_1212 : vector<16xf32>
        %parallel_loop3A_1214 = arith.constant 96 : i32
        %parallel_loop3A_1215 = arith.addi %parallel_loop3A_1214, %parallel_loop3A_162 : i32
        %parallel_loop3A_1216 = arith.index_cast %select_n3A_66 : i32 to index
        %parallel_loop3A_1217 = arith.index_cast %parallel_loop3A_1215 : i32 to index
        %parallel_loop3A_1218 = arith.constant 112 : index
        %parallel_loop3A_1219 = tpu.vector_load %arg8[%parallel_loop3A_1216, %parallel_loop3A_1217, %parallel_loop3A_1218] {strides = array<i32>} : memref<2x128x256xi32, #tpu.memory_space<vmem>>, vector<16xi32>,
        %parallel_loop3A_1220 = arith.constant 16 : i32
        %parallel_loop3A_1221 = vector.broadcast %parallel_loop3A_1220 : i32 to vector<16xi32>
        %parallel_loop3A_1222 = arith.shli %parallel_loop3A_1219, %parallel_loop3A_1221 : vector<16xi32>
        %parallel_loop3A_1223 = vector.bitcast %parallel_loop3A_1222 : vector<16xi32> to vector<16xf32>
        %parallel_loop3A_1224 = vector.bitcast %parallel_loop3A_1219 : vector<16xi32> to vector<16xf32>
        %parallel_loop3A_1225 = arith.mulf %parallel_loop3A_1223, %parallel_loop3A_233 : vector<16xf32>
        %parallel_loop3A_1226 = arith.addf %parallel_loop3A_1211, %parallel_loop3A_1225 : vector<16xf32>
        %parallel_loop3A_1227 = arith.mulf %parallel_loop3A_1224, %parallel_loop3A_233 : vector<16xf32>
        %parallel_loop3A_1228 = arith.addf %parallel_loop3A_1213, %parallel_loop3A_1227 : vector<16xf32>
        %parallel_loop3A_1229 = arith.constant 112 : i32
        %parallel_loop3A_1230 = arith.addi %parallel_loop3A_1229, %parallel_loop3A_162 : i32
        %parallel_loop3A_1231 = arith.index_cast %select_n3A_66 : i32 to index
        %parallel_loop3A_1232 = arith.index_cast %parallel_loop3A_1230 : i32 to index
        %parallel_loop3A_1233 = arith.constant 112 : index
        %parallel_loop3A_1234 = tpu.vector_load %arg8[%parallel_loop3A_1231, %parallel_loop3A_1232, %parallel_loop3A_1233] {strides = array<i32>} : memref<2x128x256xi32, #tpu.memory_space<vmem>>, vector<16xi32>,
        %parallel_loop3A_1235 = arith.constant 16 : i32
        %parallel_loop3A_1236 = vector.broadcast %parallel_loop3A_1235 : i32 to vector<16xi32>
        %parallel_loop3A_1237 = arith.shli %parallel_loop3A_1234, %parallel_loop3A_1236 : vector<16xi32>
        %parallel_loop3A_1238 = vector.bitcast %parallel_loop3A_1237 : vector<16xi32> to vector<16xf32>
        %parallel_loop3A_1239 = vector.bitcast %parallel_loop3A_1234 : vector<16xi32> to vector<16xf32>
        %parallel_loop3A_1240 = arith.mulf %parallel_loop3A_1238, %parallel_loop3A_243 : vector<16xf32>
        %parallel_loop3A_1241 = arith.addf %parallel_loop3A_1226, %parallel_loop3A_1240 : vector<16xf32>
        %parallel_loop3A_1242 = arith.mulf %parallel_loop3A_1239, %parallel_loop3A_243 : vector<16xf32>
        %parallel_loop3A_1243 = arith.addf %parallel_loop3A_1228, %parallel_loop3A_1242 : vector<16xf32>
        %parallel_loop3A_1244 = arith.index_cast %select_n3A_66 : i32 to index
        %parallel_loop3A_1245 = arith.index_cast %parallel_loop3A_162 : i32 to index
        %parallel_loop3A_1246 = arith.constant 112 : index
        %parallel_loop3A_1247 = tpu.vector_load %arg9[%parallel_loop3A_1244, %parallel_loop3A_1245, %parallel_loop3A_1246] {strides = array<i32>} : memref<2x16x512xf32, #tpu.memory_space<vmem>>, vector<16xf32>,
        tpu.vector_store %arg9[%parallel_loop3A_1244, %parallel_loop3A_1245, %parallel_loop3A_1246], %parallel_loop3A_1241 {strides = array<i32>} : memref<2x16x512xf32, #tpu.memory_space<vmem>>, vector<16xf32>,
        %parallel_loop3A_1248 = arith.index_cast %select_n3A_66 : i32 to index
        %parallel_loop3A_1249 = arith.index_cast %parallel_loop3A_162 : i32 to index
        %parallel_loop3A_1250 = arith.constant 368 : index
        %parallel_loop3A_1251 = tpu.vector_load %arg9[%parallel_loop3A_1248, %parallel_loop3A_1249, %parallel_loop3A_1250] {strides = array<i32>} : memref<2x16x512xf32, #tpu.memory_space<vmem>>, vector<16xf32>,
        tpu.vector_store %arg9[%parallel_loop3A_1248, %parallel_loop3A_1249, %parallel_loop3A_1250], %parallel_loop3A_1243 {strides = array<i32>} : memref<2x16x512xf32, #tpu.memory_space<vmem>>, vector<16xf32>,
        %parallel_loop3A_1252 = arith.constant 0 : i32
        %parallel_loop3A_1253 = arith.addi %parallel_loop3A_1252, %parallel_loop3A_162 : i32
        %parallel_loop3A_1254 = arith.index_cast %select_n3A_66 : i32 to index
        %parallel_loop3A_1255 = arith.index_cast %parallel_loop3A_1253 : i32 to index
        %parallel_loop3A_1256 = arith.constant 128 : index
        %parallel_loop3A_1257 = tpu.vector_load %arg8[%parallel_loop3A_1254, %parallel_loop3A_1255, %parallel_loop3A_1256] {strides = array<i32>} : memref<2x128x256xi32, #tpu.memory_space<vmem>>, vector<16xi32>,
        %parallel_loop3A_1258 = arith.constant 16 : i32
        %parallel_loop3A_1259 = vector.broadcast %parallel_loop3A_1258 : i32 to vector<16xi32>
        %parallel_loop3A_1260 = arith.shli %parallel_loop3A_1257, %parallel_loop3A_1259 : vector<16xi32>
        %parallel_loop3A_1261 = vector.bitcast %parallel_loop3A_1260 : vector<16xi32> to vector<16xf32>
        %parallel_loop3A_1262 = vector.bitcast %parallel_loop3A_1257 : vector<16xi32> to vector<16xf32>
        %parallel_loop3A_1263 = arith.mulf %parallel_loop3A_1261, %parallel_loop3A_173 : vector<16xf32>
        %parallel_loop3A_1264 = arith.mulf %parallel_loop3A_1262, %parallel_loop3A_173 : vector<16xf32>
        %parallel_loop3A_1265 = arith.constant 16 : i32
        %parallel_loop3A_1266 = arith.addi %parallel_loop3A_1265, %parallel_loop3A_162 : i32
        %parallel_loop3A_1267 = arith.index_cast %select_n3A_66 : i32 to index
        %parallel_loop3A_1268 = arith.index_cast %parallel_loop3A_1266 : i32 to index
        %parallel_loop3A_1269 = arith.constant 128 : index
        %parallel_loop3A_1270 = tpu.vector_load %arg8[%parallel_loop3A_1267, %parallel_loop3A_1268, %parallel_loop3A_1269] {strides = array<i32>} : memref<2x128x256xi32, #tpu.memory_space<vmem>>, vector<16xi32>,
        %parallel_loop3A_1271 = arith.constant 16 : i32
        %parallel_loop3A_1272 = vector.broadcast %parallel_loop3A_1271 : i32 to vector<16xi32>
        %parallel_loop3A_1273 = arith.shli %parallel_loop3A_1270, %parallel_loop3A_1272 : vector<16xi32>
        %parallel_loop3A_1274 = vector.bitcast %parallel_loop3A_1273 : vector<16xi32> to vector<16xf32>
        %parallel_loop3A_1275 = vector.bitcast %parallel_loop3A_1270 : vector<16xi32> to vector<16xf32>
        %parallel_loop3A_1276 = arith.mulf %parallel_loop3A_1274, %parallel_loop3A_183 : vector<16xf32>
        %parallel_loop3A_1277 = arith.addf %parallel_loop3A_1263, %parallel_loop3A_1276 : vector<16xf32>
        %parallel_loop3A_1278 = arith.mulf %parallel_loop3A_1275, %parallel_loop3A_183 : vector<16xf32>
        %parallel_loop3A_1279 = arith.addf %parallel_loop3A_1264, %parallel_loop3A_1278 : vector<16xf32>
        %parallel_loop3A_1280 = arith.constant 32 : i32
        %parallel_loop3A_1281 = arith.addi %parallel_loop3A_1280, %parallel_loop3A_162 : i32
        %parallel_loop3A_1282 = arith.index_cast %select_n3A_66 : i32 to index
        %parallel_loop3A_1283 = arith.index_cast %parallel_loop3A_1281 : i32 to index
        %parallel_loop3A_1284 = arith.constant 128 : index
        %parallel_loop3A_1285 = tpu.vector_load %arg8[%parallel_loop3A_1282, %parallel_loop3A_1283, %parallel_loop3A_1284] {strides = array<i32>} : memref<2x128x256xi32, #tpu.memory_space<vmem>>, vector<16xi32>,
        %parallel_loop3A_1286 = arith.constant 16 : i32
        %parallel_loop3A_1287 = vector.broadcast %parallel_loop3A_1286 : i32 to vector<16xi32>
        %parallel_loop3A_1288 = arith.shli %parallel_loop3A_1285, %parallel_loop3A_1287 : vector<16xi32>
        %parallel_loop3A_1289 = vector.bitcast %parallel_loop3A_1288 : vector<16xi32> to vector<16xf32>
        %parallel_loop3A_1290 = vector.bitcast %parallel_loop3A_1285 : vector<16xi32> to vector<16xf32>
        %parallel_loop3A_1291 = arith.mulf %parallel_loop3A_1289, %parallel_loop3A_193 : vector<16xf32>
        %parallel_loop3A_1292 = arith.addf %parallel_loop3A_1277, %parallel_loop3A_1291 : vector<16xf32>
        %parallel_loop3A_1293 = arith.mulf %parallel_loop3A_1290, %parallel_loop3A_193 : vector<16xf32>
        %parallel_loop3A_1294 = arith.addf %parallel_loop3A_1279, %parallel_loop3A_1293 : vector<16xf32>
        %parallel_loop3A_1295 = arith.constant 48 : i32
        %parallel_loop3A_1296 = arith.addi %parallel_loop3A_1295, %parallel_loop3A_162 : i32
        %parallel_loop3A_1297 = arith.index_cast %select_n3A_66 : i32 to index
        %parallel_loop3A_1298 = arith.index_cast %parallel_loop3A_1296 : i32 to index
        %parallel_loop3A_1299 = arith.constant 128 : index
        %parallel_loop3A_1300 = tpu.vector_load %arg8[%parallel_loop3A_1297, %parallel_loop3A_1298, %parallel_loop3A_1299] {strides = array<i32>} : memref<2x128x256xi32, #tpu.memory_space<vmem>>, vector<16xi32>,
        %parallel_loop3A_1301 = arith.constant 16 : i32
        %parallel_loop3A_1302 = vector.broadcast %parallel_loop3A_1301 : i32 to vector<16xi32>
        %parallel_loop3A_1303 = arith.shli %parallel_loop3A_1300, %parallel_loop3A_1302 : vector<16xi32>
        %parallel_loop3A_1304 = vector.bitcast %parallel_loop3A_1303 : vector<16xi32> to vector<16xf32>
        %parallel_loop3A_1305 = vector.bitcast %parallel_loop3A_1300 : vector<16xi32> to vector<16xf32>
        %parallel_loop3A_1306 = arith.mulf %parallel_loop3A_1304, %parallel_loop3A_203 : vector<16xf32>
        %parallel_loop3A_1307 = arith.addf %parallel_loop3A_1292, %parallel_loop3A_1306 : vector<16xf32>
        %parallel_loop3A_1308 = arith.mulf %parallel_loop3A_1305, %parallel_loop3A_203 : vector<16xf32>
        %parallel_loop3A_1309 = arith.addf %parallel_loop3A_1294, %parallel_loop3A_1308 : vector<16xf32>
        %parallel_loop3A_1310 = arith.constant 64 : i32
        %parallel_loop3A_1311 = arith.addi %parallel_loop3A_1310, %parallel_loop3A_162 : i32
        %parallel_loop3A_1312 = arith.index_cast %select_n3A_66 : i32 to index
        %parallel_loop3A_1313 = arith.index_cast %parallel_loop3A_1311 : i32 to index
        %parallel_loop3A_1314 = arith.constant 128 : index
        %parallel_loop3A_1315 = tpu.vector_load %arg8[%parallel_loop3A_1312, %parallel_loop3A_1313, %parallel_loop3A_1314] {strides = array<i32>} : memref<2x128x256xi32, #tpu.memory_space<vmem>>, vector<16xi32>,
        %parallel_loop3A_1316 = arith.constant 16 : i32
        %parallel_loop3A_1317 = vector.broadcast %parallel_loop3A_1316 : i32 to vector<16xi32>
        %parallel_loop3A_1318 = arith.shli %parallel_loop3A_1315, %parallel_loop3A_1317 : vector<16xi32>
        %parallel_loop3A_1319 = vector.bitcast %parallel_loop3A_1318 : vector<16xi32> to vector<16xf32>
        %parallel_loop3A_1320 = vector.bitcast %parallel_loop3A_1315 : vector<16xi32> to vector<16xf32>
        %parallel_loop3A_1321 = arith.mulf %parallel_loop3A_1319, %parallel_loop3A_213 : vector<16xf32>
        %parallel_loop3A_1322 = arith.addf %parallel_loop3A_1307, %parallel_loop3A_1321 : vector<16xf32>
        %parallel_loop3A_1323 = arith.mulf %parallel_loop3A_1320, %parallel_loop3A_213 : vector<16xf32>
        %parallel_loop3A_1324 = arith.addf %parallel_loop3A_1309, %parallel_loop3A_1323 : vector<16xf32>
        %parallel_loop3A_1325 = arith.constant 80 : i32
        %parallel_loop3A_1326 = arith.addi %parallel_loop3A_1325, %parallel_loop3A_162 : i32
        %parallel_loop3A_1327 = arith.index_cast %select_n3A_66 : i32 to index
        %parallel_loop3A_1328 = arith.index_cast %parallel_loop3A_1326 : i32 to index
        %parallel_loop3A_1329 = arith.constant 128 : index
        %parallel_loop3A_1330 = tpu.vector_load %arg8[%parallel_loop3A_1327, %parallel_loop3A_1328, %parallel_loop3A_1329] {strides = array<i32>} : memref<2x128x256xi32, #tpu.memory_space<vmem>>, vector<16xi32>,
        %parallel_loop3A_1331 = arith.constant 16 : i32
        %parallel_loop3A_1332 = vector.broadcast %parallel_loop3A_1331 : i32 to vector<16xi32>
        %parallel_loop3A_1333 = arith.shli %parallel_loop3A_1330, %parallel_loop3A_1332 : vector<16xi32>
        %parallel_loop3A_1334 = vector.bitcast %parallel_loop3A_1333 : vector<16xi32> to vector<16xf32>
        %parallel_loop3A_1335 = vector.bitcast %parallel_loop3A_1330 : vector<16xi32> to vector<16xf32>
        %parallel_loop3A_1336 = arith.mulf %parallel_loop3A_1334, %parallel_loop3A_223 : vector<16xf32>
        %parallel_loop3A_1337 = arith.addf %parallel_loop3A_1322, %parallel_loop3A_1336 : vector<16xf32>
        %parallel_loop3A_1338 = arith.mulf %parallel_loop3A_1335, %parallel_loop3A_223 : vector<16xf32>
        %parallel_loop3A_1339 = arith.addf %parallel_loop3A_1324, %parallel_loop3A_1338 : vector<16xf32>
        %parallel_loop3A_1340 = arith.constant 96 : i32
        %parallel_loop3A_1341 = arith.addi %parallel_loop3A_1340, %parallel_loop3A_162 : i32
        %parallel_loop3A_1342 = arith.index_cast %select_n3A_66 : i32 to index
        %parallel_loop3A_1343 = arith.index_cast %parallel_loop3A_1341 : i32 to index
        %parallel_loop3A_1344 = arith.constant 128 : index
        %parallel_loop3A_1345 = tpu.vector_load %arg8[%parallel_loop3A_1342, %parallel_loop3A_1343, %parallel_loop3A_1344] {strides = array<i32>} : memref<2x128x256xi32, #tpu.memory_space<vmem>>, vector<16xi32>,
        %parallel_loop3A_1346 = arith.constant 16 : i32
        %parallel_loop3A_1347 = vector.broadcast %parallel_loop3A_1346 : i32 to vector<16xi32>
        %parallel_loop3A_1348 = arith.shli %parallel_loop3A_1345, %parallel_loop3A_1347 : vector<16xi32>
        %parallel_loop3A_1349 = vector.bitcast %parallel_loop3A_1348 : vector<16xi32> to vector<16xf32>
        %parallel_loop3A_1350 = vector.bitcast %parallel_loop3A_1345 : vector<16xi32> to vector<16xf32>
        %parallel_loop3A_1351 = arith.mulf %parallel_loop3A_1349, %parallel_loop3A_233 : vector<16xf32>
        %parallel_loop3A_1352 = arith.addf %parallel_loop3A_1337, %parallel_loop3A_1351 : vector<16xf32>
        %parallel_loop3A_1353 = arith.mulf %parallel_loop3A_1350, %parallel_loop3A_233 : vector<16xf32>
        %parallel_loop3A_1354 = arith.addf %parallel_loop3A_1339, %parallel_loop3A_1353 : vector<16xf32>
        %parallel_loop3A_1355 = arith.constant 112 : i32
        %parallel_loop3A_1356 = arith.addi %parallel_loop3A_1355, %parallel_loop3A_162 : i32
        %parallel_loop3A_1357 = arith.index_cast %select_n3A_66 : i32 to index
        %parallel_loop3A_1358 = arith.index_cast %parallel_loop3A_1356 : i32 to index
        %parallel_loop3A_1359 = arith.constant 128 : index
        %parallel_loop3A_1360 = tpu.vector_load %arg8[%parallel_loop3A_1357, %parallel_loop3A_1358, %parallel_loop3A_1359] {strides = array<i32>} : memref<2x128x256xi32, #tpu.memory_space<vmem>>, vector<16xi32>,
        %parallel_loop3A_1361 = arith.constant 16 : i32
        %parallel_loop3A_1362 = vector.broadcast %parallel_loop3A_1361 : i32 to vector<16xi32>
        %parallel_loop3A_1363 = arith.shli %parallel_loop3A_1360, %parallel_loop3A_1362 : vector<16xi32>
        %parallel_loop3A_1364 = vector.bitcast %parallel_loop3A_1363 : vector<16xi32> to vector<16xf32>
        %parallel_loop3A_1365 = vector.bitcast %parallel_loop3A_1360 : vector<16xi32> to vector<16xf32>
        %parallel_loop3A_1366 = arith.mulf %parallel_loop3A_1364, %parallel_loop3A_243 : vector<16xf32>
        %parallel_loop3A_1367 = arith.addf %parallel_loop3A_1352, %parallel_loop3A_1366 : vector<16xf32>
        %parallel_loop3A_1368 = arith.mulf %parallel_loop3A_1365, %parallel_loop3A_243 : vector<16xf32>
        %parallel_loop3A_1369 = arith.addf %parallel_loop3A_1354, %parallel_loop3A_1368 : vector<16xf32>
        %parallel_loop3A_1370 = arith.index_cast %select_n3A_66 : i32 to index
        %parallel_loop3A_1371 = arith.index_cast %parallel_loop3A_162 : i32 to index
        %parallel_loop3A_1372 = arith.constant 128 : index
        %parallel_loop3A_1373 = tpu.vector_load %arg9[%parallel_loop3A_1370, %parallel_loop3A_1371, %parallel_loop3A_1372] {strides = array<i32>} : memref<2x16x512xf32, #tpu.memory_space<vmem>>, vector<16xf32>,
        tpu.vector_store %arg9[%parallel_loop3A_1370, %parallel_loop3A_1371, %parallel_loop3A_1372], %parallel_loop3A_1367 {strides = array<i32>} : memref<2x16x512xf32, #tpu.memory_space<vmem>>, vector<16xf32>,
        %parallel_loop3A_1374 = arith.index_cast %select_n3A_66 : i32 to index
        %parallel_loop3A_1375 = arith.index_cast %parallel_loop3A_162 : i32 to index
        %parallel_loop3A_1376 = arith.constant 384 : index
        %parallel_loop3A_1377 = tpu.vector_load %arg9[%parallel_loop3A_1374, %parallel_loop3A_1375, %parallel_loop3A_1376] {strides = array<i32>} : memref<2x16x512xf32, #tpu.memory_space<vmem>>, vector<16xf32>,
        tpu.vector_store %arg9[%parallel_loop3A_1374, %parallel_loop3A_1375, %parallel_loop3A_1376], %parallel_loop3A_1369 {strides = array<i32>} : memref<2x16x512xf32, #tpu.memory_space<vmem>>, vector<16xf32>,
        %parallel_loop3A_1378 = arith.constant 0 : i32
        %parallel_loop3A_1379 = arith.addi %parallel_loop3A_1378, %parallel_loop3A_162 : i32
        %parallel_loop3A_1380 = arith.index_cast %select_n3A_66 : i32 to index
        %parallel_loop3A_1381 = arith.index_cast %parallel_loop3A_1379 : i32 to index
        %parallel_loop3A_1382 = arith.constant 144 : index
        %parallel_loop3A_1383 = tpu.vector_load %arg8[%parallel_loop3A_1380, %parallel_loop3A_1381, %parallel_loop3A_1382] {strides = array<i32>} : memref<2x128x256xi32, #tpu.memory_space<vmem>>, vector<16xi32>,
        %parallel_loop3A_1384 = arith.constant 16 : i32
        %parallel_loop3A_1385 = vector.broadcast %parallel_loop3A_1384 : i32 to vector<16xi32>
        %parallel_loop3A_1386 = arith.shli %parallel_loop3A_1383, %parallel_loop3A_1385 : vector<16xi32>
        %parallel_loop3A_1387 = vector.bitcast %parallel_loop3A_1386 : vector<16xi32> to vector<16xf32>
        %parallel_loop3A_1388 = vector.bitcast %parallel_loop3A_1383 : vector<16xi32> to vector<16xf32>
        %parallel_loop3A_1389 = arith.mulf %parallel_loop3A_1387, %parallel_loop3A_173 : vector<16xf32>
        %parallel_loop3A_1390 = arith.mulf %parallel_loop3A_1388, %parallel_loop3A_173 : vector<16xf32>
        %parallel_loop3A_1391 = arith.constant 16 : i32
        %parallel_loop3A_1392 = arith.addi %parallel_loop3A_1391, %parallel_loop3A_162 : i32
        %parallel_loop3A_1393 = arith.index_cast %select_n3A_66 : i32 to index
        %parallel_loop3A_1394 = arith.index_cast %parallel_loop3A_1392 : i32 to index
        %parallel_loop3A_1395 = arith.constant 144 : index
        %parallel_loop3A_1396 = tpu.vector_load %arg8[%parallel_loop3A_1393, %parallel_loop3A_1394, %parallel_loop3A_1395] {strides = array<i32>} : memref<2x128x256xi32, #tpu.memory_space<vmem>>, vector<16xi32>,
        %parallel_loop3A_1397 = arith.constant 16 : i32
        %parallel_loop3A_1398 = vector.broadcast %parallel_loop3A_1397 : i32 to vector<16xi32>
        %parallel_loop3A_1399 = arith.shli %parallel_loop3A_1396, %parallel_loop3A_1398 : vector<16xi32>
        %parallel_loop3A_1400 = vector.bitcast %parallel_loop3A_1399 : vector<16xi32> to vector<16xf32>
        %parallel_loop3A_1401 = vector.bitcast %parallel_loop3A_1396 : vector<16xi32> to vector<16xf32>
        %parallel_loop3A_1402 = arith.mulf %parallel_loop3A_1400, %parallel_loop3A_183 : vector<16xf32>
        %parallel_loop3A_1403 = arith.addf %parallel_loop3A_1389, %parallel_loop3A_1402 : vector<16xf32>
        %parallel_loop3A_1404 = arith.mulf %parallel_loop3A_1401, %parallel_loop3A_183 : vector<16xf32>
        %parallel_loop3A_1405 = arith.addf %parallel_loop3A_1390, %parallel_loop3A_1404 : vector<16xf32>
        %parallel_loop3A_1406 = arith.constant 32 : i32
        %parallel_loop3A_1407 = arith.addi %parallel_loop3A_1406, %parallel_loop3A_162 : i32
        %parallel_loop3A_1408 = arith.index_cast %select_n3A_66 : i32 to index
        %parallel_loop3A_1409 = arith.index_cast %parallel_loop3A_1407 : i32 to index
        %parallel_loop3A_1410 = arith.constant 144 : index
        %parallel_loop3A_1411 = tpu.vector_load %arg8[%parallel_loop3A_1408, %parallel_loop3A_1409, %parallel_loop3A_1410] {strides = array<i32>} : memref<2x128x256xi32, #tpu.memory_space<vmem>>, vector<16xi32>,
        %parallel_loop3A_1412 = arith.constant 16 : i32
        %parallel_loop3A_1413 = vector.broadcast %parallel_loop3A_1412 : i32 to vector<16xi32>
        %parallel_loop3A_1414 = arith.shli %parallel_loop3A_1411, %parallel_loop3A_1413 : vector<16xi32>
        %parallel_loop3A_1415 = vector.bitcast %parallel_loop3A_1414 : vector<16xi32> to vector<16xf32>
        %parallel_loop3A_1416 = vector.bitcast %parallel_loop3A_1411 : vector<16xi32> to vector<16xf32>
        %parallel_loop3A_1417 = arith.mulf %parallel_loop3A_1415, %parallel_loop3A_193 : vector<16xf32>
        %parallel_loop3A_1418 = arith.addf %parallel_loop3A_1403, %parallel_loop3A_1417 : vector<16xf32>
        %parallel_loop3A_1419 = arith.mulf %parallel_loop3A_1416, %parallel_loop3A_193 : vector<16xf32>
        %parallel_loop3A_1420 = arith.addf %parallel_loop3A_1405, %parallel_loop3A_1419 : vector<16xf32>
        %parallel_loop3A_1421 = arith.constant 48 : i32
        %parallel_loop3A_1422 = arith.addi %parallel_loop3A_1421, %parallel_loop3A_162 : i32
        %parallel_loop3A_1423 = arith.index_cast %select_n3A_66 : i32 to index
        %parallel_loop3A_1424 = arith.index_cast %parallel_loop3A_1422 : i32 to index
        %parallel_loop3A_1425 = arith.constant 144 : index
        %parallel_loop3A_1426 = tpu.vector_load %arg8[%parallel_loop3A_1423, %parallel_loop3A_1424, %parallel_loop3A_1425] {strides = array<i32>} : memref<2x128x256xi32, #tpu.memory_space<vmem>>, vector<16xi32>,
        %parallel_loop3A_1427 = arith.constant 16 : i32
        %parallel_loop3A_1428 = vector.broadcast %parallel_loop3A_1427 : i32 to vector<16xi32>
        %parallel_loop3A_1429 = arith.shli %parallel_loop3A_1426, %parallel_loop3A_1428 : vector<16xi32>
        %parallel_loop3A_1430 = vector.bitcast %parallel_loop3A_1429 : vector<16xi32> to vector<16xf32>
        %parallel_loop3A_1431 = vector.bitcast %parallel_loop3A_1426 : vector<16xi32> to vector<16xf32>
        %parallel_loop3A_1432 = arith.mulf %parallel_loop3A_1430, %parallel_loop3A_203 : vector<16xf32>
        %parallel_loop3A_1433 = arith.addf %parallel_loop3A_1418, %parallel_loop3A_1432 : vector<16xf32>
        %parallel_loop3A_1434 = arith.mulf %parallel_loop3A_1431, %parallel_loop3A_203 : vector<16xf32>
        %parallel_loop3A_1435 = arith.addf %parallel_loop3A_1420, %parallel_loop3A_1434 : vector<16xf32>
        %parallel_loop3A_1436 = arith.constant 64 : i32
        %parallel_loop3A_1437 = arith.addi %parallel_loop3A_1436, %parallel_loop3A_162 : i32
        %parallel_loop3A_1438 = arith.index_cast %select_n3A_66 : i32 to index
        %parallel_loop3A_1439 = arith.index_cast %parallel_loop3A_1437 : i32 to index
        %parallel_loop3A_1440 = arith.constant 144 : index
        %parallel_loop3A_1441 = tpu.vector_load %arg8[%parallel_loop3A_1438, %parallel_loop3A_1439, %parallel_loop3A_1440] {strides = array<i32>} : memref<2x128x256xi32, #tpu.memory_space<vmem>>, vector<16xi32>,
        %parallel_loop3A_1442 = arith.constant 16 : i32
        %parallel_loop3A_1443 = vector.broadcast %parallel_loop3A_1442 : i32 to vector<16xi32>
        %parallel_loop3A_1444 = arith.shli %parallel_loop3A_1441, %parallel_loop3A_1443 : vector<16xi32>
        %parallel_loop3A_1445 = vector.bitcast %parallel_loop3A_1444 : vector<16xi32> to vector<16xf32>
        %parallel_loop3A_1446 = vector.bitcast %parallel_loop3A_1441 : vector<16xi32> to vector<16xf32>
        %parallel_loop3A_1447 = arith.mulf %parallel_loop3A_1445, %parallel_loop3A_213 : vector<16xf32>
        %parallel_loop3A_1448 = arith.addf %parallel_loop3A_1433, %parallel_loop3A_1447 : vector<16xf32>
        %parallel_loop3A_1449 = arith.mulf %parallel_loop3A_1446, %parallel_loop3A_213 : vector<16xf32>
        %parallel_loop3A_1450 = arith.addf %parallel_loop3A_1435, %parallel_loop3A_1449 : vector<16xf32>
        %parallel_loop3A_1451 = arith.constant 80 : i32
        %parallel_loop3A_1452 = arith.addi %parallel_loop3A_1451, %parallel_loop3A_162 : i32
        %parallel_loop3A_1453 = arith.index_cast %select_n3A_66 : i32 to index
        %parallel_loop3A_1454 = arith.index_cast %parallel_loop3A_1452 : i32 to index
        %parallel_loop3A_1455 = arith.constant 144 : index
        %parallel_loop3A_1456 = tpu.vector_load %arg8[%parallel_loop3A_1453, %parallel_loop3A_1454, %parallel_loop3A_1455] {strides = array<i32>} : memref<2x128x256xi32, #tpu.memory_space<vmem>>, vector<16xi32>,
        %parallel_loop3A_1457 = arith.constant 16 : i32
        %parallel_loop3A_1458 = vector.broadcast %parallel_loop3A_1457 : i32 to vector<16xi32>
        %parallel_loop3A_1459 = arith.shli %parallel_loop3A_1456, %parallel_loop3A_1458 : vector<16xi32>
        %parallel_loop3A_1460 = vector.bitcast %parallel_loop3A_1459 : vector<16xi32> to vector<16xf32>
        %parallel_loop3A_1461 = vector.bitcast %parallel_loop3A_1456 : vector<16xi32> to vector<16xf32>
        %parallel_loop3A_1462 = arith.mulf %parallel_loop3A_1460, %parallel_loop3A_223 : vector<16xf32>
        %parallel_loop3A_1463 = arith.addf %parallel_loop3A_1448, %parallel_loop3A_1462 : vector<16xf32>
        %parallel_loop3A_1464 = arith.mulf %parallel_loop3A_1461, %parallel_loop3A_223 : vector<16xf32>
        %parallel_loop3A_1465 = arith.addf %parallel_loop3A_1450, %parallel_loop3A_1464 : vector<16xf32>
        %parallel_loop3A_1466 = arith.constant 96 : i32
        %parallel_loop3A_1467 = arith.addi %parallel_loop3A_1466, %parallel_loop3A_162 : i32
        %parallel_loop3A_1468 = arith.index_cast %select_n3A_66 : i32 to index
        %parallel_loop3A_1469 = arith.index_cast %parallel_loop3A_1467 : i32 to index
        %parallel_loop3A_1470 = arith.constant 144 : index
        %parallel_loop3A_1471 = tpu.vector_load %arg8[%parallel_loop3A_1468, %parallel_loop3A_1469, %parallel_loop3A_1470] {strides = array<i32>} : memref<2x128x256xi32, #tpu.memory_space<vmem>>, vector<16xi32>,
        %parallel_loop3A_1472 = arith.constant 16 : i32
        %parallel_loop3A_1473 = vector.broadcast %parallel_loop3A_1472 : i32 to vector<16xi32>
        %parallel_loop3A_1474 = arith.shli %parallel_loop3A_1471, %parallel_loop3A_1473 : vector<16xi32>
        %parallel_loop3A_1475 = vector.bitcast %parallel_loop3A_1474 : vector<16xi32> to vector<16xf32>
        %parallel_loop3A_1476 = vector.bitcast %parallel_loop3A_1471 : vector<16xi32> to vector<16xf32>
        %parallel_loop3A_1477 = arith.mulf %parallel_loop3A_1475, %parallel_loop3A_233 : vector<16xf32>
        %parallel_loop3A_1478 = arith.addf %parallel_loop3A_1463, %parallel_loop3A_1477 : vector<16xf32>
        %parallel_loop3A_1479 = arith.mulf %parallel_loop3A_1476, %parallel_loop3A_233 : vector<16xf32>
        %parallel_loop3A_1480 = arith.addf %parallel_loop3A_1465, %parallel_loop3A_1479 : vector<16xf32>
        %parallel_loop3A_1481 = arith.constant 112 : i32
        %parallel_loop3A_1482 = arith.addi %parallel_loop3A_1481, %parallel_loop3A_162 : i32
        %parallel_loop3A_1483 = arith.index_cast %select_n3A_66 : i32 to index
        %parallel_loop3A_1484 = arith.index_cast %parallel_loop3A_1482 : i32 to index
        %parallel_loop3A_1485 = arith.constant 144 : index
        %parallel_loop3A_1486 = tpu.vector_load %arg8[%parallel_loop3A_1483, %parallel_loop3A_1484, %parallel_loop3A_1485] {strides = array<i32>} : memref<2x128x256xi32, #tpu.memory_space<vmem>>, vector<16xi32>,
        %parallel_loop3A_1487 = arith.constant 16 : i32
        %parallel_loop3A_1488 = vector.broadcast %parallel_loop3A_1487 : i32 to vector<16xi32>
        %parallel_loop3A_1489 = arith.shli %parallel_loop3A_1486, %parallel_loop3A_1488 : vector<16xi32>
        %parallel_loop3A_1490 = vector.bitcast %parallel_loop3A_1489 : vector<16xi32> to vector<16xf32>
        %parallel_loop3A_1491 = vector.bitcast %parallel_loop3A_1486 : vector<16xi32> to vector<16xf32>
        %parallel_loop3A_1492 = arith.mulf %parallel_loop3A_1490, %parallel_loop3A_243 : vector<16xf32>
        %parallel_loop3A_1493 = arith.addf %parallel_loop3A_1478, %parallel_loop3A_1492 : vector<16xf32>
        %parallel_loop3A_1494 = arith.mulf %parallel_loop3A_1491, %parallel_loop3A_243 : vector<16xf32>
        %parallel_loop3A_1495 = arith.addf %parallel_loop3A_1480, %parallel_loop3A_1494 : vector<16xf32>
        %parallel_loop3A_1496 = arith.index_cast %select_n3A_66 : i32 to index
        %parallel_loop3A_1497 = arith.index_cast %parallel_loop3A_162 : i32 to index
        %parallel_loop3A_1498 = arith.constant 144 : index
        %parallel_loop3A_1499 = tpu.vector_load %arg9[%parallel_loop3A_1496, %parallel_loop3A_1497, %parallel_loop3A_1498] {strides = array<i32>} : memref<2x16x512xf32, #tpu.memory_space<vmem>>, vector<16xf32>,
        tpu.vector_store %arg9[%parallel_loop3A_1496, %parallel_loop3A_1497, %parallel_loop3A_1498], %parallel_loop3A_1493 {strides = array<i32>} : memref<2x16x512xf32, #tpu.memory_space<vmem>>, vector<16xf32>,
        %parallel_loop3A_1500 = arith.index_cast %select_n3A_66 : i32 to index
        %parallel_loop3A_1501 = arith.index_cast %parallel_loop3A_162 : i32 to index
        %parallel_loop3A_1502 = arith.constant 400 : index
        %parallel_loop3A_1503 = tpu.vector_load %arg9[%parallel_loop3A_1500, %parallel_loop3A_1501, %parallel_loop3A_1502] {strides = array<i32>} : memref<2x16x512xf32, #tpu.memory_space<vmem>>, vector<16xf32>,
        tpu.vector_store %arg9[%parallel_loop3A_1500, %parallel_loop3A_1501, %parallel_loop3A_1502], %parallel_loop3A_1495 {strides = array<i32>} : memref<2x16x512xf32, #tpu.memory_space<vmem>>, vector<16xf32>,
        %parallel_loop3A_1504 = arith.constant 0 : i32
        %parallel_loop3A_1505 = arith.addi %parallel_loop3A_1504, %parallel_loop3A_162 : i32
        %parallel_loop3A_1506 = arith.index_cast %select_n3A_66 : i32 to index
        %parallel_loop3A_1507 = arith.index_cast %parallel_loop3A_1505 : i32 to index
        %parallel_loop3A_1508 = arith.constant 160 : index
        %parallel_loop3A_1509 = tpu.vector_load %arg8[%parallel_loop3A_1506, %parallel_loop3A_1507, %parallel_loop3A_1508] {strides = array<i32>} : memref<2x128x256xi32, #tpu.memory_space<vmem>>, vector<16xi32>,
        %parallel_loop3A_1510 = arith.constant 16 : i32
        %parallel_loop3A_1511 = vector.broadcast %parallel_loop3A_1510 : i32 to vector<16xi32>
        %parallel_loop3A_1512 = arith.shli %parallel_loop3A_1509, %parallel_loop3A_1511 : vector<16xi32>
        %parallel_loop3A_1513 = vector.bitcast %parallel_loop3A_1512 : vector<16xi32> to vector<16xf32>
        %parallel_loop3A_1514 = vector.bitcast %parallel_loop3A_1509 : vector<16xi32> to vector<16xf32>
        %parallel_loop3A_1515 = arith.mulf %parallel_loop3A_1513, %parallel_loop3A_173 : vector<16xf32>
        %parallel_loop3A_1516 = arith.mulf %parallel_loop3A_1514, %parallel_loop3A_173 : vector<16xf32>
        %parallel_loop3A_1517 = arith.constant 16 : i32
        %parallel_loop3A_1518 = arith.addi %parallel_loop3A_1517, %parallel_loop3A_162 : i32
        %parallel_loop3A_1519 = arith.index_cast %select_n3A_66 : i32 to index
        %parallel_loop3A_1520 = arith.index_cast %parallel_loop3A_1518 : i32 to index
        %parallel_loop3A_1521 = arith.constant 160 : index
        %parallel_loop3A_1522 = tpu.vector_load %arg8[%parallel_loop3A_1519, %parallel_loop3A_1520, %parallel_loop3A_1521] {strides = array<i32>} : memref<2x128x256xi32, #tpu.memory_space<vmem>>, vector<16xi32>,
        %parallel_loop3A_1523 = arith.constant 16 : i32
        %parallel_loop3A_1524 = vector.broadcast %parallel_loop3A_1523 : i32 to vector<16xi32>
        %parallel_loop3A_1525 = arith.shli %parallel_loop3A_1522, %parallel_loop3A_1524 : vector<16xi32>
        %parallel_loop3A_1526 = vector.bitcast %parallel_loop3A_1525 : vector<16xi32> to vector<16xf32>
        %parallel_loop3A_1527 = vector.bitcast %parallel_loop3A_1522 : vector<16xi32> to vector<16xf32>
        %parallel_loop3A_1528 = arith.mulf %parallel_loop3A_1526, %parallel_loop3A_183 : vector<16xf32>
        %parallel_loop3A_1529 = arith.addf %parallel_loop3A_1515, %parallel_loop3A_1528 : vector<16xf32>
        %parallel_loop3A_1530 = arith.mulf %parallel_loop3A_1527, %parallel_loop3A_183 : vector<16xf32>
        %parallel_loop3A_1531 = arith.addf %parallel_loop3A_1516, %parallel_loop3A_1530 : vector<16xf32>
        %parallel_loop3A_1532 = arith.constant 32 : i32
        %parallel_loop3A_1533 = arith.addi %parallel_loop3A_1532, %parallel_loop3A_162 : i32
        %parallel_loop3A_1534 = arith.index_cast %select_n3A_66 : i32 to index
        %parallel_loop3A_1535 = arith.index_cast %parallel_loop3A_1533 : i32 to index
        %parallel_loop3A_1536 = arith.constant 160 : index
        %parallel_loop3A_1537 = tpu.vector_load %arg8[%parallel_loop3A_1534, %parallel_loop3A_1535, %parallel_loop3A_1536] {strides = array<i32>} : memref<2x128x256xi32, #tpu.memory_space<vmem>>, vector<16xi32>,
        %parallel_loop3A_1538 = arith.constant 16 : i32
        %parallel_loop3A_1539 = vector.broadcast %parallel_loop3A_1538 : i32 to vector<16xi32>
        %parallel_loop3A_1540 = arith.shli %parallel_loop3A_1537, %parallel_loop3A_1539 : vector<16xi32>
        %parallel_loop3A_1541 = vector.bitcast %parallel_loop3A_1540 : vector<16xi32> to vector<16xf32>
        %parallel_loop3A_1542 = vector.bitcast %parallel_loop3A_1537 : vector<16xi32> to vector<16xf32>
        %parallel_loop3A_1543 = arith.mulf %parallel_loop3A_1541, %parallel_loop3A_193 : vector<16xf32>
        %parallel_loop3A_1544 = arith.addf %parallel_loop3A_1529, %parallel_loop3A_1543 : vector<16xf32>
        %parallel_loop3A_1545 = arith.mulf %parallel_loop3A_1542, %parallel_loop3A_193 : vector<16xf32>
        %parallel_loop3A_1546 = arith.addf %parallel_loop3A_1531, %parallel_loop3A_1545 : vector<16xf32>
        %parallel_loop3A_1547 = arith.constant 48 : i32
        %parallel_loop3A_1548 = arith.addi %parallel_loop3A_1547, %parallel_loop3A_162 : i32
        %parallel_loop3A_1549 = arith.index_cast %select_n3A_66 : i32 to index
        %parallel_loop3A_1550 = arith.index_cast %parallel_loop3A_1548 : i32 to index
        %parallel_loop3A_1551 = arith.constant 160 : index
        %parallel_loop3A_1552 = tpu.vector_load %arg8[%parallel_loop3A_1549, %parallel_loop3A_1550, %parallel_loop3A_1551] {strides = array<i32>} : memref<2x128x256xi32, #tpu.memory_space<vmem>>, vector<16xi32>,
        %parallel_loop3A_1553 = arith.constant 16 : i32
        %parallel_loop3A_1554 = vector.broadcast %parallel_loop3A_1553 : i32 to vector<16xi32>
        %parallel_loop3A_1555 = arith.shli %parallel_loop3A_1552, %parallel_loop3A_1554 : vector<16xi32>
        %parallel_loop3A_1556 = vector.bitcast %parallel_loop3A_1555 : vector<16xi32> to vector<16xf32>
        %parallel_loop3A_1557 = vector.bitcast %parallel_loop3A_1552 : vector<16xi32> to vector<16xf32>
        %parallel_loop3A_1558 = arith.mulf %parallel_loop3A_1556, %parallel_loop3A_203 : vector<16xf32>
        %parallel_loop3A_1559 = arith.addf %parallel_loop3A_1544, %parallel_loop3A_1558 : vector<16xf32>
        %parallel_loop3A_1560 = arith.mulf %parallel_loop3A_1557, %parallel_loop3A_203 : vector<16xf32>
        %parallel_loop3A_1561 = arith.addf %parallel_loop3A_1546, %parallel_loop3A_1560 : vector<16xf32>
        %parallel_loop3A_1562 = arith.constant 64 : i32
        %parallel_loop3A_1563 = arith.addi %parallel_loop3A_1562, %parallel_loop3A_162 : i32
        %parallel_loop3A_1564 = arith.index_cast %select_n3A_66 : i32 to index
        %parallel_loop3A_1565 = arith.index_cast %parallel_loop3A_1563 : i32 to index
        %parallel_loop3A_1566 = arith.constant 160 : index
        %parallel_loop3A_1567 = tpu.vector_load %arg8[%parallel_loop3A_1564, %parallel_loop3A_1565, %parallel_loop3A_1566] {strides = array<i32>} : memref<2x128x256xi32, #tpu.memory_space<vmem>>, vector<16xi32>,
        %parallel_loop3A_1568 = arith.constant 16 : i32
        %parallel_loop3A_1569 = vector.broadcast %parallel_loop3A_1568 : i32 to vector<16xi32>
        %parallel_loop3A_1570 = arith.shli %parallel_loop3A_1567, %parallel_loop3A_1569 : vector<16xi32>
        %parallel_loop3A_1571 = vector.bitcast %parallel_loop3A_1570 : vector<16xi32> to vector<16xf32>
        %parallel_loop3A_1572 = vector.bitcast %parallel_loop3A_1567 : vector<16xi32> to vector<16xf32>
        %parallel_loop3A_1573 = arith.mulf %parallel_loop3A_1571, %parallel_loop3A_213 : vector<16xf32>
        %parallel_loop3A_1574 = arith.addf %parallel_loop3A_1559, %parallel_loop3A_1573 : vector<16xf32>
        %parallel_loop3A_1575 = arith.mulf %parallel_loop3A_1572, %parallel_loop3A_213 : vector<16xf32>
        %parallel_loop3A_1576 = arith.addf %parallel_loop3A_1561, %parallel_loop3A_1575 : vector<16xf32>
        %parallel_loop3A_1577 = arith.constant 80 : i32
        %parallel_loop3A_1578 = arith.addi %parallel_loop3A_1577, %parallel_loop3A_162 : i32
        %parallel_loop3A_1579 = arith.index_cast %select_n3A_66 : i32 to index
        %parallel_loop3A_1580 = arith.index_cast %parallel_loop3A_1578 : i32 to index
        %parallel_loop3A_1581 = arith.constant 160 : index
        %parallel_loop3A_1582 = tpu.vector_load %arg8[%parallel_loop3A_1579, %parallel_loop3A_1580, %parallel_loop3A_1581] {strides = array<i32>} : memref<2x128x256xi32, #tpu.memory_space<vmem>>, vector<16xi32>,
        %parallel_loop3A_1583 = arith.constant 16 : i32
        %parallel_loop3A_1584 = vector.broadcast %parallel_loop3A_1583 : i32 to vector<16xi32>
        %parallel_loop3A_1585 = arith.shli %parallel_loop3A_1582, %parallel_loop3A_1584 : vector<16xi32>
        %parallel_loop3A_1586 = vector.bitcast %parallel_loop3A_1585 : vector<16xi32> to vector<16xf32>
        %parallel_loop3A_1587 = vector.bitcast %parallel_loop3A_1582 : vector<16xi32> to vector<16xf32>
        %parallel_loop3A_1588 = arith.mulf %parallel_loop3A_1586, %parallel_loop3A_223 : vector<16xf32>
        %parallel_loop3A_1589 = arith.addf %parallel_loop3A_1574, %parallel_loop3A_1588 : vector<16xf32>
        %parallel_loop3A_1590 = arith.mulf %parallel_loop3A_1587, %parallel_loop3A_223 : vector<16xf32>
        %parallel_loop3A_1591 = arith.addf %parallel_loop3A_1576, %parallel_loop3A_1590 : vector<16xf32>
        %parallel_loop3A_1592 = arith.constant 96 : i32
        %parallel_loop3A_1593 = arith.addi %parallel_loop3A_1592, %parallel_loop3A_162 : i32
        %parallel_loop3A_1594 = arith.index_cast %select_n3A_66 : i32 to index
        %parallel_loop3A_1595 = arith.index_cast %parallel_loop3A_1593 : i32 to index
        %parallel_loop3A_1596 = arith.constant 160 : index
        %parallel_loop3A_1597 = tpu.vector_load %arg8[%parallel_loop3A_1594, %parallel_loop3A_1595, %parallel_loop3A_1596] {strides = array<i32>} : memref<2x128x256xi32, #tpu.memory_space<vmem>>, vector<16xi32>,
        %parallel_loop3A_1598 = arith.constant 16 : i32
        %parallel_loop3A_1599 = vector.broadcast %parallel_loop3A_1598 : i32 to vector<16xi32>
        %parallel_loop3A_1600 = arith.shli %parallel_loop3A_1597, %parallel_loop3A_1599 : vector<16xi32>
        %parallel_loop3A_1601 = vector.bitcast %parallel_loop3A_1600 : vector<16xi32> to vector<16xf32>
        %parallel_loop3A_1602 = vector.bitcast %parallel_loop3A_1597 : vector<16xi32> to vector<16xf32>
        %parallel_loop3A_1603 = arith.mulf %parallel_loop3A_1601, %parallel_loop3A_233 : vector<16xf32>
        %parallel_loop3A_1604 = arith.addf %parallel_loop3A_1589, %parallel_loop3A_1603 : vector<16xf32>
        %parallel_loop3A_1605 = arith.mulf %parallel_loop3A_1602, %parallel_loop3A_233 : vector<16xf32>
        %parallel_loop3A_1606 = arith.addf %parallel_loop3A_1591, %parallel_loop3A_1605 : vector<16xf32>
        %parallel_loop3A_1607 = arith.constant 112 : i32
        %parallel_loop3A_1608 = arith.addi %parallel_loop3A_1607, %parallel_loop3A_162 : i32
        %parallel_loop3A_1609 = arith.index_cast %select_n3A_66 : i32 to index
        %parallel_loop3A_1610 = arith.index_cast %parallel_loop3A_1608 : i32 to index
        %parallel_loop3A_1611 = arith.constant 160 : index
        %parallel_loop3A_1612 = tpu.vector_load %arg8[%parallel_loop3A_1609, %parallel_loop3A_1610, %parallel_loop3A_1611] {strides = array<i32>} : memref<2x128x256xi32, #tpu.memory_space<vmem>>, vector<16xi32>,
        %parallel_loop3A_1613 = arith.constant 16 : i32
        %parallel_loop3A_1614 = vector.broadcast %parallel_loop3A_1613 : i32 to vector<16xi32>
        %parallel_loop3A_1615 = arith.shli %parallel_loop3A_1612, %parallel_loop3A_1614 : vector<16xi32>
        %parallel_loop3A_1616 = vector.bitcast %parallel_loop3A_1615 : vector<16xi32> to vector<16xf32>
        %parallel_loop3A_1617 = vector.bitcast %parallel_loop3A_1612 : vector<16xi32> to vector<16xf32>
        %parallel_loop3A_1618 = arith.mulf %parallel_loop3A_1616, %parallel_loop3A_243 : vector<16xf32>
        %parallel_loop3A_1619 = arith.addf %parallel_loop3A_1604, %parallel_loop3A_1618 : vector<16xf32>
        %parallel_loop3A_1620 = arith.mulf %parallel_loop3A_1617, %parallel_loop3A_243 : vector<16xf32>
        %parallel_loop3A_1621 = arith.addf %parallel_loop3A_1606, %parallel_loop3A_1620 : vector<16xf32>
        %parallel_loop3A_1622 = arith.index_cast %select_n3A_66 : i32 to index
        %parallel_loop3A_1623 = arith.index_cast %parallel_loop3A_162 : i32 to index
        %parallel_loop3A_1624 = arith.constant 160 : index
        %parallel_loop3A_1625 = tpu.vector_load %arg9[%parallel_loop3A_1622, %parallel_loop3A_1623, %parallel_loop3A_1624] {strides = array<i32>} : memref<2x16x512xf32, #tpu.memory_space<vmem>>, vector<16xf32>,
        tpu.vector_store %arg9[%parallel_loop3A_1622, %parallel_loop3A_1623, %parallel_loop3A_1624], %parallel_loop3A_1619 {strides = array<i32>} : memref<2x16x512xf32, #tpu.memory_space<vmem>>, vector<16xf32>,
        %parallel_loop3A_1626 = arith.index_cast %select_n3A_66 : i32 to index
        %parallel_loop3A_1627 = arith.index_cast %parallel_loop3A_162 : i32 to index
        %parallel_loop3A_1628 = arith.constant 416 : index
        %parallel_loop3A_1629 = tpu.vector_load %arg9[%parallel_loop3A_1626, %parallel_loop3A_1627, %parallel_loop3A_1628] {strides = array<i32>} : memref<2x16x512xf32, #tpu.memory_space<vmem>>, vector<16xf32>,
        tpu.vector_store %arg9[%parallel_loop3A_1626, %parallel_loop3A_1627, %parallel_loop3A_1628], %parallel_loop3A_1621 {strides = array<i32>} : memref<2x16x512xf32, #tpu.memory_space<vmem>>, vector<16xf32>,
        %parallel_loop3A_1630 = arith.constant 0 : i32
        %parallel_loop3A_1631 = arith.addi %parallel_loop3A_1630, %parallel_loop3A_162 : i32
        %parallel_loop3A_1632 = arith.index_cast %select_n3A_66 : i32 to index
        %parallel_loop3A_1633 = arith.index_cast %parallel_loop3A_1631 : i32 to index
        %parallel_loop3A_1634 = arith.constant 176 : index
        %parallel_loop3A_1635 = tpu.vector_load %arg8[%parallel_loop3A_1632, %parallel_loop3A_1633, %parallel_loop3A_1634] {strides = array<i32>} : memref<2x128x256xi32, #tpu.memory_space<vmem>>, vector<16xi32>,
        %parallel_loop3A_1636 = arith.constant 16 : i32
        %parallel_loop3A_1637 = vector.broadcast %parallel_loop3A_1636 : i32 to vector<16xi32>
        %parallel_loop3A_1638 = arith.shli %parallel_loop3A_1635, %parallel_loop3A_1637 : vector<16xi32>
        %parallel_loop3A_1639 = vector.bitcast %parallel_loop3A_1638 : vector<16xi32> to vector<16xf32>
        %parallel_loop3A_1640 = vector.bitcast %parallel_loop3A_1635 : vector<16xi32> to vector<16xf32>
        %parallel_loop3A_1641 = arith.mulf %parallel_loop3A_1639, %parallel_loop3A_173 : vector<16xf32>
        %parallel_loop3A_1642 = arith.mulf %parallel_loop3A_1640, %parallel_loop3A_173 : vector<16xf32>
        %parallel_loop3A_1643 = arith.constant 16 : i32
        %parallel_loop3A_1644 = arith.addi %parallel_loop3A_1643, %parallel_loop3A_162 : i32
        %parallel_loop3A_1645 = arith.index_cast %select_n3A_66 : i32 to index
        %parallel_loop3A_1646 = arith.index_cast %parallel_loop3A_1644 : i32 to index
        %parallel_loop3A_1647 = arith.constant 176 : index
        %parallel_loop3A_1648 = tpu.vector_load %arg8[%parallel_loop3A_1645, %parallel_loop3A_1646, %parallel_loop3A_1647] {strides = array<i32>} : memref<2x128x256xi32, #tpu.memory_space<vmem>>, vector<16xi32>,
        %parallel_loop3A_1649 = arith.constant 16 : i32
        %parallel_loop3A_1650 = vector.broadcast %parallel_loop3A_1649 : i32 to vector<16xi32>
        %parallel_loop3A_1651 = arith.shli %parallel_loop3A_1648, %parallel_loop3A_1650 : vector<16xi32>
        %parallel_loop3A_1652 = vector.bitcast %parallel_loop3A_1651 : vector<16xi32> to vector<16xf32>
        %parallel_loop3A_1653 = vector.bitcast %parallel_loop3A_1648 : vector<16xi32> to vector<16xf32>
        %parallel_loop3A_1654 = arith.mulf %parallel_loop3A_1652, %parallel_loop3A_183 : vector<16xf32>
        %parallel_loop3A_1655 = arith.addf %parallel_loop3A_1641, %parallel_loop3A_1654 : vector<16xf32>
        %parallel_loop3A_1656 = arith.mulf %parallel_loop3A_1653, %parallel_loop3A_183 : vector<16xf32>
        %parallel_loop3A_1657 = arith.addf %parallel_loop3A_1642, %parallel_loop3A_1656 : vector<16xf32>
        %parallel_loop3A_1658 = arith.constant 32 : i32
        %parallel_loop3A_1659 = arith.addi %parallel_loop3A_1658, %parallel_loop3A_162 : i32
        %parallel_loop3A_1660 = arith.index_cast %select_n3A_66 : i32 to index
        %parallel_loop3A_1661 = arith.index_cast %parallel_loop3A_1659 : i32 to index
        %parallel_loop3A_1662 = arith.constant 176 : index
        %parallel_loop3A_1663 = tpu.vector_load %arg8[%parallel_loop3A_1660, %parallel_loop3A_1661, %parallel_loop3A_1662] {strides = array<i32>} : memref<2x128x256xi32, #tpu.memory_space<vmem>>, vector<16xi32>,
        %parallel_loop3A_1664 = arith.constant 16 : i32
        %parallel_loop3A_1665 = vector.broadcast %parallel_loop3A_1664 : i32 to vector<16xi32>
        %parallel_loop3A_1666 = arith.shli %parallel_loop3A_1663, %parallel_loop3A_1665 : vector<16xi32>
        %parallel_loop3A_1667 = vector.bitcast %parallel_loop3A_1666 : vector<16xi32> to vector<16xf32>
        %parallel_loop3A_1668 = vector.bitcast %parallel_loop3A_1663 : vector<16xi32> to vector<16xf32>
        %parallel_loop3A_1669 = arith.mulf %parallel_loop3A_1667, %parallel_loop3A_193 : vector<16xf32>
        %parallel_loop3A_1670 = arith.addf %parallel_loop3A_1655, %parallel_loop3A_1669 : vector<16xf32>
        %parallel_loop3A_1671 = arith.mulf %parallel_loop3A_1668, %parallel_loop3A_193 : vector<16xf32>
        %parallel_loop3A_1672 = arith.addf %parallel_loop3A_1657, %parallel_loop3A_1671 : vector<16xf32>
        %parallel_loop3A_1673 = arith.constant 48 : i32
        %parallel_loop3A_1674 = arith.addi %parallel_loop3A_1673, %parallel_loop3A_162 : i32
        %parallel_loop3A_1675 = arith.index_cast %select_n3A_66 : i32 to index
        %parallel_loop3A_1676 = arith.index_cast %parallel_loop3A_1674 : i32 to index
        %parallel_loop3A_1677 = arith.constant 176 : index
        %parallel_loop3A_1678 = tpu.vector_load %arg8[%parallel_loop3A_1675, %parallel_loop3A_1676, %parallel_loop3A_1677] {strides = array<i32>} : memref<2x128x256xi32, #tpu.memory_space<vmem>>, vector<16xi32>,
        %parallel_loop3A_1679 = arith.constant 16 : i32
        %parallel_loop3A_1680 = vector.broadcast %parallel_loop3A_1679 : i32 to vector<16xi32>
        %parallel_loop3A_1681 = arith.shli %parallel_loop3A_1678, %parallel_loop3A_1680 : vector<16xi32>
        %parallel_loop3A_1682 = vector.bitcast %parallel_loop3A_1681 : vector<16xi32> to vector<16xf32>
        %parallel_loop3A_1683 = vector.bitcast %parallel_loop3A_1678 : vector<16xi32> to vector<16xf32>
        %parallel_loop3A_1684 = arith.mulf %parallel_loop3A_1682, %parallel_loop3A_203 : vector<16xf32>
        %parallel_loop3A_1685 = arith.addf %parallel_loop3A_1670, %parallel_loop3A_1684 : vector<16xf32>
        %parallel_loop3A_1686 = arith.mulf %parallel_loop3A_1683, %parallel_loop3A_203 : vector<16xf32>
        %parallel_loop3A_1687 = arith.addf %parallel_loop3A_1672, %parallel_loop3A_1686 : vector<16xf32>
        %parallel_loop3A_1688 = arith.constant 64 : i32
        %parallel_loop3A_1689 = arith.addi %parallel_loop3A_1688, %parallel_loop3A_162 : i32
        %parallel_loop3A_1690 = arith.index_cast %select_n3A_66 : i32 to index
        %parallel_loop3A_1691 = arith.index_cast %parallel_loop3A_1689 : i32 to index
        %parallel_loop3A_1692 = arith.constant 176 : index
        %parallel_loop3A_1693 = tpu.vector_load %arg8[%parallel_loop3A_1690, %parallel_loop3A_1691, %parallel_loop3A_1692] {strides = array<i32>} : memref<2x128x256xi32, #tpu.memory_space<vmem>>, vector<16xi32>,
        %parallel_loop3A_1694 = arith.constant 16 : i32
        %parallel_loop3A_1695 = vector.broadcast %parallel_loop3A_1694 : i32 to vector<16xi32>
        %parallel_loop3A_1696 = arith.shli %parallel_loop3A_1693, %parallel_loop3A_1695 : vector<16xi32>
        %parallel_loop3A_1697 = vector.bitcast %parallel_loop3A_1696 : vector<16xi32> to vector<16xf32>
        %parallel_loop3A_1698 = vector.bitcast %parallel_loop3A_1693 : vector<16xi32> to vector<16xf32>
        %parallel_loop3A_1699 = arith.mulf %parallel_loop3A_1697, %parallel_loop3A_213 : vector<16xf32>
        %parallel_loop3A_1700 = arith.addf %parallel_loop3A_1685, %parallel_loop3A_1699 : vector<16xf32>
        %parallel_loop3A_1701 = arith.mulf %parallel_loop3A_1698, %parallel_loop3A_213 : vector<16xf32>
        %parallel_loop3A_1702 = arith.addf %parallel_loop3A_1687, %parallel_loop3A_1701 : vector<16xf32>
        %parallel_loop3A_1703 = arith.constant 80 : i32
        %parallel_loop3A_1704 = arith.addi %parallel_loop3A_1703, %parallel_loop3A_162 : i32
        %parallel_loop3A_1705 = arith.index_cast %select_n3A_66 : i32 to index
        %parallel_loop3A_1706 = arith.index_cast %parallel_loop3A_1704 : i32 to index
        %parallel_loop3A_1707 = arith.constant 176 : index
        %parallel_loop3A_1708 = tpu.vector_load %arg8[%parallel_loop3A_1705, %parallel_loop3A_1706, %parallel_loop3A_1707] {strides = array<i32>} : memref<2x128x256xi32, #tpu.memory_space<vmem>>, vector<16xi32>,
        %parallel_loop3A_1709 = arith.constant 16 : i32
        %parallel_loop3A_1710 = vector.broadcast %parallel_loop3A_1709 : i32 to vector<16xi32>
        %parallel_loop3A_1711 = arith.shli %parallel_loop3A_1708, %parallel_loop3A_1710 : vector<16xi32>
        %parallel_loop3A_1712 = vector.bitcast %parallel_loop3A_1711 : vector<16xi32> to vector<16xf32>
        %parallel_loop3A_1713 = vector.bitcast %parallel_loop3A_1708 : vector<16xi32> to vector<16xf32>
        %parallel_loop3A_1714 = arith.mulf %parallel_loop3A_1712, %parallel_loop3A_223 : vector<16xf32>
        %parallel_loop3A_1715 = arith.addf %parallel_loop3A_1700, %parallel_loop3A_1714 : vector<16xf32>
        %parallel_loop3A_1716 = arith.mulf %parallel_loop3A_1713, %parallel_loop3A_223 : vector<16xf32>
        %parallel_loop3A_1717 = arith.addf %parallel_loop3A_1702, %parallel_loop3A_1716 : vector<16xf32>
        %parallel_loop3A_1718 = arith.constant 96 : i32
        %parallel_loop3A_1719 = arith.addi %parallel_loop3A_1718, %parallel_loop3A_162 : i32
        %parallel_loop3A_1720 = arith.index_cast %select_n3A_66 : i32 to index
        %parallel_loop3A_1721 = arith.index_cast %parallel_loop3A_1719 : i32 to index
        %parallel_loop3A_1722 = arith.constant 176 : index
        %parallel_loop3A_1723 = tpu.vector_load %arg8[%parallel_loop3A_1720, %parallel_loop3A_1721, %parallel_loop3A_1722] {strides = array<i32>} : memref<2x128x256xi32, #tpu.memory_space<vmem>>, vector<16xi32>,
        %parallel_loop3A_1724 = arith.constant 16 : i32
        %parallel_loop3A_1725 = vector.broadcast %parallel_loop3A_1724 : i32 to vector<16xi32>
        %parallel_loop3A_1726 = arith.shli %parallel_loop3A_1723, %parallel_loop3A_1725 : vector<16xi32>
        %parallel_loop3A_1727 = vector.bitcast %parallel_loop3A_1726 : vector<16xi32> to vector<16xf32>
        %parallel_loop3A_1728 = vector.bitcast %parallel_loop3A_1723 : vector<16xi32> to vector<16xf32>
        %parallel_loop3A_1729 = arith.mulf %parallel_loop3A_1727, %parallel_loop3A_233 : vector<16xf32>
        %parallel_loop3A_1730 = arith.addf %parallel_loop3A_1715, %parallel_loop3A_1729 : vector<16xf32>
        %parallel_loop3A_1731 = arith.mulf %parallel_loop3A_1728, %parallel_loop3A_233 : vector<16xf32>
        %parallel_loop3A_1732 = arith.addf %parallel_loop3A_1717, %parallel_loop3A_1731 : vector<16xf32>
        %parallel_loop3A_1733 = arith.constant 112 : i32
        %parallel_loop3A_1734 = arith.addi %parallel_loop3A_1733, %parallel_loop3A_162 : i32
        %parallel_loop3A_1735 = arith.index_cast %select_n3A_66 : i32 to index
        %parallel_loop3A_1736 = arith.index_cast %parallel_loop3A_1734 : i32 to index
        %parallel_loop3A_1737 = arith.constant 176 : index
        %parallel_loop3A_1738 = tpu.vector_load %arg8[%parallel_loop3A_1735, %parallel_loop3A_1736, %parallel_loop3A_1737] {strides = array<i32>} : memref<2x128x256xi32, #tpu.memory_space<vmem>>, vector<16xi32>,
        %parallel_loop3A_1739 = arith.constant 16 : i32
        %parallel_loop3A_1740 = vector.broadcast %parallel_loop3A_1739 : i32 to vector<16xi32>
        %parallel_loop3A_1741 = arith.shli %parallel_loop3A_1738, %parallel_loop3A_1740 : vector<16xi32>
        %parallel_loop3A_1742 = vector.bitcast %parallel_loop3A_1741 : vector<16xi32> to vector<16xf32>
        %parallel_loop3A_1743 = vector.bitcast %parallel_loop3A_1738 : vector<16xi32> to vector<16xf32>
        %parallel_loop3A_1744 = arith.mulf %parallel_loop3A_1742, %parallel_loop3A_243 : vector<16xf32>
        %parallel_loop3A_1745 = arith.addf %parallel_loop3A_1730, %parallel_loop3A_1744 : vector<16xf32>
        %parallel_loop3A_1746 = arith.mulf %parallel_loop3A_1743, %parallel_loop3A_243 : vector<16xf32>
        %parallel_loop3A_1747 = arith.addf %parallel_loop3A_1732, %parallel_loop3A_1746 : vector<16xf32>
        %parallel_loop3A_1748 = arith.index_cast %select_n3A_66 : i32 to index
        %parallel_loop3A_1749 = arith.index_cast %parallel_loop3A_162 : i32 to index
        %parallel_loop3A_1750 = arith.constant 176 : index
        %parallel_loop3A_1751 = tpu.vector_load %arg9[%parallel_loop3A_1748, %parallel_loop3A_1749, %parallel_loop3A_1750] {strides = array<i32>} : memref<2x16x512xf32, #tpu.memory_space<vmem>>, vector<16xf32>,
        tpu.vector_store %arg9[%parallel_loop3A_1748, %parallel_loop3A_1749, %parallel_loop3A_1750], %parallel_loop3A_1745 {strides = array<i32>} : memref<2x16x512xf32, #tpu.memory_space<vmem>>, vector<16xf32>,
        %parallel_loop3A_1752 = arith.index_cast %select_n3A_66 : i32 to index
        %parallel_loop3A_1753 = arith.index_cast %parallel_loop3A_162 : i32 to index
        %parallel_loop3A_1754 = arith.constant 432 : index
        %parallel_loop3A_1755 = tpu.vector_load %arg9[%parallel_loop3A_1752, %parallel_loop3A_1753, %parallel_loop3A_1754] {strides = array<i32>} : memref<2x16x512xf32, #tpu.memory_space<vmem>>, vector<16xf32>,
        tpu.vector_store %arg9[%parallel_loop3A_1752, %parallel_loop3A_1753, %parallel_loop3A_1754], %parallel_loop3A_1747 {strides = array<i32>} : memref<2x16x512xf32, #tpu.memory_space<vmem>>, vector<16xf32>,
        %parallel_loop3A_1756 = arith.constant 0 : i32
        %parallel_loop3A_1757 = arith.addi %parallel_loop3A_1756, %parallel_loop3A_162 : i32
        %parallel_loop3A_1758 = arith.index_cast %select_n3A_66 : i32 to index
        %parallel_loop3A_1759 = arith.index_cast %parallel_loop3A_1757 : i32 to index
        %parallel_loop3A_1760 = arith.constant 192 : index
        %parallel_loop3A_1761 = tpu.vector_load %arg8[%parallel_loop3A_1758, %parallel_loop3A_1759, %parallel_loop3A_1760] {strides = array<i32>} : memref<2x128x256xi32, #tpu.memory_space<vmem>>, vector<16xi32>,
        %parallel_loop3A_1762 = arith.constant 16 : i32
        %parallel_loop3A_1763 = vector.broadcast %parallel_loop3A_1762 : i32 to vector<16xi32>
        %parallel_loop3A_1764 = arith.shli %parallel_loop3A_1761, %parallel_loop3A_1763 : vector<16xi32>
        %parallel_loop3A_1765 = vector.bitcast %parallel_loop3A_1764 : vector<16xi32> to vector<16xf32>
        %parallel_loop3A_1766 = vector.bitcast %parallel_loop3A_1761 : vector<16xi32> to vector<16xf32>
        %parallel_loop3A_1767 = arith.mulf %parallel_loop3A_1765, %parallel_loop3A_173 : vector<16xf32>
        %parallel_loop3A_1768 = arith.mulf %parallel_loop3A_1766, %parallel_loop3A_173 : vector<16xf32>
        %parallel_loop3A_1769 = arith.constant 16 : i32
        %parallel_loop3A_1770 = arith.addi %parallel_loop3A_1769, %parallel_loop3A_162 : i32
        %parallel_loop3A_1771 = arith.index_cast %select_n3A_66 : i32 to index
        %parallel_loop3A_1772 = arith.index_cast %parallel_loop3A_1770 : i32 to index
        %parallel_loop3A_1773 = arith.constant 192 : index
        %parallel_loop3A_1774 = tpu.vector_load %arg8[%parallel_loop3A_1771, %parallel_loop3A_1772, %parallel_loop3A_1773] {strides = array<i32>} : memref<2x128x256xi32, #tpu.memory_space<vmem>>, vector<16xi32>,
        %parallel_loop3A_1775 = arith.constant 16 : i32
        %parallel_loop3A_1776 = vector.broadcast %parallel_loop3A_1775 : i32 to vector<16xi32>
        %parallel_loop3A_1777 = arith.shli %parallel_loop3A_1774, %parallel_loop3A_1776 : vector<16xi32>
        %parallel_loop3A_1778 = vector.bitcast %parallel_loop3A_1777 : vector<16xi32> to vector<16xf32>
        %parallel_loop3A_1779 = vector.bitcast %parallel_loop3A_1774 : vector<16xi32> to vector<16xf32>
        %parallel_loop3A_1780 = arith.mulf %parallel_loop3A_1778, %parallel_loop3A_183 : vector<16xf32>
        %parallel_loop3A_1781 = arith.addf %parallel_loop3A_1767, %parallel_loop3A_1780 : vector<16xf32>
        %parallel_loop3A_1782 = arith.mulf %parallel_loop3A_1779, %parallel_loop3A_183 : vector<16xf32>
        %parallel_loop3A_1783 = arith.addf %parallel_loop3A_1768, %parallel_loop3A_1782 : vector<16xf32>
        %parallel_loop3A_1784 = arith.constant 32 : i32
        %parallel_loop3A_1785 = arith.addi %parallel_loop3A_1784, %parallel_loop3A_162 : i32
        %parallel_loop3A_1786 = arith.index_cast %select_n3A_66 : i32 to index
        %parallel_loop3A_1787 = arith.index_cast %parallel_loop3A_1785 : i32 to index
        %parallel_loop3A_1788 = arith.constant 192 : index
        %parallel_loop3A_1789 = tpu.vector_load %arg8[%parallel_loop3A_1786, %parallel_loop3A_1787, %parallel_loop3A_1788] {strides = array<i32>} : memref<2x128x256xi32, #tpu.memory_space<vmem>>, vector<16xi32>,
        %parallel_loop3A_1790 = arith.constant 16 : i32
        %parallel_loop3A_1791 = vector.broadcast %parallel_loop3A_1790 : i32 to vector<16xi32>
        %parallel_loop3A_1792 = arith.shli %parallel_loop3A_1789, %parallel_loop3A_1791 : vector<16xi32>
        %parallel_loop3A_1793 = vector.bitcast %parallel_loop3A_1792 : vector<16xi32> to vector<16xf32>
        %parallel_loop3A_1794 = vector.bitcast %parallel_loop3A_1789 : vector<16xi32> to vector<16xf32>
        %parallel_loop3A_1795 = arith.mulf %parallel_loop3A_1793, %parallel_loop3A_193 : vector<16xf32>
        %parallel_loop3A_1796 = arith.addf %parallel_loop3A_1781, %parallel_loop3A_1795 : vector<16xf32>
        %parallel_loop3A_1797 = arith.mulf %parallel_loop3A_1794, %parallel_loop3A_193 : vector<16xf32>
        %parallel_loop3A_1798 = arith.addf %parallel_loop3A_1783, %parallel_loop3A_1797 : vector<16xf32>
        %parallel_loop3A_1799 = arith.constant 48 : i32
        %parallel_loop3A_1800 = arith.addi %parallel_loop3A_1799, %parallel_loop3A_162 : i32
        %parallel_loop3A_1801 = arith.index_cast %select_n3A_66 : i32 to index
        %parallel_loop3A_1802 = arith.index_cast %parallel_loop3A_1800 : i32 to index
        %parallel_loop3A_1803 = arith.constant 192 : index
        %parallel_loop3A_1804 = tpu.vector_load %arg8[%parallel_loop3A_1801, %parallel_loop3A_1802, %parallel_loop3A_1803] {strides = array<i32>} : memref<2x128x256xi32, #tpu.memory_space<vmem>>, vector<16xi32>,
        %parallel_loop3A_1805 = arith.constant 16 : i32
        %parallel_loop3A_1806 = vector.broadcast %parallel_loop3A_1805 : i32 to vector<16xi32>
        %parallel_loop3A_1807 = arith.shli %parallel_loop3A_1804, %parallel_loop3A_1806 : vector<16xi32>
        %parallel_loop3A_1808 = vector.bitcast %parallel_loop3A_1807 : vector<16xi32> to vector<16xf32>
        %parallel_loop3A_1809 = vector.bitcast %parallel_loop3A_1804 : vector<16xi32> to vector<16xf32>
        %parallel_loop3A_1810 = arith.mulf %parallel_loop3A_1808, %parallel_loop3A_203 : vector<16xf32>
        %parallel_loop3A_1811 = arith.addf %parallel_loop3A_1796, %parallel_loop3A_1810 : vector<16xf32>
        %parallel_loop3A_1812 = arith.mulf %parallel_loop3A_1809, %parallel_loop3A_203 : vector<16xf32>
        %parallel_loop3A_1813 = arith.addf %parallel_loop3A_1798, %parallel_loop3A_1812 : vector<16xf32>
        %parallel_loop3A_1814 = arith.constant 64 : i32
        %parallel_loop3A_1815 = arith.addi %parallel_loop3A_1814, %parallel_loop3A_162 : i32
        %parallel_loop3A_1816 = arith.index_cast %select_n3A_66 : i32 to index
        %parallel_loop3A_1817 = arith.index_cast %parallel_loop3A_1815 : i32 to index
        %parallel_loop3A_1818 = arith.constant 192 : index
        %parallel_loop3A_1819 = tpu.vector_load %arg8[%parallel_loop3A_1816, %parallel_loop3A_1817, %parallel_loop3A_1818] {strides = array<i32>} : memref<2x128x256xi32, #tpu.memory_space<vmem>>, vector<16xi32>,
        %parallel_loop3A_1820 = arith.constant 16 : i32
        %parallel_loop3A_1821 = vector.broadcast %parallel_loop3A_1820 : i32 to vector<16xi32>
        %parallel_loop3A_1822 = arith.shli %parallel_loop3A_1819, %parallel_loop3A_1821 : vector<16xi32>
        %parallel_loop3A_1823 = vector.bitcast %parallel_loop3A_1822 : vector<16xi32> to vector<16xf32>
        %parallel_loop3A_1824 = vector.bitcast %parallel_loop3A_1819 : vector<16xi32> to vector<16xf32>
        %parallel_loop3A_1825 = arith.mulf %parallel_loop3A_1823, %parallel_loop3A_213 : vector<16xf32>
        %parallel_loop3A_1826 = arith.addf %parallel_loop3A_1811, %parallel_loop3A_1825 : vector<16xf32>
        %parallel_loop3A_1827 = arith.mulf %parallel_loop3A_1824, %parallel_loop3A_213 : vector<16xf32>
        %parallel_loop3A_1828 = arith.addf %parallel_loop3A_1813, %parallel_loop3A_1827 : vector<16xf32>
        %parallel_loop3A_1829 = arith.constant 80 : i32
        %parallel_loop3A_1830 = arith.addi %parallel_loop3A_1829, %parallel_loop3A_162 : i32
        %parallel_loop3A_1831 = arith.index_cast %select_n3A_66 : i32 to index
        %parallel_loop3A_1832 = arith.index_cast %parallel_loop3A_1830 : i32 to index
        %parallel_loop3A_1833 = arith.constant 192 : index
        %parallel_loop3A_1834 = tpu.vector_load %arg8[%parallel_loop3A_1831, %parallel_loop3A_1832, %parallel_loop3A_1833] {strides = array<i32>} : memref<2x128x256xi32, #tpu.memory_space<vmem>>, vector<16xi32>,
        %parallel_loop3A_1835 = arith.constant 16 : i32
        %parallel_loop3A_1836 = vector.broadcast %parallel_loop3A_1835 : i32 to vector<16xi32>
        %parallel_loop3A_1837 = arith.shli %parallel_loop3A_1834, %parallel_loop3A_1836 : vector<16xi32>
        %parallel_loop3A_1838 = vector.bitcast %parallel_loop3A_1837 : vector<16xi32> to vector<16xf32>
        %parallel_loop3A_1839 = vector.bitcast %parallel_loop3A_1834 : vector<16xi32> to vector<16xf32>
        %parallel_loop3A_1840 = arith.mulf %parallel_loop3A_1838, %parallel_loop3A_223 : vector<16xf32>
        %parallel_loop3A_1841 = arith.addf %parallel_loop3A_1826, %parallel_loop3A_1840 : vector<16xf32>
        %parallel_loop3A_1842 = arith.mulf %parallel_loop3A_1839, %parallel_loop3A_223 : vector<16xf32>
        %parallel_loop3A_1843 = arith.addf %parallel_loop3A_1828, %parallel_loop3A_1842 : vector<16xf32>
        %parallel_loop3A_1844 = arith.constant 96 : i32
        %parallel_loop3A_1845 = arith.addi %parallel_loop3A_1844, %parallel_loop3A_162 : i32
        %parallel_loop3A_1846 = arith.index_cast %select_n3A_66 : i32 to index
        %parallel_loop3A_1847 = arith.index_cast %parallel_loop3A_1845 : i32 to index
        %parallel_loop3A_1848 = arith.constant 192 : index
        %parallel_loop3A_1849 = tpu.vector_load %arg8[%parallel_loop3A_1846, %parallel_loop3A_1847, %parallel_loop3A_1848] {strides = array<i32>} : memref<2x128x256xi32, #tpu.memory_space<vmem>>, vector<16xi32>,
        %parallel_loop3A_1850 = arith.constant 16 : i32
        %parallel_loop3A_1851 = vector.broadcast %parallel_loop3A_1850 : i32 to vector<16xi32>
        %parallel_loop3A_1852 = arith.shli %parallel_loop3A_1849, %parallel_loop3A_1851 : vector<16xi32>
        %parallel_loop3A_1853 = vector.bitcast %parallel_loop3A_1852 : vector<16xi32> to vector<16xf32>
        %parallel_loop3A_1854 = vector.bitcast %parallel_loop3A_1849 : vector<16xi32> to vector<16xf32>
        %parallel_loop3A_1855 = arith.mulf %parallel_loop3A_1853, %parallel_loop3A_233 : vector<16xf32>
        %parallel_loop3A_1856 = arith.addf %parallel_loop3A_1841, %parallel_loop3A_1855 : vector<16xf32>
        %parallel_loop3A_1857 = arith.mulf %parallel_loop3A_1854, %parallel_loop3A_233 : vector<16xf32>
        %parallel_loop3A_1858 = arith.addf %parallel_loop3A_1843, %parallel_loop3A_1857 : vector<16xf32>
        %parallel_loop3A_1859 = arith.constant 112 : i32
        %parallel_loop3A_1860 = arith.addi %parallel_loop3A_1859, %parallel_loop3A_162 : i32
        %parallel_loop3A_1861 = arith.index_cast %select_n3A_66 : i32 to index
        %parallel_loop3A_1862 = arith.index_cast %parallel_loop3A_1860 : i32 to index
        %parallel_loop3A_1863 = arith.constant 192 : index
        %parallel_loop3A_1864 = tpu.vector_load %arg8[%parallel_loop3A_1861, %parallel_loop3A_1862, %parallel_loop3A_1863] {strides = array<i32>} : memref<2x128x256xi32, #tpu.memory_space<vmem>>, vector<16xi32>,
        %parallel_loop3A_1865 = arith.constant 16 : i32
        %parallel_loop3A_1866 = vector.broadcast %parallel_loop3A_1865 : i32 to vector<16xi32>
        %parallel_loop3A_1867 = arith.shli %parallel_loop3A_1864, %parallel_loop3A_1866 : vector<16xi32>
        %parallel_loop3A_1868 = vector.bitcast %parallel_loop3A_1867 : vector<16xi32> to vector<16xf32>
        %parallel_loop3A_1869 = vector.bitcast %parallel_loop3A_1864 : vector<16xi32> to vector<16xf32>
        %parallel_loop3A_1870 = arith.mulf %parallel_loop3A_1868, %parallel_loop3A_243 : vector<16xf32>
        %parallel_loop3A_1871 = arith.addf %parallel_loop3A_1856, %parallel_loop3A_1870 : vector<16xf32>
        %parallel_loop3A_1872 = arith.mulf %parallel_loop3A_1869, %parallel_loop3A_243 : vector<16xf32>
        %parallel_loop3A_1873 = arith.addf %parallel_loop3A_1858, %parallel_loop3A_1872 : vector<16xf32>
        %parallel_loop3A_1874 = arith.index_cast %select_n3A_66 : i32 to index
        %parallel_loop3A_1875 = arith.index_cast %parallel_loop3A_162 : i32 to index
        %parallel_loop3A_1876 = arith.constant 192 : index
        %parallel_loop3A_1877 = tpu.vector_load %arg9[%parallel_loop3A_1874, %parallel_loop3A_1875, %parallel_loop3A_1876] {strides = array<i32>} : memref<2x16x512xf32, #tpu.memory_space<vmem>>, vector<16xf32>,
        tpu.vector_store %arg9[%parallel_loop3A_1874, %parallel_loop3A_1875, %parallel_loop3A_1876], %parallel_loop3A_1871 {strides = array<i32>} : memref<2x16x512xf32, #tpu.memory_space<vmem>>, vector<16xf32>,
        %parallel_loop3A_1878 = arith.index_cast %select_n3A_66 : i32 to index
        %parallel_loop3A_1879 = arith.index_cast %parallel_loop3A_162 : i32 to index
        %parallel_loop3A_1880 = arith.constant 448 : index
        %parallel_loop3A_1881 = tpu.vector_load %arg9[%parallel_loop3A_1878, %parallel_loop3A_1879, %parallel_loop3A_1880] {strides = array<i32>} : memref<2x16x512xf32, #tpu.memory_space<vmem>>, vector<16xf32>,
        tpu.vector_store %arg9[%parallel_loop3A_1878, %parallel_loop3A_1879, %parallel_loop3A_1880], %parallel_loop3A_1873 {strides = array<i32>} : memref<2x16x512xf32, #tpu.memory_space<vmem>>, vector<16xf32>,
        %parallel_loop3A_1882 = arith.constant 0 : i32
        %parallel_loop3A_1883 = arith.addi %parallel_loop3A_1882, %parallel_loop3A_162 : i32
        %parallel_loop3A_1884 = arith.index_cast %select_n3A_66 : i32 to index
        %parallel_loop3A_1885 = arith.index_cast %parallel_loop3A_1883 : i32 to index
        %parallel_loop3A_1886 = arith.constant 208 : index
        %parallel_loop3A_1887 = tpu.vector_load %arg8[%parallel_loop3A_1884, %parallel_loop3A_1885, %parallel_loop3A_1886] {strides = array<i32>} : memref<2x128x256xi32, #tpu.memory_space<vmem>>, vector<16xi32>,
        %parallel_loop3A_1888 = arith.constant 16 : i32
        %parallel_loop3A_1889 = vector.broadcast %parallel_loop3A_1888 : i32 to vector<16xi32>
        %parallel_loop3A_1890 = arith.shli %parallel_loop3A_1887, %parallel_loop3A_1889 : vector<16xi32>
        %parallel_loop3A_1891 = vector.bitcast %parallel_loop3A_1890 : vector<16xi32> to vector<16xf32>
        %parallel_loop3A_1892 = vector.bitcast %parallel_loop3A_1887 : vector<16xi32> to vector<16xf32>
        %parallel_loop3A_1893 = arith.mulf %parallel_loop3A_1891, %parallel_loop3A_173 : vector<16xf32>
        %parallel_loop3A_1894 = arith.mulf %parallel_loop3A_1892, %parallel_loop3A_173 : vector<16xf32>
        %parallel_loop3A_1895 = arith.constant 16 : i32
        %parallel_loop3A_1896 = arith.addi %parallel_loop3A_1895, %parallel_loop3A_162 : i32
        %parallel_loop3A_1897 = arith.index_cast %select_n3A_66 : i32 to index
        %parallel_loop3A_1898 = arith.index_cast %parallel_loop3A_1896 : i32 to index
        %parallel_loop3A_1899 = arith.constant 208 : index
        %parallel_loop3A_1900 = tpu.vector_load %arg8[%parallel_loop3A_1897, %parallel_loop3A_1898, %parallel_loop3A_1899] {strides = array<i32>} : memref<2x128x256xi32, #tpu.memory_space<vmem>>, vector<16xi32>,
        %parallel_loop3A_1901 = arith.constant 16 : i32
        %parallel_loop3A_1902 = vector.broadcast %parallel_loop3A_1901 : i32 to vector<16xi32>
        %parallel_loop3A_1903 = arith.shli %parallel_loop3A_1900, %parallel_loop3A_1902 : vector<16xi32>
        %parallel_loop3A_1904 = vector.bitcast %parallel_loop3A_1903 : vector<16xi32> to vector<16xf32>
        %parallel_loop3A_1905 = vector.bitcast %parallel_loop3A_1900 : vector<16xi32> to vector<16xf32>
        %parallel_loop3A_1906 = arith.mulf %parallel_loop3A_1904, %parallel_loop3A_183 : vector<16xf32>
        %parallel_loop3A_1907 = arith.addf %parallel_loop3A_1893, %parallel_loop3A_1906 : vector<16xf32>
        %parallel_loop3A_1908 = arith.mulf %parallel_loop3A_1905, %parallel_loop3A_183 : vector<16xf32>
        %parallel_loop3A_1909 = arith.addf %parallel_loop3A_1894, %parallel_loop3A_1908 : vector<16xf32>
        %parallel_loop3A_1910 = arith.constant 32 : i32
        %parallel_loop3A_1911 = arith.addi %parallel_loop3A_1910, %parallel_loop3A_162 : i32
        %parallel_loop3A_1912 = arith.index_cast %select_n3A_66 : i32 to index
        %parallel_loop3A_1913 = arith.index_cast %parallel_loop3A_1911 : i32 to index
        %parallel_loop3A_1914 = arith.constant 208 : index
        %parallel_loop3A_1915 = tpu.vector_load %arg8[%parallel_loop3A_1912, %parallel_loop3A_1913, %parallel_loop3A_1914] {strides = array<i32>} : memref<2x128x256xi32, #tpu.memory_space<vmem>>, vector<16xi32>,
        %parallel_loop3A_1916 = arith.constant 16 : i32
        %parallel_loop3A_1917 = vector.broadcast %parallel_loop3A_1916 : i32 to vector<16xi32>
        %parallel_loop3A_1918 = arith.shli %parallel_loop3A_1915, %parallel_loop3A_1917 : vector<16xi32>
        %parallel_loop3A_1919 = vector.bitcast %parallel_loop3A_1918 : vector<16xi32> to vector<16xf32>
        %parallel_loop3A_1920 = vector.bitcast %parallel_loop3A_1915 : vector<16xi32> to vector<16xf32>
        %parallel_loop3A_1921 = arith.mulf %parallel_loop3A_1919, %parallel_loop3A_193 : vector<16xf32>
        %parallel_loop3A_1922 = arith.addf %parallel_loop3A_1907, %parallel_loop3A_1921 : vector<16xf32>
        %parallel_loop3A_1923 = arith.mulf %parallel_loop3A_1920, %parallel_loop3A_193 : vector<16xf32>
        %parallel_loop3A_1924 = arith.addf %parallel_loop3A_1909, %parallel_loop3A_1923 : vector<16xf32>
        %parallel_loop3A_1925 = arith.constant 48 : i32
        %parallel_loop3A_1926 = arith.addi %parallel_loop3A_1925, %parallel_loop3A_162 : i32
        %parallel_loop3A_1927 = arith.index_cast %select_n3A_66 : i32 to index
        %parallel_loop3A_1928 = arith.index_cast %parallel_loop3A_1926 : i32 to index
        %parallel_loop3A_1929 = arith.constant 208 : index
        %parallel_loop3A_1930 = tpu.vector_load %arg8[%parallel_loop3A_1927, %parallel_loop3A_1928, %parallel_loop3A_1929] {strides = array<i32>} : memref<2x128x256xi32, #tpu.memory_space<vmem>>, vector<16xi32>,
        %parallel_loop3A_1931 = arith.constant 16 : i32
        %parallel_loop3A_1932 = vector.broadcast %parallel_loop3A_1931 : i32 to vector<16xi32>
        %parallel_loop3A_1933 = arith.shli %parallel_loop3A_1930, %parallel_loop3A_1932 : vector<16xi32>
        %parallel_loop3A_1934 = vector.bitcast %parallel_loop3A_1933 : vector<16xi32> to vector<16xf32>
        %parallel_loop3A_1935 = vector.bitcast %parallel_loop3A_1930 : vector<16xi32> to vector<16xf32>
        %parallel_loop3A_1936 = arith.mulf %parallel_loop3A_1934, %parallel_loop3A_203 : vector<16xf32>
        %parallel_loop3A_1937 = arith.addf %parallel_loop3A_1922, %parallel_loop3A_1936 : vector<16xf32>
        %parallel_loop3A_1938 = arith.mulf %parallel_loop3A_1935, %parallel_loop3A_203 : vector<16xf32>
        %parallel_loop3A_1939 = arith.addf %parallel_loop3A_1924, %parallel_loop3A_1938 : vector<16xf32>
        %parallel_loop3A_1940 = arith.constant 64 : i32
        %parallel_loop3A_1941 = arith.addi %parallel_loop3A_1940, %parallel_loop3A_162 : i32
        %parallel_loop3A_1942 = arith.index_cast %select_n3A_66 : i32 to index
        %parallel_loop3A_1943 = arith.index_cast %parallel_loop3A_1941 : i32 to index
        %parallel_loop3A_1944 = arith.constant 208 : index
        %parallel_loop3A_1945 = tpu.vector_load %arg8[%parallel_loop3A_1942, %parallel_loop3A_1943, %parallel_loop3A_1944] {strides = array<i32>} : memref<2x128x256xi32, #tpu.memory_space<vmem>>, vector<16xi32>,
        %parallel_loop3A_1946 = arith.constant 16 : i32
        %parallel_loop3A_1947 = vector.broadcast %parallel_loop3A_1946 : i32 to vector<16xi32>
        %parallel_loop3A_1948 = arith.shli %parallel_loop3A_1945, %parallel_loop3A_1947 : vector<16xi32>
        %parallel_loop3A_1949 = vector.bitcast %parallel_loop3A_1948 : vector<16xi32> to vector<16xf32>
        %parallel_loop3A_1950 = vector.bitcast %parallel_loop3A_1945 : vector<16xi32> to vector<16xf32>
        %parallel_loop3A_1951 = arith.mulf %parallel_loop3A_1949, %parallel_loop3A_213 : vector<16xf32>
        %parallel_loop3A_1952 = arith.addf %parallel_loop3A_1937, %parallel_loop3A_1951 : vector<16xf32>
        %parallel_loop3A_1953 = arith.mulf %parallel_loop3A_1950, %parallel_loop3A_213 : vector<16xf32>
        %parallel_loop3A_1954 = arith.addf %parallel_loop3A_1939, %parallel_loop3A_1953 : vector<16xf32>
        %parallel_loop3A_1955 = arith.constant 80 : i32
        %parallel_loop3A_1956 = arith.addi %parallel_loop3A_1955, %parallel_loop3A_162 : i32
        %parallel_loop3A_1957 = arith.index_cast %select_n3A_66 : i32 to index
        %parallel_loop3A_1958 = arith.index_cast %parallel_loop3A_1956 : i32 to index
        %parallel_loop3A_1959 = arith.constant 208 : index
        %parallel_loop3A_1960 = tpu.vector_load %arg8[%parallel_loop3A_1957, %parallel_loop3A_1958, %parallel_loop3A_1959] {strides = array<i32>} : memref<2x128x256xi32, #tpu.memory_space<vmem>>, vector<16xi32>,
        %parallel_loop3A_1961 = arith.constant 16 : i32
        %parallel_loop3A_1962 = vector.broadcast %parallel_loop3A_1961 : i32 to vector<16xi32>
        %parallel_loop3A_1963 = arith.shli %parallel_loop3A_1960, %parallel_loop3A_1962 : vector<16xi32>
        %parallel_loop3A_1964 = vector.bitcast %parallel_loop3A_1963 : vector<16xi32> to vector<16xf32>
        %parallel_loop3A_1965 = vector.bitcast %parallel_loop3A_1960 : vector<16xi32> to vector<16xf32>
        %parallel_loop3A_1966 = arith.mulf %parallel_loop3A_1964, %parallel_loop3A_223 : vector<16xf32>
        %parallel_loop3A_1967 = arith.addf %parallel_loop3A_1952, %parallel_loop3A_1966 : vector<16xf32>
        %parallel_loop3A_1968 = arith.mulf %parallel_loop3A_1965, %parallel_loop3A_223 : vector<16xf32>
        %parallel_loop3A_1969 = arith.addf %parallel_loop3A_1954, %parallel_loop3A_1968 : vector<16xf32>
        %parallel_loop3A_1970 = arith.constant 96 : i32
        %parallel_loop3A_1971 = arith.addi %parallel_loop3A_1970, %parallel_loop3A_162 : i32
        %parallel_loop3A_1972 = arith.index_cast %select_n3A_66 : i32 to index
        %parallel_loop3A_1973 = arith.index_cast %parallel_loop3A_1971 : i32 to index
        %parallel_loop3A_1974 = arith.constant 208 : index
        %parallel_loop3A_1975 = tpu.vector_load %arg8[%parallel_loop3A_1972, %parallel_loop3A_1973, %parallel_loop3A_1974] {strides = array<i32>} : memref<2x128x256xi32, #tpu.memory_space<vmem>>, vector<16xi32>,
        %parallel_loop3A_1976 = arith.constant 16 : i32
        %parallel_loop3A_1977 = vector.broadcast %parallel_loop3A_1976 : i32 to vector<16xi32>
        %parallel_loop3A_1978 = arith.shli %parallel_loop3A_1975, %parallel_loop3A_1977 : vector<16xi32>
        %parallel_loop3A_1979 = vector.bitcast %parallel_loop3A_1978 : vector<16xi32> to vector<16xf32>
        %parallel_loop3A_1980 = vector.bitcast %parallel_loop3A_1975 : vector<16xi32> to vector<16xf32>
        %parallel_loop3A_1981 = arith.mulf %parallel_loop3A_1979, %parallel_loop3A_233 : vector<16xf32>
        %parallel_loop3A_1982 = arith.addf %parallel_loop3A_1967, %parallel_loop3A_1981 : vector<16xf32>
        %parallel_loop3A_1983 = arith.mulf %parallel_loop3A_1980, %parallel_loop3A_233 : vector<16xf32>
        %parallel_loop3A_1984 = arith.addf %parallel_loop3A_1969, %parallel_loop3A_1983 : vector<16xf32>
        %parallel_loop3A_1985 = arith.constant 112 : i32
        %parallel_loop3A_1986 = arith.addi %parallel_loop3A_1985, %parallel_loop3A_162 : i32
        %parallel_loop3A_1987 = arith.index_cast %select_n3A_66 : i32 to index
        %parallel_loop3A_1988 = arith.index_cast %parallel_loop3A_1986 : i32 to index
        %parallel_loop3A_1989 = arith.constant 208 : index
        %parallel_loop3A_1990 = tpu.vector_load %arg8[%parallel_loop3A_1987, %parallel_loop3A_1988, %parallel_loop3A_1989] {strides = array<i32>} : memref<2x128x256xi32, #tpu.memory_space<vmem>>, vector<16xi32>,
        %parallel_loop3A_1991 = arith.constant 16 : i32
        %parallel_loop3A_1992 = vector.broadcast %parallel_loop3A_1991 : i32 to vector<16xi32>
        %parallel_loop3A_1993 = arith.shli %parallel_loop3A_1990, %parallel_loop3A_1992 : vector<16xi32>
        %parallel_loop3A_1994 = vector.bitcast %parallel_loop3A_1993 : vector<16xi32> to vector<16xf32>
        %parallel_loop3A_1995 = vector.bitcast %parallel_loop3A_1990 : vector<16xi32> to vector<16xf32>
        %parallel_loop3A_1996 = arith.mulf %parallel_loop3A_1994, %parallel_loop3A_243 : vector<16xf32>
        %parallel_loop3A_1997 = arith.addf %parallel_loop3A_1982, %parallel_loop3A_1996 : vector<16xf32>
        %parallel_loop3A_1998 = arith.mulf %parallel_loop3A_1995, %parallel_loop3A_243 : vector<16xf32>
        %parallel_loop3A_1999 = arith.addf %parallel_loop3A_1984, %parallel_loop3A_1998 : vector<16xf32>
        %parallel_loop3A_2000 = arith.index_cast %select_n3A_66 : i32 to index
        %parallel_loop3A_2001 = arith.index_cast %parallel_loop3A_162 : i32 to index
        %parallel_loop3A_2002 = arith.constant 208 : index
        %parallel_loop3A_2003 = tpu.vector_load %arg9[%parallel_loop3A_2000, %parallel_loop3A_2001, %parallel_loop3A_2002] {strides = array<i32>} : memref<2x16x512xf32, #tpu.memory_space<vmem>>, vector<16xf32>,
        tpu.vector_store %arg9[%parallel_loop3A_2000, %parallel_loop3A_2001, %parallel_loop3A_2002], %parallel_loop3A_1997 {strides = array<i32>} : memref<2x16x512xf32, #tpu.memory_space<vmem>>, vector<16xf32>,
        %parallel_loop3A_2004 = arith.index_cast %select_n3A_66 : i32 to index
        %parallel_loop3A_2005 = arith.index_cast %parallel_loop3A_162 : i32 to index
        %parallel_loop3A_2006 = arith.constant 464 : index
        %parallel_loop3A_2007 = tpu.vector_load %arg9[%parallel_loop3A_2004, %parallel_loop3A_2005, %parallel_loop3A_2006] {strides = array<i32>} : memref<2x16x512xf32, #tpu.memory_space<vmem>>, vector<16xf32>,
        tpu.vector_store %arg9[%parallel_loop3A_2004, %parallel_loop3A_2005, %parallel_loop3A_2006], %parallel_loop3A_1999 {strides = array<i32>} : memref<2x16x512xf32, #tpu.memory_space<vmem>>, vector<16xf32>,
        %parallel_loop3A_2008 = arith.constant 0 : i32
        %parallel_loop3A_2009 = arith.addi %parallel_loop3A_2008, %parallel_loop3A_162 : i32
        %parallel_loop3A_2010 = arith.index_cast %select_n3A_66 : i32 to index
        %parallel_loop3A_2011 = arith.index_cast %parallel_loop3A_2009 : i32 to index
        %parallel_loop3A_2012 = arith.constant 224 : index
        %parallel_loop3A_2013 = tpu.vector_load %arg8[%parallel_loop3A_2010, %parallel_loop3A_2011, %parallel_loop3A_2012] {strides = array<i32>} : memref<2x128x256xi32, #tpu.memory_space<vmem>>, vector<16xi32>,
        %parallel_loop3A_2014 = arith.constant 16 : i32
        %parallel_loop3A_2015 = vector.broadcast %parallel_loop3A_2014 : i32 to vector<16xi32>
        %parallel_loop3A_2016 = arith.shli %parallel_loop3A_2013, %parallel_loop3A_2015 : vector<16xi32>
        %parallel_loop3A_2017 = vector.bitcast %parallel_loop3A_2016 : vector<16xi32> to vector<16xf32>
        %parallel_loop3A_2018 = vector.bitcast %parallel_loop3A_2013 : vector<16xi32> to vector<16xf32>
        %parallel_loop3A_2019 = arith.mulf %parallel_loop3A_2017, %parallel_loop3A_173 : vector<16xf32>
        %parallel_loop3A_2020 = arith.mulf %parallel_loop3A_2018, %parallel_loop3A_173 : vector<16xf32>
        %parallel_loop3A_2021 = arith.constant 16 : i32
        %parallel_loop3A_2022 = arith.addi %parallel_loop3A_2021, %parallel_loop3A_162 : i32
        %parallel_loop3A_2023 = arith.index_cast %select_n3A_66 : i32 to index
        %parallel_loop3A_2024 = arith.index_cast %parallel_loop3A_2022 : i32 to index
        %parallel_loop3A_2025 = arith.constant 224 : index
        %parallel_loop3A_2026 = tpu.vector_load %arg8[%parallel_loop3A_2023, %parallel_loop3A_2024, %parallel_loop3A_2025] {strides = array<i32>} : memref<2x128x256xi32, #tpu.memory_space<vmem>>, vector<16xi32>,
        %parallel_loop3A_2027 = arith.constant 16 : i32
        %parallel_loop3A_2028 = vector.broadcast %parallel_loop3A_2027 : i32 to vector<16xi32>
        %parallel_loop3A_2029 = arith.shli %parallel_loop3A_2026, %parallel_loop3A_2028 : vector<16xi32>
        %parallel_loop3A_2030 = vector.bitcast %parallel_loop3A_2029 : vector<16xi32> to vector<16xf32>
        %parallel_loop3A_2031 = vector.bitcast %parallel_loop3A_2026 : vector<16xi32> to vector<16xf32>
        %parallel_loop3A_2032 = arith.mulf %parallel_loop3A_2030, %parallel_loop3A_183 : vector<16xf32>
        %parallel_loop3A_2033 = arith.addf %parallel_loop3A_2019, %parallel_loop3A_2032 : vector<16xf32>
        %parallel_loop3A_2034 = arith.mulf %parallel_loop3A_2031, %parallel_loop3A_183 : vector<16xf32>
        %parallel_loop3A_2035 = arith.addf %parallel_loop3A_2020, %parallel_loop3A_2034 : vector<16xf32>
        %parallel_loop3A_2036 = arith.constant 32 : i32
        %parallel_loop3A_2037 = arith.addi %parallel_loop3A_2036, %parallel_loop3A_162 : i32
        %parallel_loop3A_2038 = arith.index_cast %select_n3A_66 : i32 to index
        %parallel_loop3A_2039 = arith.index_cast %parallel_loop3A_2037 : i32 to index
        %parallel_loop3A_2040 = arith.constant 224 : index
        %parallel_loop3A_2041 = tpu.vector_load %arg8[%parallel_loop3A_2038, %parallel_loop3A_2039, %parallel_loop3A_2040] {strides = array<i32>} : memref<2x128x256xi32, #tpu.memory_space<vmem>>, vector<16xi32>,
        %parallel_loop3A_2042 = arith.constant 16 : i32
        %parallel_loop3A_2043 = vector.broadcast %parallel_loop3A_2042 : i32 to vector<16xi32>
        %parallel_loop3A_2044 = arith.shli %parallel_loop3A_2041, %parallel_loop3A_2043 : vector<16xi32>
        %parallel_loop3A_2045 = vector.bitcast %parallel_loop3A_2044 : vector<16xi32> to vector<16xf32>
        %parallel_loop3A_2046 = vector.bitcast %parallel_loop3A_2041 : vector<16xi32> to vector<16xf32>
        %parallel_loop3A_2047 = arith.mulf %parallel_loop3A_2045, %parallel_loop3A_193 : vector<16xf32>
        %parallel_loop3A_2048 = arith.addf %parallel_loop3A_2033, %parallel_loop3A_2047 : vector<16xf32>
        %parallel_loop3A_2049 = arith.mulf %parallel_loop3A_2046, %parallel_loop3A_193 : vector<16xf32>
        %parallel_loop3A_2050 = arith.addf %parallel_loop3A_2035, %parallel_loop3A_2049 : vector<16xf32>
        %parallel_loop3A_2051 = arith.constant 48 : i32
        %parallel_loop3A_2052 = arith.addi %parallel_loop3A_2051, %parallel_loop3A_162 : i32
        %parallel_loop3A_2053 = arith.index_cast %select_n3A_66 : i32 to index
        %parallel_loop3A_2054 = arith.index_cast %parallel_loop3A_2052 : i32 to index
        %parallel_loop3A_2055 = arith.constant 224 : index
        %parallel_loop3A_2056 = tpu.vector_load %arg8[%parallel_loop3A_2053, %parallel_loop3A_2054, %parallel_loop3A_2055] {strides = array<i32>} : memref<2x128x256xi32, #tpu.memory_space<vmem>>, vector<16xi32>,
        %parallel_loop3A_2057 = arith.constant 16 : i32
        %parallel_loop3A_2058 = vector.broadcast %parallel_loop3A_2057 : i32 to vector<16xi32>
        %parallel_loop3A_2059 = arith.shli %parallel_loop3A_2056, %parallel_loop3A_2058 : vector<16xi32>
        %parallel_loop3A_2060 = vector.bitcast %parallel_loop3A_2059 : vector<16xi32> to vector<16xf32>
        %parallel_loop3A_2061 = vector.bitcast %parallel_loop3A_2056 : vector<16xi32> to vector<16xf32>
        %parallel_loop3A_2062 = arith.mulf %parallel_loop3A_2060, %parallel_loop3A_203 : vector<16xf32>
        %parallel_loop3A_2063 = arith.addf %parallel_loop3A_2048, %parallel_loop3A_2062 : vector<16xf32>
        %parallel_loop3A_2064 = arith.mulf %parallel_loop3A_2061, %parallel_loop3A_203 : vector<16xf32>
        %parallel_loop3A_2065 = arith.addf %parallel_loop3A_2050, %parallel_loop3A_2064 : vector<16xf32>
        %parallel_loop3A_2066 = arith.constant 64 : i32
        %parallel_loop3A_2067 = arith.addi %parallel_loop3A_2066, %parallel_loop3A_162 : i32
        %parallel_loop3A_2068 = arith.index_cast %select_n3A_66 : i32 to index
        %parallel_loop3A_2069 = arith.index_cast %parallel_loop3A_2067 : i32 to index
        %parallel_loop3A_2070 = arith.constant 224 : index
        %parallel_loop3A_2071 = tpu.vector_load %arg8[%parallel_loop3A_2068, %parallel_loop3A_2069, %parallel_loop3A_2070] {strides = array<i32>} : memref<2x128x256xi32, #tpu.memory_space<vmem>>, vector<16xi32>,
        %parallel_loop3A_2072 = arith.constant 16 : i32
        %parallel_loop3A_2073 = vector.broadcast %parallel_loop3A_2072 : i32 to vector<16xi32>
        %parallel_loop3A_2074 = arith.shli %parallel_loop3A_2071, %parallel_loop3A_2073 : vector<16xi32>
        %parallel_loop3A_2075 = vector.bitcast %parallel_loop3A_2074 : vector<16xi32> to vector<16xf32>
        %parallel_loop3A_2076 = vector.bitcast %parallel_loop3A_2071 : vector<16xi32> to vector<16xf32>
        %parallel_loop3A_2077 = arith.mulf %parallel_loop3A_2075, %parallel_loop3A_213 : vector<16xf32>
        %parallel_loop3A_2078 = arith.addf %parallel_loop3A_2063, %parallel_loop3A_2077 : vector<16xf32>
        %parallel_loop3A_2079 = arith.mulf %parallel_loop3A_2076, %parallel_loop3A_213 : vector<16xf32>
        %parallel_loop3A_2080 = arith.addf %parallel_loop3A_2065, %parallel_loop3A_2079 : vector<16xf32>
        %parallel_loop3A_2081 = arith.constant 80 : i32
        %parallel_loop3A_2082 = arith.addi %parallel_loop3A_2081, %parallel_loop3A_162 : i32
        %parallel_loop3A_2083 = arith.index_cast %select_n3A_66 : i32 to index
        %parallel_loop3A_2084 = arith.index_cast %parallel_loop3A_2082 : i32 to index
        %parallel_loop3A_2085 = arith.constant 224 : index
        %parallel_loop3A_2086 = tpu.vector_load %arg8[%parallel_loop3A_2083, %parallel_loop3A_2084, %parallel_loop3A_2085] {strides = array<i32>} : memref<2x128x256xi32, #tpu.memory_space<vmem>>, vector<16xi32>,
        %parallel_loop3A_2087 = arith.constant 16 : i32
        %parallel_loop3A_2088 = vector.broadcast %parallel_loop3A_2087 : i32 to vector<16xi32>
        %parallel_loop3A_2089 = arith.shli %parallel_loop3A_2086, %parallel_loop3A_2088 : vector<16xi32>
        %parallel_loop3A_2090 = vector.bitcast %parallel_loop3A_2089 : vector<16xi32> to vector<16xf32>
        %parallel_loop3A_2091 = vector.bitcast %parallel_loop3A_2086 : vector<16xi32> to vector<16xf32>
        %parallel_loop3A_2092 = arith.mulf %parallel_loop3A_2090, %parallel_loop3A_223 : vector<16xf32>
        %parallel_loop3A_2093 = arith.addf %parallel_loop3A_2078, %parallel_loop3A_2092 : vector<16xf32>
        %parallel_loop3A_2094 = arith.mulf %parallel_loop3A_2091, %parallel_loop3A_223 : vector<16xf32>
        %parallel_loop3A_2095 = arith.addf %parallel_loop3A_2080, %parallel_loop3A_2094 : vector<16xf32>
        %parallel_loop3A_2096 = arith.constant 96 : i32
        %parallel_loop3A_2097 = arith.addi %parallel_loop3A_2096, %parallel_loop3A_162 : i32
        %parallel_loop3A_2098 = arith.index_cast %select_n3A_66 : i32 to index
        %parallel_loop3A_2099 = arith.index_cast %parallel_loop3A_2097 : i32 to index
        %parallel_loop3A_2100 = arith.constant 224 : index
        %parallel_loop3A_2101 = tpu.vector_load %arg8[%parallel_loop3A_2098, %parallel_loop3A_2099, %parallel_loop3A_2100] {strides = array<i32>} : memref<2x128x256xi32, #tpu.memory_space<vmem>>, vector<16xi32>,
        %parallel_loop3A_2102 = arith.constant 16 : i32
        %parallel_loop3A_2103 = vector.broadcast %parallel_loop3A_2102 : i32 to vector<16xi32>
        %parallel_loop3A_2104 = arith.shli %parallel_loop3A_2101, %parallel_loop3A_2103 : vector<16xi32>
        %parallel_loop3A_2105 = vector.bitcast %parallel_loop3A_2104 : vector<16xi32> to vector<16xf32>
        %parallel_loop3A_2106 = vector.bitcast %parallel_loop3A_2101 : vector<16xi32> to vector<16xf32>
        %parallel_loop3A_2107 = arith.mulf %parallel_loop3A_2105, %parallel_loop3A_233 : vector<16xf32>
        %parallel_loop3A_2108 = arith.addf %parallel_loop3A_2093, %parallel_loop3A_2107 : vector<16xf32>
        %parallel_loop3A_2109 = arith.mulf %parallel_loop3A_2106, %parallel_loop3A_233 : vector<16xf32>
        %parallel_loop3A_2110 = arith.addf %parallel_loop3A_2095, %parallel_loop3A_2109 : vector<16xf32>
        %parallel_loop3A_2111 = arith.constant 112 : i32
        %parallel_loop3A_2112 = arith.addi %parallel_loop3A_2111, %parallel_loop3A_162 : i32
        %parallel_loop3A_2113 = arith.index_cast %select_n3A_66 : i32 to index
        %parallel_loop3A_2114 = arith.index_cast %parallel_loop3A_2112 : i32 to index
        %parallel_loop3A_2115 = arith.constant 224 : index
        %parallel_loop3A_2116 = tpu.vector_load %arg8[%parallel_loop3A_2113, %parallel_loop3A_2114, %parallel_loop3A_2115] {strides = array<i32>} : memref<2x128x256xi32, #tpu.memory_space<vmem>>, vector<16xi32>,
        %parallel_loop3A_2117 = arith.constant 16 : i32
        %parallel_loop3A_2118 = vector.broadcast %parallel_loop3A_2117 : i32 to vector<16xi32>
        %parallel_loop3A_2119 = arith.shli %parallel_loop3A_2116, %parallel_loop3A_2118 : vector<16xi32>
        %parallel_loop3A_2120 = vector.bitcast %parallel_loop3A_2119 : vector<16xi32> to vector<16xf32>
        %parallel_loop3A_2121 = vector.bitcast %parallel_loop3A_2116 : vector<16xi32> to vector<16xf32>
        %parallel_loop3A_2122 = arith.mulf %parallel_loop3A_2120, %parallel_loop3A_243 : vector<16xf32>
        %parallel_loop3A_2123 = arith.addf %parallel_loop3A_2108, %parallel_loop3A_2122 : vector<16xf32>
        %parallel_loop3A_2124 = arith.mulf %parallel_loop3A_2121, %parallel_loop3A_243 : vector<16xf32>
        %parallel_loop3A_2125 = arith.addf %parallel_loop3A_2110, %parallel_loop3A_2124 : vector<16xf32>
        %parallel_loop3A_2126 = arith.index_cast %select_n3A_66 : i32 to index
        %parallel_loop3A_2127 = arith.index_cast %parallel_loop3A_162 : i32 to index
        %parallel_loop3A_2128 = arith.constant 224 : index
        %parallel_loop3A_2129 = tpu.vector_load %arg9[%parallel_loop3A_2126, %parallel_loop3A_2127, %parallel_loop3A_2128] {strides = array<i32>} : memref<2x16x512xf32, #tpu.memory_space<vmem>>, vector<16xf32>,
        tpu.vector_store %arg9[%parallel_loop3A_2126, %parallel_loop3A_2127, %parallel_loop3A_2128], %parallel_loop3A_2123 {strides = array<i32>} : memref<2x16x512xf32, #tpu.memory_space<vmem>>, vector<16xf32>,
        %parallel_loop3A_2130 = arith.index_cast %select_n3A_66 : i32 to index
        %parallel_loop3A_2131 = arith.index_cast %parallel_loop3A_162 : i32 to index
        %parallel_loop3A_2132 = arith.constant 480 : index
        %parallel_loop3A_2133 = tpu.vector_load %arg9[%parallel_loop3A_2130, %parallel_loop3A_2131, %parallel_loop3A_2132] {strides = array<i32>} : memref<2x16x512xf32, #tpu.memory_space<vmem>>, vector<16xf32>,
        tpu.vector_store %arg9[%parallel_loop3A_2130, %parallel_loop3A_2131, %parallel_loop3A_2132], %parallel_loop3A_2125 {strides = array<i32>} : memref<2x16x512xf32, #tpu.memory_space<vmem>>, vector<16xf32>,
        %parallel_loop3A_2134 = arith.constant 0 : i32
        %parallel_loop3A_2135 = arith.addi %parallel_loop3A_2134, %parallel_loop3A_162 : i32
        %parallel_loop3A_2136 = arith.index_cast %select_n3A_66 : i32 to index
        %parallel_loop3A_2137 = arith.index_cast %parallel_loop3A_2135 : i32 to index
        %parallel_loop3A_2138 = arith.constant 240 : index
        %parallel_loop3A_2139 = tpu.vector_load %arg8[%parallel_loop3A_2136, %parallel_loop3A_2137, %parallel_loop3A_2138] {strides = array<i32>} : memref<2x128x256xi32, #tpu.memory_space<vmem>>, vector<16xi32>,
        %parallel_loop3A_2140 = arith.constant 16 : i32
        %parallel_loop3A_2141 = vector.broadcast %parallel_loop3A_2140 : i32 to vector<16xi32>
        %parallel_loop3A_2142 = arith.shli %parallel_loop3A_2139, %parallel_loop3A_2141 : vector<16xi32>
        %parallel_loop3A_2143 = vector.bitcast %parallel_loop3A_2142 : vector<16xi32> to vector<16xf32>
        %parallel_loop3A_2144 = vector.bitcast %parallel_loop3A_2139 : vector<16xi32> to vector<16xf32>
        %parallel_loop3A_2145 = arith.mulf %parallel_loop3A_2143, %parallel_loop3A_173 : vector<16xf32>
        %parallel_loop3A_2146 = arith.mulf %parallel_loop3A_2144, %parallel_loop3A_173 : vector<16xf32>
        %parallel_loop3A_2147 = arith.constant 16 : i32
        %parallel_loop3A_2148 = arith.addi %parallel_loop3A_2147, %parallel_loop3A_162 : i32
        %parallel_loop3A_2149 = arith.index_cast %select_n3A_66 : i32 to index
        %parallel_loop3A_2150 = arith.index_cast %parallel_loop3A_2148 : i32 to index
        %parallel_loop3A_2151 = arith.constant 240 : index
        %parallel_loop3A_2152 = tpu.vector_load %arg8[%parallel_loop3A_2149, %parallel_loop3A_2150, %parallel_loop3A_2151] {strides = array<i32>} : memref<2x128x256xi32, #tpu.memory_space<vmem>>, vector<16xi32>,
        %parallel_loop3A_2153 = arith.constant 16 : i32
        %parallel_loop3A_2154 = vector.broadcast %parallel_loop3A_2153 : i32 to vector<16xi32>
        %parallel_loop3A_2155 = arith.shli %parallel_loop3A_2152, %parallel_loop3A_2154 : vector<16xi32>
        %parallel_loop3A_2156 = vector.bitcast %parallel_loop3A_2155 : vector<16xi32> to vector<16xf32>
        %parallel_loop3A_2157 = vector.bitcast %parallel_loop3A_2152 : vector<16xi32> to vector<16xf32>
        %parallel_loop3A_2158 = arith.mulf %parallel_loop3A_2156, %parallel_loop3A_183 : vector<16xf32>
        %parallel_loop3A_2159 = arith.addf %parallel_loop3A_2145, %parallel_loop3A_2158 : vector<16xf32>
        %parallel_loop3A_2160 = arith.mulf %parallel_loop3A_2157, %parallel_loop3A_183 : vector<16xf32>
        %parallel_loop3A_2161 = arith.addf %parallel_loop3A_2146, %parallel_loop3A_2160 : vector<16xf32>
        %parallel_loop3A_2162 = arith.constant 32 : i32
        %parallel_loop3A_2163 = arith.addi %parallel_loop3A_2162, %parallel_loop3A_162 : i32
        %parallel_loop3A_2164 = arith.index_cast %select_n3A_66 : i32 to index
        %parallel_loop3A_2165 = arith.index_cast %parallel_loop3A_2163 : i32 to index
        %parallel_loop3A_2166 = arith.constant 240 : index
        %parallel_loop3A_2167 = tpu.vector_load %arg8[%parallel_loop3A_2164, %parallel_loop3A_2165, %parallel_loop3A_2166] {strides = array<i32>} : memref<2x128x256xi32, #tpu.memory_space<vmem>>, vector<16xi32>,
        %parallel_loop3A_2168 = arith.constant 16 : i32
        %parallel_loop3A_2169 = vector.broadcast %parallel_loop3A_2168 : i32 to vector<16xi32>
        %parallel_loop3A_2170 = arith.shli %parallel_loop3A_2167, %parallel_loop3A_2169 : vector<16xi32>
        %parallel_loop3A_2171 = vector.bitcast %parallel_loop3A_2170 : vector<16xi32> to vector<16xf32>
        %parallel_loop3A_2172 = vector.bitcast %parallel_loop3A_2167 : vector<16xi32> to vector<16xf32>
        %parallel_loop3A_2173 = arith.mulf %parallel_loop3A_2171, %parallel_loop3A_193 : vector<16xf32>
        %parallel_loop3A_2174 = arith.addf %parallel_loop3A_2159, %parallel_loop3A_2173 : vector<16xf32>
        %parallel_loop3A_2175 = arith.mulf %parallel_loop3A_2172, %parallel_loop3A_193 : vector<16xf32>
        %parallel_loop3A_2176 = arith.addf %parallel_loop3A_2161, %parallel_loop3A_2175 : vector<16xf32>
        %parallel_loop3A_2177 = arith.constant 48 : i32
        %parallel_loop3A_2178 = arith.addi %parallel_loop3A_2177, %parallel_loop3A_162 : i32
        %parallel_loop3A_2179 = arith.index_cast %select_n3A_66 : i32 to index
        %parallel_loop3A_2180 = arith.index_cast %parallel_loop3A_2178 : i32 to index
        %parallel_loop3A_2181 = arith.constant 240 : index
        %parallel_loop3A_2182 = tpu.vector_load %arg8[%parallel_loop3A_2179, %parallel_loop3A_2180, %parallel_loop3A_2181] {strides = array<i32>} : memref<2x128x256xi32, #tpu.memory_space<vmem>>, vector<16xi32>,
        %parallel_loop3A_2183 = arith.constant 16 : i32
        %parallel_loop3A_2184 = vector.broadcast %parallel_loop3A_2183 : i32 to vector<16xi32>
        %parallel_loop3A_2185 = arith.shli %parallel_loop3A_2182, %parallel_loop3A_2184 : vector<16xi32>
        %parallel_loop3A_2186 = vector.bitcast %parallel_loop3A_2185 : vector<16xi32> to vector<16xf32>
        %parallel_loop3A_2187 = vector.bitcast %parallel_loop3A_2182 : vector<16xi32> to vector<16xf32>
        %parallel_loop3A_2188 = arith.mulf %parallel_loop3A_2186, %parallel_loop3A_203 : vector<16xf32>
        %parallel_loop3A_2189 = arith.addf %parallel_loop3A_2174, %parallel_loop3A_2188 : vector<16xf32>
        %parallel_loop3A_2190 = arith.mulf %parallel_loop3A_2187, %parallel_loop3A_203 : vector<16xf32>
        %parallel_loop3A_2191 = arith.addf %parallel_loop3A_2176, %parallel_loop3A_2190 : vector<16xf32>
        %parallel_loop3A_2192 = arith.constant 64 : i32
        %parallel_loop3A_2193 = arith.addi %parallel_loop3A_2192, %parallel_loop3A_162 : i32
        %parallel_loop3A_2194 = arith.index_cast %select_n3A_66 : i32 to index
        %parallel_loop3A_2195 = arith.index_cast %parallel_loop3A_2193 : i32 to index
        %parallel_loop3A_2196 = arith.constant 240 : index
        %parallel_loop3A_2197 = tpu.vector_load %arg8[%parallel_loop3A_2194, %parallel_loop3A_2195, %parallel_loop3A_2196] {strides = array<i32>} : memref<2x128x256xi32, #tpu.memory_space<vmem>>, vector<16xi32>,
        %parallel_loop3A_2198 = arith.constant 16 : i32
        %parallel_loop3A_2199 = vector.broadcast %parallel_loop3A_2198 : i32 to vector<16xi32>
        %parallel_loop3A_2200 = arith.shli %parallel_loop3A_2197, %parallel_loop3A_2199 : vector<16xi32>
        %parallel_loop3A_2201 = vector.bitcast %parallel_loop3A_2200 : vector<16xi32> to vector<16xf32>
        %parallel_loop3A_2202 = vector.bitcast %parallel_loop3A_2197 : vector<16xi32> to vector<16xf32>
        %parallel_loop3A_2203 = arith.mulf %parallel_loop3A_2201, %parallel_loop3A_213 : vector<16xf32>
        %parallel_loop3A_2204 = arith.addf %parallel_loop3A_2189, %parallel_loop3A_2203 : vector<16xf32>
        %parallel_loop3A_2205 = arith.mulf %parallel_loop3A_2202, %parallel_loop3A_213 : vector<16xf32>
        %parallel_loop3A_2206 = arith.addf %parallel_loop3A_2191, %parallel_loop3A_2205 : vector<16xf32>
        %parallel_loop3A_2207 = arith.constant 80 : i32
        %parallel_loop3A_2208 = arith.addi %parallel_loop3A_2207, %parallel_loop3A_162 : i32
        %parallel_loop3A_2209 = arith.index_cast %select_n3A_66 : i32 to index
        %parallel_loop3A_2210 = arith.index_cast %parallel_loop3A_2208 : i32 to index
        %parallel_loop3A_2211 = arith.constant 240 : index
        %parallel_loop3A_2212 = tpu.vector_load %arg8[%parallel_loop3A_2209, %parallel_loop3A_2210, %parallel_loop3A_2211] {strides = array<i32>} : memref<2x128x256xi32, #tpu.memory_space<vmem>>, vector<16xi32>,
        %parallel_loop3A_2213 = arith.constant 16 : i32
        %parallel_loop3A_2214 = vector.broadcast %parallel_loop3A_2213 : i32 to vector<16xi32>
        %parallel_loop3A_2215 = arith.shli %parallel_loop3A_2212, %parallel_loop3A_2214 : vector<16xi32>
        %parallel_loop3A_2216 = vector.bitcast %parallel_loop3A_2215 : vector<16xi32> to vector<16xf32>
        %parallel_loop3A_2217 = vector.bitcast %parallel_loop3A_2212 : vector<16xi32> to vector<16xf32>
        %parallel_loop3A_2218 = arith.mulf %parallel_loop3A_2216, %parallel_loop3A_223 : vector<16xf32>
        %parallel_loop3A_2219 = arith.addf %parallel_loop3A_2204, %parallel_loop3A_2218 : vector<16xf32>
        %parallel_loop3A_2220 = arith.mulf %parallel_loop3A_2217, %parallel_loop3A_223 : vector<16xf32>
        %parallel_loop3A_2221 = arith.addf %parallel_loop3A_2206, %parallel_loop3A_2220 : vector<16xf32>
        %parallel_loop3A_2222 = arith.constant 96 : i32
        %parallel_loop3A_2223 = arith.addi %parallel_loop3A_2222, %parallel_loop3A_162 : i32
        %parallel_loop3A_2224 = arith.index_cast %select_n3A_66 : i32 to index
        %parallel_loop3A_2225 = arith.index_cast %parallel_loop3A_2223 : i32 to index
        %parallel_loop3A_2226 = arith.constant 240 : index
        %parallel_loop3A_2227 = tpu.vector_load %arg8[%parallel_loop3A_2224, %parallel_loop3A_2225, %parallel_loop3A_2226] {strides = array<i32>} : memref<2x128x256xi32, #tpu.memory_space<vmem>>, vector<16xi32>,
        %parallel_loop3A_2228 = arith.constant 16 : i32
        %parallel_loop3A_2229 = vector.broadcast %parallel_loop3A_2228 : i32 to vector<16xi32>
        %parallel_loop3A_2230 = arith.shli %parallel_loop3A_2227, %parallel_loop3A_2229 : vector<16xi32>
        %parallel_loop3A_2231 = vector.bitcast %parallel_loop3A_2230 : vector<16xi32> to vector<16xf32>
        %parallel_loop3A_2232 = vector.bitcast %parallel_loop3A_2227 : vector<16xi32> to vector<16xf32>
        %parallel_loop3A_2233 = arith.mulf %parallel_loop3A_2231, %parallel_loop3A_233 : vector<16xf32>
        %parallel_loop3A_2234 = arith.addf %parallel_loop3A_2219, %parallel_loop3A_2233 : vector<16xf32>
        %parallel_loop3A_2235 = arith.mulf %parallel_loop3A_2232, %parallel_loop3A_233 : vector<16xf32>
        %parallel_loop3A_2236 = arith.addf %parallel_loop3A_2221, %parallel_loop3A_2235 : vector<16xf32>
        %parallel_loop3A_2237 = arith.constant 112 : i32
        %parallel_loop3A_2238 = arith.addi %parallel_loop3A_2237, %parallel_loop3A_162 : i32
        %parallel_loop3A_2239 = arith.index_cast %select_n3A_66 : i32 to index
        %parallel_loop3A_2240 = arith.index_cast %parallel_loop3A_2238 : i32 to index
        %parallel_loop3A_2241 = arith.constant 240 : index
        %parallel_loop3A_2242 = tpu.vector_load %arg8[%parallel_loop3A_2239, %parallel_loop3A_2240, %parallel_loop3A_2241] {strides = array<i32>} : memref<2x128x256xi32, #tpu.memory_space<vmem>>, vector<16xi32>,
        %parallel_loop3A_2243 = arith.constant 16 : i32
        %parallel_loop3A_2244 = vector.broadcast %parallel_loop3A_2243 : i32 to vector<16xi32>
        %parallel_loop3A_2245 = arith.shli %parallel_loop3A_2242, %parallel_loop3A_2244 : vector<16xi32>
        %parallel_loop3A_2246 = vector.bitcast %parallel_loop3A_2245 : vector<16xi32> to vector<16xf32>
        %parallel_loop3A_2247 = vector.bitcast %parallel_loop3A_2242 : vector<16xi32> to vector<16xf32>
        %parallel_loop3A_2248 = arith.mulf %parallel_loop3A_2246, %parallel_loop3A_243 : vector<16xf32>
        %parallel_loop3A_2249 = arith.addf %parallel_loop3A_2234, %parallel_loop3A_2248 : vector<16xf32>
        %parallel_loop3A_2250 = arith.mulf %parallel_loop3A_2247, %parallel_loop3A_243 : vector<16xf32>
        %parallel_loop3A_2251 = arith.addf %parallel_loop3A_2236, %parallel_loop3A_2250 : vector<16xf32>
        %parallel_loop3A_2252 = arith.index_cast %select_n3A_66 : i32 to index
        %parallel_loop3A_2253 = arith.index_cast %parallel_loop3A_162 : i32 to index
        %parallel_loop3A_2254 = arith.constant 240 : index
        %parallel_loop3A_2255 = tpu.vector_load %arg9[%parallel_loop3A_2252, %parallel_loop3A_2253, %parallel_loop3A_2254] {strides = array<i32>} : memref<2x16x512xf32, #tpu.memory_space<vmem>>, vector<16xf32>,
        tpu.vector_store %arg9[%parallel_loop3A_2252, %parallel_loop3A_2253, %parallel_loop3A_2254], %parallel_loop3A_2249 {strides = array<i32>} : memref<2x16x512xf32, #tpu.memory_space<vmem>>, vector<16xf32>,
        %parallel_loop3A_2256 = arith.index_cast %select_n3A_66 : i32 to index
        %parallel_loop3A_2257 = arith.index_cast %parallel_loop3A_162 : i32 to index
        %parallel_loop3A_2258 = arith.constant 496 : index
        %parallel_loop3A_2259 = tpu.vector_load %arg9[%parallel_loop3A_2256, %parallel_loop3A_2257, %parallel_loop3A_2258] {strides = array<i32>} : memref<2x16x512xf32, #tpu.memory_space<vmem>>, vector<16xf32>,
        tpu.vector_store %arg9[%parallel_loop3A_2256, %parallel_loop3A_2257, %parallel_loop3A_2258], %parallel_loop3A_2251 {strides = array<i32>} : memref<2x16x512xf32, #tpu.memory_space<vmem>>, vector<16xf32>,
      } {sc.loop_unroll_factor = 2 : i64, sc.parallel_access}
      %jit3A_129 = arith.constant 2 : i32
      %eq3A_130 = arith.constant 0 : i32
      %eq3A_131 = arith.cmpi eq, %jit3A_129, %eq3A_130 : i32
      %jit3A_132 = arith.constant 1 : i32
      %select_n3A_133 = arith.select %eq3A_131, %jit3A_132, %jit3A_129 : i32
      %rem3A_134 = arith.remsi %scan3A_57, %select_n3A_133 : i32
      %ne3A_135 = arith.constant 0 : i32
      %ne3A_136 = arith.cmpi ne, %rem3A_134, %ne3A_135 : i32
      %lt3A_137 = arith.constant 0 : i32
      %lt3A_138 = arith.cmpi slt, %rem3A_134, %lt3A_137 : i32
      %lt3A_139 = arith.constant 0 : i32
      %lt3A_140 = arith.cmpi slt, %select_n3A_133, %lt3A_139 : i32
      %ne3A_141 = arith.xori %lt3A_138, %lt3A_140 : i1
      %and3A_142 = arith.andi %ne3A_141, %ne3A_136 : i1
      %add3A_143 = arith.addi %rem3A_134, %select_n3A_133 : i32
      %select_n3A_144 = arith.select %and3A_142, %add3A_143, %rem3A_134 : i32
      %mul3A_145 = arith.constant 16 : i32
      %mul3A_146 = arith.muli %scan3A_57, %mul3A_145 : i32
      %add3A_147 = arith.addi %mul3A_2, %mul3A_146 : i32
      %dma_start3A_148 = arith.constant 0 : i32
      %dma_start3A_149 = arith.constant 0 : i32
      %dma_start3A_150 = tpu.memref_slice %arg9[%select_n3A_144, %dma_start3A_148, %dma_start3A_149] : memref<2x16x512xf32, #tpu.memory_space<vmem>> -> memref<1x16x512xf32, #tpu.memory_space<vmem>>
      %dma_start3A_151 = tpu.memref_squeeze %dma_start3A_150 : memref<1x16x512xf32, #tpu.memory_space<vmem>> -> memref<16x512xf32, #tpu.memory_space<vmem>>
      %dma_start3A_152 = arith.constant 0 : i32
      %dma_start3A_153 = tpu.memref_slice %arg5[%add3A_147, %dma_start3A_152] : memref<65536x512xf32, #tpu.memory_space<hbm>> -> memref<16x512xf32, #tpu.memory_space<hbm>>
      %dma_start3A_154 = tpu.memref_slice %arg11[%select_n3A_144] : memref<2x!tpu.dma_semaphore, #tpu.memory_space<semaphore_mem>> -> memref<1x!tpu.dma_semaphore, #tpu.memory_space<semaphore_mem>>
      %dma_start3A_155 = tpu.memref_squeeze %dma_start3A_154 : memref<1x!tpu.dma_semaphore, #tpu.memory_space<semaphore_mem>> -> memref<!tpu.dma_semaphore, #tpu.memory_space<semaphore_mem>>
      %dma_start3A_156 = arith.constant 0 : i32
      %dma_start3A_157 = tpu.memref_slice %arg5[%add3A_147, %dma_start3A_156] : memref<65536x512xf32, #tpu.memory_space<hbm>> -> memref<16x512xf32, #tpu.memory_space<hbm>>
      %dma_start3A_158 = arith.constant 0 : i32
      %dma_start3A_159 = arith.constant 0 : i32
      %dma_start3A_160 = tpu.memref_slice %arg9[%select_n3A_144, %dma_start3A_158, %dma_start3A_159] : memref<2x16x512xf32, #tpu.memory_space<vmem>> -> memref<1x16x512xf32, #tpu.memory_space<vmem>>
      %dma_start3A_161 = tpu.memref_squeeze %dma_start3A_160 : memref<1x16x512xf32, #tpu.memory_space<vmem>> -> memref<16x512xf32, #tpu.memory_space<vmem>>
      tpu.enqueue_dma source(%dma_start3A_161 : memref<16x512xf32, #tpu.memory_space<vmem>>) target(%dma_start3A_157 : memref<16x512xf32, #tpu.memory_space<hbm>>) target_semaphore(%dma_start3A_155 : memref<!tpu.dma_semaphore, #tpu.memory_space<semaphore_mem>>)
    }
    %scan3A_21 = arith.constant 128 : i32
    %add3A_22 = arith.constant 2016 : i32
    %add3A_23 = arith.addi %mul3A_2, %add3A_22 : i32
    %dma_wait3A = arith.constant 0 : i32
    %dma_wait3A_24 = arith.constant 0 : i32
    %dma_wait3A_25 = arith.constant 0 : i32
    %dma_wait3A_26 = arith.constant 0 : i32
    %dma_wait3A_27 = tpu.memref_slice %arg9[%dma_wait3A, %dma_wait3A_25, %dma_wait3A_26] : memref<2x16x512xf32, #tpu.memory_space<vmem>> -> memref<1x16x512xf32, #tpu.memory_space<vmem>>
    %dma_wait3A_28 = tpu.memref_squeeze %dma_wait3A_27 : memref<1x16x512xf32, #tpu.memory_space<vmem>> -> memref<16x512xf32, #tpu.memory_space<vmem>>
    %dma_wait3A_29 = arith.constant 0 : i32
    %dma_wait3A_30 = tpu.memref_slice %arg5[%add3A_23, %dma_wait3A_29] : memref<65536x512xf32, #tpu.memory_space<hbm>> -> memref<16x512xf32, #tpu.memory_space<hbm>>
    %dma_wait3A_31 = tpu.memref_slice %arg11[%dma_wait3A_24] : memref<2x!tpu.dma_semaphore, #tpu.memory_space<semaphore_mem>> -> memref<1x!tpu.dma_semaphore, #tpu.memory_space<semaphore_mem>>
    %dma_wait3A_32 = tpu.memref_squeeze %dma_wait3A_31 : memref<1x!tpu.dma_semaphore, #tpu.memory_space<semaphore_mem>> -> memref<!tpu.dma_semaphore, #tpu.memory_space<semaphore_mem>>
    %dma_wait3A_33 = arith.constant 0 : i32
    %dma_wait3A_34 = tpu.memref_slice %arg5[%add3A_23, %dma_wait3A_33] : memref<65536x512xf32, #tpu.memory_space<hbm>> -> memref<16x512xf32, #tpu.memory_space<hbm>>
    %dma_wait3A_35 = arith.constant 0 : i32
    %dma_wait3A_36 = arith.constant 0 : i32
    %dma_wait3A_37 = tpu.memref_slice %arg9[%dma_wait3A, %dma_wait3A_35, %dma_wait3A_36] : memref<2x16x512xf32, #tpu.memory_space<vmem>> -> memref<1x16x512xf32, #tpu.memory_space<vmem>>
    %dma_wait3A_38 = tpu.memref_squeeze %dma_wait3A_37 : memref<1x16x512xf32, #tpu.memory_space<vmem>> -> memref<16x512xf32, #tpu.memory_space<vmem>>
    tpu.wait_dma2 semaphore(%dma_wait3A_32 : memref<!tpu.dma_semaphore, #tpu.memory_space<semaphore_mem>>) src(%dma_wait3A_38 : memref<16x512xf32, #tpu.memory_space<vmem>>) dst(%dma_wait3A_34 : memref<16x512xf32, #tpu.memory_space<hbm>>)
    %add3A_39 = arith.constant 2032 : i32
    %add3A_40 = arith.addi %mul3A_2, %add3A_39 : i32
    %dma_wait3A_41 = arith.constant 1 : i32
    %dma_wait3A_42 = arith.constant 1 : i32
    %dma_wait3A_43 = arith.constant 0 : i32
    %dma_wait3A_44 = arith.constant 0 : i32
    %dma_wait3A_45 = tpu.memref_slice %arg9[%dma_wait3A_41, %dma_wait3A_43, %dma_wait3A_44] : memref<2x16x512xf32, #tpu.memory_space<vmem>> -> memref<1x16x512xf32, #tpu.memory_space<vmem>>
    %dma_wait3A_46 = tpu.memref_squeeze %dma_wait3A_45 : memref<1x16x512xf32, #tpu.memory_space<vmem>> -> memref<16x512xf32, #tpu.memory_space<vmem>>
    %dma_wait3A_47 = arith.constant 0 : i32
    %dma_wait3A_48 = tpu.memref_slice %arg5[%add3A_40, %dma_wait3A_47] : memref<65536x512xf32, #tpu.memory_space<hbm>> -> memref<16x512xf32, #tpu.memory_space<hbm>>
    %dma_wait3A_49 = tpu.memref_slice %arg11[%dma_wait3A_42] : memref<2x!tpu.dma_semaphore, #tpu.memory_space<semaphore_mem>> -> memref<1x!tpu.dma_semaphore, #tpu.memory_space<semaphore_mem>>
    %dma_wait3A_50 = tpu.memref_squeeze %dma_wait3A_49 : memref<1x!tpu.dma_semaphore, #tpu.memory_space<semaphore_mem>> -> memref<!tpu.dma_semaphore, #tpu.memory_space<semaphore_mem>>
    %dma_wait3A_51 = arith.constant 0 : i32
    %dma_wait3A_52 = tpu.memref_slice %arg5[%add3A_40, %dma_wait3A_51] : memref<65536x512xf32, #tpu.memory_space<hbm>> -> memref<16x512xf32, #tpu.memory_space<hbm>>
    %dma_wait3A_53 = arith.constant 0 : i32
    %dma_wait3A_54 = arith.constant 0 : i32
    %dma_wait3A_55 = tpu.memref_slice %arg9[%dma_wait3A_41, %dma_wait3A_53, %dma_wait3A_54] : memref<2x16x512xf32, #tpu.memory_space<vmem>> -> memref<1x16x512xf32, #tpu.memory_space<vmem>>
    %dma_wait3A_56 = tpu.memref_squeeze %dma_wait3A_55 : memref<1x16x512xf32, #tpu.memory_space<vmem>> -> memref<16x512xf32, #tpu.memory_space<vmem>>
    tpu.wait_dma2 semaphore(%dma_wait3A_50 : memref<!tpu.dma_semaphore, #tpu.memory_space<semaphore_mem>>) src(%dma_wait3A_56 : memref<16x512xf32, #tpu.memory_space<vmem>>) dst(%dma_wait3A_52 : memref<16x512xf32, #tpu.memory_space<hbm>>)
    return
  }
}

module attributes {stable_mosaic.version = 14 : i64} {
  func.func @_prep_body(%arg0: memref<512x128xf32, #tpu.memory_space<vmem>>, %arg1: memref<512x128xf32, #tpu.memory_space<vmem>>, %arg2: memref<512x128xf32, #tpu.memory_space<vmem>>, %arg3: memref<8x512x128xi32, #tpu.memory_space<vmem>>, %arg4: memref<8x512x128xf32, #tpu.memory_space<vmem>>) attributes {dimension_semantics = [], scalar_prefetch = 0 : i64, scratch_operands = 0 : i64, tpu.core_type = #tpu.core_type<tc>} {
    %get3A = arith.constant 0 : index
    %get3A_0 = arith.constant 0 : index
    %get3A_1 = vector.load %arg0[%get3A, %get3A_0] : memref<512x128xf32, #tpu.memory_space<vmem>>, vector<512x128xf32>
    %get3A_2 = arith.constant 0 : index
    %get3A_3 = arith.constant 0 : index
    %get3A_4 = vector.load %arg1[%get3A_2, %get3A_3] : memref<512x128xf32, #tpu.memory_space<vmem>>, vector<512x128xf32>
    %get3A_5 = arith.constant 0 : index
    %get3A_6 = arith.constant 0 : index
    %get3A_7 = vector.load %arg2[%get3A_5, %get3A_6] : memref<512x128xf32, #tpu.memory_space<vmem>>, vector<512x128xf32>
    %add3A = arith.constant 1.000000e+00 : f32
    %add3A_8 = vector.broadcast %add3A : f32 to vector<512x128xf32>
    %add3A_9 = arith.addf %get3A_1, %add3A_8 : vector<512x128xf32>
    %mul3A = arith.constant 1.550000e+01 : f32
    %mul3A_10 = vector.broadcast %mul3A : f32 to vector<512x128xf32>
    %mul3A_11 = arith.mulf %add3A_9, %mul3A_10 : vector<512x128xf32>
    %floor3A = math.floor %mul3A_11 : vector<512x128xf32>
    %sub3A = arith.subf %mul3A_11, %floor3A : vector<512x128xf32>
    %sub3A_12 = arith.constant 1.000000e+00 : f32
    %sub3A_13 = vector.broadcast %sub3A_12 : f32 to vector<512x128xf32>
    %sub3A_14 = arith.subf %sub3A_13, %sub3A : vector<512x128xf32>
    %convert_element_type3A = arith.fptosi %floor3A : vector<512x128xf32> to vector<512x128xi32>
    %jit3A = arith.constant 0 : i32
    %jit3A_15 = arith.constant 31 : i32
    %max3A = vector.broadcast %jit3A : i32 to vector<512x128xi32>
    %max3A_16 = arith.maxsi %max3A, %convert_element_type3A : vector<512x128xi32>
    %min3A = vector.broadcast %jit3A_15 : i32 to vector<512x128xi32>
    %min3A_17 = arith.minsi %min3A, %max3A_16 : vector<512x128xi32>
    %add3A_18 = arith.constant 1 : i32
    %add3A_19 = vector.broadcast %add3A_18 : i32 to vector<512x128xi32>
    %add3A_20 = arith.addi %min3A_17, %add3A_19 : vector<512x128xi32>
    %jit3A_21 = arith.constant 0 : i32
    %jit3A_22 = arith.constant 31 : i32
    %max3A_23 = vector.broadcast %jit3A_21 : i32 to vector<512x128xi32>
    %max3A_24 = arith.maxsi %max3A_23, %add3A_20 : vector<512x128xi32>
    %min3A_25 = vector.broadcast %jit3A_22 : i32 to vector<512x128xi32>
    %min3A_26 = arith.minsi %min3A_25, %max3A_24 : vector<512x128xi32>
    %add3A_27 = arith.constant 1.000000e+00 : f32
    %add3A_28 = vector.broadcast %add3A_27 : f32 to vector<512x128xf32>
    %add3A_29 = arith.addf %get3A_4, %add3A_28 : vector<512x128xf32>
    %mul3A_30 = arith.constant 1.550000e+01 : f32
    %mul3A_31 = vector.broadcast %mul3A_30 : f32 to vector<512x128xf32>
    %mul3A_32 = arith.mulf %add3A_29, %mul3A_31 : vector<512x128xf32>
    %floor3A_33 = math.floor %mul3A_32 : vector<512x128xf32>
    %sub3A_34 = arith.subf %mul3A_32, %floor3A_33 : vector<512x128xf32>
    %sub3A_35 = arith.constant 1.000000e+00 : f32
    %sub3A_36 = vector.broadcast %sub3A_35 : f32 to vector<512x128xf32>
    %sub3A_37 = arith.subf %sub3A_36, %sub3A_34 : vector<512x128xf32>
    %convert_element_type3A_38 = arith.fptosi %floor3A_33 : vector<512x128xf32> to vector<512x128xi32>
    %jit3A_39 = arith.constant 0 : i32
    %jit3A_40 = arith.constant 31 : i32
    %max3A_41 = vector.broadcast %jit3A_39 : i32 to vector<512x128xi32>
    %max3A_42 = arith.maxsi %max3A_41, %convert_element_type3A_38 : vector<512x128xi32>
    %min3A_43 = vector.broadcast %jit3A_40 : i32 to vector<512x128xi32>
    %min3A_44 = arith.minsi %min3A_43, %max3A_42 : vector<512x128xi32>
    %add3A_45 = arith.constant 1 : i32
    %add3A_46 = vector.broadcast %add3A_45 : i32 to vector<512x128xi32>
    %add3A_47 = arith.addi %min3A_44, %add3A_46 : vector<512x128xi32>
    %jit3A_48 = arith.constant 0 : i32
    %jit3A_49 = arith.constant 31 : i32
    %max3A_50 = vector.broadcast %jit3A_48 : i32 to vector<512x128xi32>
    %max3A_51 = arith.maxsi %max3A_50, %add3A_47 : vector<512x128xi32>
    %min3A_52 = vector.broadcast %jit3A_49 : i32 to vector<512x128xi32>
    %min3A_53 = arith.minsi %min3A_52, %max3A_51 : vector<512x128xi32>
    %add3A_54 = arith.constant 1.000000e+00 : f32
    %add3A_55 = vector.broadcast %add3A_54 : f32 to vector<512x128xf32>
    %add3A_56 = arith.addf %get3A_7, %add3A_55 : vector<512x128xf32>
    %mul3A_57 = arith.constant 1.550000e+01 : f32
    %mul3A_58 = vector.broadcast %mul3A_57 : f32 to vector<512x128xf32>
    %mul3A_59 = arith.mulf %add3A_56, %mul3A_58 : vector<512x128xf32>
    %floor3A_60 = math.floor %mul3A_59 : vector<512x128xf32>
    %sub3A_61 = arith.subf %mul3A_59, %floor3A_60 : vector<512x128xf32>
    %sub3A_62 = arith.constant 1.000000e+00 : f32
    %sub3A_63 = vector.broadcast %sub3A_62 : f32 to vector<512x128xf32>
    %sub3A_64 = arith.subf %sub3A_63, %sub3A_61 : vector<512x128xf32>
    %convert_element_type3A_65 = arith.fptosi %floor3A_60 : vector<512x128xf32> to vector<512x128xi32>
    %jit3A_66 = arith.constant 0 : i32
    %jit3A_67 = arith.constant 31 : i32
    %max3A_68 = vector.broadcast %jit3A_66 : i32 to vector<512x128xi32>
    %max3A_69 = arith.maxsi %max3A_68, %convert_element_type3A_65 : vector<512x128xi32>
    %min3A_70 = vector.broadcast %jit3A_67 : i32 to vector<512x128xi32>
    %min3A_71 = arith.minsi %min3A_70, %max3A_69 : vector<512x128xi32>
    %add3A_72 = arith.constant 1 : i32
    %add3A_73 = vector.broadcast %add3A_72 : i32 to vector<512x128xi32>
    %add3A_74 = arith.addi %min3A_71, %add3A_73 : vector<512x128xi32>
    %jit3A_75 = arith.constant 0 : i32
    %jit3A_76 = arith.constant 31 : i32
    %max3A_77 = vector.broadcast %jit3A_75 : i32 to vector<512x128xi32>
    %max3A_78 = arith.maxsi %max3A_77, %add3A_74 : vector<512x128xi32>
    %min3A_79 = vector.broadcast %jit3A_76 : i32 to vector<512x128xi32>
    %min3A_80 = arith.minsi %min3A_79, %max3A_78 : vector<512x128xi32>
    %iota3A = tpu.iota {dimensions = array<i32: 0>} : vector<512x128xi32>
    %ge3A = arith.constant 256 : i32
    %ge3A_81 = vector.broadcast %ge3A : i32 to vector<512x128xi32>
    %ge3A_82 = arith.cmpi sge, %iota3A, %ge3A_81 : vector<512x128xi32>
    %jit3A_83 = arith.constant 32768 : i32
    %jit3A_84 = arith.constant 0 : i32
    %broadcast_in_dim3A = vector.broadcast %jit3A_83 : i32 to vector<512x128xi32>
    %broadcast_in_dim3A_85 = vector.broadcast %jit3A_84 : i32 to vector<512x128xi32>
    %select_n3A = arith.select %ge3A_82, %broadcast_in_dim3A, %broadcast_in_dim3A_85 : vector<512x128xi1>, vector<512x128xi32>
    %mul3A_86 = arith.constant 1024 : i32
    %mul3A_87 = vector.broadcast %mul3A_86 : i32 to vector<512x128xi32>
    %mul3A_88 = arith.muli %min3A_71, %mul3A_87 : vector<512x128xi32>
    %add3A_89 = arith.addi %select_n3A, %mul3A_88 : vector<512x128xi32>
    %mul3A_90 = arith.constant 32 : i32
    %mul3A_91 = vector.broadcast %mul3A_90 : i32 to vector<512x128xi32>
    %mul3A_92 = arith.muli %min3A_44, %mul3A_91 : vector<512x128xi32>
    %add3A_93 = arith.addi %add3A_89, %mul3A_92 : vector<512x128xi32>
    %add3A_94 = arith.addi %add3A_93, %min3A_17 : vector<512x128xi32>
    %swap3A = arith.constant 0 : index
    %swap3A_95 = arith.constant 0 : index
    %swap3A_96 = arith.constant 0 : index
    %swap3A_97 = vector.load %arg3[%swap3A, %swap3A_95, %swap3A_96] : memref<8x512x128xi32, #tpu.memory_space<vmem>>, vector<1x512x128xi32>
    %swap3A_98 = vector.shape_cast %swap3A_97 : vector<1x512x128xi32> to vector<512x128xi32>
    %swap3A_99 = vector.shape_cast %add3A_94 : vector<512x128xi32> to vector<1x512x128xi32>
    tpu.vector_store %arg3[%swap3A, %swap3A_95, %swap3A_96], %swap3A_99 {strides = array<i32>} : memref<8x512x128xi32, #tpu.memory_space<vmem>>, vector<1x512x128xi32>,
    %mul3A_100 = arith.mulf %sub3A_64, %sub3A_37 : vector<512x128xf32>
    %mul3A_101 = arith.mulf %mul3A_100, %sub3A_14 : vector<512x128xf32>
    %swap3A_102 = arith.constant 0 : index
    %swap3A_103 = arith.constant 0 : index
    %swap3A_104 = arith.constant 0 : index
    %swap3A_105 = vector.load %arg4[%swap3A_102, %swap3A_103, %swap3A_104] : memref<8x512x128xf32, #tpu.memory_space<vmem>>, vector<1x512x128xf32>
    %swap3A_106 = vector.shape_cast %swap3A_105 : vector<1x512x128xf32> to vector<512x128xf32>
    %swap3A_107 = vector.shape_cast %mul3A_101 : vector<512x128xf32> to vector<1x512x128xf32>
    tpu.vector_store %arg4[%swap3A_102, %swap3A_103, %swap3A_104], %swap3A_107 {strides = array<i32>} : memref<8x512x128xf32, #tpu.memory_space<vmem>>, vector<1x512x128xf32>,
    %mul3A_108 = arith.constant 1024 : i32
    %mul3A_109 = vector.broadcast %mul3A_108 : i32 to vector<512x128xi32>
    %mul3A_110 = arith.muli %min3A_71, %mul3A_109 : vector<512x128xi32>
    %add3A_111 = arith.addi %select_n3A, %mul3A_110 : vector<512x128xi32>
    %mul3A_112 = arith.constant 32 : i32
    %mul3A_113 = vector.broadcast %mul3A_112 : i32 to vector<512x128xi32>
    %mul3A_114 = arith.muli %min3A_44, %mul3A_113 : vector<512x128xi32>
    %add3A_115 = arith.addi %add3A_111, %mul3A_114 : vector<512x128xi32>
    %add3A_116 = arith.addi %add3A_115, %min3A_26 : vector<512x128xi32>
    %swap3A_117 = arith.constant 1 : index
    %swap3A_118 = arith.constant 0 : index
    %swap3A_119 = arith.constant 0 : index
    %swap3A_120 = vector.load %arg3[%swap3A_117, %swap3A_118, %swap3A_119] : memref<8x512x128xi32, #tpu.memory_space<vmem>>, vector<1x512x128xi32>
    %swap3A_121 = vector.shape_cast %swap3A_120 : vector<1x512x128xi32> to vector<512x128xi32>
    %swap3A_122 = vector.shape_cast %add3A_116 : vector<512x128xi32> to vector<1x512x128xi32>
    tpu.vector_store %arg3[%swap3A_117, %swap3A_118, %swap3A_119], %swap3A_122 {strides = array<i32>} : memref<8x512x128xi32, #tpu.memory_space<vmem>>, vector<1x512x128xi32>,
    %mul3A_123 = arith.mulf %sub3A_64, %sub3A_37 : vector<512x128xf32>
    %mul3A_124 = arith.mulf %mul3A_123, %sub3A : vector<512x128xf32>
    %swap3A_125 = arith.constant 1 : index
    %swap3A_126 = arith.constant 0 : index
    %swap3A_127 = arith.constant 0 : index
    %swap3A_128 = vector.load %arg4[%swap3A_125, %swap3A_126, %swap3A_127] : memref<8x512x128xf32, #tpu.memory_space<vmem>>, vector<1x512x128xf32>
    %swap3A_129 = vector.shape_cast %swap3A_128 : vector<1x512x128xf32> to vector<512x128xf32>
    %swap3A_130 = vector.shape_cast %mul3A_124 : vector<512x128xf32> to vector<1x512x128xf32>
    tpu.vector_store %arg4[%swap3A_125, %swap3A_126, %swap3A_127], %swap3A_130 {strides = array<i32>} : memref<8x512x128xf32, #tpu.memory_space<vmem>>, vector<1x512x128xf32>,
    %mul3A_131 = arith.constant 1024 : i32
    %mul3A_132 = vector.broadcast %mul3A_131 : i32 to vector<512x128xi32>
    %mul3A_133 = arith.muli %min3A_71, %mul3A_132 : vector<512x128xi32>
    %add3A_134 = arith.addi %select_n3A, %mul3A_133 : vector<512x128xi32>
    %mul3A_135 = arith.constant 32 : i32
    %mul3A_136 = vector.broadcast %mul3A_135 : i32 to vector<512x128xi32>
    %mul3A_137 = arith.muli %min3A_53, %mul3A_136 : vector<512x128xi32>
    %add3A_138 = arith.addi %add3A_134, %mul3A_137 : vector<512x128xi32>
    %add3A_139 = arith.addi %add3A_138, %min3A_17 : vector<512x128xi32>
    %swap3A_140 = arith.constant 2 : index
    %swap3A_141 = arith.constant 0 : index
    %swap3A_142 = arith.constant 0 : index
    %swap3A_143 = vector.load %arg3[%swap3A_140, %swap3A_141, %swap3A_142] : memref<8x512x128xi32, #tpu.memory_space<vmem>>, vector<1x512x128xi32>
    %swap3A_144 = vector.shape_cast %swap3A_143 : vector<1x512x128xi32> to vector<512x128xi32>
    %swap3A_145 = vector.shape_cast %add3A_139 : vector<512x128xi32> to vector<1x512x128xi32>
    tpu.vector_store %arg3[%swap3A_140, %swap3A_141, %swap3A_142], %swap3A_145 {strides = array<i32>} : memref<8x512x128xi32, #tpu.memory_space<vmem>>, vector<1x512x128xi32>,
    %mul3A_146 = arith.mulf %sub3A_64, %sub3A_34 : vector<512x128xf32>
    %mul3A_147 = arith.mulf %mul3A_146, %sub3A_14 : vector<512x128xf32>
    %swap3A_148 = arith.constant 2 : index
    %swap3A_149 = arith.constant 0 : index
    %swap3A_150 = arith.constant 0 : index
    %swap3A_151 = vector.load %arg4[%swap3A_148, %swap3A_149, %swap3A_150] : memref<8x512x128xf32, #tpu.memory_space<vmem>>, vector<1x512x128xf32>
    %swap3A_152 = vector.shape_cast %swap3A_151 : vector<1x512x128xf32> to vector<512x128xf32>
    %swap3A_153 = vector.shape_cast %mul3A_147 : vector<512x128xf32> to vector<1x512x128xf32>
    tpu.vector_store %arg4[%swap3A_148, %swap3A_149, %swap3A_150], %swap3A_153 {strides = array<i32>} : memref<8x512x128xf32, #tpu.memory_space<vmem>>, vector<1x512x128xf32>,
    %mul3A_154 = arith.constant 1024 : i32
    %mul3A_155 = vector.broadcast %mul3A_154 : i32 to vector<512x128xi32>
    %mul3A_156 = arith.muli %min3A_71, %mul3A_155 : vector<512x128xi32>
    %add3A_157 = arith.addi %select_n3A, %mul3A_156 : vector<512x128xi32>
    %mul3A_158 = arith.constant 32 : i32
    %mul3A_159 = vector.broadcast %mul3A_158 : i32 to vector<512x128xi32>
    %mul3A_160 = arith.muli %min3A_53, %mul3A_159 : vector<512x128xi32>
    %add3A_161 = arith.addi %add3A_157, %mul3A_160 : vector<512x128xi32>
    %add3A_162 = arith.addi %add3A_161, %min3A_26 : vector<512x128xi32>
    %swap3A_163 = arith.constant 3 : index
    %swap3A_164 = arith.constant 0 : index
    %swap3A_165 = arith.constant 0 : index
    %swap3A_166 = vector.load %arg3[%swap3A_163, %swap3A_164, %swap3A_165] : memref<8x512x128xi32, #tpu.memory_space<vmem>>, vector<1x512x128xi32>
    %swap3A_167 = vector.shape_cast %swap3A_166 : vector<1x512x128xi32> to vector<512x128xi32>
    %swap3A_168 = vector.shape_cast %add3A_162 : vector<512x128xi32> to vector<1x512x128xi32>
    tpu.vector_store %arg3[%swap3A_163, %swap3A_164, %swap3A_165], %swap3A_168 {strides = array<i32>} : memref<8x512x128xi32, #tpu.memory_space<vmem>>, vector<1x512x128xi32>,
    %mul3A_169 = arith.mulf %sub3A_64, %sub3A_34 : vector<512x128xf32>
    %mul3A_170 = arith.mulf %mul3A_169, %sub3A : vector<512x128xf32>
    %swap3A_171 = arith.constant 3 : index
    %swap3A_172 = arith.constant 0 : index
    %swap3A_173 = arith.constant 0 : index
    %swap3A_174 = vector.load %arg4[%swap3A_171, %swap3A_172, %swap3A_173] : memref<8x512x128xf32, #tpu.memory_space<vmem>>, vector<1x512x128xf32>
    %swap3A_175 = vector.shape_cast %swap3A_174 : vector<1x512x128xf32> to vector<512x128xf32>
    %swap3A_176 = vector.shape_cast %mul3A_170 : vector<512x128xf32> to vector<1x512x128xf32>
    tpu.vector_store %arg4[%swap3A_171, %swap3A_172, %swap3A_173], %swap3A_176 {strides = array<i32>} : memref<8x512x128xf32, #tpu.memory_space<vmem>>, vector<1x512x128xf32>,
    %mul3A_177 = arith.constant 1024 : i32
    %mul3A_178 = vector.broadcast %mul3A_177 : i32 to vector<512x128xi32>
    %mul3A_179 = arith.muli %min3A_80, %mul3A_178 : vector<512x128xi32>
    %add3A_180 = arith.addi %select_n3A, %mul3A_179 : vector<512x128xi32>
    %mul3A_181 = arith.constant 32 : i32
    %mul3A_182 = vector.broadcast %mul3A_181 : i32 to vector<512x128xi32>
    %mul3A_183 = arith.muli %min3A_44, %mul3A_182 : vector<512x128xi32>
    %add3A_184 = arith.addi %add3A_180, %mul3A_183 : vector<512x128xi32>
    %add3A_185 = arith.addi %add3A_184, %min3A_17 : vector<512x128xi32>
    %swap3A_186 = arith.constant 4 : index
    %swap3A_187 = arith.constant 0 : index
    %swap3A_188 = arith.constant 0 : index
    %swap3A_189 = vector.load %arg3[%swap3A_186, %swap3A_187, %swap3A_188] : memref<8x512x128xi32, #tpu.memory_space<vmem>>, vector<1x512x128xi32>
    %swap3A_190 = vector.shape_cast %swap3A_189 : vector<1x512x128xi32> to vector<512x128xi32>
    %swap3A_191 = vector.shape_cast %add3A_185 : vector<512x128xi32> to vector<1x512x128xi32>
    tpu.vector_store %arg3[%swap3A_186, %swap3A_187, %swap3A_188], %swap3A_191 {strides = array<i32>} : memref<8x512x128xi32, #tpu.memory_space<vmem>>, vector<1x512x128xi32>,
    %mul3A_192 = arith.mulf %sub3A_61, %sub3A_37 : vector<512x128xf32>
    %mul3A_193 = arith.mulf %mul3A_192, %sub3A_14 : vector<512x128xf32>
    %swap3A_194 = arith.constant 4 : index
    %swap3A_195 = arith.constant 0 : index
    %swap3A_196 = arith.constant 0 : index
    %swap3A_197 = vector.load %arg4[%swap3A_194, %swap3A_195, %swap3A_196] : memref<8x512x128xf32, #tpu.memory_space<vmem>>, vector<1x512x128xf32>
    %swap3A_198 = vector.shape_cast %swap3A_197 : vector<1x512x128xf32> to vector<512x128xf32>
    %swap3A_199 = vector.shape_cast %mul3A_193 : vector<512x128xf32> to vector<1x512x128xf32>
    tpu.vector_store %arg4[%swap3A_194, %swap3A_195, %swap3A_196], %swap3A_199 {strides = array<i32>} : memref<8x512x128xf32, #tpu.memory_space<vmem>>, vector<1x512x128xf32>,
    %mul3A_200 = arith.constant 1024 : i32
    %mul3A_201 = vector.broadcast %mul3A_200 : i32 to vector<512x128xi32>
    %mul3A_202 = arith.muli %min3A_80, %mul3A_201 : vector<512x128xi32>
    %add3A_203 = arith.addi %select_n3A, %mul3A_202 : vector<512x128xi32>
    %mul3A_204 = arith.constant 32 : i32
    %mul3A_205 = vector.broadcast %mul3A_204 : i32 to vector<512x128xi32>
    %mul3A_206 = arith.muli %min3A_44, %mul3A_205 : vector<512x128xi32>
    %add3A_207 = arith.addi %add3A_203, %mul3A_206 : vector<512x128xi32>
    %add3A_208 = arith.addi %add3A_207, %min3A_26 : vector<512x128xi32>
    %swap3A_209 = arith.constant 5 : index
    %swap3A_210 = arith.constant 0 : index
    %swap3A_211 = arith.constant 0 : index
    %swap3A_212 = vector.load %arg3[%swap3A_209, %swap3A_210, %swap3A_211] : memref<8x512x128xi32, #tpu.memory_space<vmem>>, vector<1x512x128xi32>
    %swap3A_213 = vector.shape_cast %swap3A_212 : vector<1x512x128xi32> to vector<512x128xi32>
    %swap3A_214 = vector.shape_cast %add3A_208 : vector<512x128xi32> to vector<1x512x128xi32>
    tpu.vector_store %arg3[%swap3A_209, %swap3A_210, %swap3A_211], %swap3A_214 {strides = array<i32>} : memref<8x512x128xi32, #tpu.memory_space<vmem>>, vector<1x512x128xi32>,
    %mul3A_215 = arith.mulf %sub3A_61, %sub3A_37 : vector<512x128xf32>
    %mul3A_216 = arith.mulf %mul3A_215, %sub3A : vector<512x128xf32>
    %swap3A_217 = arith.constant 5 : index
    %swap3A_218 = arith.constant 0 : index
    %swap3A_219 = arith.constant 0 : index
    %swap3A_220 = vector.load %arg4[%swap3A_217, %swap3A_218, %swap3A_219] : memref<8x512x128xf32, #tpu.memory_space<vmem>>, vector<1x512x128xf32>
    %swap3A_221 = vector.shape_cast %swap3A_220 : vector<1x512x128xf32> to vector<512x128xf32>
    %swap3A_222 = vector.shape_cast %mul3A_216 : vector<512x128xf32> to vector<1x512x128xf32>
    tpu.vector_store %arg4[%swap3A_217, %swap3A_218, %swap3A_219], %swap3A_222 {strides = array<i32>} : memref<8x512x128xf32, #tpu.memory_space<vmem>>, vector<1x512x128xf32>,
    %mul3A_223 = arith.constant 1024 : i32
    %mul3A_224 = vector.broadcast %mul3A_223 : i32 to vector<512x128xi32>
    %mul3A_225 = arith.muli %min3A_80, %mul3A_224 : vector<512x128xi32>
    %add3A_226 = arith.addi %select_n3A, %mul3A_225 : vector<512x128xi32>
    %mul3A_227 = arith.constant 32 : i32
    %mul3A_228 = vector.broadcast %mul3A_227 : i32 to vector<512x128xi32>
    %mul3A_229 = arith.muli %min3A_53, %mul3A_228 : vector<512x128xi32>
    %add3A_230 = arith.addi %add3A_226, %mul3A_229 : vector<512x128xi32>
    %add3A_231 = arith.addi %add3A_230, %min3A_17 : vector<512x128xi32>
    %swap3A_232 = arith.constant 6 : index
    %swap3A_233 = arith.constant 0 : index
    %swap3A_234 = arith.constant 0 : index
    %swap3A_235 = vector.load %arg3[%swap3A_232, %swap3A_233, %swap3A_234] : memref<8x512x128xi32, #tpu.memory_space<vmem>>, vector<1x512x128xi32>
    %swap3A_236 = vector.shape_cast %swap3A_235 : vector<1x512x128xi32> to vector<512x128xi32>
    %swap3A_237 = vector.shape_cast %add3A_231 : vector<512x128xi32> to vector<1x512x128xi32>
    tpu.vector_store %arg3[%swap3A_232, %swap3A_233, %swap3A_234], %swap3A_237 {strides = array<i32>} : memref<8x512x128xi32, #tpu.memory_space<vmem>>, vector<1x512x128xi32>,
    %mul3A_238 = arith.mulf %sub3A_61, %sub3A_34 : vector<512x128xf32>
    %mul3A_239 = arith.mulf %mul3A_238, %sub3A_14 : vector<512x128xf32>
    %swap3A_240 = arith.constant 6 : index
    %swap3A_241 = arith.constant 0 : index
    %swap3A_242 = arith.constant 0 : index
    %swap3A_243 = vector.load %arg4[%swap3A_240, %swap3A_241, %swap3A_242] : memref<8x512x128xf32, #tpu.memory_space<vmem>>, vector<1x512x128xf32>
    %swap3A_244 = vector.shape_cast %swap3A_243 : vector<1x512x128xf32> to vector<512x128xf32>
    %swap3A_245 = vector.shape_cast %mul3A_239 : vector<512x128xf32> to vector<1x512x128xf32>
    tpu.vector_store %arg4[%swap3A_240, %swap3A_241, %swap3A_242], %swap3A_245 {strides = array<i32>} : memref<8x512x128xf32, #tpu.memory_space<vmem>>, vector<1x512x128xf32>,
    %mul3A_246 = arith.constant 1024 : i32
    %mul3A_247 = vector.broadcast %mul3A_246 : i32 to vector<512x128xi32>
    %mul3A_248 = arith.muli %min3A_80, %mul3A_247 : vector<512x128xi32>
    %add3A_249 = arith.addi %select_n3A, %mul3A_248 : vector<512x128xi32>
    %mul3A_250 = arith.constant 32 : i32
    %mul3A_251 = vector.broadcast %mul3A_250 : i32 to vector<512x128xi32>
    %mul3A_252 = arith.muli %min3A_53, %mul3A_251 : vector<512x128xi32>
    %add3A_253 = arith.addi %add3A_249, %mul3A_252 : vector<512x128xi32>
    %add3A_254 = arith.addi %add3A_253, %min3A_26 : vector<512x128xi32>
    %swap3A_255 = arith.constant 7 : index
    %swap3A_256 = arith.constant 0 : index
    %swap3A_257 = arith.constant 0 : index
    %swap3A_258 = vector.load %arg3[%swap3A_255, %swap3A_256, %swap3A_257] : memref<8x512x128xi32, #tpu.memory_space<vmem>>, vector<1x512x128xi32>
    %swap3A_259 = vector.shape_cast %swap3A_258 : vector<1x512x128xi32> to vector<512x128xi32>
    %swap3A_260 = vector.shape_cast %add3A_254 : vector<512x128xi32> to vector<1x512x128xi32>
    tpu.vector_store %arg3[%swap3A_255, %swap3A_256, %swap3A_257], %swap3A_260 {strides = array<i32>} : memref<8x512x128xi32, #tpu.memory_space<vmem>>, vector<1x512x128xi32>,
    %mul3A_261 = arith.mulf %sub3A_61, %sub3A_34 : vector<512x128xf32>
    %mul3A_262 = arith.mulf %mul3A_261, %sub3A : vector<512x128xf32>
    %swap3A_263 = arith.constant 7 : index
    %swap3A_264 = arith.constant 0 : index
    %swap3A_265 = arith.constant 0 : index
    %swap3A_266 = vector.load %arg4[%swap3A_263, %swap3A_264, %swap3A_265] : memref<8x512x128xf32, #tpu.memory_space<vmem>>, vector<1x512x128xf32>
    %swap3A_267 = vector.shape_cast %swap3A_266 : vector<1x512x128xf32> to vector<512x128xf32>
    %swap3A_268 = vector.shape_cast %mul3A_262 : vector<512x128xf32> to vector<1x512x128xf32>
    tpu.vector_store %arg4[%swap3A_263, %swap3A_264, %swap3A_265], %swap3A_268 {strides = array<i32>} : memref<8x512x128xf32, #tpu.memory_space<vmem>>, vector<1x512x128xf32>,
    return
  }
}

module attributes {stable_mosaic.version = 14 : i64} {
  func.func @_pack_body(%arg0: i32, %arg1: memref<2048x512xbf16, #tpu.memory_space<vmem>>, %arg2: memref<2048x256xi32, #tpu.memory_space<vmem>>) attributes {dimension_semantics = [#tpu.dimension_semantics<arbitrary>], iteration_bounds = array<i64: 32>, scalar_prefetch = 0 : i64, scratch_operands = 0 : i64, tpu.core_type = #tpu.core_type<tc>, window_params = [{transform_indices = @transform_0, window_bounds = array<i64: 2048, 512>}, {transform_indices = @transform_1, window_bounds = array<i64: 2048, 256>}]} {
    %get3A = arith.constant 0 : index
    %get3A_0 = arith.constant 0 : index
    %get3A_1 = vector.load %arg1[%get3A, %get3A_0] : memref<2048x512xbf16, #tpu.memory_space<vmem>>, vector<2048x512xbf16>
    %slice3A = vector.extract_strided_slice %get3A_1 {offsets = [0, 0], sizes = [2048, 256], strides = [1, 1]} : vector<2048x512xbf16> to vector<2048x256xbf16>
    %bitcast_convert_type3A = tpu.bitcast %slice3A : vector<2048x256xbf16> -> vector<2048x256xi16>
    %convert_element_type3A = arith.extui %bitcast_convert_type3A : vector<2048x256xi16> to vector<2048x256xi32>
    %slice3A_2 = vector.extract_strided_slice %get3A_1 {offsets = [0, 256], sizes = [2048, 256], strides = [1, 1]} : vector<2048x512xbf16> to vector<2048x256xbf16>
    %bitcast_convert_type3A_3 = tpu.bitcast %slice3A_2 : vector<2048x256xbf16> -> vector<2048x256xi16>
    %convert_element_type3A_4 = arith.extui %bitcast_convert_type3A_3 : vector<2048x256xi16> to vector<2048x256xi32>
    %shift_left3A = arith.constant 16 : i32
    %shift_left3A_5 = vector.broadcast %shift_left3A : i32 to vector<2048x256xi32>
    %shift_left3A_6 = arith.shli %convert_element_type3A_4, %shift_left3A_5 : vector<2048x256xi32>
    %or3A = arith.ori %convert_element_type3A, %shift_left3A_6 : vector<2048x256xi32>
    %swap3A = arith.constant 0 : index
    %swap3A_7 = arith.constant 0 : index
    %swap3A_8 = vector.load %arg2[%swap3A, %swap3A_7] : memref<2048x256xi32, #tpu.memory_space<vmem>>, vector<2048x256xi32>
    tpu.vector_store %arg2[%swap3A, %swap3A_7], %or3A {strides = array<i32>} : memref<2048x256xi32, #tpu.memory_space<vmem>>, vector<2048x256xi32>,
    return
  }
  func.func @transform_0(%arg0: i32) -> (i32, i32) {
    %c0_i32 = arith.constant 0 : i32
    %c0_i32_0 = arith.constant 0 : i32
    return %arg0, %c0_i32 : i32, i32
  }
  func.func @transform_1(%arg0: i32) -> (i32, i32) {
    %c0_i32 = arith.constant 0 : i32
    %c0_i32_0 = arith.constant 0 : i32
    return %arg0, %c0_i32 : i32, i32
  }
}

</mosaic_0001>

<sc_bundles>
// kernel: kernel.5.cloned.1.call-start
scs
__scs_entry_jumppad:
0x0: {  	(pc) =	sbr.rel $0x88, $3  }
0x1: {  	(tag) =	ssettag $0x0;
	lr =	simm.s32 $0x1  }
0x2: {  	[smem:$0x3F9F] =	sst lr;
	_ =	strace $0xD0000000  }
0x3: {  	_ = 	snop  }
0x4: {  	_ = 	snop  }
0x5: {  	_ = 	snop  }
0x6: {  	_ = 	snop  }
0x7: {  	_ = 	snop  }
__scs_overlays_trampoline_lowered:
0x8: {  	[smem:$0x3FAE] =	sst s0  }
0x9: {  	[smem:$0x3FAF] =	sst s1  }
0xa: {  	[smem:$0x3FB0] =	sst s2  }
0xb: {  	[smem:$0x3FB1] =	sst s3  }
0xc: {  	[smem:$0x3FB2] =	sst s4  }
0xd: {  	[smem:$0x3FB3] =	sst s5  }
0xe: {  	[smem:$0x3FB4] =	sst s6  }
0xf: {  	[smem:$0x3FB5] =	sst s7  }
0x10: {  	[smem:$0x3FB6] =	sst s8  }
0x11: {  	[smem:$0x3FB7] =	sst s9;
	s0 =	simm.s32 @!p0 $0x0  }
0x12: {  	s1 =	sld [smem:$0x3F9D];
	s0 =	simm.s32 @p0 $0x1  }
0x13: {  	[smem:$0x3FB8] =	sst s0;
	s0 =	simm.s32 @!p1 $0x0  }
0x14: {  	s2 =	sld [smem:$0x3F9C];
	s0 =	simm.s32 @p1 $0x1  }
0x15: {  	[smem:$0x3FB9] =	sst s0;
	s0 =	simm.s32 @!p2 $0x0  }
0x16: {  	s3 =	sld [smem:$0x3FDB];
	s0 =	simm.s32 @p2 $0x1  }
0x17: {  	s4 =	simm.s32 $0x1BF5;
	[smem:$0x3FBB] =	sst s0  }
0x18: {  	s0 =	sld [smem:$0x3F9E];
	_ =	swait.ge [sflag:s4], $0x0  }
0x19: {  	s7 =	sld [smem:$0x3F9F]  }
0x1a: {  	s8 =	sadd.s32 $0xFFFFE003, lr  }
0x1b: {  	s9 =	sadd.s32 $0xFFFFFEF7, lr;
	s5 =	simm.s32 $0xFFFFFFFF;
	p2 =	slt.u32 s8, $0xFFFFF086  }
0x1c: {  	p1 =	slt.u32 s9, $0xF7A;
	s5 =	simm.s32 @!p2 $0x0  }
0x1d: {  	s5 =	simm.s32 @p1 $0x1;
	p0 =	seq.s32 s7, s2  }
0x1e: {  	s7 =	smul.u32 @!p0 $0xF7A, s2;
	p2 =	seq.s32 @!p0 s5, $0x0  }
0x1f: {  	s9 =	smul.u32 $0xF7A, s1;
	s8 =	simm.s32 @!p0 $0x1BF5;
	p2 =	por !p2, p0  }
0x20: {  	[sflag:s8] =	ssyncset.s32 @!p0 $0xFFFFF086;
	s6 =	sadd.s32 @!p0 s3, s7;
	s7 =	simm.s32 @!p0 $0x108  }
0x21: {  	s3 =	sadd.s32 s3, s9;
	s6 =	sadd.s32 @!p0 $0x88, s6;
	s7 =	simm.s32 @p2 $0x1082  }
0x22: {  	[simem:s7], [sflag:s8] =	dma.local @!p0 [hbm:s6], $0xF7A  }
0x23: {  	s9 =	sor.u32 $0xD0000000, s2;
	s6 =	simm.s32 $0x108;
	_ =	swait.ge @!p0 [sflag:s8], $0x0  }
0x24: {  	s3 =	sadd.s32 $0x88, s3;
	s6 =	simm.s32 @!p1 $0x1082;
	[sflag:s4] =	ssyncset.s32 $0xFFFFF086  }
0x25: {  	[simem:s6], [sflag:s4] =	dma.local [hbm:s3], $0xF7A  }
0x26: {  	[smem:$0x3F9F] =	sst s1;
	(tag) =	ssettag s2;
	_ =	strace s9  }
0x27: {  	s1 =	sld [smem:$0x3FAF]  }
0x28: {  	s2 =	sld [smem:$0x3FB0]  }
0x29: {  	s4 =	sld [smem:$0x3FB2]  }
0x2a: {  	p0 =	seq.s32 s5, $0x0;
	s5 =	sld [smem:$0x3FB3]  }
0x2b: {  	s6 =	sld [smem:$0x3FB4]  }
0x2c: {  	s7 =	sld [smem:$0x3FB5]  }
0x2d: {  	s3 =	simm.s32 $0x108;
	s8 =	sld [smem:$0x3FB6]  }
0x2e: {  	s3 =	simm.s32 @!p0 $0x1082;
	s9 =	sld [smem:$0x3FB7]  }
0x2f: {  	lr =	sadd.s32 s0, s3;
	s0 =	sld [smem:$0x3FAE]  }
0x30: {  	s3 =	sld [smem:$0x3FB1]  }
0x31: {  	[smem:$0x3FBA] =	sst s10  }
0x32: {  	s10 =	sld [smem:$0x3FB8];
	_ =	sdelay $0x3  }
0x33: {  	p0 =	seq.s32 s10, $0x1;
	s10 =	sld [smem:$0x3FBA];
	_ =	sdelay $0x3  }
0x34: {  	[smem:$0x3FBA] =	sst s10  }
0x35: {  	s10 =	sld [smem:$0x3FB9];
	_ =	sdelay $0x3  }
0x36: {  	p1 =	seq.s32 s10, $0x1;
	s10 =	sld [smem:$0x3FBA];
	_ =	sdelay $0x3  }
0x37: {  	[smem:$0x3FBA] =	sst s10  }
0x38: {  	s10 =	sld [smem:$0x3FBB]  }
0x39: {  	_ = 	snop;
	(pc) =	sbr.ind lr, $3  }
0x3a: {  	_ = 	snop  }
0x3b: {  	_ = 	snop  }
0x3c: {  	p2 =	seq.s32 s10, $0x1;
	s10 =	sld [smem:$0x3FBA]  }
0x3d: {  	_ =	shalt  }
0x3e: {  	_ =	shalt  }
0x3f: {  	_ =	shalt  }
0x40: {  	_ =	shalt  }
0x41: {  	_ =	shalt  }
0x42: {  	_ =	shalt  }
0x43: {  	_ =	shalt  }
0x44: {  	_ =	shalt  }
0x45: {  	_ =	shalt  }
0x46: {  	_ =	shalt  }
0x47: {  	_ =	shalt  }
0x48: {  	_ =	shalt  }
0x49: {  	_ =	shalt  }
0x4a: {  	_ =	shalt  }
0x4b: {  	_ =	shalt  }
0x4c: {  	_ =	shalt  }
0x4d: {  	_ =	shalt  }
0x4e: {  	_ =	shalt  }
0x4f: {  	_ =	shalt  }
0x50: {  	_ =	shalt  }
0x51: {  	_ =	shalt  }
0x52: {  	_ =	shalt  }
0x53: {  	_ =	shalt  }
0x54: {  	_ =	shalt  }
0x55: {  	_ =	shalt  }
0x56: {  	_ =	shalt  }
0x57: {  	_ =	shalt  }
0x58: {  	_ =	shalt  }
0x59: {  	_ =	shalt  }
0x5a: {  	_ =	shalt  }
0x5b: {  	_ =	shalt  }
0x5c: {  	_ =	shalt  }
0x5d: {  	_ =	shalt  }
0x5e: {  	_ =	shalt  }
0x5f: {  	_ =	shalt  }
0x60: {  	_ =	shalt  }
0x61: {  	_ =	shalt  }
0x62: {  	_ =	shalt  }
0x63: {  	_ =	shalt  }
0x64: {  	_ =	shalt  }
0x65: {  	_ =	shalt  }
0x66: {  	_ =	shalt  }
0x67: {  	_ =	shalt  }
0x68: {  	_ =	shalt  }
0x69: {  	_ =	shalt  }
0x6a: {  	_ =	shalt  }
0x6b: {  	_ =	shalt  }
0x6c: {  	_ =	shalt  }
0x6d: {  	_ =	shalt  }
0x6e: {  	_ =	shalt  }
0x6f: {  	_ =	shalt  }
0x70: {  	_ =	shalt  }
0x71: {  	_ =	shalt  }
0x72: {  	_ =	shalt  }
0x73: {  	_ =	shalt  }
0x74: {  	_ =	shalt  }
0x75: {  	_ =	shalt  }
0x76: {  	_ =	shalt  }
0x77: {  	_ =	shalt  }
0x78: {  	_ =	shalt  }
0x79: {  	_ =	shalt  }
0x7a: {  	_ =	shalt  }
0x7b: {  	_ =	shalt  }
0x7c: {  	_ =	shalt  }
0x7d: {  	_ =	shalt  }
0x7e: {  	_ =	shalt  }
0x7f: {  	_ =	shalt  }
0x80: {  	_ =	shalt  }
0x81: {  	_ =	shalt  }
0x82: {  	_ =	shalt  }
0x83: {  	_ =	shalt  }
0x84: {  	_ =	shalt  }
0x85: {  	_ =	shalt  }
0x86: {  	_ =	shalt  }
0x87: {  	_ =	shalt  }
.Lfunc_end0:
.L_simem_size_0:
called_computation_lowered:
.L_overlay_start_0:
0x88: {  	s2 =	sld [smem:$0x3FD9]  }
0x89: {  	s3 =	sld [smem:$0x3FFE];
	_ =	sdelay $0x1  }
0x8a: {  	s1 =	srdreg.scid  }
0x8b: {  	s0 =	sand.u32 $0x1, s1  }
0x8c: {  	s17 =	sshll.u32 s0, $0xA;
	s2 =	sadd.s32 s3, s2  }
0x8d: {  	s2 =	sadd.s32 s2, s17  }
0x8e: {  	[smem:$0x3FC6] =	sst s2  }
0x8f: {  	_ = 	snop  }
0x90: {  	s2 =	sld [smem:$0x3FD0];
	(tm) =	ssettm $0x1  }
0x91: {  	s18 =	sld [smem:$0x3FFB];
	_ =	sdelay $0x3  }
0x92: {  	_ =	strace s18  }
0x93: {  	s3 =	sld [smem:$0x3FFC];
	_ =	sdelay $0x3  }
0x94: {  	_ =	strace s3  }
0x95: {  	s3 =	sld [smem:$0x3FFD];
	_ =	sdelay $0x3  }
0x96: {  	_ =	strace s3  }
0x97: {  	_ =	strace $0x8FFFFFFF  }
0x98: {  	s19 =	sld [smem:$0x3FDB];
	_ =	sdelay $0x1  }
0x99: {  	s4 =	simm.s32 $_scs_section_size  }
0x9a: {  	s5 =	simm.s32 $_size__tile_overlayer_lowered;
	s6 =	simm.s32 $_tile_overlayer_lowered  }
0x9b: {  	s22 =	simm.s32 $0x1BFF;
	s21 =	sshll.u32 s6, $0x1;
	s3 =	sadd.s32 s4, s19  }
0x9c: {  	s7 =	simm.s32 $0x0;
	s20 =	sshll.u32 s5, $0x1;
	s5 =	sadd.s32 s21, s3  }
0x9d: {  	[timem:s7], [sflag:s22] =	dma.local [hbm:s5], s20  }
0x9e: {  	_ =	swait.ge [sflag:s22], s20  }
0x9f: {  	s4 =	ssub.s32 $0x0, s20;
	[sflag:s22] =	ssyncset.done $0x0  }
0xa0: {  	[sflag:s22] =	ssyncadd.s32 s4;
	_ =	sdelay $0x1  }
0xa1: {  	s23 =	simm.s32 $0x1B8B  }
0xa2: {  	_ =	swait.ge [sflag:s23], $0x1  }
0xa3: {  	[sflag:s23] =	ssyncset.done $0x0  }
0xa4: {  	s25 =	simm.s32 $0x1B8E;
	s24 =	sld [smem:$0x3FFE];
	[sflag:s23] =	ssyncadd.s32 $0xFFFFFFFF  }
0xa5: {  	s26 =	simm.s32 $execute0_lowered;
	[smem:$0x3FD2] =	sst s25  }
0xa6: {  	s5 =	sshll.u32 s26, $0x1;
	_ =	strace $0x80000046;
	[dreg:$0x1] =	wrdreg $0xFFFFFFFF  }
0xa7: {  	s28 =	simm.s32 $_size_execute0_lowered;
	s3 =	sadd.s32 s3, s5;
	[dreg:$0x0] =	wrdreg $0x0  }
0xa8: {  	s5 =	sshll.u32 s28, $0x1;
	[dreg:$0x2] =	wrdreg s3  }
0xa9: {  	[dreg:$0x3] =	wrdreg s5  }
0xaa: {  	[dreg:$0x4] =	wrdreg $0xC0  }
0xab: {  	_ =	task [dreg:s7], $0x5FFFF  }
0xac: {  	[dreg:$0x1] =	wrdreg $0xFFFFFFFF  }
0xad: {  	[dreg:$0x0] =	wrdreg $0x60  }
0xae: {  	[dreg:$0x2] =	wrdreg s24  }
0xaf: {  	[dreg:$0x3] =	wrdreg s2  }
0xb0: {  	[dreg:$0x4] =	wrdreg $0x9  }
0xb1: {  	_ =	task.clear_ibuf [dreg:s7], $0x5FFFF;
	_ =	strace $0x90000046  }
0xb2: {  	s29 =	simm.s32 $0x9;
	_ =	strace $0x80000048  }
0xb3: {  	_ =	swait.ge [sflag:s29], $0x1  }
0xb4: {  	[sflag:s29] =	ssyncadd.s32 $0xFFFFFFFF  }
0xb5: {  	_ =	strace $0x90000048  }
0xb6: {  	_ =	sfence  }
0xb7: {  	s30 =	sld [smem:$0x0];
	_ =	sdelay $0x2  }
0xb8: {  	s31 =	sshll.u32 s1, $0xD;
	s1 =	sshrl.u32 s1, $0x2  }
0xb9: {  	s3 =	sand.u32 $0x4000, s31;
	s1 =	sadd.s32 s1, s30  }
0xba: {  	s0 =	sor.u32 s3, s0;
	s1 =	sshll.u32 s1, $0x11  }
0xbb: {  	s0 =	sor.u32 s1, s0  }
0xbc: {  	s0 =	sadd.s32 $0x8F2B, s0  }
0xbd: {  	[sflag:s0] =	ssyncadd.remote.s32 $0x1  }
0xbe: {  	_ =	sfence.sel $0xFFFF  }
0xbf: {  	[dreg:$0x0] =	wrdreg $0xFFFFFFFF;
	(pc) =	sbr.abs _section_cstart, $3  }
0xc0: {  	[dreg:$0x1] =	wrdreg $0xFFFFFFFF  }
0xc1: {  	_ =	task.clear_ibuf [dreg:s7], $0x2FFFF;
	_ =	strace $0x9FFFFFFF  }
0xc2: {  	(tm) =	ssettm $0x7FFFFFFF  }
0xc3: {  	_ =	shalt  }
tec
execute0_lowered:
.L_overlay_start_1:
0x0: {  	(tag) =	ssettag $0x1  }
0x1: {  	s0 =	rddreg [dreg:$0x0]  }
0x2: {  	s1 =	rddreg [dreg:$0x1]  }
0x3: {  	s3 =	srdreg.scid;
	s4 =	stileid.u32;
	s2 =	simm.s32 $0x0  }
0x4: {  	s8 =	simm.s32 $0x5;
	s28 =	simm.s32 $0x4;
	s29 =	simm.s32 $0x0  }
0x5: {  	s3 =	sand.u32 $0x1, s3;
	s4 =	sshll.u32 s4, $0x1;
	[smem:$0x7FF] =	sst s2  }
0x6: {  	s4 =	sor.u32 s3, s4;
	_ =	strace $0x80000047;
	s6 =	ssub.s32 $0x2, s3  }
0x7: {  	s3 =	sadd.s32 $0x20800, s0;
	s5 =	sshll.u32 s4, $0xB;
	s26 =	sshrl.u32 s6, $0x1  }
0x8: {  	v2 =	vlaneseq.u32;
	s30 =	sshll.u32 s4, $0x11;
	s5 =	sadd.s32 s5, s0;
	s0 =	ssub.s32 s6, s26  }
0x9: {  	vm0 =	vmmov $0xffff;
	v1 =	vshrl.u32 v2, $0x3;
	s6 =	sadd.s32 s1, s30;
	s26 =	simm.s32 $0x3;
	s31 =	sadd.s32 $0x800, s5  }
0xa: {  	v0 =	vand.u32 $0x7, v2;
	v2 =	vor.u32 $0x8, v2;
	v1 =	vmul.u32 $0x8, v1;
	s5 =	sadd.s32 $0x10800, s5;
	s7 =	smax.u32 s0, $0x1;
	[dreg:$0x3] =	wrdreg s31  }
.LBB2_1:
0xb: {  	s0 =	rddreg [dreg:$0x3]  }
0xc: {  	[tilespmem:s2], [sflag:$0x5] =	stream.linear.gather [hbm4b:s0+s2], $0x4000, $0x38;
	[tilespmem:$0x1C000] =	vst v63  }
0xd: {  	_ =	swait.ge [sflag:s8], $0x4000  }
0xe: {  	[sflag:s8] =	ssyncset.done $0x0  }
0xf: {  	s10 =	simm.s32 $0x4000;
	[sflag:s8] =	ssyncadd.s32 $0xFFFFC000  }
0x10: {  	[tilespmem:s10], [sflag:$0x5] =	stream.linear.gather [hbm4b:s5+s2], $0x4000, $0x38;
	[tilespmem:$0x1C000] =	vst v63  }
0x11: {  	_ =	swait.ge [sflag:s8], $0x4000  }
0x12: {  	[sflag:s8] =	ssyncset.done $0x0  }
0x13: {  	[sflag:s8] =	ssyncadd.s32 $0xFFFFC000  }
0x14: {  	v3 =	vld [tilespmem:$0x0];
	_ =	sdelay $0x4  }
0x15: {  	v4 =	vshll.u32 v3, $0x1  }
0x16: {  	v3 =	vand.u32 $0x7, v3;
	v4 =	vand.u32 $0xFFFFFFF0, v4  }
0x17: {  	v3 =	vor.u32 v3, v4  }
0x18: {  	v4 =	vperm.xlane v3, v0;
	_ =	sdelay $0x1  }
0x19: {  	v3 =	vperm.xlane v3, v2;
	v4 =	vadd.s32 v1, v4;
	_ =	sdelay $0x1  }
0x1a: {  	v3 =	vadd.s32 v1, v3;
	_ =	sdelay $0x1  }
0x1b: {  	s11 =	simm.s32 $0x8000  }
0x1c: {  	[tilespmem:s11], [sflag:$0x1] =	stream.indirect_vreg.gather [hbm4b:s3+s2], $0x80, v4, vm0, $0xb8;
	[tilespmem:$0x1C000] =	vst v63  }
0x1d: {  	s12 =	simm.s32 $0x8800  }
0x1e: {  	[tilespmem:s12], [sflag:$0x1] =	stream.indirect_vreg.gather [hbm4b:s3+s2], $0x80, v3, vm0, $0xb8;
	[tilespmem:$0x1C000] =	vst v63  }
0x1f: {  	v3 =	vld [tilespmem:$0x10];
	_ =	sdelay $0x4  }
0x20: {  	v57 =	vshll.u32 v3, $0x1  }
0x21: {  	v3 =	vand.u32 $0x7, v3;
	v4 =	vand.u32 $0xFFFFFFF0, v57  }
0x22: {  	v3 =	vor.u32 v3, v4  }
0x23: {  	v4 =	vperm.xlane v3, v0;
	_ =	sdelay $0x1  }
0x24: {  	v3 =	vperm.xlane v3, v2;
	v4 =	vadd.s32 v1, v4;
	_ =	sdelay $0x1  }
0x25: {  	v3 =	vadd.s32 v1, v3;
	_ =	sdelay $0x1  }
0x26: {  	s13 =	simm.s32 $0x9000  }
0x27: {  	[tilespmem:s13], [sflag:$0x1] =	stream.indirect_vreg.gather [hbm4b:s3+s2], $0x80, v4, vm0, $0xb8;
	[tilespmem:$0x1C000] =	vst v63  }
0x28: {  	s14 =	simm.s32 $0x9800  }
0x29: {  	[tilespmem:s14], [sflag:$0x1] =	stream.indirect_vreg.gather [hbm4b:s3+s2], $0x80, v3, vm0, $0xb8;
	[tilespmem:$0x1C000] =	vst v63  }
0x2a: {  	v3 =	vld [tilespmem:$0x20];
	_ =	sdelay $0x4  }
0x2b: {  	v58 =	vshll.u32 v3, $0x1  }
0x2c: {  	v3 =	vand.u32 $0x7, v3;
	v4 =	vand.u32 $0xFFFFFFF0, v58  }
0x2d: {  	v3 =	vor.u32 v3, v4  }
0x2e: {  	v4 =	vperm.xlane v3, v0;
	_ =	sdelay $0x1  }
0x2f: {  	v3 =	vperm.xlane v3, v2;
	v4 =	vadd.s32 v1, v4;
	_ =	sdelay $0x1  }
0x30: {  	v3 =	vadd.s32 v1, v3;
	_ =	sdelay $0x1  }
0x31: {  	s15 =	simm.s32 $0xA000  }
0x32: {  	[tilespmem:s15], [sflag:$0x1] =	stream.indirect_vreg.gather [hbm4b:s3+s2], $0x80, v4, vm0, $0xb8;
	[tilespmem:$0x1C000] =	vst v63  }
0x33: {  	s16 =	simm.s32 $0xA800  }
0x34: {  	[tilespmem:s16], [sflag:$0x1] =	stream.indirect_vreg.gather [hbm4b:s3+s2], $0x80, v3, vm0, $0xb8;
	[tilespmem:$0x1C000] =	vst v63  }
0x35: {  	v3 =	vld [tilespmem:$0x30];
	_ =	sdelay $0x4  }
0x36: {  	v59 =	vshll.u32 v3, $0x1  }
0x37: {  	v3 =	vand.u32 $0x7, v3;
	v4 =	vand.u32 $0xFFFFFFF0, v59  }
0x38: {  	v3 =	vor.u32 v3, v4  }
0x39: {  	v4 =	vperm.xlane v3, v0;
	_ =	sdelay $0x1  }
0x3a: {  	v3 =	vperm.xlane v3, v2;
	v4 =	vadd.s32 v1, v4;
	_ =	sdelay $0x1  }
0x3b: {  	v3 =	vadd.s32 v1, v3;
	_ =	sdelay $0x1  }
0x3c: {  	s17 =	simm.s32 $0xB000  }
0x3d: {  	[tilespmem:s17], [sflag:$0x1] =	stream.indirect_vreg.gather [hbm4b:s3+s2], $0x80, v4, vm0, $0xb8;
	[tilespmem:$0x1C000] =	vst v63  }
0x3e: {  	s18 =	simm.s32 $0xB800  }
0x3f: {  	[tilespmem:s18], [sflag:$0x1] =	stream.indirect_vreg.gather [hbm4b:s3+s2], $0x80, v3, vm0, $0xb8;
	[tilespmem:$0x1C000] =	vst v63  }
0x40: {  	v3 =	vld [tilespmem:$0x40];
	_ =	sdelay $0x4  }
0x41: {  	v60 =	vshll.u32 v3, $0x1  }
0x42: {  	v3 =	vand.u32 $0x7, v3;
	v4 =	vand.u32 $0xFFFFFFF0, v60  }
0x43: {  	v3 =	vor.u32 v3, v4  }
0x44: {  	v4 =	vperm.xlane v3, v0;
	_ =	sdelay $0x1  }
0x45: {  	v3 =	vperm.xlane v3, v2;
	v4 =	vadd.s32 v1, v4;
	_ =	sdelay $0x1  }
0x46: {  	v3 =	vadd.s32 v1, v3;
	_ =	sdelay $0x1  }
0x47: {  	s19 =	simm.s32 $0xC000  }
0x48: {  	[tilespmem:s19], [sflag:$0x1] =	stream.indirect_vreg.gather [hbm4b:s3+s2], $0x80, v4, vm0, $0xb8;
	[tilespmem:$0x1C000] =	vst v63  }
0x49: {  	s20 =	simm.s32 $0xC800  }
0x4a: {  	[tilespmem:s20], [sflag:$0x1] =	stream.indirect_vreg.gather [hbm4b:s3+s2], $0x80, v3, vm0, $0xb8;
	[tilespmem:$0x1C000] =	vst v63  }
0x4b: {  	v3 =	vld [tilespmem:$0x50];
	_ =	sdelay $0x4  }
0x4c: {  	v61 =	vshll.u32 v3, $0x1  }
0x4d: {  	v3 =	vand.u32 $0x7, v3;
	v4 =	vand.u32 $0xFFFFFFF0, v61  }
0x4e: {  	v3 =	vor.u32 v3, v4  }
0x4f: {  	v4 =	vperm.xlane v3, v0;
	_ =	sdelay $0x1  }
0x50: {  	v3 =	vperm.xlane v3, v2;
	v4 =	vadd.s32 v1, v4;
	_ =	sdelay $0x1  }
0x51: {  	v3 =	vadd.s32 v1, v3;
	_ =	sdelay $0x1  }
0x52: {  	s21 =	simm.s32 $0xD000  }
0x53: {  	[tilespmem:s21], [sflag:$0x1] =	stream.indirect_vreg.gather [hbm4b:s3+s2], $0x80, v4, vm0, $0xb8;
	[tilespmem:$0x1C000] =	vst v63  }
0x54: {  	s22 =	simm.s32 $0xD800  }
0x55: {  	[tilespmem:s22], [sflag:$0x1] =	stream.indirect_vreg.gather [hbm4b:s3+s2], $0x80, v3, vm0, $0xb8;
	[tilespmem:$0x1C000] =	vst v63  }
0x56: {  	v3 =	vld [tilespmem:$0x60];
	_ =	sdelay $0x4  }
0x57: {  	v62 =	vshll.u32 v3, $0x1  }
0x58: {  	v3 =	vand.u32 $0x7, v3;
	v4 =	vand.u32 $0xFFFFFFF0, v62  }
0x59: {  	v3 =	vor.u32 v3, v4  }
0x5a: {  	v4 =	vperm.xlane v3, v0;
	_ =	sdelay $0x1  }
0x5b: {  	v3 =	vperm.xlane v3, v2;
	v4 =	vadd.s32 v1, v4;
	_ =	sdelay $0x1  }
0x5c: {  	v3 =	vadd.s32 v1, v3;
	_ =	sdelay $0x1  }
0x5d: {  	s23 =	simm.s32 $0xE000  }
0x5e: {  	[tilespmem:s23], [sflag:$0x1] =	stream.indirect_vreg.gather [hbm4b:s3+s2], $0x80, v4, vm0, $0xb8;
	[tilespmem:$0x1C000] =	vst v63  }
0x5f: {  	s24 =	simm.s32 $0xE800  }
0x60: {  	[tilespmem:s24], [sflag:$0x1] =	stream.indirect_vreg.gather [hbm4b:s3+s2], $0x80, v3, vm0, $0xb8;
	[tilespmem:$0x1C000] =	vst v63  }
0x61: {  	v3 =	vld [tilespmem:$0x70];
	_ =	sdelay $0x4  }
0x62: {  	v63 =	vshll.u32 v3, $0x1  }
0x63: {  	v3 =	vand.u32 $0x7, v3;
	v4 =	vand.u32 $0xFFFFFFF0, v63  }
0x64: {  	v3 =	vor.u32 v3, v4  }
0x65: {  	v4 =	vperm.xlane v3, v0;
	_ =	sdelay $0x1  }
0x66: {  	v3 =	vperm.xlane v3, v2;
	v4 =	vadd.s32 v1, v4;
	_ =	sdelay $0x1  }
0x67: {  	v3 =	vadd.s32 v1, v3;
	_ =	sdelay $0x1  }
0x68: {  	s25 =	simm.s32 $0xF000  }
0x69: {  	[tilespmem:s25], [sflag:$0x1] =	stream.indirect_vreg.gather [hbm4b:s3+s2], $0x80, v4, vm0, $0xb8;
	[tilespmem:$0x1C000] =	vst v63  }
0x6a: {  	s31 =	simm.s32 $0xF800;
	s30 =	simm.s32 $0x0  }
0x6b: {  	[tilespmem:s31], [sflag:$0x1] =	stream.indirect_vreg.gather [hbm4b:s3+s2], $0x80, v3, vm0, $0xb8;
	[tilespmem:$0x1C000] =	vst v63  }
.LBB2_2:
0x6c: {  	p0 =	seq.s32 s30, $0x7F  }
.Ltmp0:
0x6d: {  	_ = 	snop;
	(pc) =	sbr.rel @p0 .LBB2_4-.Ltmp0, $2  }
0x6e: {  	_ =	sdelay $0x2  }
0x6f: {  	s31 =	sadd.s32 $0x1, s30  }
0x70: {  	s0 =	sshll.u32 s31, $0x7  }
0x71: {  	s1 =	sand.u32 $0x3FFFFF80, s0  }
0x72: {  	v3 =	vld [tilespmem:s1+$0x0];
	_ =	sdelay $0x4  }
0x73: {  	v4 =	vshll.u32 v3, $0x1  }
0x74: {  	v3 =	vand.u32 $0x7, v3;
	v4 =	vand.u32 $0xFFFFFFF0, v4  }
0x75: {  	v3 =	vor.u32 v3, v4  }
0x76: {  	v4 =	vperm.xlane v3, v0;
	_ =	sdelay $0x1  }
0x77: {  	v3 =	vperm.xlane v3, v2;
	v4 =	vadd.s32 v1, v4;
	_ =	sdelay $0x1  }
0x78: {  	s9 =	sand.u32 $0x1, s31;
	v3 =	vadd.s32 v1, v3  }
0x79: {  	s11 =	sshll.u32 s9, $0xF  }
0x7a: {  	s9 =	sadd.s32 $0x1, s9;
	s10 =	sadd.s32 $0x8000, s11  }
0x7b: {  	[tilespmem:s10], [sflag:s9] =	stream.indirect_vreg.gather [hbm4b:s3+s2], $0x80, v4, vm0, $0xb8;
	[tilespmem:$0x1C000] =	vst v63  }
0x7c: {  	s12 =	sadd.s32 $0x8800, s11  }
0x7d: {  	[tilespmem:s12], [sflag:s9] =	stream.indirect_vreg.gather [hbm4b:s3+s2], $0x80, v3, vm0, $0xb8;
	[tilespmem:$0x1C000] =	vst v63  }
0x7e: {  	v3 =	vld [tilespmem:s1+$0x10];
	_ =	sdelay $0x4  }
0x7f: {  	v57 =	vshll.u32 v3, $0x1  }
0x80: {  	v3 =	vand.u32 $0x7, v3;
	v4 =	vand.u32 $0xFFFFFFF0, v57  }
0x81: {  	v3 =	vor.u32 v3, v4  }
0x82: {  	v4 =	vperm.xlane v3, v0;
	_ =	sdelay $0x1  }
0x83: {  	v3 =	vperm.xlane v3, v2;
	v4 =	vadd.s32 v1, v4;
	_ =	sdelay $0x1  }
0x84: {  	v3 =	vadd.s32 v1, v3;
	_ =	sdelay $0x1  }
0x85: {  	s13 =	sadd.s32 $0x9000, s11  }
0x86: {  	[tilespmem:s13], [sflag:s9] =	stream.indirect_vreg.gather [hbm4b:s3+s2], $0x80, v4, vm0, $0xb8;
	[tilespmem:$0x1C000] =	vst v63  }
0x87: {  	s14 =	sadd.s32 $0x9800, s11  }
0x88: {  	[tilespmem:s14], [sflag:s9] =	stream.indirect_vreg.gather [hbm4b:s3+s2], $0x80, v3, vm0, $0xb8;
	[tilespmem:$0x1C000] =	vst v63  }
0x89: {  	v3 =	vld [tilespmem:s1+$0x20];
	_ =	sdelay $0x4  }
0x8a: {  	v58 =	vshll.u32 v3, $0x1  }
0x8b: {  	v3 =	vand.u32 $0x7, v3;
	v4 =	vand.u32 $0xFFFFFFF0, v58  }
0x8c: {  	v3 =	vor.u32 v3, v4  }
0x8d: {  	v4 =	vperm.xlane v3, v0;
	_ =	sdelay $0x1  }
0x8e: {  	v3 =	vperm.xlane v3, v2;
	v4 =	vadd.s32 v1, v4;
	_ =	sdelay $0x1  }
0x8f: {  	v3 =	vadd.s32 v1, v3;
	_ =	sdelay $0x1  }
0x90: {  	s15 =	sadd.s32 $0xA000, s11  }
0x91: {  	[tilespmem:s15], [sflag:s9] =	stream.indirect_vreg.gather [hbm4b:s3+s2], $0x80, v4, vm0, $0xb8;
	[tilespmem:$0x1C000] =	vst v63  }
0x92: {  	s16 =	sadd.s32 $0xA800, s11  }
0x93: {  	[tilespmem:s16], [sflag:s9] =	stream.indirect_vreg.gather [hbm4b:s3+s2], $0x80, v3, vm0, $0xb8;
	[tilespmem:$0x1C000] =	vst v63  }
0x94: {  	v3 =	vld [tilespmem:s1+$0x30];
	_ =	sdelay $0x4  }
0x95: {  	v59 =	vshll.u32 v3, $0x1  }
0x96: {  	v3 =	vand.u32 $0x7, v3;
	v4 =	vand.u32 $0xFFFFFFF0, v59  }
0x97: {  	v3 =	vor.u32 v3, v4  }
0x98: {  	v4 =	vperm.xlane v3, v0;
	_ =	sdelay $0x1  }
0x99: {  	v3 =	vperm.xlane v3, v2;
	v4 =	vadd.s32 v1, v4;
	_ =	sdelay $0x1  }
0x9a: {  	v3 =	vadd.s32 v1, v3;
	_ =	sdelay $0x1  }
0x9b: {  	s17 =	sadd.s32 $0xB000, s11  }
0x9c: {  	[tilespmem:s17], [sflag:s9] =	stream.indirect_vreg.gather [hbm4b:s3+s2], $0x80, v4, vm0, $0xb8;
	[tilespmem:$0x1C000] =	vst v63  }
0x9d: {  	s18 =	sadd.s32 $0xB800, s11  }
0x9e: {  	[tilespmem:s18], [sflag:s9] =	stream.indirect_vreg.gather [hbm4b:s3+s2], $0x80, v3, vm0, $0xb8;
	[tilespmem:$0x1C000] =	vst v63  }
0x9f: {  	v3 =	vld [tilespmem:s1+$0x40];
	_ =	sdelay $0x4  }
0xa0: {  	v60 =	vshll.u32 v3, $0x1  }
0xa1: {  	v3 =	vand.u32 $0x7, v3;
	v4 =	vand.u32 $0xFFFFFFF0, v60  }
0xa2: {  	v3 =	vor.u32 v3, v4  }
0xa3: {  	v4 =	vperm.xlane v3, v0;
	_ =	sdelay $0x1  }
0xa4: {  	v3 =	vperm.xlane v3, v2;
	v4 =	vadd.s32 v1, v4;
	_ =	sdelay $0x1  }
0xa5: {  	v3 =	vadd.s32 v1, v3;
	_ =	sdelay $0x1  }
0xa6: {  	s19 =	sadd.s32 $0xC000, s11  }
0xa7: {  	[tilespmem:s19], [sflag:s9] =	stream.indirect_vreg.gather [hbm4b:s3+s2], $0x80, v4, vm0, $0xb8;
	[tilespmem:$0x1C000] =	vst v63  }
0xa8: {  	s20 =	sadd.s32 $0xC800, s11  }
0xa9: {  	[tilespmem:s20], [sflag:s9] =	stream.indirect_vreg.gather [hbm4b:s3+s2], $0x80, v3, vm0, $0xb8;
	[tilespmem:$0x1C000] =	vst v63  }
0xaa: {  	v3 =	vld [tilespmem:s1+$0x50];
	_ =	sdelay $0x4  }
0xab: {  	v61 =	vshll.u32 v3, $0x1  }
0xac: {  	v3 =	vand.u32 $0x7, v3;
	v4 =	vand.u32 $0xFFFFFFF0, v61  }
0xad: {  	v3 =	vor.u32 v3, v4  }
0xae: {  	v4 =	vperm.xlane v3, v0;
	_ =	sdelay $0x1  }
0xaf: {  	v3 =	vperm.xlane v3, v2;
	v4 =	vadd.s32 v1, v4;
	_ =	sdelay $0x1  }
0xb0: {  	v3 =	vadd.s32 v1, v3;
	_ =	sdelay $0x1  }
0xb1: {  	s21 =	sadd.s32 $0xD000, s11  }
0xb2: {  	[tilespmem:s21], [sflag:s9] =	stream.indirect_vreg.gather [hbm4b:s3+s2], $0x80, v4, vm0, $0xb8;
	[tilespmem:$0x1C000] =	vst v63  }
0xb3: {  	s22 =	sadd.s32 $0xD800, s11  }
0xb4: {  	[tilespmem:s22], [sflag:s9] =	stream.indirect_vreg.gather [hbm4b:s3+s2], $0x80, v3, vm0, $0xb8;
	[tilespmem:$0x1C000] =	vst v63  }
0xb5: {  	v3 =	vld [tilespmem:s1+$0x60];
	_ =	sdelay $0x4  }
0xb6: {  	v62 =	vshll.u32 v3, $0x1  }
0xb7: {  	v3 =	vand.u32 $0x7, v3;
	v4 =	vand.u32 $0xFFFFFFF0, v62  }
0xb8: {  	v3 =	vor.u32 v3, v4  }
0xb9: {  	v4 =	vperm.xlane v3, v0;
	_ =	sdelay $0x1  }
0xba: {  	v3 =	vperm.xlane v3, v2;
	v4 =	vadd.s32 v1, v4;
	_ =	sdelay $0x1  }
0xbb: {  	v3 =	vadd.s32 v1, v3;
	_ =	sdelay $0x1  }
0xbc: {  	s23 =	sadd.s32 $0xE000, s11  }
0xbd: {  	[tilespmem:s23], [sflag:s9] =	stream.indirect_vreg.gather [hbm4b:s3+s2], $0x80, v4, vm0, $0xb8;
	[tilespmem:$0x1C000] =	vst v63  }
0xbe: {  	s24 =	sadd.s32 $0xE800, s11  }
0xbf: {  	[tilespmem:s24], [sflag:s9] =	stream.indirect_vreg.gather [hbm4b:s3+s2], $0x80, v3, vm0, $0xb8;
	[tilespmem:$0x1C000] =	vst v63  }
0xc0: {  	v3 =	vld [tilespmem:s1+$0x70];
	_ =	sdelay $0x4  }
0xc1: {  	v63 =	vshll.u32 v3, $0x1  }
0xc2: {  	v3 =	vand.u32 $0x7, v3;
	v4 =	vand.u32 $0xFFFFFFF0, v63  }
0xc3: {  	v3 =	vor.u32 v3, v4  }
0xc4: {  	v4 =	vperm.xlane v3, v0;
	_ =	sdelay $0x1  }
0xc5: {  	v3 =	vperm.xlane v3, v2;
	v4 =	vadd.s32 v1, v4;
	_ =	sdelay $0x1  }
0xc6: {  	v3 =	vadd.s32 v1, v3;
	_ =	sdelay $0x1  }
0xc7: {  	s25 =	sadd.s32 $0xF000, s11  }
0xc8: {  	[tilespmem:s25], [sflag:s9] =	stream.indirect_vreg.gather [hbm4b:s3+s2], $0x80, v4, vm0, $0xb8;
	[tilespmem:$0x1C000] =	vst v63  }
0xc9: {  	s0 =	sadd.s32 $0xF800, s11  }
0xca: {  	[tilespmem:s0], [sflag:s9] =	stream.indirect_vreg.gather [hbm4b:s3+s2], $0x80, v3, vm0, $0xb8;
	[tilespmem:$0x1C000] =	vst v63  }
.LBB2_4:
0xcb: {  	s0 =	sand.u32 $0x1, s30  }
0xcc: {  	s1 =	sadd.s32 $0x1, s0  }
0xcd: {  	_ =	swait.ge [sflag:s1], $0x8000  }
0xce: {  	p0 =	slt.u32 s30, $0x2;
	[sflag:s1] =	ssyncset.done $0x0  }
0xcf: {  	[sflag:s1] =	ssyncadd.s32 $0xFFFF8000;
	s1 =	sadd.s32 @!p0 $0x3, s0  }
0xd0: {  	_ =	swait.ge @!p0 [sflag:s1], $0x2000  }
0xd1: {  	s9 =	sshll.u32 s30, $0x7;
	[sflag:s1] =	ssyncset.done @!p0 $0x0  }
0xd2: {  	s10 =	sand.u32 $0x3FFFFF80, s9;
	[sflag:s1] =	ssyncadd.s32 @!p0 $0xFFFFE000  }
0xd3: {  	v3 =	vld [tilespmem:s10+$0x4000]  }
0xd4: {  	v4 =	vld [tilespmem:s10+$0x4010]  }
0xd5: {  	v5 =	vld [tilespmem:s10+$0x4020]  }
0xd6: {  	v6 =	vld [tilespmem:s10+$0x4030]  }
0xd7: {  	v7 =	vld [tilespmem:s10+$0x4040]  }
0xd8: {  	s11 =	sshll.u32 s0, $0xF;
	v8 =	vld [tilespmem:s10+$0x4050]  }
0xd9: {  	s12 =	simm.s32 $0x0;
	s25 =	sshrl.u32 s11, $0x2;
	s9 =	sadd.s32 $0x8000, s11;
	v9 =	vld [tilespmem:s10+$0x4060]  }
0xda: {  	v11 =	vmov s11;
	s11 =	simm.s32 $0x0;
	s1 =	sor.u32 $0x18000, s25;
	v10 =	vld [tilespmem:s10+$0x4070];
	s10 =	simm.s32 $0x0  }
.LBB2_5:
0xdb: {  	s13 =	sshll.u32 s12, $0x8  }
0xdc: {  	s13 =	sand.u32 $0x3FFFF800, s13  }
0xdd: {  	s14 =	sand.u32 $0x300, s11;
	s20 =	sand.u32 $0x800, s10;
	s16 =	sadd.s32 s13, s9  }
0xde: {  	s13 =	sadd.s32 s20, s9;
	s15 =	sadd.s32 s14, s16  }
0xdf: {  	s13 =	sadd.s32 s14, s13;
	v12 =	vld [tilespmem:s15+$0x0]  }
0xe0: {  	v13 =	vld [tilespmem:s13+$0x1000]  }
0xe1: {  	v16 =	vld [tilespmem:s13+$0x2000]  }
0xe2: {  	v20 =	vmov s12  }
0xe3: {  	v19 =	vperm.xlane v3, v20;
	v18 =	vperm.xlane v4, v20;
	v17 =	vld [tilespmem:s13+$0x3000]  }
0xe4: {  	v14 =	vperm.xlane v5, v20;
	v15 =	vshll.u32 v12, $0x10  }
0xe5: {  	v23 =	vld [tilespmem:s13+$0x4000];
	v21 =	vshll.u32 v13, $0x10;
	v12 =	vmul.f32 v12, v19;
	v13 =	vmul.f32 v13, v18  }
0xe6: {  	v24 =	vshll.u32 v16, $0x10;
	v22 =	vmul.f32 v15, v19;
	v21 =	vmul.f32 v21, v18  }
0xe7: {  	v51 =	vld [tilespmem:s13+$0x5000];
	v52 =	vmul.f32 v16, v14;
	v15 =	vperm.xlane v6, v20;
	v12 =	vadd.f32 v13, v12  }
0xe8: {  	v25 =	vshll.u32 v17, $0x10;
	v50 =	vmul.f32 v24, v14;
	v21 =	vadd.f32 v21, v22  }
0xe9: {  	v54 =	vld [tilespmem:s13+$0x6000];
	v16 =	vperm.xlane v7, v20;
	v55 =	vmul.f32 v17, v15;
	v12 =	vadd.f32 v52, v12  }
0xea: {  	v26 =	vshll.u32 v23, $0x10;
	v53 =	vmul.f32 v25, v15;
	v21 =	vadd.f32 v50, v21  }
0xeb: {  	v23 =	vmul.f32 v23, v16;
	v17 =	vperm.xlane v8, v20;
	v12 =	vadd.f32 v55, v12  }
0xec: {  	v57 =	vld [tilespmem:s13+$0x7000];
	v27 =	vshll.u32 v51, $0x10;
	v56 =	vmul.f32 v26, v16;
	v21 =	vadd.f32 v53, v21  }
0xed: {  	v13 =	vperm.xlane v9, v20;
	v24 =	vmul.f32 v51, v17;
	v23 =	vadd.f32 v23, v12  }
0xee: {  	v59 =	vshll.u32 v54, $0x10;
	v58 =	vmul.f32 v27, v17;
	v21 =	vadd.f32 v56, v21  }
0xef: {  	v63 =	vmul.f32 v54, v13;
	v12 =	vperm.xlane v10, v20;
	v62 =	vadd.f32 v24, v23  }
0xf0: {  	v61 =	vmul.f32 v59, v13;
	v60 =	vadd.f32 v58, v21  }
0xf1: {  	s17 =	sshll.u32 s12, $0x9;
	v28 =	vshll.u32 v57, $0x10;
	v30 =	vmul.f32 v57, v12;
	v22 =	vadd.f32 v63, v62  }
0xf2: {  	s17 =	sand.u32 $0x3FFFF000, s17;
	v29 =	vmul.f32 v28, v12;
	v20 =	vadd.f32 v61, v60  }
0xf3: {  	s24 =	sadd.s32 s17, s1;
	v31 =	vadd.f32 v30, v22  }
0xf4: {  	s14 =	sadd.s32 s14, s24;
	v20 =	vadd.f32 v29, v20  }
0xf5: {  	[tilespmem:s14+$0x800] =	vst v31  }
0xf6: {  	[tilespmem:s14+$0x0] =	vst v20  }
0xf7: {  	v20 =	vld [tilespmem:s15+$0x10]  }
0xf8: {  	v21 =	vld [tilespmem:s13+$0x1010];
	_ =	sdelay $0x1  }
0xf9: {  	v32 =	vld [tilespmem:s13+$0x2010];
	_ =	sdelay $0x1  }
0xfa: {  	v33 =	vld [tilespmem:s13+$0x3010];
	v34 =	vshll.u32 v20, $0x10  }
0xfb: {  	v35 =	vshll.u32 v21, $0x10;
	v20 =	vmul.f32 v20, v19;
	v21 =	vmul.f32 v21, v18  }
0xfc: {  	v36 =	vld [tilespmem:s13+$0x4010];
	v24 =	vmul.f32 v34, v19;
	v25 =	vmul.f32 v35, v18  }
0xfd: {  	v37 =	vshll.u32 v32, $0x10;
	v40 =	vmul.f32 v32, v14;
	v20 =	vadd.f32 v21, v20  }
0xfe: {  	v39 =	vld [tilespmem:s13+$0x5010];
	v38 =	vmul.f32 v37, v14;
	v24 =	vadd.f32 v25, v24  }
0xff: {  	v41 =	vshll.u32 v33, $0x10;
	v43 =	vmul.f32 v33, v15;
	v20 =	vadd.f32 v40, v20  }
0x100: {  	v42 =	vld [tilespmem:s13+$0x6010];
	v22 =	vmul.f32 v41, v15;
	v24 =	vadd.f32 v38, v24  }
0x101: {  	v44 =	vshll.u32 v36, $0x10;
	v46 =	vmul.f32 v36, v16;
	v20 =	vadd.f32 v43, v20  }
0x102: {  	v45 =	vld [tilespmem:s13+$0x7010];
	v23 =	vmul.f32 v44, v16;
	v22 =	vadd.f32 v22, v24  }
0x103: {  	v47 =	vshll.u32 v39, $0x10;
	v49 =	vmul.f32 v39, v17;
	v20 =	vadd.f32 v46, v20  }
0x104: {  	v48 =	vmul.f32 v47, v17;
	v22 =	vadd.f32 v23, v22  }
0x105: {  	v50 =	vshll.u32 v42, $0x10;
	v52 =	vmul.f32 v42, v13;
	v20 =	vadd.f32 v49, v20  }
0x106: {  	v51 =	vmul.f32 v50, v13;
	v22 =	vadd.f32 v48, v22  }
0x107: {  	v53 =	vshll.u32 v45, $0x10;
	v55 =	vmul.f32 v45, v12;
	v20 =	vadd.f32 v52, v20  }
0x108: {  	v54 =	vmul.f32 v53, v12;
	v22 =	vadd.f32 v51, v22  }
0x109: {  	v20 =	vadd.f32 v55, v20  }
0x10a: {  	v22 =	vadd.f32 v54, v22  }
0x10b: {  	[tilespmem:s14+$0x810] =	vst v20  }
0x10c: {  	[tilespmem:s14+$0x10] =	vst v22  }
0x10d: {  	v20 =	vld [tilespmem:s15+$0x20]  }
0x10e: {  	v56 =	vld [tilespmem:s13+$0x1020];
	_ =	sdelay $0x1  }
0x10f: {  	v22 =	vld [tilespmem:s13+$0x2020];
	_ =	sdelay $0x1  }
0x110: {  	v57 =	vld [tilespmem:s13+$0x3020];
	v58 =	vshll.u32 v20, $0x10  }
0x111: {  	v59 =	vshll.u32 v56, $0x10;
	v20 =	vmul.f32 v20, v19;
	v21 =	vmul.f32 v56, v18  }
0x112: {  	v60 =	vld [tilespmem:s13+$0x4020];
	v24 =	vmul.f32 v58, v19;
	v25 =	vmul.f32 v59, v18  }
0x113: {  	v61 =	vshll.u32 v22, $0x10;
	v28 =	vmul.f32 v22, v14;
	v20 =	vadd.f32 v21, v20  }
0x114: {  	v63 =	vld [tilespmem:s13+$0x5020];
	v62 =	vmul.f32 v61, v14;
	v24 =	vadd.f32 v25, v24  }
0x115: {  	v29 =	vshll.u32 v57, $0x10;
	v31 =	vmul.f32 v57, v15;
	v20 =	vadd.f32 v28, v20  }
0x116: {  	v30 =	vld [tilespmem:s13+$0x6020];
	v22 =	vmul.f32 v29, v15;
	v24 =	vadd.f32 v62, v24  }
0x117: {  	v32 =	vshll.u32 v60, $0x10;
	v34 =	vmul.f32 v60, v16;
	v20 =	vadd.f32 v31, v20  }
0x118: {  	v33 =	vld [tilespmem:s13+$0x7020];
	v23 =	vmul.f32 v32, v16;
	v22 =	vadd.f32 v22, v24  }
0x119: {  	v35 =	vshll.u32 v63, $0x10;
	v37 =	vmul.f32 v63, v17;
	v20 =	vadd.f32 v34, v20  }
0x11a: {  	v36 =	vmul.f32 v35, v17;
	v22 =	vadd.f32 v23, v22  }
0x11b: {  	v38 =	vshll.u32 v30, $0x10;
	v40 =	vmul.f32 v30, v13;
	v20 =	vadd.f32 v37, v20  }
0x11c: {  	v39 =	vmul.f32 v38, v13;
	v22 =	vadd.f32 v36, v22  }
0x11d: {  	v41 =	vshll.u32 v33, $0x10;
	v43 =	vmul.f32 v33, v12;
	v20 =	vadd.f32 v40, v20  }
0x11e: {  	v42 =	vmul.f32 v41, v12;
	v22 =	vadd.f32 v39, v22  }
0x11f: {  	v20 =	vadd.f32 v43, v20  }
0x120: {  	v22 =	vadd.f32 v42, v22  }
0x121: {  	[tilespmem:s14+$0x820] =	vst v20  }
0x122: {  	[tilespmem:s14+$0x20] =	vst v22  }
0x123: {  	v20 =	vld [tilespmem:s15+$0x30]  }
0x124: {  	v44 =	vld [tilespmem:s13+$0x1030];
	_ =	sdelay $0x1  }
0x125: {  	v22 =	vld [tilespmem:s13+$0x2030];
	_ =	sdelay $0x1  }
0x126: {  	v45 =	vld [tilespmem:s13+$0x3030];
	v46 =	vshll.u32 v20, $0x10  }
0x127: {  	v47 =	vshll.u32 v44, $0x10;
	v20 =	vmul.f32 v20, v19;
	v21 =	vmul.f32 v44, v18  }
0x128: {  	v48 =	vld [tilespmem:s13+$0x4030];
	v24 =	vmul.f32 v46, v19;
	v25 =	vmul.f32 v47, v18  }
0x129: {  	v49 =	vshll.u32 v22, $0x10;
	v52 =	vmul.f32 v22, v14;
	v20 =	vadd.f32 v21, v20  }
0x12a: {  	v51 =	vld [tilespmem:s13+$0x5030];
	v50 =	vmul.f32 v49, v14;
	v24 =	vadd.f32 v25, v24  }
0x12b: {  	v53 =	vshll.u32 v45, $0x10;
	v55 =	vmul.f32 v45, v15;
	v20 =	vadd.f32 v52, v20  }
0x12c: {  	v54 =	vld [tilespmem:s13+$0x6030];
	v22 =	vmul.f32 v53, v15;
	v24 =	vadd.f32 v50, v24  }
0x12d: {  	v56 =	vshll.u32 v48, $0x10;
	v58 =	vmul.f32 v48, v16;
	v20 =	vadd.f32 v55, v20  }
0x12e: {  	v57 =	vld [tilespmem:s13+$0x7030];
	v23 =	vmul.f32 v56, v16;
	v22 =	vadd.f32 v22, v24  }
0x12f: {  	v59 =	vshll.u32 v51, $0x10;
	v61 =	vmul.f32 v51, v17;
	v20 =	vadd.f32 v58, v20  }
0x130: {  	v60 =	vmul.f32 v59, v17;
	v22 =	vadd.f32 v23, v22  }
0x131: {  	v62 =	vshll.u32 v54, $0x10;
	v28 =	vmul.f32 v54, v13;
	v20 =	vadd.f32 v61, v20  }
0x132: {  	v63 =	vmul.f32 v62, v13;
	v22 =	vadd.f32 v60, v22  }
0x133: {  	v29 =	vshll.u32 v57, $0x10;
	v31 =	vmul.f32 v57, v12;
	v20 =	vadd.f32 v28, v20  }
0x134: {  	v30 =	vmul.f32 v29, v12;
	v22 =	vadd.f32 v63, v22  }
0x135: {  	v20 =	vadd.f32 v31, v20  }
0x136: {  	v22 =	vadd.f32 v30, v22  }
0x137: {  	[tilespmem:s14+$0x830] =	vst v20  }
0x138: {  	[tilespmem:s14+$0x30] =	vst v22  }
0x139: {  	v20 =	vld [tilespmem:s15+$0x40]  }
0x13a: {  	v32 =	vld [tilespmem:s13+$0x1040];
	_ =	sdelay $0x1  }
0x13b: {  	v22 =	vld [tilespmem:s13+$0x2040];
	_ =	sdelay $0x1  }
0x13c: {  	v33 =	vld [tilespmem:s13+$0x3040];
	v34 =	vshll.u32 v20, $0x10  }
0x13d: {  	v35 =	vshll.u32 v32, $0x10;
	v20 =	vmul.f32 v20, v19;
	v21 =	vmul.f32 v32, v18  }
0x13e: {  	v36 =	vld [tilespmem:s13+$0x4040];
	v24 =	vmul.f32 v34, v19;
	v25 =	vmul.f32 v35, v18  }
0x13f: {  	v37 =	vshll.u32 v22, $0x10;
	v40 =	vmul.f32 v22, v14;
	v20 =	vadd.f32 v21, v20  }
0x140: {  	v39 =	vld [tilespmem:s13+$0x5040];
	v38 =	vmul.f32 v37, v14;
	v24 =	vadd.f32 v25, v24  }
0x141: {  	v41 =	vshll.u32 v33, $0x10;
	v43 =	vmul.f32 v33, v15;
	v20 =	vadd.f32 v40, v20  }
0x142: {  	v42 =	vld [tilespmem:s13+$0x6040];
	v22 =	vmul.f32 v41, v15;
	v24 =	vadd.f32 v38, v24  }
0x143: {  	v44 =	vshll.u32 v36, $0x10;
	v46 =	vmul.f32 v36, v16;
	v20 =	vadd.f32 v43, v20  }
0x144: {  	v45 =	vld [tilespmem:s13+$0x7040];
	v23 =	vmul.f32 v44, v16;
	v22 =	vadd.f32 v22, v24  }
0x145: {  	v47 =	vshll.u32 v39, $0x10;
	v49 =	vmul.f32 v39, v17;
	v20 =	vadd.f32 v46, v20  }
0x146: {  	v48 =	vmul.f32 v47, v17;
	v22 =	vadd.f32 v23, v22  }
0x147: {  	v50 =	vshll.u32 v42, $0x10;
	v52 =	vmul.f32 v42, v13;
	v20 =	vadd.f32 v49, v20  }
0x148: {  	v51 =	vmul.f32 v50, v13;
	v22 =	vadd.f32 v48, v22  }
0x149: {  	v53 =	vshll.u32 v45, $0x10;
	v55 =	vmul.f32 v45, v12;
	v20 =	vadd.f32 v52, v20  }
0x14a: {  	v54 =	vmul.f32 v53, v12;
	v22 =	vadd.f32 v51, v22  }
0x14b: {  	v20 =	vadd.f32 v55, v20  }
0x14c: {  	v22 =	vadd.f32 v54, v22  }
0x14d: {  	[tilespmem:s14+$0x840] =	vst v20  }
0x14e: {  	[tilespmem:s14+$0x40] =	vst v22  }
0x14f: {  	v20 =	vld [tilespmem:s15+$0x50]  }
0x150: {  	v56 =	vld [tilespmem:s13+$0x1050];
	_ =	sdelay $0x1  }
0x151: {  	v22 =	vld [tilespmem:s13+$0x2050];
	_ =	sdelay $0x1  }
0x152: {  	v57 =	vld [tilespmem:s13+$0x3050];
	v58 =	vshll.u32 v20, $0x10  }
0x153: {  	v59 =	vshll.u32 v56, $0x10;
	v20 =	vmul.f32 v20, v19;
	v21 =	vmul.f32 v56, v18  }
0x154: {  	v60 =	vld [tilespmem:s13+$0x4050];
	v24 =	vmul.f32 v58, v19;
	v25 =	vmul.f32 v59, v18  }
0x155: {  	v61 =	vshll.u32 v22, $0x10;
	v29 =	vmul.f32 v22, v14;
	v20 =	vadd.f32 v21, v20  }
0x156: {  	v63 =	vld [tilespmem:s13+$0x5050];
	v62 =	vmul.f32 v61, v14;
	v24 =	vadd.f32 v25, v24  }
0x157: {  	v30 =	vshll.u32 v57, $0x10;
	v32 =	vmul.f32 v57, v15;
	v20 =	vadd.f32 v29, v20  }
0x158: {  	s21 =	sadd.s32 $0x80, s11;
	s22 =	sadd.s32 $0x1100, s10;
	s18 =	sadd.s32 $0x880, s11;
	v31 =	vld [tilespmem:s13+$0x6050];
	v22 =	vmul.f32 v30, v15;
	v24 =	vadd.f32 v62, v24  }
0x159: {  	s23 =	sadd.s32 $0x2100, s10;
	s19 =	sadd.s32 $0x1080, s11;
	s4 =	sadd.s32 $0x3100, s10;
	v33 =	vshll.u32 v60, $0x10;
	v35 =	vmul.f32 v60, v16;
	v20 =	vadd.f32 v32, v20  }
0x15a: {  	s25 =	sand.u32 $0x380, s21;
	s18 =	sand.u32 $0x380, s18;
	s19 =	sand.u32 $0x380, s19;
	v34 =	vld [tilespmem:s13+$0x7050];
	v23 =	vmul.f32 v33, v16;
	v22 =	vadd.f32 v22, v24  }
0x15b: {  	s21 =	sadd.s32 $0x1, s12;
	s17 =	sand.u32 $0x1800, s22;
	s20 =	sadd.s32 $0x1880, s11;
	v36 =	vshll.u32 v63, $0x10;
	v38 =	vmul.f32 v63, v17;
	v20 =	vadd.f32 v35, v20  }
0x15c: {  	s22 =	sadd.s32 $0x2080, s11;
	s16 =	sadd.s32 s25, s16;
	s17 =	sor.u32 s18, s17;
	v37 =	vmul.f32 v36, v17;
	v22 =	vadd.f32 v23, v22  }
0x15d: {  	s18 =	sand.u32 $0x2800, s23;
	s20 =	sand.u32 $0x380, s20;
	s23 =	sadd.s32 $0x5100, s10;
	v39 =	vshll.u32 v31, $0x10;
	v41 =	vmul.f32 v31, v13;
	v20 =	vadd.f32 v38, v20  }
0x15e: {  	s18 =	sor.u32 s19, s18;
	s19 =	sand.u32 $0x3800, s4;
	v40 =	vmul.f32 v39, v13;
	v30 =	vmov s21;
	s21 =	sadd.s32 $0x4100, s10;
	v22 =	vadd.f32 v37, v22  }
0x15f: {  	s19 =	sor.u32 s20, s19;
	v45 =	vld [tilespmem:s16+$0x0];
	v42 =	vshll.u32 v34, $0x10;
	v44 =	vmul.f32 v34, v12;
	s20 =	sand.u32 $0x4800, s21;
	s21 =	sand.u32 $0x380, s22;
	v20 =	vadd.f32 v41, v20  }
0x160: {  	s4 =	sadd.s32 $0x6100, s10;
	v46 =	vld.idx.msk [tilespmem:v11+s17+$0x8000 ss:$0x1], $0xffff;
	v43 =	vmul.f32 v42, v12;
	s22 =	sadd.s32 $0x2880, s11;
	s20 =	sor.u32 s21, s20;
	v22 =	vadd.f32 v40, v22  }
0x161: {  	v50 =	vld.idx.msk [tilespmem:v11+s18+$0x8000 ss:$0x1], $0xffff;
	s21 =	sand.u32 $0x5800, s23;
	s22 =	sand.u32 $0x380, s22;
	s23 =	sadd.s32 $0x3080, s11;
	v20 =	vadd.f32 v44, v20  }
0x162: {  	v31 =	vld.idx.msk [tilespmem:v11+s19+$0x8000 ss:$0x1], $0xffff;
	s21 =	sor.u32 s22, s21;
	s22 =	sand.u32 $0x6800, s4;
	s23 =	sand.u32 $0x380, s23;
	v22 =	vadd.f32 v43, v22  }
0x163: {  	v54 =	vld.idx.msk [tilespmem:v11+s20+$0x8000 ss:$0x1], $0xffff;
	s4 =	sadd.s32 $0x3880, s11;
	s22 =	sor.u32 s23, s22;
	s23 =	sadd.s32 $0x7100, s10;
	[tilespmem:s14+$0x850] =	vst v20  }
0x164: {  	v21 =	vperm.xlane v3, v30;
	v57 =	vld.idx.msk [tilespmem:v11+s21+$0x8000 ss:$0x1], $0xffff;
	s4 =	sand.u32 $0x380, s4;
	s23 =	sand.u32 $0x7800, s23;
	[tilespmem:s14+$0x50] =	vst v22  }
0x165: {  	v33 =	vshll.u32 v46, $0x10;
	s23 =	sor.u32 s4, s23;
	v20 =	vld [tilespmem:s15+$0x60]  }
0x166: {  	v55 =	vmul.f32 v45, v21;
	v32 =	vshll.u32 v45, $0x10;
	v59 =	vld.idx.msk [tilespmem:v11+s23+$0x8000 ss:$0x1], $0xffff;
	v23 =	vperm.xlane v6, v30  }
0x167: {  	v36 =	vshll.u32 v31, $0x10;
	v52 =	vmul.f32 v32, v21;
	v37 =	vld.idx.msk [tilespmem:v11+s22+$0x8000 ss:$0x1], $0xffff;
	v22 =	vperm.xlane v4, v30  }
0x168: {  	v35 =	vshll.u32 v50, $0x10;
	v58 =	vshll.u32 v54, $0x10;
	v36 =	vmul.f32 v36, v23;
	v28 =	vld [tilespmem:s13+$0x1060]  }
0x169: {  	v38 =	vshll.u32 v57, $0x10;
	v39 =	vld [tilespmem:s13+$0x2060];
	v53 =	vmul.f32 v33, v22;
	v24 =	vmul.f32 v46, v22  }
0x16a: {  	v40 =	vld [tilespmem:s13+$0x3060];
	v47 =	vshll.u32 v20, $0x10;
	v29 =	vmul.f32 v20, v19;
	v20 =	vperm.xlane v5, v30  }
0x16b: {  	v31 =	vmul.f32 v31, v23;
	v42 =	vshll.u32 v59, $0x10;
	v25 =	vadd.f32 v53, v52  }
0x16c: {  	v33 =	vadd.f32 v24, v55;
	v24 =	vperm.xlane v7, v30;
	v56 =	vmul.f32 v35, v20  }
0x16d: {  	v61 =	vshll.u32 v37, $0x10;
	v49 =	vshll.u32 v28, $0x10;
	v26 =	vmul.f32 v50, v20  }
0x16e: {  	v32 =	vmul.f32 v54, v24;
	v28 =	vmul.f32 v28, v18;
	v27 =	vadd.f32 v56, v25  }
0x16f: {  	v45 =	vshll.u32 v39, $0x10;
	v53 =	vmul.f32 v40, v15;
	v26 =	vadd.f32 v26, v33  }
0x170: {  	v25 =	vperm.xlane v8, v30;
	v33 =	vmul.f32 v58, v24;
	v27 =	vadd.f32 v36, v27  }
0x171: {  	v48 =	vmul.f32 v47, v19;
	v51 =	vmul.f32 v49, v18;
	v31 =	vadd.f32 v31, v26  }
0x172: {  	v26 =	vperm.xlane v9, v30;
	v38 =	vmul.f32 v38, v25;
	v33 =	vadd.f32 v33, v27  }
0x173: {  	v47 =	vmul.f32 v45, v14;
	v60 =	vmul.f32 v57, v25;
	v31 =	vadd.f32 v32, v31  }
0x174: {  	v27 =	vperm.xlane v10, v30;
	v63 =	vmul.f32 v61, v26;
	v62 =	vadd.f32 v38, v33  }
0x175: {  	v43 =	vld [tilespmem:s13+$0x4060];
	v49 =	vmul.f32 v39, v14;
	v41 =	vmul.f32 v37, v26;
	v31 =	vadd.f32 v60, v31  }
0x176: {  	v28 =	vadd.f32 v28, v29;
	v44 =	vmul.f32 v42, v27;
	v30 =	vadd.f32 v63, v62  }
0x177: {  	v34 =	vadd.f32 v51, v48;
	v48 =	vld [tilespmem:s13+$0x5060];
	v46 =	vmul.f32 v59, v27;
	v31 =	vadd.f32 v41, v31  }
0x178: {  	v50 =	vshll.u32 v40, $0x10;
	v28 =	vadd.f32 v49, v28;
	v30 =	vadd.f32 v44, v30  }
0x179: {  	s24 =	sadd.s32 s25, s24;
	v52 =	vld [tilespmem:s13+$0x6060];
	v51 =	vmul.f32 v50, v15;
	v29 =	vadd.f32 v47, v34;
	v31 =	vadd.f32 v46, v31  }
0x17a: {  	v54 =	vshll.u32 v43, $0x10;
	v28 =	vadd.f32 v53, v28;
	v57 =	vmul.f32 v43, v16;
	[tilespmem:s24+$0x0] =	vst v30  }
0x17b: {  	v55 =	vmul.f32 v54, v16;
	v29 =	vadd.f32 v51, v29;
	[tilespmem:s24+$0x800] =	vst v31  }
0x17c: {  	v58 =	vshll.u32 v48, $0x10;
	v28 =	vadd.f32 v57, v28;
	v56 =	vld [tilespmem:s16+$0x10]  }
0x17d: {  	v61 =	vmul.f32 v48, v17;
	v29 =	vadd.f32 v55, v29;
	v60 =	vmul.f32 v58, v17;
	v59 =	vld.idx.msk [tilespmem:v11+s17+$0x8010 ss:$0x1], $0xffff  }
0x17e: {  	v43 =	vmul.f32 v52, v13;
	v42 =	vld [tilespmem:s13+$0x7060];
	v62 =	vshll.u32 v52, $0x10  }
0x17f: {  	v28 =	vadd.f32 v61, v28;
	v29 =	vadd.f32 v60, v29;
	v41 =	vmul.f32 v62, v13;
	v63 =	vld.idx.msk [tilespmem:v11+s18+$0x8010 ss:$0x1], $0xffff;
	_ =	sdelay $0x1  }
0x180: {  	v28 =	vadd.f32 v43, v28;
	v29 =	vadd.f32 v41, v29;
	v44 =	vld.idx.msk [tilespmem:v11+s19+$0x8010 ss:$0x1], $0xffff;
	v45 =	vshll.u32 v56, $0x10  }
0x181: {  	v46 =	vshll.u32 v59, $0x10;
	v32 =	vmul.f32 v56, v21;
	v36 =	vmul.f32 v59, v22  }
0x182: {  	v51 =	vshll.u32 v42, $0x10;
	v49 =	vld.idx.msk [tilespmem:v11+s20+$0x8010 ss:$0x1], $0xffff;
	v47 =	vmul.f32 v45, v21;
	v48 =	vmul.f32 v46, v22  }
0x183: {  	v50 =	vshll.u32 v63, $0x10;
	v35 =	vmul.f32 v63, v20;
	v32 =	vadd.f32 v36, v32  }
0x184: {  	v33 =	vmul.f32 v42, v12;
	v53 =	vld.idx.msk [tilespmem:v11+s21+$0x8010 ss:$0x1], $0xffff;
	v52 =	vmul.f32 v50, v20;
	v30 =	vadd.f32 v48, v47  }
0x185: {  	v54 =	vshll.u32 v44, $0x10;
	v34 =	vmul.f32 v44, v23;
	v32 =	vadd.f32 v35, v32  }
0x186: {  	v39 =	vmul.f32 v51, v12;
	v56 =	vld.idx.msk [tilespmem:v11+s22+$0x8010 ss:$0x1], $0xffff;
	v55 =	vmul.f32 v54, v23;
	v30 =	vadd.f32 v52, v30  }
0x187: {  	v57 =	vshll.u32 v49, $0x10;
	v60 =	vmul.f32 v49, v24;
	v32 =	vadd.f32 v34, v32  }
0x188: {  	v28 =	vadd.f32 v33, v28;
	v59 =	vld.idx.msk [tilespmem:v11+s23+$0x8010 ss:$0x1], $0xffff;
	v58 =	vmul.f32 v57, v24;
	v30 =	vadd.f32 v55, v30  }
0x189: {  	v61 =	vshll.u32 v53, $0x10;
	v63 =	vmul.f32 v53, v25;
	v32 =	vadd.f32 v60, v32  }
0x18a: {  	v29 =	vadd.f32 v39, v29;
	v62 =	vmul.f32 v61, v25;
	v30 =	vadd.f32 v58, v30  }
0x18b: {  	v40 =	vshll.u32 v56, $0x10;
	v42 =	vmul.f32 v56, v26;
	v32 =	vadd.f32 v63, v32  }
0x18c: {  	[tilespmem:s14+$0x860] =	vst v28;
	v41 =	vmul.f32 v40, v26;
	v30 =	vadd.f32 v62, v30  }
0x18d: {  	[tilespmem:s14+$0x60] =	vst v29;
	v43 =	vshll.u32 v59, $0x10;
	v47 =	vmul.f32 v59, v27;
	v46 =	vadd.f32 v42, v32  }
0x18e: {  	v49 =	vld [tilespmem:s13+$0x1070];
	v45 =	vmul.f32 v43, v27;
	v44 =	vadd.f32 v41, v30  }
0x18f: {  	v48 =	vld [tilespmem:s15+$0x70];
	v28 =	vadd.f32 v47, v46  }
0x190: {  	v29 =	vadd.f32 v45, v44  }
0x191: {  	v50 =	vld [tilespmem:s13+$0x2070];
	[tilespmem:s24+$0x810] =	vst v28  }
0x192: {  	[tilespmem:s24+$0x10] =	vst v29  }
0x193: {  	v28 =	vld [tilespmem:s16+$0x20]  }
0x194: {  	v53 =	vshll.u32 v49, $0x10;
	v52 =	vshll.u32 v48, $0x10;
	v51 =	vld.idx.msk [tilespmem:v11+s17+$0x8020 ss:$0x1], $0xffff  }
0x195: {  	v34 =	vmul.f32 v53, v18;
	v33 =	vmul.f32 v52, v19  }
0x196: {  	v55 =	vshll.u32 v50, $0x10;
	v54 =	vld.idx.msk [tilespmem:v11+s18+$0x8020 ss:$0x1], $0xffff  }
0x197: {  	v56 =	vmul.f32 v55, v14;
	v33 =	vadd.f32 v34, v33  }
0x198: {  	v32 =	vmul.f32 v48, v19;
	v30 =	vmul.f32 v49, v18;
	v57 =	vld.idx.msk [tilespmem:v11+s19+$0x8020 ss:$0x1], $0xffff;
	v58 =	vshll.u32 v28, $0x10  }
0x199: {  	v59 =	vshll.u32 v51, $0x10;
	v28 =	vmul.f32 v28, v21;
	v31 =	vmul.f32 v51, v22  }
0x19a: {  	v30 =	vadd.f32 v30, v32;
	v61 =	vld.idx.msk [tilespmem:v11+s20+$0x8020 ss:$0x1], $0xffff;
	v32 =	vmul.f32 v58, v21;
	v60 =	vmul.f32 v59, v22  }
0x19b: {  	v62 =	vshll.u32 v54, $0x10;
	v43 =	vmul.f32 v54, v20;
	v28 =	vadd.f32 v31, v28  }
0x19c: {  	v33 =	vadd.f32 v56, v33;
	v42 =	vld.idx.msk [tilespmem:v11+s21+$0x8020 ss:$0x1], $0xffff;
	v63 =	vmul.f32 v62, v20;
	v32 =	vadd.f32 v60, v32  }
0x19d: {  	v38 =	vld [tilespmem:s13+$0x3070];
	v44 =	vshll.u32 v57, $0x10;
	v48 =	vmul.f32 v57, v23;
	v28 =	vadd.f32 v43, v28  }
0x19e: {  	v29 =	vmul.f32 v50, v14;
	v47 =	vld.idx.msk [tilespmem:v11+s22+$0x8020 ss:$0x1], $0xffff;
	v46 =	vmul.f32 v44, v23;
	v45 =	vadd.f32 v63, v32  }
0x19f: {  	v49 =	vshll.u32 v61, $0x10;
	v53 =	vmul.f32 v61, v24;
	v28 =	vadd.f32 v48, v28  }
0x1a0: {  	v52 =	vld.idx.msk [tilespmem:v11+s23+$0x8020 ss:$0x1], $0xffff;
	v29 =	vadd.f32 v29, v30;
	v51 =	vmul.f32 v49, v24;
	v30 =	vadd.f32 v46, v45  }
0x1a1: {  	v54 =	vshll.u32 v42, $0x10;
	v56 =	vmul.f32 v42, v25;
	v28 =	vadd.f32 v53, v28  }
0x1a2: {  	v50 =	vshll.u32 v38, $0x10;
	v37 =	vmul.f32 v54, v25;
	v30 =	vadd.f32 v51, v30  }
0x1a3: {  	v55 =	vld [tilespmem:s13+$0x4070];
	v57 =	vshll.u32 v47, $0x10;
	v60 =	vmul.f32 v47, v26;
	v28 =	vadd.f32 v56, v28  }
0x1a4: {  	v38 =	vmul.f32 v38, v15;
	v59 =	vmul.f32 v57, v26;
	v30 =	vadd.f32 v37, v30  }
0x1a5: {  	v61 =	vshll.u32 v52, $0x10;
	v40 =	vmul.f32 v52, v27;
	v58 =	vld [tilespmem:s13+$0x5070];
	v28 =	vadd.f32 v60, v28  }
0x1a6: {  	v34 =	vmul.f32 v61, v27;
	v30 =	vadd.f32 v59, v30  }
0x1a7: {  	v36 =	vmul.f32 v50, v15;
	v29 =	vadd.f32 v38, v29;
	v62 =	vld [tilespmem:s13+$0x6070];
	v28 =	vadd.f32 v40, v28  }
0x1a8: {  	v63 =	vshll.u32 v55, $0x10;
	v32 =	vmul.f32 v55, v16;
	v30 =	vadd.f32 v34, v30  }
0x1a9: {  	v33 =	vadd.f32 v36, v33;
	v42 =	vld [tilespmem:s13+$0x7070];
	v41 =	vmul.f32 v63, v16;
	[tilespmem:s24+$0x820] =	vst v28  }
0x1aa: {  	v43 =	vshll.u32 v58, $0x10;
	v29 =	vadd.f32 v32, v29;
	v46 =	vmul.f32 v58, v17;
	[tilespmem:s24+$0x20] =	vst v30  }
0x1ab: {  	v45 =	vmul.f32 v43, v17;
	v44 =	vadd.f32 v41, v33;
	v50 =	vld [tilespmem:s16+$0x30]  }
0x1ac: {  	v47 =	vshll.u32 v62, $0x10;
	v29 =	vadd.f32 v46, v29;
	v51 =	vmul.f32 v62, v13;
	v53 =	vld.idx.msk [tilespmem:v11+s17+$0x8030 ss:$0x1], $0xffff  }
0x1ad: {  	v49 =	vmul.f32 v47, v13;
	v48 =	vadd.f32 v45, v44;
	v56 =	vld.idx.msk [tilespmem:v11+s18+$0x8030 ss:$0x1], $0xffff  }
0x1ae: {  	v52 =	vshll.u32 v42, $0x10;
	v55 =	vmul.f32 v42, v12;
	v29 =	vadd.f32 v51, v29  }
0x1af: {  	v54 =	vmul.f32 v52, v12;
	v28 =	vadd.f32 v49, v48;
	v57 =	vld.idx.msk [tilespmem:v11+s19+$0x8030 ss:$0x1], $0xffff  }
0x1b0: {  	v29 =	vadd.f32 v55, v29;
	v61 =	vld.idx.msk [tilespmem:v11+s20+$0x8030 ss:$0x1], $0xffff  }
0x1b1: {  	v28 =	vadd.f32 v54, v28;
	v41 =	vld.idx.msk [tilespmem:v11+s21+$0x8030 ss:$0x1], $0xffff;
	v58 =	vshll.u32 v50, $0x10;
	v32 =	vmul.f32 v50, v21  }
0x1b2: {  	v59 =	vshll.u32 v53, $0x10;
	v34 =	vmul.f32 v53, v22;
	v33 =	vmul.f32 v56, v20  }
0x1b3: {  	v44 =	vld.idx.msk [tilespmem:v11+s22+$0x8030 ss:$0x1], $0xffff;
	[tilespmem:s14+$0x70] =	vst v28;
	v63 =	vshll.u32 v56, $0x10;
	v28 =	vmul.f32 v58, v21;
	v60 =	vmul.f32 v59, v22  }
0x1b4: {  	v42 =	vshll.u32 v57, $0x10;
	v30 =	vmul.f32 v57, v23;
	v32 =	vadd.f32 v34, v32  }
0x1b5: {  	[tilespmem:s14+$0x870] =	vst v29;
	v48 =	vld.idx.msk [tilespmem:v11+s23+$0x8030 ss:$0x1], $0xffff;
	v45 =	vshll.u32 v61, $0x10;
	v40 =	vmul.f32 v63, v20;
	v28 =	vadd.f32 v60, v28  }
0x1b6: {  	v62 =	vld [tilespmem:s15+$0x400];
	v31 =	vmul.f32 v61, v24;
	v50 =	vshll.u32 v41, $0x10;
	v32 =	vadd.f32 v33, v32  }
0x1b7: {  	v49 =	vld [tilespmem:s13+$0x1400];
	v53 =	vmul.f32 v41, v25;
	v43 =	vmul.f32 v42, v23;
	v28 =	vadd.f32 v40, v28  }
0x1b8: {  	v52 =	vld [tilespmem:s13+$0x2400];
	v54 =	vshll.u32 v44, $0x10;
	v57 =	vmul.f32 v44, v26;
	v30 =	vadd.f32 v30, v32  }
0x1b9: {  	v47 =	vmul.f32 v45, v24;
	v51 =	vmul.f32 v50, v25;
	v28 =	vadd.f32 v43, v28  }
0x1ba: {  	v56 =	vld [tilespmem:s13+$0x3400];
	v55 =	vmul.f32 v54, v26;
	v58 =	vshll.u32 v48, $0x10;
	v30 =	vadd.f32 v31, v30  }
0x1bb: {  	v63 =	vmul.f32 v48, v27;
	v46 =	vshll.u32 v62, $0x10;
	v28 =	vadd.f32 v47, v28  }
0x1bc: {  	v35 =	vmul.f32 v62, v19;
	v59 =	vshll.u32 v49, $0x10;
	v30 =	vadd.f32 v53, v30  }
0x1bd: {  	v60 =	vmul.f32 v58, v27;
	v62 =	vld [tilespmem:s13+$0x4400];
	v41 =	vshll.u32 v52, $0x10;
	v28 =	vadd.f32 v51, v28  }
0x1be: {  	v37 =	vmul.f32 v46, v19;
	v61 =	vmul.f32 v59, v18;
	v30 =	vadd.f32 v57, v30  }
0x1bf: {  	v40 =	vmul.f32 v49, v18;
	v46 =	vshll.u32 v56, $0x10;
	v28 =	vadd.f32 v55, v28  }
0x1c0: {  	v44 =	vld [tilespmem:s13+$0x5400];
	v42 =	vadd.f32 v61, v37;
	v32 =	vmul.f32 v52, v14;
	v30 =	vadd.f32 v63, v30  }
0x1c1: {  	v49 =	vld [tilespmem:s13+$0x6400];
	v43 =	vmul.f32 v41, v14;
	v45 =	vadd.f32 v40, v35;
	v28 =	vadd.f32 v60, v28  }
0x1c2: {  	v48 =	vmul.f32 v46, v15;
	v52 =	vshll.u32 v62, $0x10;
	[tilespmem:s24+$0x830] =	vst v30  }
0x1c3: {  	v47 =	vadd.f32 v43, v42;
	v50 =	vadd.f32 v32, v45;
	v51 =	vmul.f32 v56, v15;
	[tilespmem:s24+$0x30] =	vst v28  }
0x1c4: {  	v54 =	vmul.f32 v52, v16;
	v56 =	vmul.f32 v62, v16;
	v53 =	vld [tilespmem:s16+$0x40]  }
0x1c5: {  	v57 =	vshll.u32 v44, $0x10;
	v30 =	vadd.f32 v51, v50;
	v28 =	vadd.f32 v48, v47;
	v55 =	vld.idx.msk [tilespmem:v11+s17+$0x8040 ss:$0x1], $0xffff  }
0x1c6: {  	v61 =	vshll.u32 v49, $0x10;
	v58 =	vmul.f32 v57, v17  }
0x1c7: {  	v60 =	vmul.f32 v44, v17;
	v59 =	vld.idx.msk [tilespmem:v11+s18+$0x8040 ss:$0x1], $0xffff;
	v30 =	vadd.f32 v56, v30;
	v28 =	vadd.f32 v54, v28  }
0x1c8: {  	v33 =	vmul.f32 v49, v13;
	v62 =	vmul.f32 v61, v13;
	v47 =	vld [tilespmem:s13+$0x7400]  }
0x1c9: {  	v63 =	vld.idx.msk [tilespmem:v11+s19+$0x8040 ss:$0x1], $0xffff;
	v30 =	vadd.f32 v60, v30;
	v28 =	vadd.f32 v58, v28;
	v42 =	vshll.u32 v53, $0x10  }
0x1ca: {  	v43 =	vshll.u32 v55, $0x10;
	v34 =	vmul.f32 v53, v21;
	v32 =	vmul.f32 v55, v22  }
0x1cb: {  	v46 =	vld.idx.msk [tilespmem:v11+s20+$0x8040 ss:$0x1], $0xffff;
	v30 =	vadd.f32 v33, v30;
	v44 =	vmul.f32 v42, v21;
	v45 =	vmul.f32 v43, v22  }
0x1cc: {  	v48 =	vshll.u32 v59, $0x10;
	v51 =	vmul.f32 v59, v20;
	v32 =	vadd.f32 v32, v34  }
0x1cd: {  	v50 =	vld.idx.msk [tilespmem:v11+s21+$0x8040 ss:$0x1], $0xffff;
	v57 =	vshll.u32 v47, $0x10;
	v49 =	vmul.f32 v48, v20;
	v29 =	vadd.f32 v45, v44  }
0x1ce: {  	v52 =	vshll.u32 v63, $0x10;
	v55 =	vmul.f32 v63, v23;
	v32 =	vadd.f32 v51, v32  }
0x1cf: {  	v54 =	vld.idx.msk [tilespmem:v11+s22+$0x8040 ss:$0x1], $0xffff;
	v38 =	vmul.f32 v47, v12;
	v53 =	vmul.f32 v52, v23;
	v29 =	vadd.f32 v49, v29  }
0x1d0: {  	v56 =	vshll.u32 v46, $0x10;
	v60 =	vmul.f32 v46, v24;
	v32 =	vadd.f32 v55, v32  }
0x1d1: {  	v28 =	vadd.f32 v62, v28;
	v59 =	vld.idx.msk [tilespmem:v11+s23+$0x8040 ss:$0x1], $0xffff;
	v58 =	vmul.f32 v56, v24;
	v29 =	vadd.f32 v53, v29  }
0x1d2: {  	v61 =	vshll.u32 v50, $0x10;
	v63 =	vmul.f32 v50, v25;
	v32 =	vadd.f32 v60, v32  }
0x1d3: {  	v36 =	vmul.f32 v57, v12;
	v62 =	vmul.f32 v61, v25;
	v29 =	vadd.f32 v58, v29  }
0x1d4: {  	v40 =	vshll.u32 v54, $0x10;
	v33 =	vmul.f32 v54, v26;
	v32 =	vadd.f32 v63, v32  }
0x1d5: {  	v30 =	vadd.f32 v38, v30;
	v41 =	vmul.f32 v40, v26;
	v29 =	vadd.f32 v62, v29  }
0x1d6: {  	v42 =	vshll.u32 v59, $0x10;
	v44 =	vmul.f32 v59, v27;
	v32 =	vadd.f32 v33, v32  }
0x1d7: {  	v28 =	vadd.f32 v36, v28;
	v43 =	vmul.f32 v42, v27;
	v29 =	vadd.f32 v41, v29  }
0x1d8: {  	[tilespmem:s14+$0xC00] =	vst v30;
	v46 =	vadd.f32 v44, v32  }
0x1d9: {  	[tilespmem:s14+$0x400] =	vst v28;
	v45 =	vadd.f32 v43, v29  }
0x1da: {  	[tilespmem:s24+$0x840] =	vst v46  }
0x1db: {  	v47 =	vld [tilespmem:s15+$0x410];
	[tilespmem:s24+$0x40] =	vst v45  }
0x1dc: {  	v29 =	vld [tilespmem:s16+$0x50]  }
0x1dd: {  	v48 =	vld.idx.msk [tilespmem:v11+s17+$0x8050 ss:$0x1], $0xffff  }
0x1de: {  	v51 =	vld [tilespmem:s13+$0x1410]  }
0x1df: {  	v49 =	vld.idx.msk [tilespmem:v11+s18+$0x8050 ss:$0x1], $0xffff;
	_ =	sdelay $0x1  }
0x1e0: {  	v50 =	vshll.u32 v47, $0x10;
	v28 =	vmul.f32 v47, v19;
	v52 =	vld.idx.msk [tilespmem:v11+s19+$0x8050 ss:$0x1], $0xffff;
	v53 =	vshll.u32 v29, $0x10  }
0x1e1: {  	v54 =	vshll.u32 v48, $0x10;
	v29 =	vmul.f32 v29, v21;
	v30 =	vmul.f32 v48, v22  }
0x1e2: {  	v57 =	vshll.u32 v51, $0x10;
	v55 =	vld.idx.msk [tilespmem:v11+s20+$0x8050 ss:$0x1], $0xffff;
	v35 =	vmul.f32 v53, v21;
	v36 =	vmul.f32 v54, v22  }
0x1e3: {  	v56 =	vshll.u32 v49, $0x10;
	v60 =	vmul.f32 v49, v20;
	v29 =	vadd.f32 v30, v29  }
0x1e4: {  	v33 =	vmul.f32 v51, v18;
	v59 =	vld.idx.msk [tilespmem:v11+s21+$0x8050 ss:$0x1], $0xffff;
	v58 =	vmul.f32 v56, v20;
	v35 =	vadd.f32 v36, v35  }
0x1e5: {  	v62 =	vld.idx.msk [tilespmem:v11+s22+$0x8050 ss:$0x1], $0xffff;
	v61 =	vshll.u32 v52, $0x10;
	v63 =	vmul.f32 v52, v23;
	v29 =	vadd.f32 v60, v29  }
0x1e6: {  	v32 =	vmul.f32 v50, v19;
	v44 =	vld [tilespmem:s13+$0x2410];
	v31 =	vmul.f32 v61, v23;
	v35 =	vadd.f32 v58, v35  }
0x1e7: {  	v43 =	vld.idx.msk [tilespmem:v11+s23+$0x8050 ss:$0x1], $0xffff;
	v42 =	vshll.u32 v55, $0x10;
	v45 =	vmul.f32 v55, v24;
	v29 =	vadd.f32 v63, v29  }
0x1e8: {  	v28 =	vadd.f32 v33, v28;
	v34 =	vmul.f32 v42, v24;
	v31 =	vadd.f32 v31, v35  }
0x1e9: {  	v46 =	vshll.u32 v59, $0x10;
	v48 =	vld [tilespmem:s13+$0x3410];
	v49 =	vmul.f32 v59, v25;
	v29 =	vadd.f32 v45, v29  }
0x1ea: {  	v50 =	vshll.u32 v62, $0x10;
	v47 =	vmul.f32 v46, v25;
	v31 =	vadd.f32 v34, v31  }
0x1eb: {  	v52 =	vld [tilespmem:s13+$0x4410];
	v51 =	vmul.f32 v50, v26;
	v53 =	vmul.f32 v62, v26;
	v29 =	vadd.f32 v49, v29  }
0x1ec: {  	v54 =	vshll.u32 v43, $0x10;
	v60 =	vmul.f32 v44, v14;
	v31 =	vadd.f32 v47, v31  }
0x1ed: {  	v59 =	vmul.f32 v43, v27;
	v56 =	vmul.f32 v54, v27;
	v58 =	vld [tilespmem:s13+$0x5410];
	v29 =	vadd.f32 v53, v29  }
0x1ee: {  	v42 =	vld [tilespmem:s13+$0x7410];
	v37 =	vmul.f32 v48, v15;
	v28 =	vadd.f32 v60, v28;
	v31 =	vadd.f32 v51, v31  }
0x1ef: {  	v39 =	vmul.f32 v57, v18;
	v55 =	vshll.u32 v44, $0x10;
	v63 =	vld [tilespmem:s13+$0x6410];
	v29 =	vadd.f32 v59, v29  }
0x1f0: {  	v43 =	vmul.f32 v52, v16;
	v28 =	vadd.f32 v37, v28;
	v31 =	vadd.f32 v56, v31  }
0x1f1: {  	v32 =	vadd.f32 v39, v32;
	v57 =	vmul.f32 v55, v14;
	v61 =	vshll.u32 v48, $0x10;
	[tilespmem:s24+$0x850] =	vst v29  }
0x1f2: {  	v39 =	vshll.u32 v52, $0x10;
	v28 =	vadd.f32 v43, v28;
	v47 =	vmul.f32 v58, v17;
	[tilespmem:s24+$0x50] =	vst v31  }
0x1f3: {  	v32 =	vadd.f32 v57, v32;
	v62 =	vmul.f32 v61, v15;
	v41 =	vmul.f32 v39, v16;
	v45 =	vld [tilespmem:s16+$0x60]  }
0x1f4: {  	v52 =	vshll.u32 v42, $0x10;
	v28 =	vadd.f32 v47, v28;
	v51 =	vmul.f32 v63, v13;
	v46 =	vld.idx.msk [tilespmem:v11+s17+$0x8060 ss:$0x1], $0xffff  }
0x1f5: {  	v33 =	vmul.f32 v42, v12;
	v40 =	vadd.f32 v62, v32;
	v44 =	vshll.u32 v58, $0x10  }
0x1f6: {  	v30 =	vmul.f32 v44, v17;
	v48 =	vshll.u32 v63, $0x10;
	v28 =	vadd.f32 v51, v28;
	v50 =	vld.idx.msk [tilespmem:v11+s18+$0x8060 ss:$0x1], $0xffff  }
0x1f7: {  	v49 =	vmul.f32 v48, v13;
	v53 =	vmul.f32 v52, v12  }
0x1f8: {  	v31 =	vadd.f32 v41, v40;
	v28 =	vadd.f32 v33, v28;
	v54 =	vld.idx.msk [tilespmem:v11+s19+$0x8060 ss:$0x1], $0xffff;
	v55 =	vshll.u32 v45, $0x10  }
0x1f9: {  	v56 =	vshll.u32 v46, $0x10;
	v34 =	vmul.f32 v45, v21;
	v32 =	vmul.f32 v46, v22  }
0x1fa: {  	v58 =	vld.idx.msk [tilespmem:v11+s20+$0x8060 ss:$0x1], $0xffff;
	v30 =	vadd.f32 v30, v31;
	v29 =	vmul.f32 v55, v21;
	v57 =	vmul.f32 v56, v22  }
0x1fb: {  	v59 =	vshll.u32 v50, $0x10;
	v62 =	vmul.f32 v50, v20;
	v32 =	vadd.f32 v32, v34  }
0x1fc: {  	v61 =	vld.idx.msk [tilespmem:v11+s21+$0x8060 ss:$0x1], $0xffff;
	v30 =	vadd.f32 v49, v30;
	v60 =	vmul.f32 v59, v20;
	v29 =	vadd.f32 v57, v29  }
0x1fd: {  	v63 =	vshll.u32 v54, $0x10;
	v41 =	vmul.f32 v54, v23;
	v32 =	vadd.f32 v62, v32  }
0x1fe: {  	v40 =	vld.idx.msk [tilespmem:v11+s22+$0x8060 ss:$0x1], $0xffff;
	v30 =	vadd.f32 v53, v30;
	v39 =	vmul.f32 v63, v23;
	v29 =	vadd.f32 v60, v29  }
0x1ff: {  	[tilespmem:s14+$0xC10] =	vst v28;
	v42 =	vshll.u32 v58, $0x10;
	v46 =	vmul.f32 v58, v24;
	v45 =	vadd.f32 v41, v32  }
0x200: {  	v44 =	vld.idx.msk [tilespmem:v11+s23+$0x8060 ss:$0x1], $0xffff;
	v43 =	vmul.f32 v42, v24;
	[tilespmem:s14+$0x410] =	vst v30;
	v29 =	vadd.f32 v39, v29  }
0x201: {  	v47 =	vshll.u32 v61, $0x10;
	v51 =	vmul.f32 v61, v25;
	v48 =	vld [tilespmem:s15+$0x420];
	v28 =	vadd.f32 v46, v45  }
0x202: {  	v49 =	vmul.f32 v47, v25;
	v50 =	vld [tilespmem:s13+$0x1420];
	v29 =	vadd.f32 v43, v29  }
0x203: {  	v52 =	vshll.u32 v40, $0x10;
	v55 =	vmul.f32 v40, v26;
	v54 =	vld [tilespmem:s13+$0x2420];
	v28 =	vadd.f32 v51, v28  }
0x204: {  	v53 =	vmul.f32 v52, v26;
	v58 =	vld [tilespmem:s13+$0x3420];
	v29 =	vadd.f32 v49, v29  }
0x205: {  	v31 =	vmul.f32 v44, v27;
	v56 =	vshll.u32 v44, $0x10;
	v28 =	vadd.f32 v55, v28  }
0x206: {  	v57 =	vmul.f32 v56, v27;
	v63 =	vld [tilespmem:s13+$0x4420];
	v29 =	vadd.f32 v53, v29  }
0x207: {  	v59 =	vshll.u32 v48, $0x10;
	v60 =	vshll.u32 v50, $0x10;
	v28 =	vadd.f32 v31, v28  }
0x208: {  	v38 =	vmul.f32 v48, v19;
	v34 =	vmul.f32 v50, v18;
	v29 =	vadd.f32 v57, v29  }
0x209: {  	v32 =	vld [tilespmem:s13+$0x5420];
	v39 =	vshll.u32 v54, $0x10;
	v48 =	vmul.f32 v58, v15;
	v61 =	vmul.f32 v59, v19;
	[tilespmem:s24+$0x860] =	vst v28  }
0x20a: {  	v62 =	vmul.f32 v60, v18;
	v43 =	vmul.f32 v54, v14;
	v42 =	vadd.f32 v34, v38;
	[tilespmem:s24+$0x60] =	vst v29  }
0x20b: {  	v44 =	vshll.u32 v58, $0x10;
	v52 =	vmul.f32 v63, v16;
	v41 =	vmul.f32 v39, v14;
	v45 =	vld [tilespmem:s16+$0x70]  }
0x20c: {  	v40 =	vadd.f32 v62, v61;
	v49 =	vshll.u32 v63, $0x10;
	v28 =	vadd.f32 v43, v42;
	v47 =	vld.idx.msk [tilespmem:v11+s17+$0x8070 ss:$0x1], $0xffff  }
0x20d: {  	v46 =	vmul.f32 v44, v15;
	v50 =	vmul.f32 v49, v16  }
0x20e: {  	v53 =	vshll.u32 v32, $0x10;
	v29 =	vadd.f32 v41, v40;
	v51 =	vld.idx.msk [tilespmem:v11+s18+$0x8070 ss:$0x1], $0xffff;
	v28 =	vadd.f32 v48, v28  }
0x20f: {  	v32 =	vmul.f32 v32, v17;
	v31 =	vmul.f32 v53, v17  }
0x210: {  	v54 =	vld.idx.msk [tilespmem:v11+s19+$0x8070 ss:$0x1], $0xffff;
	v29 =	vadd.f32 v46, v29;
	v28 =	vadd.f32 v52, v28;
	v55 =	vshll.u32 v45, $0x10  }
0x211: {  	v56 =	vshll.u32 v47, $0x10;
	v35 =	vmul.f32 v45, v21;
	v34 =	vmul.f32 v47, v22  }
0x212: {  	v59 =	vld.idx.msk [tilespmem:v11+s20+$0x8070 ss:$0x1], $0xffff;
	v29 =	vadd.f32 v50, v29;
	v57 =	vmul.f32 v55, v21;
	v58 =	vmul.f32 v56, v22  }
0x213: {  	v62 =	vld.idx.msk [tilespmem:v11+s21+$0x8070 ss:$0x1], $0xffff;
	v60 =	vshll.u32 v51, $0x10;
	v33 =	vmul.f32 v51, v20;
	v34 =	vadd.f32 v34, v35  }
0x214: {  	v63 =	vld [tilespmem:s13+$0x6420];
	v28 =	vadd.f32 v32, v28;
	v61 =	vmul.f32 v60, v20;
	v30 =	vadd.f32 v58, v57  }
0x215: {  	v44 =	vld.idx.msk [tilespmem:v11+s22+$0x8070 ss:$0x1], $0xffff;
	v42 =	vshll.u32 v54, $0x10;
	v45 =	vmul.f32 v54, v23;
	v33 =	vadd.f32 v33, v34  }
0x216: {  	v48 =	vld.idx.msk [tilespmem:v11+s23+$0x8070 ss:$0x1], $0xffff;
	v29 =	vadd.f32 v31, v29;
	v43 =	vmul.f32 v42, v23;
	v30 =	vadd.f32 v61, v30  }
0x217: {  	v46 =	vshll.u32 v59, $0x10;
	v49 =	vmul.f32 v59, v24;
	v33 =	vadd.f32 v45, v33  }
0x218: {  	v52 =	vld [tilespmem:s13+$0x7420];
	v50 =	vshll.u32 v62, $0x10;
	v47 =	vmul.f32 v46, v24;
	v30 =	vadd.f32 v43, v30  }
0x219: {  	v51 =	vshll.u32 v63, $0x10;
	v53 =	vmul.f32 v62, v25;
	v33 =	vadd.f32 v49, v33  }
0x21a: {  	v54 =	vshll.u32 v44, $0x10;
	v36 =	vmul.f32 v50, v25;
	v30 =	vadd.f32 v47, v30  }
0x21b: {  	v32 =	vmul.f32 v48, v27;
	v56 =	vmul.f32 v44, v26;
	v33 =	vadd.f32 v53, v33  }
0x21c: {  	v38 =	vmul.f32 v51, v13;
	v55 =	vmul.f32 v54, v26;
	v30 =	vadd.f32 v36, v30  }
0x21d: {  	v59 =	vshll.u32 v52, $0x10;
	v57 =	vshll.u32 v48, $0x10;
	v33 =	vadd.f32 v56, v33  }
0x21e: {  	v58 =	vmul.f32 v63, v13;
	v35 =	vmul.f32 v57, v27;
	v30 =	vadd.f32 v55, v30  }
0x21f: {  	v29 =	vadd.f32 v38, v29;
	v60 =	vmul.f32 v59, v12;
	v32 =	vadd.f32 v32, v33  }
0x220: {  	v31 =	vmul.f32 v52, v12;
	v28 =	vadd.f32 v58, v28;
	v30 =	vadd.f32 v35, v30  }
0x221: {  	v29 =	vadd.f32 v60, v29;
	[tilespmem:s24+$0x870] =	vst v32  }
0x222: {  	v28 =	vadd.f32 v31, v28;
	[tilespmem:s24+$0x70] =	vst v30  }
0x223: {  	[tilespmem:s14+$0x420] =	vst v29;
	v61 =	vld [tilespmem:s16+$0x400]  }
0x224: {  	[tilespmem:s14+$0xC20] =	vst v28;
	v62 =	vld.idx.msk [tilespmem:v11+s17+$0x8400 ss:$0x1], $0xffff  }
0x225: {  	v63 =	vld [tilespmem:s15+$0x430]  }
0x226: {  	v40 =	vld.idx.msk [tilespmem:v11+s18+$0x8400 ss:$0x1], $0xffff  }
0x227: {  	v45 =	vld [tilespmem:s13+$0x1430]  }
0x228: {  	v32 =	vld.idx.msk [tilespmem:v11+s19+$0x8400 ss:$0x1], $0xffff;
	v41 =	vshll.u32 v61, $0x10  }
0x229: {  	v42 =	vshll.u32 v62, $0x10;
	v29 =	vmul.f32 v61, v21;
	v28 =	vmul.f32 v62, v22  }
0x22a: {  	v43 =	vshll.u32 v63, $0x10;
	v44 =	vld.idx.msk [tilespmem:v11+s20+$0x8400 ss:$0x1], $0xffff;
	v33 =	vmul.f32 v41, v21;
	v34 =	vmul.f32 v42, v22  }
0x22b: {  	v46 =	vshll.u32 v40, $0x10;
	v49 =	vmul.f32 v40, v20;
	v28 =	vadd.f32 v28, v29  }
0x22c: {  	v54 =	vshll.u32 v45, $0x10;
	v48 =	vld.idx.msk [tilespmem:v11+s21+$0x8400 ss:$0x1], $0xffff;
	v47 =	vmul.f32 v46, v20;
	v33 =	vadd.f32 v34, v33  }
0x22d: {  	v50 =	vshll.u32 v32, $0x10;
	v52 =	vmul.f32 v32, v23;
	v28 =	vadd.f32 v49, v28  }
0x22e: {  	v37 =	vmul.f32 v45, v18;
	v51 =	vld.idx.msk [tilespmem:v11+s22+$0x8400 ss:$0x1], $0xffff;
	v31 =	vmul.f32 v50, v23;
	v33 =	vadd.f32 v47, v33  }
0x22f: {  	v53 =	vshll.u32 v44, $0x10;
	v56 =	vmul.f32 v44, v24;
	v28 =	vadd.f32 v52, v28  }
0x230: {  	v35 =	vmul.f32 v43, v19;
	v55 =	vld.idx.msk [tilespmem:v11+s23+$0x8400 ss:$0x1], $0xffff;
	v32 =	vmul.f32 v53, v24;
	v31 =	vadd.f32 v31, v33  }
0x231: {  	v57 =	vshll.u32 v48, $0x10;
	v59 =	vmul.f32 v48, v25;
	v28 =	vadd.f32 v56, v28  }
0x232: {  	v58 =	vld [tilespmem:s13+$0x2430];
	v30 =	vmul.f32 v63, v19;
	v36 =	vmul.f32 v57, v25;
	v31 =	vadd.f32 v32, v31  }
0x233: {  	v60 =	vshll.u32 v51, $0x10;
	v63 =	vmul.f32 v51, v26;
	v28 =	vadd.f32 v59, v28  }
0x234: {  	v39 =	vmul.f32 v54, v18;
	v61 =	vld [tilespmem:s13+$0x3430];
	v62 =	vmul.f32 v60, v26;
	v31 =	vadd.f32 v36, v31  }
0x235: {  	v40 =	vshll.u32 v55, $0x10;
	v43 =	vmul.f32 v55, v27;
	v41 =	vld [tilespmem:s13+$0x4430];
	v28 =	vadd.f32 v63, v28  }
0x236: {  	v45 =	vld [tilespmem:s13+$0x5430];
	v30 =	vadd.f32 v37, v30;
	v34 =	vmul.f32 v40, v27;
	v31 =	vadd.f32 v62, v31  }
0x237: {  	v42 =	vshll.u32 v58, $0x10;
	v32 =	vmul.f32 v58, v14;
	v28 =	vadd.f32 v43, v28  }
0x238: {  	v35 =	vadd.f32 v39, v35;
	v44 =	vmul.f32 v42, v14;
	v49 =	vld [tilespmem:s13+$0x6430];
	v31 =	vadd.f32 v34, v31  }
0x239: {  	v46 =	vshll.u32 v61, $0x10;
	v50 =	vmul.f32 v61, v15;
	v30 =	vadd.f32 v32, v30;
	[tilespmem:s24+$0xC00] =	vst v28  }
0x23a: {  	v47 =	vadd.f32 v44, v35;
	v48 =	vmul.f32 v46, v15;
	v51 =	vshll.u32 v41, $0x10;
	v63 =	vld [tilespmem:s13+$0x7430];
	[tilespmem:s24+$0x400] =	vst v31  }
0x23b: {  	v55 =	vmul.f32 v41, v16;
	v56 =	vshll.u32 v45, $0x10;
	v30 =	vadd.f32 v50, v30;
	v54 =	vld [tilespmem:s16+$0x410]  }
0x23c: {  	v53 =	vmul.f32 v51, v16;
	v52 =	vadd.f32 v48, v47;
	v58 =	vmul.f32 v56, v17;
	v57 =	vld.idx.msk [tilespmem:v11+s17+$0x8410 ss:$0x1], $0xffff  }
0x23d: {  	v60 =	vshll.u32 v49, $0x10;
	v59 =	vmul.f32 v45, v17;
	v30 =	vadd.f32 v55, v30  }
0x23e: {  	v42 =	vmul.f32 v49, v13;
	v62 =	vmul.f32 v60, v13;
	v61 =	vld.idx.msk [tilespmem:v11+s18+$0x8410 ss:$0x1], $0xffff  }
0x23f: {  	v28 =	vadd.f32 v53, v52;
	v30 =	vadd.f32 v59, v30;
	v49 =	vshll.u32 v63, $0x10  }
0x240: {  	v33 =	vmul.f32 v63, v12;
	v43 =	vld.idx.msk [tilespmem:v11+s19+$0x8410 ss:$0x1], $0xffff;
	v39 =	vmul.f32 v49, v12;
	v44 =	vshll.u32 v54, $0x10  }
0x241: {  	v45 =	vshll.u32 v57, $0x10;
	v32 =	vmul.f32 v54, v21;
	v35 =	vmul.f32 v57, v22  }
0x242: {  	v28 =	vadd.f32 v58, v28;
	v47 =	vld.idx.msk [tilespmem:v11+s20+$0x8410 ss:$0x1], $0xffff;
	v29 =	vmul.f32 v44, v21;
	v46 =	vmul.f32 v45, v22  }
0x243: {  	v48 =	vshll.u32 v61, $0x10;
	v52 =	vmul.f32 v61, v20;
	v32 =	vadd.f32 v35, v32  }
0x244: {  	v51 =	vld.idx.msk [tilespmem:v11+s21+$0x8410 ss:$0x1], $0xffff;
	v30 =	vadd.f32 v42, v30;
	v50 =	vmul.f32 v48, v20;
	v29 =	vadd.f32 v46, v29  }
0x245: {  	v53 =	vshll.u32 v43, $0x10;
	v34 =	vmul.f32 v43, v23;
	v32 =	vadd.f32 v52, v32  }
0x246: {  	v55 =	vld.idx.msk [tilespmem:v11+s22+$0x8410 ss:$0x1], $0xffff;
	v28 =	vadd.f32 v62, v28;
	v54 =	vmul.f32 v53, v23;
	v29 =	vadd.f32 v50, v29  }
0x247: {  	v56 =	vshll.u32 v47, $0x10;
	v59 =	vmul.f32 v47, v24;
	v32 =	vadd.f32 v34, v32  }
0x248: {  	v58 =	vld.idx.msk [tilespmem:v11+s23+$0x8410 ss:$0x1], $0xffff;
	v30 =	vadd.f32 v33, v30;
	v57 =	vmul.f32 v56, v24;
	v29 =	vadd.f32 v54, v29  }
0x249: {  	v60 =	vshll.u32 v51, $0x10;
	v62 =	vmul.f32 v51, v25;
	v32 =	vadd.f32 v59, v32  }
0x24a: {  	v28 =	vadd.f32 v39, v28;
	v61 =	vmul.f32 v60, v25;
	v29 =	vadd.f32 v57, v29  }
0x24b: {  	v63 =	vshll.u32 v55, $0x10;
	v41 =	vmul.f32 v55, v26;
	v32 =	vadd.f32 v62, v32  }
0x24c: {  	[tilespmem:s14+$0xC30] =	vst v30;
	v40 =	vmul.f32 v63, v26;
	v29 =	vadd.f32 v61, v29  }
0x24d: {  	v42 =	vshll.u32 v58, $0x10;
	[tilespmem:s14+$0x430] =	vst v28;
	v46 =	vmul.f32 v58, v27;
	v45 =	vadd.f32 v41, v32  }
0x24e: {  	v44 =	vmul.f32 v42, v27;
	v47 =	vld [tilespmem:s15+$0x440];
	v43 =	vadd.f32 v40, v29  }
0x24f: {  	v48 =	vld [tilespmem:s13+$0x1440];
	v30 =	vadd.f32 v46, v45  }
0x250: {  	v28 =	vadd.f32 v44, v43  }
0x251: {  	v49 =	vld [tilespmem:s13+$0x2440];
	[tilespmem:s24+$0xC10] =	vst v30  }
0x252: {  	[tilespmem:s24+$0x410] =	vst v28  }
0x253: {  	v30 =	vld [tilespmem:s16+$0x420]  }
0x254: {  	v51 =	vshll.u32 v47, $0x10;
	v52 =	vshll.u32 v48, $0x10;
	v50 =	vld.idx.msk [tilespmem:v11+s17+$0x8420 ss:$0x1], $0xffff  }
0x255: {  	v33 =	vmul.f32 v51, v19;
	v34 =	vmul.f32 v52, v18  }
0x256: {  	v54 =	vshll.u32 v49, $0x10;
	v53 =	vld.idx.msk [tilespmem:v11+s18+$0x8420 ss:$0x1], $0xffff  }
0x257: {  	v55 =	vmul.f32 v54, v14;
	v33 =	vadd.f32 v34, v33  }
0x258: {  	v32 =	vmul.f32 v47, v19;
	v29 =	vmul.f32 v48, v18;
	v56 =	vld.idx.msk [tilespmem:v11+s19+$0x8420 ss:$0x1], $0xffff;
	v57 =	vshll.u32 v30, $0x10  }
0x259: {  	v58 =	vshll.u32 v50, $0x10;
	v30 =	vmul.f32 v30, v21;
	v31 =	vmul.f32 v50, v22  }
0x25a: {  	v29 =	vadd.f32 v29, v32;
	v60 =	vld.idx.msk [tilespmem:v11+s20+$0x8420 ss:$0x1], $0xffff;
	v32 =	vmul.f32 v57, v21;
	v59 =	vmul.f32 v58, v22  }
0x25b: {  	v61 =	vshll.u32 v53, $0x10;
	v42 =	vmul.f32 v53, v20;
	v30 =	vadd.f32 v31, v30  }
0x25c: {  	v33 =	vadd.f32 v55, v33;
	v63 =	vld.idx.msk [tilespmem:v11+s21+$0x8420 ss:$0x1], $0xffff;
	v62 =	vmul.f32 v61, v20;
	v32 =	vadd.f32 v59, v32  }
0x25d: {  	v38 =	vld [tilespmem:s13+$0x3440];
	v43 =	vshll.u32 v56, $0x10;
	v47 =	vmul.f32 v56, v23;
	v30 =	vadd.f32 v42, v30  }
0x25e: {  	v28 =	vmul.f32 v49, v14;
	v46 =	vld.idx.msk [tilespmem:v11+s22+$0x8420 ss:$0x1], $0xffff;
	v45 =	vmul.f32 v43, v23;
	v44 =	vadd.f32 v62, v32  }
0x25f: {  	v48 =	vshll.u32 v60, $0x10;
	v52 =	vmul.f32 v60, v24;
	v30 =	vadd.f32 v47, v30  }
0x260: {  	v51 =	vld.idx.msk [tilespmem:v11+s23+$0x8420 ss:$0x1], $0xffff;
	v28 =	vadd.f32 v28, v29;
	v50 =	vmul.f32 v48, v24;
	v29 =	vadd.f32 v45, v44  }
0x261: {  	v53 =	vshll.u32 v63, $0x10;
	v55 =	vmul.f32 v63, v25;
	v30 =	vadd.f32 v52, v30  }
0x262: {  	v49 =	vshll.u32 v38, $0x10;
	v37 =	vmul.f32 v53, v25;
	v29 =	vadd.f32 v50, v29  }
0x263: {  	v54 =	vld [tilespmem:s13+$0x4440];
	v56 =	vshll.u32 v46, $0x10;
	v59 =	vmul.f32 v46, v26;
	v30 =	vadd.f32 v55, v30  }
0x264: {  	v38 =	vmul.f32 v38, v15;
	v58 =	vmul.f32 v56, v26;
	v29 =	vadd.f32 v37, v29  }
0x265: {  	v60 =	vshll.u32 v51, $0x10;
	v63 =	vmul.f32 v51, v27;
	v57 =	vld [tilespmem:s13+$0x5440];
	v30 =	vadd.f32 v59, v30  }
0x266: {  	v34 =	vmul.f32 v60, v27;
	v29 =	vadd.f32 v58, v29  }
0x267: {  	v36 =	vmul.f32 v49, v15;
	v28 =	vadd.f32 v38, v28;
	v61 =	vld [tilespmem:s13+$0x6440];
	v30 =	vadd.f32 v63, v30  }
0x268: {  	v62 =	vshll.u32 v54, $0x10;
	v32 =	vmul.f32 v54, v16;
	v29 =	vadd.f32 v34, v29  }
0x269: {  	v41 =	vld [tilespmem:s13+$0x7440];
	v33 =	vadd.f32 v36, v33;
	v40 =	vmul.f32 v62, v16;
	[tilespmem:s24+$0xC20] =	vst v30  }
0x26a: {  	v42 =	vshll.u32 v57, $0x10;
	v28 =	vadd.f32 v32, v28;
	v45 =	vmul.f32 v57, v17;
	[tilespmem:s24+$0x420] =	vst v29  }
0x26b: {  	v44 =	vmul.f32 v42, v17;
	v43 =	vadd.f32 v40, v33;
	v49 =	vld [tilespmem:s16+$0x430]  }
0x26c: {  	v46 =	vshll.u32 v61, $0x10;
	v28 =	vadd.f32 v45, v28;
	v50 =	vmul.f32 v61, v13;
	v52 =	vld.idx.msk [tilespmem:v11+s17+$0x8430 ss:$0x1], $0xffff  }
0x26d: {  	v48 =	vmul.f32 v46, v13;
	v47 =	vadd.f32 v44, v43;
	v55 =	vld.idx.msk [tilespmem:v11+s18+$0x8430 ss:$0x1], $0xffff  }
0x26e: {  	v51 =	vshll.u32 v41, $0x10;
	v54 =	vmul.f32 v41, v12;
	v28 =	vadd.f32 v50, v28  }
0x26f: {  	v53 =	vmul.f32 v51, v12;
	v30 =	vadd.f32 v48, v47;
	v56 =	vld.idx.msk [tilespmem:v11+s19+$0x8430 ss:$0x1], $0xffff  }
0x270: {  	v28 =	vadd.f32 v54, v28;
	v61 =	vld.idx.msk [tilespmem:v11+s20+$0x8430 ss:$0x1], $0xffff  }
0x271: {  	v30 =	vadd.f32 v53, v30;
	v41 =	vld.idx.msk [tilespmem:v11+s21+$0x8430 ss:$0x1], $0xffff;
	v57 =	vshll.u32 v49, $0x10;
	v32 =	vmul.f32 v49, v21  }
0x272: {  	v58 =	vshll.u32 v52, $0x10;
	v34 =	vmul.f32 v52, v22;
	v33 =	vmul.f32 v55, v20  }
0x273: {  	v44 =	vld.idx.msk [tilespmem:v11+s22+$0x8430 ss:$0x1], $0xffff;
	v63 =	vshll.u32 v55, $0x10;
	v59 =	vmul.f32 v57, v21;
	v60 =	vmul.f32 v58, v22  }
0x274: {  	[tilespmem:s14+$0xC40] =	vst v28;
	v42 =	vshll.u32 v56, $0x10;
	v29 =	vmul.f32 v56, v23;
	v32 =	vadd.f32 v34, v32  }
0x275: {  	v48 =	vld.idx.msk [tilespmem:v11+s23+$0x8430 ss:$0x1], $0xffff;
	[tilespmem:s14+$0x440] =	vst v30;
	v45 =	vshll.u32 v61, $0x10;
	v40 =	vmul.f32 v63, v20;
	v28 =	vadd.f32 v60, v59  }
0x276: {  	v62 =	vld [tilespmem:s15+$0x450];
	v31 =	vmul.f32 v61, v24;
	v50 =	vshll.u32 v41, $0x10;
	v32 =	vadd.f32 v33, v32  }
0x277: {  	v53 =	vmul.f32 v41, v25;
	v43 =	vmul.f32 v42, v23;
	v28 =	vadd.f32 v40, v28  }
0x278: {  	v49 =	vld [tilespmem:s13+$0x1450];
	v54 =	vshll.u32 v44, $0x10;
	v47 =	vmul.f32 v45, v24;
	v29 =	vadd.f32 v29, v32  }
0x279: {  	v52 =	vld [tilespmem:s13+$0x2450];
	v51 =	vmul.f32 v50, v25;
	v55 =	vmul.f32 v54, v26;
	v28 =	vadd.f32 v43, v28  }
0x27a: {  	v56 =	vld [tilespmem:s13+$0x3450];
	v57 =	vmul.f32 v44, v26;
	v58 =	vshll.u32 v48, $0x10;
	v29 =	vadd.f32 v31, v29  }
0x27b: {  	v63 =	vmul.f32 v48, v27;
	v46 =	vshll.u32 v62, $0x10;
	v28 =	vadd.f32 v47, v28  }
0x27c: {  	v35 =	vmul.f32 v62, v19;
	v60 =	vmul.f32 v58, v27;
	v29 =	vadd.f32 v53, v29  }
0x27d: {  	v62 =	vld [tilespmem:s13+$0x4450];
	v37 =	vmul.f32 v46, v19;
	v59 =	vshll.u32 v49, $0x10;
	v28 =	vadd.f32 v51, v28  }
0x27e: {  	v40 =	vmul.f32 v49, v18;
	v41 =	vshll.u32 v52, $0x10;
	v29 =	vadd.f32 v57, v29  }
0x27f: {  	v46 =	vshll.u32 v56, $0x10;
	v61 =	vmul.f32 v59, v18;
	v28 =	vadd.f32 v55, v28  }
0x280: {  	v44 =	vld [tilespmem:s13+$0x5450];
	v32 =	vmul.f32 v52, v14;
	v45 =	vadd.f32 v40, v35;
	v29 =	vadd.f32 v63, v29  }
0x281: {  	v49 =	vld [tilespmem:s13+$0x6450];
	v43 =	vmul.f32 v41, v14;
	v42 =	vadd.f32 v61, v37;
	v28 =	vadd.f32 v60, v28  }
0x282: {  	v48 =	vmul.f32 v46, v15;
	v52 =	vshll.u32 v62, $0x10;
	[tilespmem:s24+$0xC30] =	vst v29  }
0x283: {  	v50 =	vadd.f32 v32, v45;
	v45 =	vld [tilespmem:s13+$0x7450];
	v47 =	vadd.f32 v43, v42;
	v51 =	vmul.f32 v56, v15;
	[tilespmem:s24+$0x430] =	vst v28  }
0x284: {  	v54 =	vmul.f32 v52, v16;
	v56 =	vmul.f32 v62, v16;
	v53 =	vld [tilespmem:s16+$0x440]  }
0x285: {  	v57 =	vshll.u32 v44, $0x10;
	v29 =	vadd.f32 v51, v50;
	v28 =	vadd.f32 v48, v47;
	v55 =	vld.idx.msk [tilespmem:v11+s17+$0x8440 ss:$0x1], $0xffff  }
0x286: {  	v61 =	vshll.u32 v49, $0x10;
	v33 =	vmul.f32 v49, v13;
	v58 =	vmul.f32 v57, v17  }
0x287: {  	v60 =	vmul.f32 v44, v17;
	v59 =	vld.idx.msk [tilespmem:v11+s18+$0x8440 ss:$0x1], $0xffff;
	v29 =	vadd.f32 v56, v29;
	v28 =	vadd.f32 v54, v28  }
0x288: {  	v62 =	vmul.f32 v61, v13;
	v38 =	vmul.f32 v45, v12  }
0x289: {  	v63 =	vld.idx.msk [tilespmem:v11+s19+$0x8440 ss:$0x1], $0xffff;
	v29 =	vadd.f32 v60, v29;
	v28 =	vadd.f32 v58, v28;
	v40 =	vshll.u32 v53, $0x10  }
0x28a: {  	v44 =	vld.idx.msk [tilespmem:v11+s20+$0x8440 ss:$0x1], $0xffff;
	v41 =	vshll.u32 v55, $0x10;
	v34 =	vmul.f32 v53, v21;
	v32 =	vmul.f32 v55, v22  }
0x28b: {  	v29 =	vadd.f32 v33, v29;
	v42 =	vmul.f32 v40, v21;
	v43 =	vmul.f32 v41, v22  }
0x28c: {  	v48 =	vld.idx.msk [tilespmem:v11+s21+$0x8440 ss:$0x1], $0xffff;
	v46 =	vshll.u32 v59, $0x10;
	v49 =	vmul.f32 v59, v20;
	v32 =	vadd.f32 v32, v34  }
0x28d: {  	v52 =	vld.idx.msk [tilespmem:v11+s22+$0x8440 ss:$0x1], $0xffff;
	v28 =	vadd.f32 v62, v28;
	v47 =	vmul.f32 v46, v20;
	v30 =	vadd.f32 v43, v42  }
0x28e: {  	v50 =	vshll.u32 v63, $0x10;
	v53 =	vmul.f32 v63, v23;
	v32 =	vadd.f32 v49, v32  }
0x28f: {  	v57 =	vld.idx.msk [tilespmem:v11+s23+$0x8440 ss:$0x1], $0xffff;
	v54 =	vshll.u32 v44, $0x10;
	v51 =	vmul.f32 v50, v23;
	v30 =	vadd.f32 v47, v30  }
0x290: {  	v55 =	vshll.u32 v45, $0x10;
	v58 =	vmul.f32 v44, v24;
	v32 =	vadd.f32 v53, v32  }
0x291: {  	v59 =	vshll.u32 v48, $0x10;
	v56 =	vmul.f32 v54, v24;
	v30 =	vadd.f32 v51, v30  }
0x292: {  	v61 =	vmul.f32 v48, v25;
	v62 =	vshll.u32 v52, $0x10;
	v32 =	vadd.f32 v58, v32  }
0x293: {  	v33 =	vmul.f32 v52, v26;
	v60 =	vmul.f32 v59, v25;
	v30 =	vadd.f32 v56, v30  }
0x294: {  	v37 =	vshll.u32 v57, $0x10;
	v36 =	vmul.f32 v55, v12;
	v32 =	vadd.f32 v61, v32  }
0x295: {  	v63 =	vmul.f32 v62, v26;
	v29 =	vadd.f32 v38, v29;
	v30 =	vadd.f32 v60, v30  }
0x296: {  	v40 =	vmul.f32 v57, v27;
	v28 =	vadd.f32 v36, v28;
	v32 =	vadd.f32 v33, v32  }
0x297: {  	v39 =	vmul.f32 v37, v27;
	[tilespmem:s14+$0xC50] =	vst v29;
	v30 =	vadd.f32 v63, v30  }
0x298: {  	[tilespmem:s14+$0x450] =	vst v28;
	v42 =	vadd.f32 v40, v32  }
0x299: {  	v43 =	vld [tilespmem:s15+$0x460];
	v41 =	vadd.f32 v39, v30  }
0x29a: {  	v44 =	vld [tilespmem:s13+$0x1460];
	[tilespmem:s24+$0xC40] =	vst v42  }
0x29b: {  	v55 =	vld [tilespmem:s13+$0x2460];
	[tilespmem:s24+$0x440] =	vst v41  }
0x29c: {  	v29 =	vld [tilespmem:s16+$0x450]  }
0x29d: {  	v45 =	vld.idx.msk [tilespmem:v11+s17+$0x8450 ss:$0x1], $0xffff;
	_ =	sdelay $0x1  }
0x29e: {  	v47 =	vshll.u32 v43, $0x10;
	v46 =	vld.idx.msk [tilespmem:v11+s18+$0x8450 ss:$0x1], $0xffff  }
0x29f: {  	v48 =	vshll.u32 v44, $0x10;
	v28 =	vmul.f32 v44, v18;
	v38 =	vmul.f32 v55, v14  }
0x2a0: {  	v33 =	vmul.f32 v47, v19;
	v34 =	vmul.f32 v48, v18;
	v49 =	vld.idx.msk [tilespmem:v11+s19+$0x8450 ss:$0x1], $0xffff;
	v50 =	vshll.u32 v29, $0x10  }
0x2a1: {  	v51 =	vshll.u32 v45, $0x10;
	v29 =	vmul.f32 v29, v21;
	v31 =	vmul.f32 v45, v22  }
0x2a2: {  	v54 =	vld.idx.msk [tilespmem:v11+s20+$0x8450 ss:$0x1], $0xffff;
	v52 =	vmul.f32 v50, v21;
	v53 =	vmul.f32 v51, v22  }
0x2a3: {  	v56 =	vshll.u32 v46, $0x10;
	v59 =	vmul.f32 v46, v20;
	v29 =	vadd.f32 v31, v29  }
0x2a4: {  	v33 =	vadd.f32 v34, v33;
	v58 =	vld.idx.msk [tilespmem:v11+s21+$0x8450 ss:$0x1], $0xffff;
	v57 =	vmul.f32 v56, v20;
	v34 =	vadd.f32 v53, v52  }
0x2a5: {  	v60 =	vshll.u32 v49, $0x10;
	v63 =	vmul.f32 v49, v23;
	v29 =	vadd.f32 v59, v29  }
0x2a6: {  	v30 =	vmul.f32 v43, v19;
	v62 =	vld.idx.msk [tilespmem:v11+s22+$0x8450 ss:$0x1], $0xffff;
	v32 =	vmul.f32 v60, v23;
	v61 =	vadd.f32 v57, v34  }
0x2a7: {  	v40 =	vshll.u32 v54, $0x10;
	v44 =	vmul.f32 v54, v24;
	v29 =	vadd.f32 v63, v29  }
0x2a8: {  	v28 =	vadd.f32 v28, v30;
	v43 =	vld.idx.msk [tilespmem:v11+s23+$0x8450 ss:$0x1], $0xffff;
	v42 =	vmul.f32 v40, v24;
	v30 =	vadd.f32 v32, v61  }
0x2a9: {  	v45 =	vshll.u32 v58, $0x10;
	v47 =	vmul.f32 v58, v25;
	v29 =	vadd.f32 v44, v29  }
0x2aa: {  	v41 =	vshll.u32 v55, $0x10;
	v46 =	vld [tilespmem:s13+$0x3460];
	v37 =	vmul.f32 v45, v25;
	v30 =	vadd.f32 v42, v30  }
0x2ab: {  	v48 =	vshll.u32 v62, $0x10;
	v51 =	vmul.f32 v62, v26;
	v29 =	vadd.f32 v47, v29  }
0x2ac: {  	v36 =	vmul.f32 v41, v14;
	v49 =	vld [tilespmem:s13+$0x4460];
	v50 =	vmul.f32 v48, v26;
	v30 =	vadd.f32 v37, v30  }
0x2ad: {  	v35 =	vmul.f32 v43, v27;
	v52 =	vshll.u32 v43, $0x10;
	v29 =	vadd.f32 v51, v29  }
0x2ae: {  	v28 =	vadd.f32 v38, v28;
	v53 =	vld [tilespmem:s13+$0x5460];
	v34 =	vmul.f32 v52, v27;
	v30 =	vadd.f32 v50, v30  }
0x2af: {  	v54 =	vshll.u32 v46, $0x10;
	v32 =	vmul.f32 v46, v15;
	v29 =	vadd.f32 v35, v29  }
0x2b0: {  	v33 =	vadd.f32 v36, v33;
	v56 =	vld [tilespmem:s13+$0x6460];
	v31 =	vmul.f32 v54, v15;
	v30 =	vadd.f32 v34, v30  }
0x2b1: {  	v60 =	vld [tilespmem:s13+$0x7460];
	v55 =	vshll.u32 v49, $0x10;
	v58 =	vmul.f32 v49, v16;
	v28 =	vadd.f32 v32, v28;
	[tilespmem:s24+$0xC50] =	vst v29  }
0x2b2: {  	v57 =	vmul.f32 v55, v16;
	v31 =	vadd.f32 v31, v33;
	[tilespmem:s24+$0x450] =	vst v30  }
0x2b3: {  	v59 =	vshll.u32 v53, $0x10;
	v40 =	vmul.f32 v53, v17;
	v28 =	vadd.f32 v58, v28;
	v63 =	vld [tilespmem:s16+$0x460]  }
0x2b4: {  	v62 =	vmul.f32 v59, v17;
	v61 =	vadd.f32 v57, v31;
	v41 =	vld.idx.msk [tilespmem:v11+s17+$0x8460 ss:$0x1], $0xffff  }
0x2b5: {  	v44 =	vmul.f32 v56, v13;
	v42 =	vshll.u32 v56, $0x10;
	v28 =	vadd.f32 v40, v28  }
0x2b6: {  	v46 =	vshll.u32 v60, $0x10;
	v43 =	vmul.f32 v42, v13;
	v29 =	vadd.f32 v62, v61;
	v45 =	vld.idx.msk [tilespmem:v11+s18+$0x8460 ss:$0x1], $0xffff  }
0x2b7: {  	v47 =	vmul.f32 v46, v12;
	v28 =	vadd.f32 v44, v28  }
0x2b8: {  	v34 =	vmul.f32 v60, v12;
	v29 =	vadd.f32 v43, v29;
	v48 =	vld.idx.msk [tilespmem:v11+s19+$0x8460 ss:$0x1], $0xffff;
	v49 =	vshll.u32 v63, $0x10  }
0x2b9: {  	v53 =	vld.idx.msk [tilespmem:v11+s20+$0x8460 ss:$0x1], $0xffff;
	v50 =	vshll.u32 v41, $0x10;
	v32 =	vmul.f32 v63, v21;
	v33 =	vmul.f32 v41, v22  }
0x2ba: {  	v56 =	vld.idx.msk [tilespmem:v11+s21+$0x8460 ss:$0x1], $0xffff;
	v29 =	vadd.f32 v47, v29;
	v51 =	vmul.f32 v49, v21;
	v52 =	vmul.f32 v50, v22  }
0x2bb: {  	v54 =	vshll.u32 v45, $0x10;
	v58 =	vmul.f32 v45, v20;
	v57 =	vadd.f32 v33, v32  }
0x2bc: {  	v28 =	vadd.f32 v34, v28;
	v62 =	vld.idx.msk [tilespmem:v11+s22+$0x8460 ss:$0x1], $0xffff;
	v55 =	vmul.f32 v54, v20;
	v30 =	vadd.f32 v52, v51  }
0x2bd: {  	v42 =	vld.idx.msk [tilespmem:v11+s23+$0x8460 ss:$0x1], $0xffff;
	[tilespmem:s14+$0x460] =	vst v29;
	v59 =	vshll.u32 v48, $0x10;
	v31 =	vmul.f32 v48, v23;
	v29 =	vadd.f32 v58, v57  }
0x2be: {  	[tilespmem:s14+$0xC60] =	vst v28;
	v40 =	vshll.u32 v53, $0x10;
	v61 =	vmul.f32 v59, v23;
	v60 =	vadd.f32 v55, v30  }
0x2bf: {  	v63 =	vld [tilespmem:s15+$0x470];
	v43 =	vmul.f32 v53, v24;
	v44 =	vshll.u32 v56, $0x10;
	v29 =	vadd.f32 v31, v29  }
0x2c0: {  	v45 =	vld [tilespmem:s13+$0x1470];
	v47 =	vmul.f32 v56, v25;
	v41 =	vmul.f32 v40, v24;
	v28 =	vadd.f32 v61, v60  }
0x2c1: {  	v48 =	vshll.u32 v62, $0x10;
	v46 =	vmul.f32 v44, v25;
	v29 =	vadd.f32 v43, v29  }
0x2c2: {  	v50 =	vld [tilespmem:s13+$0x2470];
	v35 =	vmul.f32 v48, v26;
	v32 =	vmul.f32 v42, v27;
	v28 =	vadd.f32 v41, v28  }
0x2c3: {  	v51 =	vmul.f32 v62, v26;
	v52 =	vshll.u32 v42, $0x10;
	v29 =	vadd.f32 v47, v29  }
0x2c4: {  	v53 =	vld [tilespmem:s13+$0x3470];
	v33 =	vmul.f32 v52, v27;
	v49 =	vshll.u32 v63, $0x10;
	v28 =	vadd.f32 v46, v28  }
0x2c5: {  	v54 =	vshll.u32 v45, $0x10;
	v36 =	vmul.f32 v49, v19;
	v29 =	vadd.f32 v51, v29  }
0x2c6: {  	v55 =	vld [tilespmem:s13+$0x4470];
	v19 =	vmul.f32 v63, v19;
	v31 =	vmul.f32 v54, v18;
	v28 =	vadd.f32 v35, v28  }
0x2c7: {  	v18 =	vmul.f32 v45, v18;
	v56 =	vshll.u32 v50, $0x10;
	v29 =	vadd.f32 v32, v29  }
0x2c8: {  	v57 =	vld [tilespmem:s13+$0x5470];
	v31 =	vadd.f32 v31, v36;
	v32 =	vmul.f32 v56, v14;
	v28 =	vadd.f32 v33, v28  }
0x2c9: {  	v34 =	vld [tilespmem:s13+$0x6470];
	v58 =	vshll.u32 v53, $0x10;
	v18 =	vadd.f32 v18, v19;
	[tilespmem:s24+$0xC60] =	vst v29  }
0x2ca: {  	v19 =	vmul.f32 v58, v15;
	v46 =	vld [tilespmem:s13+$0x7470];
	v14 =	vmul.f32 v50, v14;
	v59 =	vadd.f32 v32, v31;
	[tilespmem:s24+$0x460] =	vst v28  }
0x2cb: {  	v15 =	vmul.f32 v53, v15;
	v61 =	vshll.u32 v55, $0x10;
	v60 =	vld [tilespmem:s16+$0x470]  }
0x2cc: {  	v14 =	vadd.f32 v14, v18;
	v18 =	vmul.f32 v61, v16;
	v62 =	vld.idx.msk [tilespmem:v11+s17+$0x8470 ss:$0x1], $0xffff;
	v19 =	vadd.f32 v19, v59  }
0x2cd: {  	v63 =	vmul.f32 v55, v16;
	v32 =	vshll.u32 v57, $0x10  }
0x2ce: {  	v16 =	vmul.f32 v32, v17;
	v14 =	vadd.f32 v15, v14;
	v33 =	vld.idx.msk [tilespmem:v11+s18+$0x8470 ss:$0x1], $0xffff;
	v18 =	vadd.f32 v18, v19  }
0x2cf: {  	v43 =	vshll.u32 v34, $0x10;
	v35 =	vmul.f32 v57, v17  }
0x2d0: {  	v54 =	vshll.u32 v46, $0x10;
	v36 =	vld.idx.msk [tilespmem:v11+s19+$0x8470 ss:$0x1], $0xffff;
	v14 =	vadd.f32 v63, v14;
	v16 =	vadd.f32 v16, v18  }
0x2d1: {  	v18 =	vmul.f32 v43, v13;
	v37 =	vshll.u32 v60, $0x10;
	v38 =	vshll.u32 v62, $0x10  }
0x2d2: {  	v41 =	vld.idx.msk [tilespmem:v11+s20+$0x8470 ss:$0x1], $0xffff;
	v14 =	vadd.f32 v35, v14;
	v39 =	vmul.f32 v37, v21;
	v40 =	vmul.f32 v38, v22  }
0x2d3: {  	v45 =	vld.idx.msk [tilespmem:v11+s21+$0x8470 ss:$0x1], $0xffff;
	v42 =	vshll.u32 v33, $0x10;
	v21 =	vmul.f32 v60, v21;
	v22 =	vmul.f32 v62, v22  }
0x2d4: {  	v48 =	vld.idx.msk [tilespmem:v11+s22+$0x8470 ss:$0x1], $0xffff;
	v13 =	vmul.f32 v34, v13;
	v30 =	vmul.f32 v42, v20;
	v15 =	vadd.f32 v40, v39  }
0x2d5: {  	v44 =	vshll.u32 v36, $0x10;
	v20 =	vmul.f32 v33, v20;
	v21 =	vadd.f32 v22, v21  }
0x2d6: {  	v17 =	vmul.f32 v36, v23;
	v22 =	vmul.f32 v44, v23;
	v15 =	vadd.f32 v30, v15  }
0x2d7: {  	v47 =	vshll.u32 v41, $0x10;
	v50 =	vmul.f32 v41, v24;
	v20 =	vadd.f32 v20, v21  }
0x2d8: {  	v51 =	vld.idx.msk [tilespmem:v11+s23+$0x8470 ss:$0x1], $0xffff;
	v53 =	vshll.u32 v45, $0x10;
	v49 =	vmul.f32 v47, v24;
	v15 =	vadd.f32 v22, v15  }
0x2d9: {  	v55 =	vmul.f32 v45, v25;
	v56 =	vshll.u32 v48, $0x10;
	v17 =	vadd.f32 v17, v20  }
0x2da: {  	v16 =	vadd.f32 v18, v16;
	v52 =	vadd.f32 v49, v15;
	v15 =	vmul.f32 v53, v25  }
0x2db: {  	v58 =	vmul.f32 v48, v26;
	v13 =	vadd.f32 v13, v14;
	v17 =	vadd.f32 v50, v17  }
0x2dc: {  	v18 =	vmul.f32 v54, v12;
	v57 =	vmul.f32 v56, v26;
	v14 =	vadd.f32 v15, v52  }
0x2dd: {  	v59 =	vshll.u32 v51, $0x10;
	v12 =	vmul.f32 v46, v12;
	v17 =	vadd.f32 v55, v17  }
0x2de: {  	p0 =	slt.u32 s12, $0xE;
	v60 =	vmul.f32 v59, v27;
	v16 =	vadd.f32 v18, v16;
	v14 =	vadd.f32 v57, v14  }
.Ltmp1:
0x2df: {  	v62 =	vmul.f32 v51, v27;
	v12 =	vadd.f32 v12, v13;
	v61 =	vadd.f32 v58, v17;
	(pc) =	sbr.rel @p0 .LBB2_5-.Ltmp1, $4  }
0x2e0: {  	[tilespmem:s14+$0x470] =	vst v16;
	v14 =	vadd.f32 v60, v14  }
0x2e1: {  	[tilespmem:s14+$0xC70] =	vst v12;
	v63 =	vadd.f32 v62, v61  }
0x2e2: {  	[tilespmem:s24+$0x470] =	vst v14  }
0x2e3: {  	s12 =	sadd.s32 $0x2, s12;
	s11 =	sadd.s32 $0x100, s11;
	s10 =	sadd.s32 $0x200, s10;
	[tilespmem:s24+$0xC70] =	vst v63  }
0x2e4: {  	p0 =	sne.s32 s31, $0x80  }
.Ltmp2:
0x2e5: {  	_ = 	snop;
	(pc) =	sbr.rel @p0 .LBB2_2-.Ltmp2, $4  }
0x2e6: {  	_ = 	snop  }
0x2e7: {  	s4 =	sshll.u32 s30, $0xA  }
0x2e8: {  	s0 =	sadd.s32 $0x3, s0;
	s30 =	smov.u32 s31;
	s4 =	sadd.s32 s4, s6  }
0x2e9: {  	[hbm4b:s4+s2] =	stream.linear.scatter [tilespmem:s1], [sflag:s0], $0x2000, $0x38;
	[tilespmem:$0x1C000] =	vst v63  }
0x2ea: {  	s29 =	sadd.s32 $0x1, s29  }
0x2eb: {  	_ =	swait.ge [sflag:s26], $0x2000;
	p0 =	sne.s32 s29, s7  }
.Ltmp3:
0x2ec: {  	[sflag:s26] =	ssyncset.done $0x0;
	(pc) =	sbr.rel @p0 .LBB2_1-.Ltmp3, $4  }
0x2ed: {  	[sflag:s26] =	ssyncadd.s32 $0xFFFFE000  }
0x2ee: {  	_ =	swait.ge [sflag:s28], $0x2000  }
0x2ef: {  	[sflag:s28] =	ssyncset.done $0x0  }
0x2f0: {  	[sflag:s28] =	ssyncadd.s32 $0xFFFFE000  }
0x2f1: {  	_ =	sfence.sel $0x180000  }
0x2f2: {  	[bflag:$0x0] =	sbarrier.arrive $0xFFFF  }
0x2f3: {  	_ =	strace $0x90000047  }
0x2f4: {  	s0 =	stileid.u32;
	[bflag:$0x2] =	sbarrier.arrive $0xFFFF  }
0x2f5: {  	p0 =	sne.s32 s0, $0x0;
	s0 =	rddreg [dreg:$0x2]  }
0x2f6: {  	s0 =	sadd.s32 @!p0 $0x100000, s0  }
0x2f7: {  	[sflag:s0] =	ssyncadd.tile.s32 @!p0 $0x1;
	_ =	shalt  }
.Lfunc_end2:
_tile_overlayer_lowered:
.L_overlay_start_2:
0x2f8: {  	(tag) =	ssettag $0x2  }
0x2f9: {  	s0 =	rddreg [dreg:$0x0];
	s2 =	stileid.u32  }
0x2fa: {  	s1 =	rddreg [dreg:$0x1];
	p0 =	sne.s32 s2, $0x0  }
0x2fb: {  	s3 =	rddreg [dreg:$0x2];
	[bflag:$0x3] =	sbarrier.arrive $0xFFFF;
	s2 =	simm.s32 @!p0 $0x1C05  }
0x2fc: {  	[timem:s3], [sflag:s2] =	dma.local @!p0 [hbm:s0], s1  }
0x2fd: {  	s0 =	simm.s32 @!p0 $0x5  }
0x2fe: {  	_ =	swait.ge @!p0 [sflag:s0], s1  }
0x2ff: {  	s1 =	ssub.s32 @!p0 $0x0, s1;
	[sflag:s0] =	ssyncset.done @!p0 $0x0  }
0x300: {  	[sflag:s0] =	ssyncadd.s32 @!p0 s1  }
0x301: {  	[bflag:$0x3] =	sbarrier.arrive $0xFFFF  }
0x302: {  	_ =	shalt  }

</sc_bundles>
